<compile_context>
chip_gen: v7x
topology: tpu7x:2x2x1
jax: 0.10.2.dev20260603
libtpu: 0.0.44.dev20260713+nightly
codegen_flags: <defaults>
</compile_context>

<pallas_src>
import jax
import jax.numpy as jnp
import numpy as np
from jax.experimental import pallas as pl

_CUTOFF = 6.0
_AVG = 40.0
_C = 32
_K = 16
_EB = 2000
_NB = 500
_NRB = 2000


def _mm(a, b):
    return jnp.dot(a, b, precision=jax.lax.Precision.HIGHEST)


def _silu(x):
    return x * jax.nn.sigmoid(x)


def _edge_embed_kernel(ps, pd, sij, cellr, wr1, wr2, wr3, y_out, w_out):
    cell = cellr[0]
    shift = _mm(sij[...], cell)
    rij = (pd[...] - ps[...] + shift) * (1.0 / _CUTOFF)
    l2 = jnp.sum(rij * rij, axis=1, keepdims=True)
    lengths = jnp.sqrt(l2)
    mask = (lengths > 0.0).astype(jnp.float32)
    xl = jnp.clip(lengths, 1e-9, None)
    u = rij / xl
    x = u[:, 0:1]
    y = u[:, 1:2]
    z = u[:, 2:3]
    s3 = float(np.sqrt(3.0)); s15 = float(np.sqrt(15.0)); s5 = float(np.sqrt(5.0))
    s70 = float(np.sqrt(70.0)); s105 = float(np.sqrt(105.0))
    s42 = float(np.sqrt(42.0)); s7 = float(np.sqrt(7.0))
    x2 = x * x; y2 = y * y; z2 = z * z
    cols = [
        jnp.ones_like(x),
        s3 * x, s3 * y, s3 * z,
        s15 * x * y, s15 * y * z, (s5 / 2.0) * (3.0 * z2 - 1.0),
        s15 * x * z, (s15 / 2.0) * (x2 - y2),
        (s70 / 4.0) * y * (3.0 * x2 - y2), s105 * x * y * z,
        (s42 / 4.0) * y * (5.0 * z2 - 1.0), (s7 / 2.0) * z * (5.0 * z2 - 3.0),
        (s42 / 4.0) * x * (5.0 * z2 - 1.0), (s105 / 2.0) * z * (x2 - y2),
        (s70 / 4.0) * x * (x2 - 3.0 * y2),
    ]
    y_out[...] = jnp.concatenate(cols, axis=1)
    n = jax.lax.broadcasted_iota(jnp.int32, (1, 8), 1).astype(jnp.float32) + 1.0
    b = float(np.sqrt(2.0)) * jnp.sin(n * np.pi * xl) / xl
    env = 1.0 - 6.0 * xl ** 2 + 8.0 * xl ** 3 - 3.0 * xl ** 4
    env = env * (xl < 1.0).astype(jnp.float32)
    ef = b * env
    scale = mask * (1.0 / _AVG)
    ws = []
    for l in range(3):
        a = _silu(_mm(ef, wr1[l]))
        a = _silu(_mm(a, wr2[l]))
        ws.append(_mm(a, wr3[l]) * scale)
    w_out[...] = jnp.concatenate(ws, axis=1)


def _make_msg0_kernel(lidx):
    def _k(m0, yy, wef, out):
        wl = wef[:, lidx * _C:(lidx + 1) * _C]
        base = wl * m0[...]
        for k in range(_K):
            yk = yy[:, k:k + 1]
            if k == 0:
                out[:, 0:_C] = 2.0 * base
            else:
                out[:, k * _C:(k + 1) * _C] = base * yk
    return _k


def _make_msg_kernel(lidx):
    def _k(m, yy, wef, out):
        wl = wef[:, lidx * _C:(lidx + 1) * _C]
        m0 = m[:, 0:_C]
        for k in range(_K):
            yk = yy[:, k:k + 1]
            out[:, k * _C:(k + 1) * _C] = wl * (m[:, k * _C:(k + 1) * _C] + m0 * yk)
    return _k


def _node_mid_kernel(agg, hf, xnf, spm, wout, wprod, wsc, wupn, h_out, hu_out):
    hn = _mm(agg[...], wout[...])
    p = _mm(hn * xnf[...], wprod[...])
    h = hf[...]
    sc = spm[:, 0:1] * _mm(h, wsc[0])
    for s in range(1, 4):
        sc = sc + spm[:, s:s + 1] * _mm(h, wsc[s])
    hx = p + sc
    h_out[...] = hx
    hu_out[...] = _mm(hx, wupn[...])


def _node_last_kernel(agg, hf, xnf, spm, wout, wprod, wsc, h_out):
    hn = _mm(agg[...], wout[...])
    p = _mm(hn * xnf[...], wprod[...])
    h = hf[...]
    sc = spm[:, 0:1] * _mm(h, wsc[0])
    for s in range(1, 4):
        sc = sc + spm[:, s:s + 1] * _mm(h, wsc[s])
    h_out[...] = p + sc


def _energy_kernel(h1, h2, h3, a0, a1, a2, out):
    acc = _silu(_mm(h1[0, :, _C:4 * _C], a0[...]))
    acc = acc + _silu(_mm(h2[0, :, _C:4 * _C], a1[...]))
    acc = acc + _silu(_mm(h3[0, :, _C:4 * _C], a2[...]))
    out[0, 0, :] = jnp.sum(acc, axis=0)


def _row_spec(b, w):
    return pl.BlockSpec((b, w), lambda i: (i, 0))


def _full_spec(shape):
    nd = len(shape)
    return pl.BlockSpec(shape, lambda i: (0,) * nd)


def kernel(pos, cell, Sij, W_embed, W_x, W_r1, W_r2, W_r3, W_up, W_out, W_sc, W_prod, W_read, edge_index, num_edges, batch, ptr, species):
    N = pos.shape[0]
    E = edge_index.shape[1]
    G = ptr.shape[0] - 1
    C, K = _C, _K
    snd, rcv = edge_index[0], edge_index[1]
    eg = E // (G * _EB)

    pos_s = pos[snd]
    pos_d = pos[rcv]
    cellr = cell

    Y, Wef = pl.pallas_call(
        _edge_embed_kernel,
        grid=(E // _EB,),
        in_specs=[
            _row_spec(_EB, 3), _row_spec(_EB, 3), _row_spec(_EB, 3),
            pl.BlockSpec((1, 3, 3), lambda i: (i // eg, 0, 0)),
            _full_spec((3, 8, 64)), _full_spec((3, 64, 64)), _full_spec((3, 64, C)),
        ],
        out_specs=[_row_spec(_EB, K), _row_spec(_EB, 3 * C)],
        out_shape=[
            jax.ShapeDtypeStruct((E, K), jnp.float32),
            jax.ShapeDtypeStruct((E, 3 * C), jnp.float32),
        ],
    )(pos_s, pos_d, Sij, cellr, W_r1, W_r2, W_r3)

    sp1h = jax.nn.one_hot(species, 4, dtype=jnp.float32)
    nf0 = sp1h @ W_embed
    xnf = nf0 @ W_x
    xnf_exp = jnp.repeat(xnf, K, axis=0)
    spm_exp = jnp.repeat(sp1h, K, axis=0)
    h0f = jnp.zeros((N, K, C), jnp.float32).at[:, 0, :].set(nf0).reshape(N * K, C)
    hu0_k0 = nf0 @ W_up[0]

    eye3 = jnp.eye(3, dtype=jnp.float32)
    Amats = [jnp.einsum('cm,vw->vcmw', W_read[l], eye3).reshape(3 * C, 9) for l in range(3)]

    def msg_call(body, m_arr, mw):
        return pl.pallas_call(
            body,
            grid=(E // _EB,),
            in_specs=[_row_spec(_EB, mw), _row_spec(_EB, K), _row_spec(_EB, 3 * C)],
            out_specs=_row_spec(_EB, K * C),
            out_shape=jax.ShapeDtypeStruct((E, K * C), jnp.float32),
        )(m_arr, Y, Wef)

    def node_mid(agg_f, h_f, l):
        return pl.pallas_call(
            _node_mid_kernel,
            grid=(N * K // _NRB,),
            in_specs=[
                _row_spec(_NRB, C), _row_spec(_NRB, C), _row_spec(_NRB, C),
                _row_spec(_NRB, 4),
                _full_spec((C, C)), _full_spec((C, C)), _full_spec((4, C, C)), _full_spec((C, C)),
            ],
            out_specs=[_row_spec(_NRB, C), _row_spec(_NRB, C)],
            out_shape=[
                jax.ShapeDtypeStruct((N * K, C), jnp.float32),
                jax.ShapeDtypeStruct((N * K, C), jnp.float32),
            ],
        )(agg_f, h_f, xnf_exp, spm_exp, W_out[l], W_prod[l], W_sc[l], W_up[l + 1])

    m0g = hu0_k0[snd]
    msg = msg_call(_make_msg0_kernel(0), m0g, C)
    aggf = jnp.zeros((N, K * C), jnp.float32).at[rcv].add(msg).reshape(N * K, C)
    h1f, hu1f = node_mid(aggf, h0f, 0)

    m = hu1f.reshape(N, K * C)[snd]
    msg = msg_call(_make_msg_kernel(1), m, K * C)
    aggf = jnp.zeros((N, K * C), jnp.float32).at[rcv].add(msg).reshape(N * K, C)
    h2f, hu2f = node_mid(aggf, h1f, 1)

    m = hu2f.reshape(N, K * C)[snd]
    msg = msg_call(_make_msg_kernel(2), m, K * C)
    aggf = jnp.zeros((N, K * C), jnp.float32).at[rcv].add(msg).reshape(N * K, C)
    h3f = pl.pallas_call(
        _node_last_kernel,
        grid=(N * K // _NRB,),
        in_specs=[
            _row_spec(_NRB, C), _row_spec(_NRB, C), _row_spec(_NRB, C),
            _row_spec(_NRB, 4),
            _full_spec((C, C)), _full_spec((C, C)), _full_spec((4, C, C)),
        ],
        out_specs=_row_spec(_NRB, C),
        out_shape=jax.ShapeDtypeStruct((N * K, C), jnp.float32),
    )(aggf, h2f, xnf_exp, spm_exp, W_out[2], W_prod[2], W_sc[2])

    h1 = h1f.reshape(G, _NB, K * C)
    h2 = h2f.reshape(G, _NB, K * C)
    h3 = h3f.reshape(G, _NB, K * C)
    g_spec = pl.BlockSpec((1, _NB, K * C), lambda i: (i, 0, 0))
    eng = pl.pallas_call(
        _energy_kernel,
        grid=(G,),
        in_specs=[
            g_spec, g_spec, g_spec,
            _full_spec((3 * C, 9)), _full_spec((3 * C, 9)), _full_spec((3 * C, 9)),
        ],
        out_specs=pl.BlockSpec((1, 1, 9), lambda i: (i, 0, 0)),
        out_shape=jax.ShapeDtypeStruct((G, 1, 9), jnp.float32),
    )(h1, h2, h3, Amats[0], Amats[1], Amats[2])
    return eng.reshape(G, 3, 3)

# --- scband reference (transcript-rebuilt; emitter-appended) ---
"""Pipeline reference for scband-race-42631845380938 (READ-ONLY COPY).

The authoritative reference and input builder live on the scoring server;
editing this copy changes nothing except your own understanding.
"""

import jax, jax.numpy as jnp
import numpy as np

CUTOFF = 6.0
AVG_NEIGH = 40.0
NUM_SPECIES = 4
NUM_BESSEL = 8
NLAYERS = 3
C = 32
K = 16


def _sph_harm(u):
    x, y, z = u[:, 0], u[:, 1], u[:, 2]
    s3 = np.sqrt(3.0); s15 = np.sqrt(15.0); s5 = np.sqrt(5.0)
    Y = [jnp.ones_like(x),
         s3 * x, s3 * y, s3 * z,
         s15 * x * y, s15 * y * z, (s5 / 2.0) * (3.0 * z ** 2 - 1.0), s15 * x * z, (s15 / 2.0) * (x ** 2 - y ** 2),
         (np.sqrt(70.0) / 4.0) * y * (3.0 * x ** 2 - y ** 2), np.sqrt(105.0) * x * y * z,
         (np.sqrt(42.0) / 4.0) * y * (5.0 * z ** 2 - 1.0), (np.sqrt(7.0) / 2.0) * z * (5.0 * z ** 2 - 3.0),
         (np.sqrt(42.0) / 4.0) * x * (5.0 * z ** 2 - 1.0), (np.sqrt(105.0) / 2.0) * z * (x ** 2 - y ** 2),
         (np.sqrt(70.0) / 4.0) * x * (x ** 2 - 3.0 * y ** 2)]
    return jnp.stack(Y, axis=1)


def _bessel(lengths):
    x = jnp.clip(lengths, 1e-9, None)
    n = jnp.arange(1, NUM_BESSEL + 1, dtype=jnp.float32)
    b = np.sqrt(2.0) * jnp.sin(n[None, :] * np.pi * x[:, None]) / x[:, None]
    p = 2.0
    env = 1.0 - (p + 1.0) * (p + 2.0) / 2.0 * x ** 2 + p * (p + 2.0) * x ** 3 - p * (p + 1.0) / 2.0 * x ** 4
    env = env * (x < 1.0).astype(jnp.float32)
    return b * env[:, None]


def _forward(pos, cell, Sij, W_embed, W_x, W_r1, W_r2, W_r3, W_up, W_out, W_sc, W_prod, W_read, edge_index, edge_graph, batch, species, num_graphs):
    N = pos.shape[0]
    shift_v = jnp.einsum('ni,nij->nj', Sij, cell[edge_graph])
    Rij = pos[edge_index[1]] - pos[edge_index[0]] + shift_v
    Rij = Rij / CUTOFF
    lengths = jnp.linalg.norm(Rij, axis=1)
    mask = (lengths > 0).astype(jnp.float32)
    unit = Rij / jnp.clip(lengths, 1e-9, None)[:, None]
    Y = _sph_harm(unit)
    ef = _bessel(lengths)
    node_attrs = jax.nn.one_hot(species, NUM_SPECIES, dtype=jnp.float32)
    nf0 = node_attrs @ W_embed
    h = jnp.zeros((N, C, K), dtype=jnp.float32).at[:, :, 0].set(nf0)
    x_nf = nf0 @ W_x
    snd, rcv = edge_index[0], edge_index[1]
    outputs = []
    for i in range(NLAYERS):
        hu = jnp.einsum('nck,cd->ndk', h, W_up[i])
        m = hu[snd]
        w = jax.nn.silu(ef @ W_r1[i])
        w = jax.nn.silu(w @ W_r2[i])
        w = w @ W_r3[i]
        msg = w[:, :, None] * (m * Y[:, None, :1] + m[:, :, :1] * Y[:, None, :])
        msg = msg * mask[:, None, None]
        agg = jnp.zeros((N, C, K), dtype=jnp.float32).at[rcv].add(msg) / AVG_NEIGH
        h_new = jnp.einsum('nck,cd->ndk', agg, W_out[i])
        sc = jnp.einsum('nck,ns,scd->ndk', h, node_attrs, W_sc[i])
        h = jnp.einsum('nck,cd->ndk', h_new * x_nf[:, :, None], W_prod[i]) + sc
        e = jnp.einsum('ncv,cm->nmv', h[:, :, 1:4], W_read[i]).reshape(N, 9)
        outputs.append(e)
    node_energy = jnp.sum(jax.nn.silu(jnp.stack(outputs, axis=-1)), axis=-1)
    graph_energy = jax.ops.segment_sum(node_energy, batch, num_segments=num_graphs)
    return graph_energy.reshape(num_graphs, 3, 3)


def setup_inputs(seed: int = 0):
    key = jax.random.key(seed)
    N, E, G = 10000, 160000, 20
    ks = jax.random.split(key, 16)
    pos = jax.random.normal(ks[0], (N, 3), dtype=jnp.float32) * 3.0
    cell = jnp.tile(jnp.eye(3, dtype=jnp.float32)[None] * 10.0, (G, 1, 1)) + 0.1 * jax.random.normal(ks[1], (G, 3, 3), dtype=jnp.float32)
    Sij = jax.random.randint(ks[2], (E, 3), -1, 2).astype(jnp.float32)
    edge_index = jax.random.randint(ks[3], (2, E), 0, N)
    num_edges = jnp.full((G,), E // G, dtype=jnp.int32)
    batch = jnp.repeat(jnp.arange(G, dtype=jnp.int32), N // G)
    ptr = jnp.arange(G + 1, dtype=jnp.int32) * (N // G)
    species = jax.random.randint(ks[4], (N,), 0, NUM_SPECIES)
    W_embed = jax.random.normal(ks[5], (NUM_SPECIES, C), dtype=jnp.float32) * 0.3
    W_x = jax.random.normal(ks[6], (C, C), dtype=jnp.float32) * 0.18
    W_r1 = jax.random.normal(ks[7], (NLAYERS, NUM_BESSEL, 64), dtype=jnp.float32) * 0.3
    W_r2 = jax.random.normal(ks[8], (NLAYERS, 64, 64), dtype=jnp.float32) * 0.12
    W_r3 = jax.random.normal(ks[9], (NLAYERS, 64, C), dtype=jnp.float32) * 0.12
    W_up = jax.random.normal(ks[10], (NLAYERS, C, C), dtype=jnp.float32) * 0.18
    W_out = jax.random.normal(ks[11], (NLAYERS, C, C), dtype=jnp.float32) * 0.18
    W_sc = jax.random.normal(ks[12], (NLAYERS, NUM_SPECIES, C, C), dtype=jnp.float32) * 0.18
    W_prod = jax.random.normal(ks[13], (NLAYERS, C, C), dtype=jnp.float32) * 0.18
    W_read = jax.random.normal(ks[14], (NLAYERS, C, 3), dtype=jnp.float32) * 0.18
    return {"pos": pos, "cell": cell, "Sij": Sij, "W_embed": W_embed, "W_x": W_x, "W_r1": W_r1, "W_r2": W_r2, "W_r3": W_r3, "W_up": W_up, "W_out": W_out, "W_sc": W_sc, "W_prod": W_prod, "W_read": W_read, "edge_index": edge_index, "num_edges": num_edges, "batch": batch, "ptr": ptr, "species": species}


def reference(pos, cell, Sij, W_embed, W_x, W_r1, W_r2, W_r3, W_up, W_out, W_sc, W_prod, W_read, edge_index, num_edges, batch, ptr, species):
    G = int(ptr.shape[0]) - 1
    E = edge_index.shape[1]
    edge_graph = jnp.searchsorted(jnp.cumsum(num_edges), jnp.arange(E, dtype=num_edges.dtype), side='right')
    return _forward(pos, cell, Sij, W_embed, W_x, W_r1, W_r2, W_r3, W_up, W_out, W_sc, W_prod, W_read, edge_index, edge_graph, batch, species, G)

if __name__ == "__main__":
    import jax
    _d = setup_inputs()
    print(jax.jit(kernel)(*tuple(_d.values())))

</pallas_src>

<mosaic_0001>
module attributes {stable_mosaic.version = 14 : i64} {
  func.func @_edge_embed_kernel(%arg0: i32, %arg1: memref<2000x3xf32, #tpu.memory_space<vmem>>, %arg2: memref<2000x3xf32, #tpu.memory_space<vmem>>, %arg3: memref<2000x3xf32, #tpu.memory_space<vmem>>, %arg4: memref<1x3x3xf32, #tpu.memory_space<vmem>>, %arg5: memref<3x8x64xf32, #tpu.memory_space<vmem>>, %arg6: memref<3x64x64xf32, #tpu.memory_space<vmem>>, %arg7: memref<3x64x32xf32, #tpu.memory_space<vmem>>, %arg8: memref<2000x16xf32, #tpu.memory_space<vmem>>, %arg9: memref<2000x96xf32, #tpu.memory_space<vmem>>) attributes {dimension_semantics = [#tpu.dimension_semantics<arbitrary>], iteration_bounds = array<i64: 80>, scalar_prefetch = 0 : i64, scratch_operands = 0 : i64, tpu.core_type = #tpu.core_type<tc>, window_params = [{transform_indices = @transform_0, window_bounds = array<i64: 2000, 3>}, {transform_indices = @transform_1, window_bounds = array<i64: 2000, 3>}, {transform_indices = @transform_2, window_bounds = array<i64: 2000, 3>}, {transform_indices = @transform_3, window_bounds = array<i64: 1, 3, 3>}, {pipeline_mode = #tpu.pipeline_mode<synchronous>, transform_indices = @transform_4, window_bounds = array<i64: 3, 8, 64>}, {pipeline_mode = #tpu.pipeline_mode<synchronous>, transform_indices = @transform_5, window_bounds = array<i64: 3, 64, 64>}, {pipeline_mode = #tpu.pipeline_mode<synchronous>, transform_indices = @transform_6, window_bounds = array<i64: 3, 64, 32>}, {transform_indices = @transform_7, window_bounds = array<i64: 2000, 16>}, {transform_indices = @transform_8, window_bounds = array<i64: 2000, 96>}]} {
    %get3A = arith.constant 0 : index
    %get3A_0 = arith.constant 0 : index
    %get3A_1 = arith.constant 0 : index
    %get3A_2 = vector.load %arg4[%get3A, %get3A_0, %get3A_1] : memref<1x3x3xf32, #tpu.memory_space<vmem>>, vector<1x3x3xf32>
    %get3A_3 = vector.shape_cast %get3A_2 : vector<1x3x3xf32> to vector<3x3xf32>
    %get3A_4 = arith.constant 0 : index
    %get3A_5 = arith.constant 0 : index
    %get3A_6 = vector.load %arg3[%get3A_4, %get3A_5] : memref<2000x3xf32, #tpu.memory_space<vmem>>, vector<2000x3xf32>
    %dot_general3A = arith.constant dense<0.000000e+00> : vector<2000x3xf32>
    %dot_general3A_7 = tpu.matmul %get3A_6, %get3A_3, %dot_general3A {dimension_numbers = #tpu.dot_dimension_numbers<[1], [0], [0], [1], [0, 0, 1, 1], [], []>, precision = #tpu.contract_precision<fp32>, transpose_lhs_hint = false} : vector<2000x3xf32>, vector<3x3xf32>, vector<2000x3xf32> -> vector<2000x3xf32>
    %get3A_8 = arith.constant 0 : index
    %get3A_9 = arith.constant 0 : index
    %get3A_10 = vector.load %arg2[%get3A_8, %get3A_9] : memref<2000x3xf32, #tpu.memory_space<vmem>>, vector<2000x3xf32>
    %get3A_11 = arith.constant 0 : index
    %get3A_12 = arith.constant 0 : index
    %get3A_13 = vector.load %arg1[%get3A_11, %get3A_12] : memref<2000x3xf32, #tpu.memory_space<vmem>>, vector<2000x3xf32>
    %sub3A = arith.subf %get3A_10, %get3A_13 : vector<2000x3xf32>
    %add3A = arith.addf %sub3A, %dot_general3A_7 : vector<2000x3xf32>
    %mul3A = arith.constant 0.166666672 : f32
    %mul3A_14 = vector.broadcast %mul3A : f32 to vector<2000x3xf32>
    %mul3A_15 = arith.mulf %add3A, %mul3A_14 : vector<2000x3xf32>
    %mul3A_16 = arith.mulf %mul3A_15, %mul3A_15 : vector<2000x3xf32>
    %reduce_sum3A = arith.constant dense<0.000000e+00> : vector<2000xf32>
    %reduce_sum3A_17 = vector.multi_reduction <add>, %mul3A_16, %reduce_sum3A [1] : vector<2000x3xf32> to vector<2000xf32>
    %broadcast_in_dim3A = vector.shape_cast %reduce_sum3A_17 : vector<2000xf32> to vector<2000x1xf32>
    %sqrt3A = math.sqrt %broadcast_in_dim3A : vector<2000x1xf32>
    %gt3A = arith.constant 0.000000e+00 : f32
    %gt3A_18 = vector.broadcast %gt3A : f32 to vector<2000x1xf32>
    %gt3A_19 = arith.cmpf ogt, %sqrt3A, %gt3A_18 : vector<2000x1xf32>
    %convert_element_type3A = arith.extui %gt3A_19 : vector<2000x1xi1> to vector<2000x1xi32>
    %convert_element_type3A_20 = arith.sitofp %convert_element_type3A : vector<2000x1xi32> to vector<2000x1xf32>
    %jit3A = arith.constant 9.99999971E-10 : f32
    %max3A = vector.broadcast %jit3A : f32 to vector<2000x1xf32>
    %max3A_21 = arith.maximumf %max3A, %sqrt3A : vector<2000x1xf32>
    %div3A = vector.broadcast %max3A_21 : vector<2000x1xf32> to vector<2000x3xf32>
    %div3A_22 = arith.divf %mul3A_15, %div3A : vector<2000x3xf32>
    %slice3A = vector.extract_strided_slice %div3A_22 {offsets = [0, 0], sizes = [2000, 1], strides = [1, 1]} : vector<2000x3xf32> to vector<2000x1xf32>
    %slice3A_23 = vector.extract_strided_slice %div3A_22 {offsets = [0, 1], sizes = [2000, 1], strides = [1, 1]} : vector<2000x3xf32> to vector<2000x1xf32>
    %slice3A_24 = vector.extract_strided_slice %div3A_22 {offsets = [0, 2], sizes = [2000, 1], strides = [1, 1]} : vector<2000x3xf32> to vector<2000x1xf32>
    %mul3A_25 = arith.mulf %slice3A, %slice3A : vector<2000x1xf32>
    %mul3A_26 = arith.mulf %slice3A_23, %slice3A_23 : vector<2000x1xf32>
    %mul3A_27 = arith.mulf %slice3A_24, %slice3A_24 : vector<2000x1xf32>
    %broadcast_in_dim3A_28 = arith.constant 1.000000e+00 : f32
    %broadcast_in_dim3A_29 = vector.broadcast %broadcast_in_dim3A_28 : f32 to vector<2000x1xf32>
    %mul3A_30 = arith.constant 1.73205078 : f32
    %mul3A_31 = vector.broadcast %mul3A_30 : f32 to vector<2000x1xf32>
    %mul3A_32 = arith.mulf %mul3A_31, %slice3A : vector<2000x1xf32>
    %mul3A_33 = arith.constant 1.73205078 : f32
    %mul3A_34 = vector.broadcast %mul3A_33 : f32 to vector<2000x1xf32>
    %mul3A_35 = arith.mulf %mul3A_34, %slice3A_23 : vector<2000x1xf32>
    %mul3A_36 = arith.constant 1.73205078 : f32
    %mul3A_37 = vector.broadcast %mul3A_36 : f32 to vector<2000x1xf32>
    %mul3A_38 = arith.mulf %mul3A_37, %slice3A_24 : vector<2000x1xf32>
    %mul3A_39 = arith.constant 3.87298346 : f32
    %mul3A_40 = vector.broadcast %mul3A_39 : f32 to vector<2000x1xf32>
    %mul3A_41 = arith.mulf %mul3A_40, %slice3A : vector<2000x1xf32>
    %mul3A_42 = arith.mulf %mul3A_41, %slice3A_23 : vector<2000x1xf32>
    %mul3A_43 = arith.constant 3.87298346 : f32
    %mul3A_44 = vector.broadcast %mul3A_43 : f32 to vector<2000x1xf32>
    %mul3A_45 = arith.mulf %mul3A_44, %slice3A_23 : vector<2000x1xf32>
    %mul3A_46 = arith.mulf %mul3A_45, %slice3A_24 : vector<2000x1xf32>
    %mul3A_47 = arith.constant 3.000000e+00 : f32
    %mul3A_48 = vector.broadcast %mul3A_47 : f32 to vector<2000x1xf32>
    %mul3A_49 = arith.mulf %mul3A_48, %mul3A_27 : vector<2000x1xf32>
    %sub3A_50 = arith.constant 1.000000e+00 : f32
    %sub3A_51 = vector.broadcast %sub3A_50 : f32 to vector<2000x1xf32>
    %sub3A_52 = arith.subf %mul3A_49, %sub3A_51 : vector<2000x1xf32>
    %mul3A_53 = arith.constant 1.11803401 : f32
    %mul3A_54 = vector.broadcast %mul3A_53 : f32 to vector<2000x1xf32>
    %mul3A_55 = arith.mulf %mul3A_54, %sub3A_52 : vector<2000x1xf32>
    %mul3A_56 = arith.constant 3.87298346 : f32
    %mul3A_57 = vector.broadcast %mul3A_56 : f32 to vector<2000x1xf32>
    %mul3A_58 = arith.mulf %mul3A_57, %slice3A : vector<2000x1xf32>
    %mul3A_59 = arith.mulf %mul3A_58, %slice3A_24 : vector<2000x1xf32>
    %sub3A_60 = arith.subf %mul3A_25, %mul3A_26 : vector<2000x1xf32>
    %mul3A_61 = arith.constant 1.93649173 : f32
    %mul3A_62 = vector.broadcast %mul3A_61 : f32 to vector<2000x1xf32>
    %mul3A_63 = arith.mulf %mul3A_62, %sub3A_60 : vector<2000x1xf32>
    %mul3A_64 = arith.constant 2.091650e+00 : f32
    %mul3A_65 = vector.broadcast %mul3A_64 : f32 to vector<2000x1xf32>
    %mul3A_66 = arith.mulf %mul3A_65, %slice3A_23 : vector<2000x1xf32>
    %mul3A_67 = arith.constant 3.000000e+00 : f32
    %mul3A_68 = vector.broadcast %mul3A_67 : f32 to vector<2000x1xf32>
    %mul3A_69 = arith.mulf %mul3A_68, %mul3A_25 : vector<2000x1xf32>
    %sub3A_70 = arith.subf %mul3A_69, %mul3A_26 : vector<2000x1xf32>
    %mul3A_71 = arith.mulf %mul3A_66, %sub3A_70 : vector<2000x1xf32>
    %mul3A_72 = arith.constant 10.2469511 : f32
    %mul3A_73 = vector.broadcast %mul3A_72 : f32 to vector<2000x1xf32>
    %mul3A_74 = arith.mulf %mul3A_73, %slice3A : vector<2000x1xf32>
    %mul3A_75 = arith.mulf %mul3A_74, %slice3A_23 : vector<2000x1xf32>
    %mul3A_76 = arith.mulf %mul3A_75, %slice3A_24 : vector<2000x1xf32>
    %mul3A_77 = arith.constant 1.62018514 : f32
    %mul3A_78 = vector.broadcast %mul3A_77 : f32 to vector<2000x1xf32>
    %mul3A_79 = arith.mulf %mul3A_78, %slice3A_23 : vector<2000x1xf32>
    %mul3A_80 = arith.constant 5.000000e+00 : f32
    %mul3A_81 = vector.broadcast %mul3A_80 : f32 to vector<2000x1xf32>
    %mul3A_82 = arith.mulf %mul3A_81, %mul3A_27 : vector<2000x1xf32>
    %sub3A_83 = arith.constant 1.000000e+00 : f32
    %sub3A_84 = vector.broadcast %sub3A_83 : f32 to vector<2000x1xf32>
    %sub3A_85 = arith.subf %mul3A_82, %sub3A_84 : vector<2000x1xf32>
    %mul3A_86 = arith.mulf %mul3A_79, %sub3A_85 : vector<2000x1xf32>
    %mul3A_87 = arith.constant 1.32287562 : f32
    %mul3A_88 = vector.broadcast %mul3A_87 : f32 to vector<2000x1xf32>
    %mul3A_89 = arith.mulf %mul3A_88, %slice3A_24 : vector<2000x1xf32>
    %mul3A_90 = arith.constant 5.000000e+00 : f32
    %mul3A_91 = vector.broadcast %mul3A_90 : f32 to vector<2000x1xf32>
    %mul3A_92 = arith.mulf %mul3A_91, %mul3A_27 : vector<2000x1xf32>
    %sub3A_93 = arith.constant 3.000000e+00 : f32
    %sub3A_94 = vector.broadcast %sub3A_93 : f32 to vector<2000x1xf32>
    %sub3A_95 = arith.subf %mul3A_92, %sub3A_94 : vector<2000x1xf32>
    %mul3A_96 = arith.mulf %mul3A_89, %sub3A_95 : vector<2000x1xf32>
    %mul3A_97 = arith.constant 1.62018514 : f32
    %mul3A_98 = vector.broadcast %mul3A_97 : f32 to vector<2000x1xf32>
    %mul3A_99 = arith.mulf %mul3A_98, %slice3A : vector<2000x1xf32>
    %mul3A_100 = arith.constant 5.000000e+00 : f32
    %mul3A_101 = vector.broadcast %mul3A_100 : f32 to vector<2000x1xf32>
    %mul3A_102 = arith.mulf %mul3A_101, %mul3A_27 : vector<2000x1xf32>
    %sub3A_103 = arith.constant 1.000000e+00 : f32
    %sub3A_104 = vector.broadcast %sub3A_103 : f32 to vector<2000x1xf32>
    %sub3A_105 = arith.subf %mul3A_102, %sub3A_104 : vector<2000x1xf32>
    %mul3A_106 = arith.mulf %mul3A_99, %sub3A_105 : vector<2000x1xf32>
    %mul3A_107 = arith.constant 5.12347555 : f32
    %mul3A_108 = vector.broadcast %mul3A_107 : f32 to vector<2000x1xf32>
    %mul3A_109 = arith.mulf %mul3A_108, %slice3A_24 : vector<2000x1xf32>
    %sub3A_110 = arith.subf %mul3A_25, %mul3A_26 : vector<2000x1xf32>
    %mul3A_111 = arith.mulf %mul3A_109, %sub3A_110 : vector<2000x1xf32>
    %mul3A_112 = arith.constant 2.091650e+00 : f32
    %mul3A_113 = vector.broadcast %mul3A_112 : f32 to vector<2000x1xf32>
    %mul3A_114 = arith.mulf %mul3A_113, %slice3A : vector<2000x1xf32>
    %mul3A_115 = arith.constant 3.000000e+00 : f32
    %mul3A_116 = vector.broadcast %mul3A_115 : f32 to vector<2000x1xf32>
    %mul3A_117 = arith.mulf %mul3A_116, %mul3A_26 : vector<2000x1xf32>
    %sub3A_118 = arith.subf %mul3A_25, %mul3A_117 : vector<2000x1xf32>
    %mul3A_119 = arith.mulf %mul3A_114, %sub3A_118 : vector<2000x1xf32>
    %concatenate3A = tpu.concatenate %broadcast_in_dim3A_29, %mul3A_32, %mul3A_35, %mul3A_38, %mul3A_42, %mul3A_46, %mul3A_55, %mul3A_59, %mul3A_63, %mul3A_71, %mul3A_76, %mul3A_86, %mul3A_96, %mul3A_106, %mul3A_111, %mul3A_119 in 1 : vector<2000x1xf32>, vector<2000x1xf32>, vector<2000x1xf32>, vector<2000x1xf32>, vector<2000x1xf32>, vector<2000x1xf32>, vector<2000x1xf32>, vector<2000x1xf32>, vector<2000x1xf32>, vector<2000x1xf32>, vector<2000x1xf32>, vector<2000x1xf32>, vector<2000x1xf32>, vector<2000x1xf32>, vector<2000x1xf32>, vector<2000x1xf32> -> vector<2000x16xf32>
    %swap3A = arith.constant 0 : index
    %swap3A_120 = arith.constant 0 : index
    %swap3A_121 = vector.load %arg8[%swap3A, %swap3A_120] : memref<2000x16xf32, #tpu.memory_space<vmem>>, vector<2000x16xf32>
    tpu.vector_store %arg8[%swap3A, %swap3A_120], %concatenate3A {strides = array<i32>} : memref<2000x16xf32, #tpu.memory_space<vmem>>, vector<2000x16xf32>,
    %iota3A = tpu.iota {dimensions = array<i32: 1>} : vector<1x8xi32>
    %convert_element_type3A_122 = arith.sitofp %iota3A : vector<1x8xi32> to vector<1x8xf32>
    %add3A_123 = arith.constant 1.000000e+00 : f32
    %add3A_124 = vector.broadcast %add3A_123 : f32 to vector<1x8xf32>
    %add3A_125 = arith.addf %convert_element_type3A_122, %add3A_124 : vector<1x8xf32>
    %mul3A_126 = arith.constant 3.14159274 : f32
    %mul3A_127 = vector.broadcast %mul3A_126 : f32 to vector<1x8xf32>
    %mul3A_128 = arith.mulf %add3A_125, %mul3A_127 : vector<1x8xf32>
    %mul3A_129 = vector.broadcast %mul3A_128 : vector<1x8xf32> to vector<2000x8xf32>
    %mul3A_130 = vector.broadcast %max3A_21 : vector<2000x1xf32> to vector<2000x8xf32>
    %mul3A_131 = arith.mulf %mul3A_129, %mul3A_130 : vector<2000x8xf32>
    %sin3A = math.sin %mul3A_131 : vector<2000x8xf32>
    %mul3A_132 = arith.constant 1.41421354 : f32
    %mul3A_133 = vector.broadcast %mul3A_132 : f32 to vector<2000x8xf32>
    %mul3A_134 = arith.mulf %mul3A_133, %sin3A : vector<2000x8xf32>
    %div3A_135 = vector.broadcast %max3A_21 : vector<2000x1xf32> to vector<2000x8xf32>
    %div3A_136 = arith.divf %mul3A_134, %div3A_135 : vector<2000x8xf32>
    %integer_pow3A = arith.mulf %max3A_21, %max3A_21 : vector<2000x1xf32>
    %mul3A_137 = arith.constant 6.000000e+00 : f32
    %mul3A_138 = vector.broadcast %mul3A_137 : f32 to vector<2000x1xf32>
    %mul3A_139 = arith.mulf %mul3A_138, %integer_pow3A : vector<2000x1xf32>
    %sub3A_140 = arith.constant 1.000000e+00 : f32
    %sub3A_141 = vector.broadcast %sub3A_140 : f32 to vector<2000x1xf32>
    %sub3A_142 = arith.subf %sub3A_141, %mul3A_139 : vector<2000x1xf32>
    %integer_pow3A_143 = arith.mulf %max3A_21, %max3A_21 : vector<2000x1xf32>
    %integer_pow3A_144 = arith.mulf %max3A_21, %integer_pow3A_143 : vector<2000x1xf32>
    %mul3A_145 = arith.constant 8.000000e+00 : f32
    %mul3A_146 = vector.broadcast %mul3A_145 : f32 to vector<2000x1xf32>
    %mul3A_147 = arith.mulf %mul3A_146, %integer_pow3A_144 : vector<2000x1xf32>
    %add3A_148 = arith.addf %sub3A_142, %mul3A_147 : vector<2000x1xf32>
    %integer_pow3A_149 = arith.mulf %max3A_21, %max3A_21 : vector<2000x1xf32>
    %integer_pow3A_150 = arith.mulf %integer_pow3A_149, %integer_pow3A_149 : vector<2000x1xf32>
    %mul3A_151 = arith.constant 3.000000e+00 : f32
    %mul3A_152 = vector.broadcast %mul3A_151 : f32 to vector<2000x1xf32>
    %mul3A_153 = arith.mulf %mul3A_152, %integer_pow3A_150 : vector<2000x1xf32>
    %sub3A_154 = arith.subf %add3A_148, %mul3A_153 : vector<2000x1xf32>
    %lt3A = arith.constant 1.000000e+00 : f32
    %lt3A_155 = vector.broadcast %lt3A : f32 to vector<2000x1xf32>
    %lt3A_156 = arith.cmpf olt, %max3A_21, %lt3A_155 : vector<2000x1xf32>
    %convert_element_type3A_157 = arith.extui %lt3A_156 : vector<2000x1xi1> to vector<2000x1xi32>
    %convert_element_type3A_158 = arith.sitofp %convert_element_type3A_157 : vector<2000x1xi32> to vector<2000x1xf32>
    %mul3A_159 = arith.mulf %sub3A_154, %convert_element_type3A_158 : vector<2000x1xf32>
    %mul3A_160 = vector.broadcast %mul3A_159 : vector<2000x1xf32> to vector<2000x8xf32>
    %mul3A_161 = arith.mulf %div3A_136, %mul3A_160 : vector<2000x8xf32>
    %mul3A_162 = arith.constant 2.500000e-02 : f32
    %mul3A_163 = vector.broadcast %mul3A_162 : f32 to vector<2000x1xf32>
    %mul3A_164 = arith.mulf %convert_element_type3A_20, %mul3A_163 : vector<2000x1xf32>
    %get3A_165 = arith.constant 0 : index
    %get3A_166 = arith.constant 0 : index
    %get3A_167 = arith.constant 0 : index
    %get3A_168 = vector.load %arg5[%get3A_165, %get3A_166, %get3A_167] : memref<3x8x64xf32, #tpu.memory_space<vmem>>, vector<1x8x64xf32>
    %get3A_169 = vector.shape_cast %get3A_168 : vector<1x8x64xf32> to vector<8x64xf32>
    %dot_general3A_170 = arith.constant dense<0.000000e+00> : vector<2000x64xf32>
    %dot_general3A_171 = tpu.matmul %mul3A_161, %get3A_169, %dot_general3A_170 {dimension_numbers = #tpu.dot_dimension_numbers<[1], [0], [0], [1], [0, 0, 1, 1], [], []>, precision = #tpu.contract_precision<fp32>, transpose_lhs_hint = false} : vector<2000x8xf32>, vector<8x64xf32>, vector<2000x64xf32> -> vector<2000x64xf32>
    %logistic3A = arith.negf %dot_general3A_171 : vector<2000x64xf32>
    %logistic3A_172 = math.exp %logistic3A : vector<2000x64xf32>
    %logistic3A_173 = arith.constant 1.000000e+00 : f32
    %logistic3A_174 = vector.broadcast %logistic3A_173 : f32 to vector<2000x64xf32>
    %logistic3A_175 = arith.addf %logistic3A_174, %logistic3A_172 : vector<2000x64xf32>
    %logistic3A_176 = arith.divf %logistic3A_174, %logistic3A_175 : vector<2000x64xf32>
    %mul3A_177 = arith.mulf %dot_general3A_171, %logistic3A_176 : vector<2000x64xf32>
    %get3A_178 = arith.constant 0 : index
    %get3A_179 = arith.constant 0 : index
    %get3A_180 = arith.constant 0 : index
    %get3A_181 = vector.load %arg6[%get3A_178, %get3A_179, %get3A_180] : memref<3x64x64xf32, #tpu.memory_space<vmem>>, vector<1x64x64xf32>
    %get3A_182 = vector.shape_cast %get3A_181 : vector<1x64x64xf32> to vector<64x64xf32>
    %dot_general3A_183 = arith.constant dense<0.000000e+00> : vector<2000x64xf32>
    %dot_general3A_184 = tpu.matmul %mul3A_177, %get3A_182, %dot_general3A_183 {dimension_numbers = #tpu.dot_dimension_numbers<[1], [0], [0], [1], [0, 0, 1, 1], [], []>, precision = #tpu.contract_precision<fp32>, transpose_lhs_hint = false} : vector<2000x64xf32>, vector<64x64xf32>, vector<2000x64xf32> -> vector<2000x64xf32>
    %logistic3A_185 = arith.negf %dot_general3A_184 : vector<2000x64xf32>
    %logistic3A_186 = math.exp %logistic3A_185 : vector<2000x64xf32>
    %logistic3A_187 = arith.constant 1.000000e+00 : f32
    %logistic3A_188 = vector.broadcast %logistic3A_187 : f32 to vector<2000x64xf32>
    %logistic3A_189 = arith.addf %logistic3A_188, %logistic3A_186 : vector<2000x64xf32>
    %logistic3A_190 = arith.divf %logistic3A_188, %logistic3A_189 : vector<2000x64xf32>
    %mul3A_191 = arith.mulf %dot_general3A_184, %logistic3A_190 : vector<2000x64xf32>
    %get3A_192 = arith.constant 0 : index
    %get3A_193 = arith.constant 0 : index
    %get3A_194 = arith.constant 0 : index
    %get3A_195 = vector.load %arg7[%get3A_192, %get3A_193, %get3A_194] : memref<3x64x32xf32, #tpu.memory_space<vmem>>, vector<1x64x32xf32>
    %get3A_196 = vector.shape_cast %get3A_195 : vector<1x64x32xf32> to vector<64x32xf32>
    %dot_general3A_197 = arith.constant dense<0.000000e+00> : vector<2000x32xf32>
    %dot_general3A_198 = tpu.matmul %mul3A_191, %get3A_196, %dot_general3A_197 {dimension_numbers = #tpu.dot_dimension_numbers<[1], [0], [0], [1], [0, 0, 1, 1], [], []>, precision = #tpu.contract_precision<fp32>, transpose_lhs_hint = false} : vector<2000x64xf32>, vector<64x32xf32>, vector<2000x32xf32> -> vector<2000x32xf32>
    %mul3A_199 = vector.broadcast %mul3A_164 : vector<2000x1xf32> to vector<2000x32xf32>
    %mul3A_200 = arith.mulf %dot_general3A_198, %mul3A_199 : vector<2000x32xf32>
    %get3A_201 = arith.constant 1 : index
    %get3A_202 = arith.constant 0 : index
    %get3A_203 = arith.constant 0 : index
    %get3A_204 = vector.load %arg5[%get3A_201, %get3A_202, %get3A_203] : memref<3x8x64xf32, #tpu.memory_space<vmem>>, vector<1x8x64xf32>
    %get3A_205 = vector.shape_cast %get3A_204 : vector<1x8x64xf32> to vector<8x64xf32>
    %dot_general3A_206 = arith.constant dense<0.000000e+00> : vector<2000x64xf32>
    %dot_general3A_207 = tpu.matmul %mul3A_161, %get3A_205, %dot_general3A_206 {dimension_numbers = #tpu.dot_dimension_numbers<[1], [0], [0], [1], [0, 0, 1, 1], [], []>, precision = #tpu.contract_precision<fp32>, transpose_lhs_hint = false} : vector<2000x8xf32>, vector<8x64xf32>, vector<2000x64xf32> -> vector<2000x64xf32>
    %logistic3A_208 = arith.negf %dot_general3A_207 : vector<2000x64xf32>
    %logistic3A_209 = math.exp %logistic3A_208 : vector<2000x64xf32>
    %logistic3A_210 = arith.constant 1.000000e+00 : f32
    %logistic3A_211 = vector.broadcast %logistic3A_210 : f32 to vector<2000x64xf32>
    %logistic3A_212 = arith.addf %logistic3A_211, %logistic3A_209 : vector<2000x64xf32>
    %logistic3A_213 = arith.divf %logistic3A_211, %logistic3A_212 : vector<2000x64xf32>
    %mul3A_214 = arith.mulf %dot_general3A_207, %logistic3A_213 : vector<2000x64xf32>
    %get3A_215 = arith.constant 1 : index
    %get3A_216 = arith.constant 0 : index
    %get3A_217 = arith.constant 0 : index
    %get3A_218 = vector.load %arg6[%get3A_215, %get3A_216, %get3A_217] : memref<3x64x64xf32, #tpu.memory_space<vmem>>, vector<1x64x64xf32>
    %get3A_219 = vector.shape_cast %get3A_218 : vector<1x64x64xf32> to vector<64x64xf32>
    %dot_general3A_220 = arith.constant dense<0.000000e+00> : vector<2000x64xf32>
    %dot_general3A_221 = tpu.matmul %mul3A_214, %get3A_219, %dot_general3A_220 {dimension_numbers = #tpu.dot_dimension_numbers<[1], [0], [0], [1], [0, 0, 1, 1], [], []>, precision = #tpu.contract_precision<fp32>, transpose_lhs_hint = false} : vector<2000x64xf32>, vector<64x64xf32>, vector<2000x64xf32> -> vector<2000x64xf32>
    %logistic3A_222 = arith.negf %dot_general3A_221 : vector<2000x64xf32>
    %logistic3A_223 = math.exp %logistic3A_222 : vector<2000x64xf32>
    %logistic3A_224 = arith.constant 1.000000e+00 : f32
    %logistic3A_225 = vector.broadcast %logistic3A_224 : f32 to vector<2000x64xf32>
    %logistic3A_226 = arith.addf %logistic3A_225, %logistic3A_223 : vector<2000x64xf32>
    %logistic3A_227 = arith.divf %logistic3A_225, %logistic3A_226 : vector<2000x64xf32>
    %mul3A_228 = arith.mulf %dot_general3A_221, %logistic3A_227 : vector<2000x64xf32>
    %get3A_229 = arith.constant 1 : index
    %get3A_230 = arith.constant 0 : index
    %get3A_231 = arith.constant 0 : index
    %get3A_232 = vector.load %arg7[%get3A_229, %get3A_230, %get3A_231] : memref<3x64x32xf32, #tpu.memory_space<vmem>>, vector<1x64x32xf32>
    %get3A_233 = vector.shape_cast %get3A_232 : vector<1x64x32xf32> to vector<64x32xf32>
    %dot_general3A_234 = arith.constant dense<0.000000e+00> : vector<2000x32xf32>
    %dot_general3A_235 = tpu.matmul %mul3A_228, %get3A_233, %dot_general3A_234 {dimension_numbers = #tpu.dot_dimension_numbers<[1], [0], [0], [1], [0, 0, 1, 1], [], []>, precision = #tpu.contract_precision<fp32>, transpose_lhs_hint = false} : vector<2000x64xf32>, vector<64x32xf32>, vector<2000x32xf32> -> vector<2000x32xf32>
    %mul3A_236 = vector.broadcast %mul3A_164 : vector<2000x1xf32> to vector<2000x32xf32>
    %mul3A_237 = arith.mulf %dot_general3A_235, %mul3A_236 : vector<2000x32xf32>
    %get3A_238 = arith.constant 2 : index
    %get3A_239 = arith.constant 0 : index
    %get3A_240 = arith.constant 0 : index
    %get3A_241 = vector.load %arg5[%get3A_238, %get3A_239, %get3A_240] : memref<3x8x64xf32, #tpu.memory_space<vmem>>, vector<1x8x64xf32>
    %get3A_242 = vector.shape_cast %get3A_241 : vector<1x8x64xf32> to vector<8x64xf32>
    %dot_general3A_243 = arith.constant dense<0.000000e+00> : vector<2000x64xf32>
    %dot_general3A_244 = tpu.matmul %mul3A_161, %get3A_242, %dot_general3A_243 {dimension_numbers = #tpu.dot_dimension_numbers<[1], [0], [0], [1], [0, 0, 1, 1], [], []>, precision = #tpu.contract_precision<fp32>, transpose_lhs_hint = false} : vector<2000x8xf32>, vector<8x64xf32>, vector<2000x64xf32> -> vector<2000x64xf32>
    %logistic3A_245 = arith.negf %dot_general3A_244 : vector<2000x64xf32>
    %logistic3A_246 = math.exp %logistic3A_245 : vector<2000x64xf32>
    %logistic3A_247 = arith.constant 1.000000e+00 : f32
    %logistic3A_248 = vector.broadcast %logistic3A_247 : f32 to vector<2000x64xf32>
    %logistic3A_249 = arith.addf %logistic3A_248, %logistic3A_246 : vector<2000x64xf32>
    %logistic3A_250 = arith.divf %logistic3A_248, %logistic3A_249 : vector<2000x64xf32>
    %mul3A_251 = arith.mulf %dot_general3A_244, %logistic3A_250 : vector<2000x64xf32>
    %get3A_252 = arith.constant 2 : index
    %get3A_253 = arith.constant 0 : index
    %get3A_254 = arith.constant 0 : index
    %get3A_255 = vector.load %arg6[%get3A_252, %get3A_253, %get3A_254] : memref<3x64x64xf32, #tpu.memory_space<vmem>>, vector<1x64x64xf32>
    %get3A_256 = vector.shape_cast %get3A_255 : vector<1x64x64xf32> to vector<64x64xf32>
    %dot_general3A_257 = arith.constant dense<0.000000e+00> : vector<2000x64xf32>
    %dot_general3A_258 = tpu.matmul %mul3A_251, %get3A_256, %dot_general3A_257 {dimension_numbers = #tpu.dot_dimension_numbers<[1], [0], [0], [1], [0, 0, 1, 1], [], []>, precision = #tpu.contract_precision<fp32>, transpose_lhs_hint = false} : vector<2000x64xf32>, vector<64x64xf32>, vector<2000x64xf32> -> vector<2000x64xf32>
    %logistic3A_259 = arith.negf %dot_general3A_258 : vector<2000x64xf32>
    %logistic3A_260 = math.exp %logistic3A_259 : vector<2000x64xf32>
    %logistic3A_261 = arith.constant 1.000000e+00 : f32
    %logistic3A_262 = vector.broadcast %logistic3A_261 : f32 to vector<2000x64xf32>
    %logistic3A_263 = arith.addf %logistic3A_262, %logistic3A_260 : vector<2000x64xf32>
    %logistic3A_264 = arith.divf %logistic3A_262, %logistic3A_263 : vector<2000x64xf32>
    %mul3A_265 = arith.mulf %dot_general3A_258, %logistic3A_264 : vector<2000x64xf32>
    %get3A_266 = arith.constant 2 : index
    %get3A_267 = arith.constant 0 : index
    %get3A_268 = arith.constant 0 : index
    %get3A_269 = vector.load %arg7[%get3A_266, %get3A_267, %get3A_268] : memref<3x64x32xf32, #tpu.memory_space<vmem>>, vector<1x64x32xf32>
    %get3A_270 = vector.shape_cast %get3A_269 : vector<1x64x32xf32> to vector<64x32xf32>
    %dot_general3A_271 = arith.constant dense<0.000000e+00> : vector<2000x32xf32>
    %dot_general3A_272 = tpu.matmul %mul3A_265, %get3A_270, %dot_general3A_271 {dimension_numbers = #tpu.dot_dimension_numbers<[1], [0], [0], [1], [0, 0, 1, 1], [], []>, precision = #tpu.contract_precision<fp32>, transpose_lhs_hint = false} : vector<2000x64xf32>, vector<64x32xf32>, vector<2000x32xf32> -> vector<2000x32xf32>
    %mul3A_273 = vector.broadcast %mul3A_164 : vector<2000x1xf32> to vector<2000x32xf32>
    %mul3A_274 = arith.mulf %dot_general3A_272, %mul3A_273 : vector<2000x32xf32>
    %concatenate3A_275 = tpu.concatenate %mul3A_200, %mul3A_237, %mul3A_274 in 1 : vector<2000x32xf32>, vector<2000x32xf32>, vector<2000x32xf32> -> vector<2000x96xf32>
    %swap3A_276 = arith.constant 0 : index
    %swap3A_277 = arith.constant 0 : index
    %swap3A_278 = vector.load %arg9[%swap3A_276, %swap3A_277] : memref<2000x96xf32, #tpu.memory_space<vmem>>, vector<2000x96xf32>
    tpu.vector_store %arg9[%swap3A_276, %swap3A_277], %concatenate3A_275 {strides = array<i32>} : memref<2000x96xf32, #tpu.memory_space<vmem>>, vector<2000x96xf32>,
    return
  }
  func.func @transform_0(%arg0: i32) -> (i32, i32) {
    %c0_i32 = arith.constant 0 : i32
    %c0_i32_0 = arith.constant 0 : i32
    return %arg0, %c0_i32 : i32, i32
  }
  func.func @transform_1(%arg0: i32) -> (i32, i32) {
    %c0_i32 = arith.constant 0 : i32
    %c0_i32_0 = arith.constant 0 : i32
    return %arg0, %c0_i32 : i32, i32
  }
  func.func @transform_2(%arg0: i32) -> (i32, i32) {
    %c0_i32 = arith.constant 0 : i32
    %c0_i32_0 = arith.constant 0 : i32
    return %arg0, %c0_i32 : i32, i32
  }
  func.func @transform_3(%arg0: i32) -> (i32, i32, i32) {
    %jit3A = arith.constant 4 : i32
    %div3A = arith.divsi %arg0, %jit3A : i32
    %sign3A = arith.constant 0 : i32
    %sign3A_0 = arith.cmpi sgt, %arg0, %sign3A : i32
    %sign3A_1 = arith.extui %sign3A_0 : i1 to i32
    %sign3A_2 = arith.constant 0 : i32
    %sign3A_3 = arith.cmpi slt, %arg0, %sign3A_2 : i32
    %sign3A_4 = arith.extui %sign3A_3 : i1 to i32
    %sign3A_5 = arith.subi %sign3A_1, %sign3A_4 : i32
    %sign3A_6 = arith.constant 0 : i32
    %sign3A_7 = arith.cmpi sgt, %jit3A, %sign3A_6 : i32
    %sign3A_8 = arith.extui %sign3A_7 : i1 to i32
    %sign3A_9 = arith.constant 0 : i32
    %sign3A_10 = arith.cmpi slt, %jit3A, %sign3A_9 : i32
    %sign3A_11 = arith.extui %sign3A_10 : i1 to i32
    %sign3A_12 = arith.subi %sign3A_8, %sign3A_11 : i32
    %ne3A = arith.cmpi ne, %sign3A_5, %sign3A_12 : i32
    %rem3A = arith.remsi %arg0, %jit3A : i32
    %ne3A_13 = arith.constant 0 : i32
    %ne3A_14 = arith.cmpi ne, %rem3A, %ne3A_13 : i32
    %and3A = arith.andi %ne3A, %ne3A_14 : i1
    %sub3A = arith.constant 1 : i32
    %sub3A_15 = arith.subi %div3A, %sub3A : i32
    %select_n3A = arith.select %and3A, %sub3A_15, %div3A : i32
    %c0_i32 = arith.constant 0 : i32
    %c0_i32_16 = arith.constant 0 : i32
    %c0_i32_17 = arith.constant 0 : i32
    return %select_n3A, %c0_i32, %c0_i32_16 : i32, i32, i32
  }
  func.func @transform_4(%arg0: i32) -> (i32, i32, i32) {
    %c0_i32 = arith.constant 0 : i32
    %c0_i32_0 = arith.constant 0 : i32
    %c0_i32_1 = arith.constant 0 : i32
    %c0_i32_2 = arith.constant 0 : i32
    return %c0_i32, %c0_i32_0, %c0_i32_1 : i32, i32, i32
  }
  func.func @transform_5(%arg0: i32) -> (i32, i32, i32) {
    %c0_i32 = arith.constant 0 : i32
    %c0_i32_0 = arith.constant 0 : i32
    %c0_i32_1 = arith.constant 0 : i32
    %c0_i32_2 = arith.constant 0 : i32
    return %c0_i32, %c0_i32_0, %c0_i32_1 : i32, i32, i32
  }
  func.func @transform_6(%arg0: i32) -> (i32, i32, i32) {
    %c0_i32 = arith.constant 0 : i32
    %c0_i32_0 = arith.constant 0 : i32
    %c0_i32_1 = arith.constant 0 : i32
    %c0_i32_2 = arith.constant 0 : i32
    return %c0_i32, %c0_i32_0, %c0_i32_1 : i32, i32, i32
  }
  func.func @transform_7(%arg0: i32) -> (i32, i32) {
    %c0_i32 = arith.constant 0 : i32
    %c0_i32_0 = arith.constant 0 : i32
    return %arg0, %c0_i32 : i32, i32
  }
  func.func @transform_8(%arg0: i32) -> (i32, i32) {
    %c0_i32 = arith.constant 0 : i32
    %c0_i32_0 = arith.constant 0 : i32
    return %arg0, %c0_i32 : i32, i32
  }
}

module attributes {stable_mosaic.version = 14 : i64} {
  func.func @_k(%arg0: i32, %arg1: memref<2000x32xf32, #tpu.memory_space<vmem>>, %arg2: memref<2000x16xf32, #tpu.memory_space<vmem>>, %arg3: memref<2000x96xf32, #tpu.memory_space<vmem>>, %arg4: memref<2000x512xf32, #tpu.memory_space<vmem>>) attributes {dimension_semantics = [#tpu.dimension_semantics<arbitrary>], iteration_bounds = array<i64: 80>, scalar_prefetch = 0 : i64, scratch_operands = 0 : i64, tpu.core_type = #tpu.core_type<tc>, window_params = [{transform_indices = @transform_0, window_bounds = array<i64: 2000, 32>}, {transform_indices = @transform_1, window_bounds = array<i64: 2000, 16>}, {transform_indices = @transform_2, window_bounds = array<i64: 2000, 96>}, {transform_indices = @transform_3, window_bounds = array<i64: 2000, 512>}]} {
    %get3A = arith.constant 0 : index
    %get3A_0 = arith.constant 0 : index
    %get3A_1 = vector.load %arg3[%get3A, %get3A_0] : memref<2000x96xf32, #tpu.memory_space<vmem>>, vector<2000x32xf32>
    %get3A_2 = arith.constant 0 : index
    %get3A_3 = arith.constant 0 : index
    %get3A_4 = vector.load %arg1[%get3A_2, %get3A_3] : memref<2000x32xf32, #tpu.memory_space<vmem>>, vector<2000x32xf32>
    %mul3A = arith.mulf %get3A_1, %get3A_4 : vector<2000x32xf32>
    %mul3A_5 = arith.constant 2.000000e+00 : f32
    %mul3A_6 = vector.broadcast %mul3A_5 : f32 to vector<2000x32xf32>
    %mul3A_7 = arith.mulf %mul3A_6, %mul3A : vector<2000x32xf32>
    %swap3A = arith.constant 0 : index
    %swap3A_8 = arith.constant 0 : index
    %swap3A_9 = vector.load %arg4[%swap3A, %swap3A_8] : memref<2000x512xf32, #tpu.memory_space<vmem>>, vector<2000x32xf32>
    tpu.vector_store %arg4[%swap3A, %swap3A_8], %mul3A_7 {strides = array<i32>} : memref<2000x512xf32, #tpu.memory_space<vmem>>, vector<2000x32xf32>,
    %get3A_10 = arith.constant 0 : index
    %get3A_11 = arith.constant 1 : index
    %get3A_12 = vector.load %arg2[%get3A_10, %get3A_11] : memref<2000x16xf32, #tpu.memory_space<vmem>>, vector<2000x1xf32>
    %mul3A_13 = vector.broadcast %get3A_12 : vector<2000x1xf32> to vector<2000x32xf32>
    %mul3A_14 = arith.mulf %mul3A, %mul3A_13 : vector<2000x32xf32>
    %swap3A_15 = arith.constant 0 : index
    %swap3A_16 = arith.constant 32 : index
    %swap3A_17 = vector.load %arg4[%swap3A_15, %swap3A_16] : memref<2000x512xf32, #tpu.memory_space<vmem>>, vector<2000x32xf32>
    tpu.vector_store %arg4[%swap3A_15, %swap3A_16], %mul3A_14 {strides = array<i32>} : memref<2000x512xf32, #tpu.memory_space<vmem>>, vector<2000x32xf32>,
    %get3A_18 = arith.constant 0 : index
    %get3A_19 = arith.constant 2 : index
    %get3A_20 = vector.load %arg2[%get3A_18, %get3A_19] : memref<2000x16xf32, #tpu.memory_space<vmem>>, vector<2000x1xf32>
    %mul3A_21 = vector.broadcast %get3A_20 : vector<2000x1xf32> to vector<2000x32xf32>
    %mul3A_22 = arith.mulf %mul3A, %mul3A_21 : vector<2000x32xf32>
    %swap3A_23 = arith.constant 0 : index
    %swap3A_24 = arith.constant 64 : index
    %swap3A_25 = vector.load %arg4[%swap3A_23, %swap3A_24] : memref<2000x512xf32, #tpu.memory_space<vmem>>, vector<2000x32xf32>
    tpu.vector_store %arg4[%swap3A_23, %swap3A_24], %mul3A_22 {strides = array<i32>} : memref<2000x512xf32, #tpu.memory_space<vmem>>, vector<2000x32xf32>,
    %get3A_26 = arith.constant 0 : index
    %get3A_27 = arith.constant 3 : index
    %get3A_28 = vector.load %arg2[%get3A_26, %get3A_27] : memref<2000x16xf32, #tpu.memory_space<vmem>>, vector<2000x1xf32>
    %mul3A_29 = vector.broadcast %get3A_28 : vector<2000x1xf32> to vector<2000x32xf32>
    %mul3A_30 = arith.mulf %mul3A, %mul3A_29 : vector<2000x32xf32>
    %swap3A_31 = arith.constant 0 : index
    %swap3A_32 = arith.constant 96 : index
    %swap3A_33 = vector.load %arg4[%swap3A_31, %swap3A_32] : memref<2000x512xf32, #tpu.memory_space<vmem>>, vector<2000x32xf32>
    tpu.vector_store %arg4[%swap3A_31, %swap3A_32], %mul3A_30 {strides = array<i32>} : memref<2000x512xf32, #tpu.memory_space<vmem>>, vector<2000x32xf32>,
    %get3A_34 = arith.constant 0 : index
    %get3A_35 = arith.constant 4 : index
    %get3A_36 = vector.load %arg2[%get3A_34, %get3A_35] : memref<2000x16xf32, #tpu.memory_space<vmem>>, vector<2000x1xf32>
    %mul3A_37 = vector.broadcast %get3A_36 : vector<2000x1xf32> to vector<2000x32xf32>
    %mul3A_38 = arith.mulf %mul3A, %mul3A_37 : vector<2000x32xf32>
    %swap3A_39 = arith.constant 0 : index
    %swap3A_40 = arith.constant 128 : index
    %swap3A_41 = vector.load %arg4[%swap3A_39, %swap3A_40] : memref<2000x512xf32, #tpu.memory_space<vmem>>, vector<2000x32xf32>
    tpu.vector_store %arg4[%swap3A_39, %swap3A_40], %mul3A_38 {strides = array<i32>} : memref<2000x512xf32, #tpu.memory_space<vmem>>, vector<2000x32xf32>,
    %get3A_42 = arith.constant 0 : index
    %get3A_43 = arith.constant 5 : index
    %get3A_44 = vector.load %arg2[%get3A_42, %get3A_43] : memref<2000x16xf32, #tpu.memory_space<vmem>>, vector<2000x1xf32>
    %mul3A_45 = vector.broadcast %get3A_44 : vector<2000x1xf32> to vector<2000x32xf32>
    %mul3A_46 = arith.mulf %mul3A, %mul3A_45 : vector<2000x32xf32>
    %swap3A_47 = arith.constant 0 : index
    %swap3A_48 = arith.constant 160 : index
    %swap3A_49 = vector.load %arg4[%swap3A_47, %swap3A_48] : memref<2000x512xf32, #tpu.memory_space<vmem>>, vector<2000x32xf32>
    tpu.vector_store %arg4[%swap3A_47, %swap3A_48], %mul3A_46 {strides = array<i32>} : memref<2000x512xf32, #tpu.memory_space<vmem>>, vector<2000x32xf32>,
    %get3A_50 = arith.constant 0 : index
    %get3A_51 = arith.constant 6 : index
    %get3A_52 = vector.load %arg2[%get3A_50, %get3A_51] : memref<2000x16xf32, #tpu.memory_space<vmem>>, vector<2000x1xf32>
    %mul3A_53 = vector.broadcast %get3A_52 : vector<2000x1xf32> to vector<2000x32xf32>
    %mul3A_54 = arith.mulf %mul3A, %mul3A_53 : vector<2000x32xf32>
    %swap3A_55 = arith.constant 0 : index
    %swap3A_56 = arith.constant 192 : index
    %swap3A_57 = vector.load %arg4[%swap3A_55, %swap3A_56] : memref<2000x512xf32, #tpu.memory_space<vmem>>, vector<2000x32xf32>
    tpu.vector_store %arg4[%swap3A_55, %swap3A_56], %mul3A_54 {strides = array<i32>} : memref<2000x512xf32, #tpu.memory_space<vmem>>, vector<2000x32xf32>,
    %get3A_58 = arith.constant 0 : index
    %get3A_59 = arith.constant 7 : index
    %get3A_60 = vector.load %arg2[%get3A_58, %get3A_59] : memref<2000x16xf32, #tpu.memory_space<vmem>>, vector<2000x1xf32>
    %mul3A_61 = vector.broadcast %get3A_60 : vector<2000x1xf32> to vector<2000x32xf32>
    %mul3A_62 = arith.mulf %mul3A, %mul3A_61 : vector<2000x32xf32>
    %swap3A_63 = arith.constant 0 : index
    %swap3A_64 = arith.constant 224 : index
    %swap3A_65 = vector.load %arg4[%swap3A_63, %swap3A_64] : memref<2000x512xf32, #tpu.memory_space<vmem>>, vector<2000x32xf32>
    tpu.vector_store %arg4[%swap3A_63, %swap3A_64], %mul3A_62 {strides = array<i32>} : memref<2000x512xf32, #tpu.memory_space<vmem>>, vector<2000x32xf32>,
    %get3A_66 = arith.constant 0 : index
    %get3A_67 = arith.constant 8 : index
    %get3A_68 = vector.load %arg2[%get3A_66, %get3A_67] : memref<2000x16xf32, #tpu.memory_space<vmem>>, vector<2000x1xf32>
    %mul3A_69 = vector.broadcast %get3A_68 : vector<2000x1xf32> to vector<2000x32xf32>
    %mul3A_70 = arith.mulf %mul3A, %mul3A_69 : vector<2000x32xf32>
    %swap3A_71 = arith.constant 0 : index
    %swap3A_72 = arith.constant 256 : index
    %swap3A_73 = vector.load %arg4[%swap3A_71, %swap3A_72] : memref<2000x512xf32, #tpu.memory_space<vmem>>, vector<2000x32xf32>
    tpu.vector_store %arg4[%swap3A_71, %swap3A_72], %mul3A_70 {strides = array<i32>} : memref<2000x512xf32, #tpu.memory_space<vmem>>, vector<2000x32xf32>,
    %get3A_74 = arith.constant 0 : index
    %get3A_75 = arith.constant 9 : index
    %get3A_76 = vector.load %arg2[%get3A_74, %get3A_75] : memref<2000x16xf32, #tpu.memory_space<vmem>>, vector<2000x1xf32>
    %mul3A_77 = vector.broadcast %get3A_76 : vector<2000x1xf32> to vector<2000x32xf32>
    %mul3A_78 = arith.mulf %mul3A, %mul3A_77 : vector<2000x32xf32>
    %swap3A_79 = arith.constant 0 : index
    %swap3A_80 = arith.constant 288 : index
    %swap3A_81 = vector.load %arg4[%swap3A_79, %swap3A_80] : memref<2000x512xf32, #tpu.memory_space<vmem>>, vector<2000x32xf32>
    tpu.vector_store %arg4[%swap3A_79, %swap3A_80], %mul3A_78 {strides = array<i32>} : memref<2000x512xf32, #tpu.memory_space<vmem>>, vector<2000x32xf32>,
    %get3A_82 = arith.constant 0 : index
    %get3A_83 = arith.constant 10 : index
    %get3A_84 = vector.load %arg2[%get3A_82, %get3A_83] : memref<2000x16xf32, #tpu.memory_space<vmem>>, vector<2000x1xf32>
    %mul3A_85 = vector.broadcast %get3A_84 : vector<2000x1xf32> to vector<2000x32xf32>
    %mul3A_86 = arith.mulf %mul3A, %mul3A_85 : vector<2000x32xf32>
    %swap3A_87 = arith.constant 0 : index
    %swap3A_88 = arith.constant 320 : index
    %swap3A_89 = vector.load %arg4[%swap3A_87, %swap3A_88] : memref<2000x512xf32, #tpu.memory_space<vmem>>, vector<2000x32xf32>
    tpu.vector_store %arg4[%swap3A_87, %swap3A_88], %mul3A_86 {strides = array<i32>} : memref<2000x512xf32, #tpu.memory_space<vmem>>, vector<2000x32xf32>,
    %get3A_90 = arith.constant 0 : index
    %get3A_91 = arith.constant 11 : index
    %get3A_92 = vector.load %arg2[%get3A_90, %get3A_91] : memref<2000x16xf32, #tpu.memory_space<vmem>>, vector<2000x1xf32>
    %mul3A_93 = vector.broadcast %get3A_92 : vector<2000x1xf32> to vector<2000x32xf32>
    %mul3A_94 = arith.mulf %mul3A, %mul3A_93 : vector<2000x32xf32>
    %swap3A_95 = arith.constant 0 : index
    %swap3A_96 = arith.constant 352 : index
    %swap3A_97 = vector.load %arg4[%swap3A_95, %swap3A_96] : memref<2000x512xf32, #tpu.memory_space<vmem>>, vector<2000x32xf32>
    tpu.vector_store %arg4[%swap3A_95, %swap3A_96], %mul3A_94 {strides = array<i32>} : memref<2000x512xf32, #tpu.memory_space<vmem>>, vector<2000x32xf32>,
    %get3A_98 = arith.constant 0 : index
    %get3A_99 = arith.constant 12 : index
    %get3A_100 = vector.load %arg2[%get3A_98, %get3A_99] : memref<2000x16xf32, #tpu.memory_space<vmem>>, vector<2000x1xf32>
    %mul3A_101 = vector.broadcast %get3A_100 : vector<2000x1xf32> to vector<2000x32xf32>
    %mul3A_102 = arith.mulf %mul3A, %mul3A_101 : vector<2000x32xf32>
    %swap3A_103 = arith.constant 0 : index
    %swap3A_104 = arith.constant 384 : index
    %swap3A_105 = vector.load %arg4[%swap3A_103, %swap3A_104] : memref<2000x512xf32, #tpu.memory_space<vmem>>, vector<2000x32xf32>
    tpu.vector_store %arg4[%swap3A_103, %swap3A_104], %mul3A_102 {strides = array<i32>} : memref<2000x512xf32, #tpu.memory_space<vmem>>, vector<2000x32xf32>,
    %get3A_106 = arith.constant 0 : index
    %get3A_107 = arith.constant 13 : index
    %get3A_108 = vector.load %arg2[%get3A_106, %get3A_107] : memref<2000x16xf32, #tpu.memory_space<vmem>>, vector<2000x1xf32>
    %mul3A_109 = vector.broadcast %get3A_108 : vector<2000x1xf32> to vector<2000x32xf32>
    %mul3A_110 = arith.mulf %mul3A, %mul3A_109 : vector<2000x32xf32>
    %swap3A_111 = arith.constant 0 : index
    %swap3A_112 = arith.constant 416 : index
    %swap3A_113 = vector.load %arg4[%swap3A_111, %swap3A_112] : memref<2000x512xf32, #tpu.memory_space<vmem>>, vector<2000x32xf32>
    tpu.vector_store %arg4[%swap3A_111, %swap3A_112], %mul3A_110 {strides = array<i32>} : memref<2000x512xf32, #tpu.memory_space<vmem>>, vector<2000x32xf32>,
    %get3A_114 = arith.constant 0 : index
    %get3A_115 = arith.constant 14 : index
    %get3A_116 = vector.load %arg2[%get3A_114, %get3A_115] : memref<2000x16xf32, #tpu.memory_space<vmem>>, vector<2000x1xf32>
    %mul3A_117 = vector.broadcast %get3A_116 : vector<2000x1xf32> to vector<2000x32xf32>
    %mul3A_118 = arith.mulf %mul3A, %mul3A_117 : vector<2000x32xf32>
    %swap3A_119 = arith.constant 0 : index
    %swap3A_120 = arith.constant 448 : index
    %swap3A_121 = vector.load %arg4[%swap3A_119, %swap3A_120] : memref<2000x512xf32, #tpu.memory_space<vmem>>, vector<2000x32xf32>
    tpu.vector_store %arg4[%swap3A_119, %swap3A_120], %mul3A_118 {strides = array<i32>} : memref<2000x512xf32, #tpu.memory_space<vmem>>, vector<2000x32xf32>,
    %get3A_122 = arith.constant 0 : index
    %get3A_123 = arith.constant 15 : index
    %get3A_124 = vector.load %arg2[%get3A_122, %get3A_123] : memref<2000x16xf32, #tpu.memory_space<vmem>>, vector<2000x1xf32>
    %mul3A_125 = vector.broadcast %get3A_124 : vector<2000x1xf32> to vector<2000x32xf32>
    %mul3A_126 = arith.mulf %mul3A, %mul3A_125 : vector<2000x32xf32>
    %swap3A_127 = arith.constant 0 : index
    %swap3A_128 = arith.constant 480 : index
    %swap3A_129 = vector.load %arg4[%swap3A_127, %swap3A_128] : memref<2000x512xf32, #tpu.memory_space<vmem>>, vector<2000x32xf32>
    tpu.vector_store %arg4[%swap3A_127, %swap3A_128], %mul3A_126 {strides = array<i32>} : memref<2000x512xf32, #tpu.memory_space<vmem>>, vector<2000x32xf32>,
    return
  }
  func.func @transform_0(%arg0: i32) -> (i32, i32) {
    %c0_i32 = arith.constant 0 : i32
    %c0_i32_0 = arith.constant 0 : i32
    return %arg0, %c0_i32 : i32, i32
  }
  func.func @transform_1(%arg0: i32) -> (i32, i32) {
    %c0_i32 = arith.constant 0 : i32
    %c0_i32_0 = arith.constant 0 : i32
    return %arg0, %c0_i32 : i32, i32
  }
  func.func @transform_2(%arg0: i32) -> (i32, i32) {
    %c0_i32 = arith.constant 0 : i32
    %c0_i32_0 = arith.constant 0 : i32
    return %arg0, %c0_i32 : i32, i32
  }
  func.func @transform_3(%arg0: i32) -> (i32, i32) {
    %c0_i32 = arith.constant 0 : i32
    %c0_i32_0 = arith.constant 0 : i32
    return %arg0, %c0_i32 : i32, i32
  }
}

module attributes {stable_mosaic.version = 14 : i64} {
  func.func @_node_mid_kernel(%arg0: i32, %arg1: memref<2000x32xf32, #tpu.memory_space<vmem>>, %arg2: memref<2000x32xf32, #tpu.memory_space<vmem>>, %arg3: memref<2000x32xf32, #tpu.memory_space<vmem>>, %arg4: memref<2000x4xf32, #tpu.memory_space<vmem>>, %arg5: memref<32x32xf32, #tpu.memory_space<vmem>>, %arg6: memref<32x32xf32, #tpu.memory_space<vmem>>, %arg7: memref<4x32x32xf32, #tpu.memory_space<vmem>>, %arg8: memref<32x32xf32, #tpu.memory_space<vmem>>, %arg9: memref<2000x32xf32, #tpu.memory_space<vmem>>, %arg10: memref<2000x32xf32, #tpu.memory_space<vmem>>) attributes {dimension_semantics = [#tpu.dimension_semantics<arbitrary>], iteration_bounds = array<i64: 80>, scalar_prefetch = 0 : i64, scratch_operands = 0 : i64, tpu.core_type = #tpu.core_type<tc>, window_params = [{transform_indices = @transform_0, window_bounds = array<i64: 2000, 32>}, {transform_indices = @transform_1, window_bounds = array<i64: 2000, 32>}, {transform_indices = @transform_2, window_bounds = array<i64: 2000, 32>}, {transform_indices = @transform_3, window_bounds = array<i64: 2000, 4>}, {pipeline_mode = #tpu.pipeline_mode<synchronous>, transform_indices = @transform_4, window_bounds = array<i64: 32, 32>}, {pipeline_mode = #tpu.pipeline_mode<synchronous>, transform_indices = @transform_5, window_bounds = array<i64: 32, 32>}, {pipeline_mode = #tpu.pipeline_mode<synchronous>, transform_indices = @transform_6, window_bounds = array<i64: 4, 32, 32>}, {pipeline_mode = #tpu.pipeline_mode<synchronous>, transform_indices = @transform_7, window_bounds = array<i64: 32, 32>}, {transform_indices = @transform_8, window_bounds = array<i64: 2000, 32>}, {transform_indices = @transform_9, window_bounds = array<i64: 2000, 32>}]} {
    %get3A = arith.constant 0 : index
    %get3A_0 = arith.constant 0 : index
    %get3A_1 = vector.load %arg1[%get3A, %get3A_0] : memref<2000x32xf32, #tpu.memory_space<vmem>>, vector<2000x32xf32>
    %get3A_2 = arith.constant 0 : index
    %get3A_3 = arith.constant 0 : index
    %get3A_4 = vector.load %arg5[%get3A_2, %get3A_3] : memref<32x32xf32, #tpu.memory_space<vmem>>, vector<32x32xf32>
    %dot_general3A = arith.constant dense<0.000000e+00> : vector<2000x32xf32>
    %dot_general3A_5 = tpu.matmul %get3A_1, %get3A_4, %dot_general3A {dimension_numbers = #tpu.dot_dimension_numbers<[1], [0], [0], [1], [0, 0, 1, 1], [], []>, precision = #tpu.contract_precision<fp32>, transpose_lhs_hint = false} : vector<2000x32xf32>, vector<32x32xf32>, vector<2000x32xf32> -> vector<2000x32xf32>
    %get3A_6 = arith.constant 0 : index
    %get3A_7 = arith.constant 0 : index
    %get3A_8 = vector.load %arg3[%get3A_6, %get3A_7] : memref<2000x32xf32, #tpu.memory_space<vmem>>, vector<2000x32xf32>
    %mul3A = arith.mulf %dot_general3A_5, %get3A_8 : vector<2000x32xf32>
    %get3A_9 = arith.constant 0 : index
    %get3A_10 = arith.constant 0 : index
    %get3A_11 = vector.load %arg6[%get3A_9, %get3A_10] : memref<32x32xf32, #tpu.memory_space<vmem>>, vector<32x32xf32>
    %dot_general3A_12 = arith.constant dense<0.000000e+00> : vector<2000x32xf32>
    %dot_general3A_13 = tpu.matmul %mul3A, %get3A_11, %dot_general3A_12 {dimension_numbers = #tpu.dot_dimension_numbers<[1], [0], [0], [1], [0, 0, 1, 1], [], []>, precision = #tpu.contract_precision<fp32>, transpose_lhs_hint = false} : vector<2000x32xf32>, vector<32x32xf32>, vector<2000x32xf32> -> vector<2000x32xf32>
    %get3A_14 = arith.constant 0 : index
    %get3A_15 = arith.constant 0 : index
    %get3A_16 = vector.load %arg2[%get3A_14, %get3A_15] : memref<2000x32xf32, #tpu.memory_space<vmem>>, vector<2000x32xf32>
    %get3A_17 = arith.constant 0 : index
    %get3A_18 = arith.constant 0 : index
    %get3A_19 = vector.load %arg4[%get3A_17, %get3A_18] : memref<2000x4xf32, #tpu.memory_space<vmem>>, vector<2000x1xf32>
    %get3A_20 = arith.constant 0 : index
    %get3A_21 = arith.constant 0 : index
    %get3A_22 = arith.constant 0 : index
    %get3A_23 = vector.load %arg7[%get3A_20, %get3A_21, %get3A_22] : memref<4x32x32xf32, #tpu.memory_space<vmem>>, vector<1x32x32xf32>
    %get3A_24 = vector.shape_cast %get3A_23 : vector<1x32x32xf32> to vector<32x32xf32>
    %dot_general3A_25 = arith.constant dense<0.000000e+00> : vector<2000x32xf32>
    %dot_general3A_26 = tpu.matmul %get3A_16, %get3A_24, %dot_general3A_25 {dimension_numbers = #tpu.dot_dimension_numbers<[1], [0], [0], [1], [0, 0, 1, 1], [], []>, precision = #tpu.contract_precision<fp32>, transpose_lhs_hint = false} : vector<2000x32xf32>, vector<32x32xf32>, vector<2000x32xf32> -> vector<2000x32xf32>
    %mul3A_27 = vector.broadcast %get3A_19 : vector<2000x1xf32> to vector<2000x32xf32>
    %mul3A_28 = arith.mulf %mul3A_27, %dot_general3A_26 : vector<2000x32xf32>
    %get3A_29 = arith.constant 0 : index
    %get3A_30 = arith.constant 1 : index
    %get3A_31 = vector.load %arg4[%get3A_29, %get3A_30] : memref<2000x4xf32, #tpu.memory_space<vmem>>, vector<2000x1xf32>
    %get3A_32 = arith.constant 1 : index
    %get3A_33 = arith.constant 0 : index
    %get3A_34 = arith.constant 0 : index
    %get3A_35 = vector.load %arg7[%get3A_32, %get3A_33, %get3A_34] : memref<4x32x32xf32, #tpu.memory_space<vmem>>, vector<1x32x32xf32>
    %get3A_36 = vector.shape_cast %get3A_35 : vector<1x32x32xf32> to vector<32x32xf32>
    %dot_general3A_37 = arith.constant dense<0.000000e+00> : vector<2000x32xf32>
    %dot_general3A_38 = tpu.matmul %get3A_16, %get3A_36, %dot_general3A_37 {dimension_numbers = #tpu.dot_dimension_numbers<[1], [0], [0], [1], [0, 0, 1, 1], [], []>, precision = #tpu.contract_precision<fp32>, transpose_lhs_hint = false} : vector<2000x32xf32>, vector<32x32xf32>, vector<2000x32xf32> -> vector<2000x32xf32>
    %mul3A_39 = vector.broadcast %get3A_31 : vector<2000x1xf32> to vector<2000x32xf32>
    %mul3A_40 = arith.mulf %mul3A_39, %dot_general3A_38 : vector<2000x32xf32>
    %add3A = arith.addf %mul3A_28, %mul3A_40 : vector<2000x32xf32>
    %get3A_41 = arith.constant 0 : index
    %get3A_42 = arith.constant 2 : index
    %get3A_43 = vector.load %arg4[%get3A_41, %get3A_42] : memref<2000x4xf32, #tpu.memory_space<vmem>>, vector<2000x1xf32>
    %get3A_44 = arith.constant 2 : index
    %get3A_45 = arith.constant 0 : index
    %get3A_46 = arith.constant 0 : index
    %get3A_47 = vector.load %arg7[%get3A_44, %get3A_45, %get3A_46] : memref<4x32x32xf32, #tpu.memory_space<vmem>>, vector<1x32x32xf32>
    %get3A_48 = vector.shape_cast %get3A_47 : vector<1x32x32xf32> to vector<32x32xf32>
    %dot_general3A_49 = arith.constant dense<0.000000e+00> : vector<2000x32xf32>
    %dot_general3A_50 = tpu.matmul %get3A_16, %get3A_48, %dot_general3A_49 {dimension_numbers = #tpu.dot_dimension_numbers<[1], [0], [0], [1], [0, 0, 1, 1], [], []>, precision = #tpu.contract_precision<fp32>, transpose_lhs_hint = false} : vector<2000x32xf32>, vector<32x32xf32>, vector<2000x32xf32> -> vector<2000x32xf32>
    %mul3A_51 = vector.broadcast %get3A_43 : vector<2000x1xf32> to vector<2000x32xf32>
    %mul3A_52 = arith.mulf %mul3A_51, %dot_general3A_50 : vector<2000x32xf32>
    %add3A_53 = arith.addf %add3A, %mul3A_52 : vector<2000x32xf32>
    %get3A_54 = arith.constant 0 : index
    %get3A_55 = arith.constant 3 : index
    %get3A_56 = vector.load %arg4[%get3A_54, %get3A_55] : memref<2000x4xf32, #tpu.memory_space<vmem>>, vector<2000x1xf32>
    %get3A_57 = arith.constant 3 : index
    %get3A_58 = arith.constant 0 : index
    %get3A_59 = arith.constant 0 : index
    %get3A_60 = vector.load %arg7[%get3A_57, %get3A_58, %get3A_59] : memref<4x32x32xf32, #tpu.memory_space<vmem>>, vector<1x32x32xf32>
    %get3A_61 = vector.shape_cast %get3A_60 : vector<1x32x32xf32> to vector<32x32xf32>
    %dot_general3A_62 = arith.constant dense<0.000000e+00> : vector<2000x32xf32>
    %dot_general3A_63 = tpu.matmul %get3A_16, %get3A_61, %dot_general3A_62 {dimension_numbers = #tpu.dot_dimension_numbers<[1], [0], [0], [1], [0, 0, 1, 1], [], []>, precision = #tpu.contract_precision<fp32>, transpose_lhs_hint = false} : vector<2000x32xf32>, vector<32x32xf32>, vector<2000x32xf32> -> vector<2000x32xf32>
    %mul3A_64 = vector.broadcast %get3A_56 : vector<2000x1xf32> to vector<2000x32xf32>
    %mul3A_65 = arith.mulf %mul3A_64, %dot_general3A_63 : vector<2000x32xf32>
    %add3A_66 = arith.addf %add3A_53, %mul3A_65 : vector<2000x32xf32>
    %add3A_67 = arith.addf %dot_general3A_13, %add3A_66 : vector<2000x32xf32>
    %swap3A = arith.constant 0 : index
    %swap3A_68 = arith.constant 0 : index
    %swap3A_69 = vector.load %arg9[%swap3A, %swap3A_68] : memref<2000x32xf32, #tpu.memory_space<vmem>>, vector<2000x32xf32>
    tpu.vector_store %arg9[%swap3A, %swap3A_68], %add3A_67 {strides = array<i32>} : memref<2000x32xf32, #tpu.memory_space<vmem>>, vector<2000x32xf32>,
    %get3A_70 = arith.constant 0 : index
    %get3A_71 = arith.constant 0 : index
    %get3A_72 = vector.load %arg8[%get3A_70, %get3A_71] : memref<32x32xf32, #tpu.memory_space<vmem>>, vector<32x32xf32>
    %dot_general3A_73 = arith.constant dense<0.000000e+00> : vector<2000x32xf32>
    %dot_general3A_74 = tpu.matmul %add3A_67, %get3A_72, %dot_general3A_73 {dimension_numbers = #tpu.dot_dimension_numbers<[1], [0], [0], [1], [0, 0, 1, 1], [], []>, precision = #tpu.contract_precision<fp32>, transpose_lhs_hint = false} : vector<2000x32xf32>, vector<32x32xf32>, vector<2000x32xf32> -> vector<2000x32xf32>
    %swap3A_75 = arith.constant 0 : index
    %swap3A_76 = arith.constant 0 : index
    %swap3A_77 = vector.load %arg10[%swap3A_75, %swap3A_76] : memref<2000x32xf32, #tpu.memory_space<vmem>>, vector<2000x32xf32>
    tpu.vector_store %arg10[%swap3A_75, %swap3A_76], %dot_general3A_74 {strides = array<i32>} : memref<2000x32xf32, #tpu.memory_space<vmem>>, vector<2000x32xf32>,
    return
  }
  func.func @transform_0(%arg0: i32) -> (i32, i32) {
    %c0_i32 = arith.constant 0 : i32
    %c0_i32_0 = arith.constant 0 : i32
    return %arg0, %c0_i32 : i32, i32
  }
  func.func @transform_1(%arg0: i32) -> (i32, i32) {
    %c0_i32 = arith.constant 0 : i32
    %c0_i32_0 = arith.constant 0 : i32
    return %arg0, %c0_i32 : i32, i32
  }
  func.func @transform_2(%arg0: i32) -> (i32, i32) {
    %c0_i32 = arith.constant 0 : i32
    %c0_i32_0 = arith.constant 0 : i32
    return %arg0, %c0_i32 : i32, i32
  }
  func.func @transform_3(%arg0: i32) -> (i32, i32) {
    %c0_i32 = arith.constant 0 : i32
    %c0_i32_0 = arith.constant 0 : i32
    return %arg0, %c0_i32 : i32, i32
  }
  func.func @transform_4(%arg0: i32) -> (i32, i32) {
    %c0_i32 = arith.constant 0 : i32
    %c0_i32_0 = arith.constant 0 : i32
    %c0_i32_1 = arith.constant 0 : i32
    return %c0_i32, %c0_i32_0 : i32, i32
  }
  func.func @transform_5(%arg0: i32) -> (i32, i32) {
    %c0_i32 = arith.constant 0 : i32
    %c0_i32_0 = arith.constant 0 : i32
    %c0_i32_1 = arith.constant 0 : i32
    return %c0_i32, %c0_i32_0 : i32, i32
  }
  func.func @transform_6(%arg0: i32) -> (i32, i32, i32) {
    %c0_i32 = arith.constant 0 : i32
    %c0_i32_0 = arith.constant 0 : i32
    %c0_i32_1 = arith.constant 0 : i32
    %c0_i32_2 = arith.constant 0 : i32
    return %c0_i32, %c0_i32_0, %c0_i32_1 : i32, i32, i32
  }
  func.func @transform_7(%arg0: i32) -> (i32, i32) {
    %c0_i32 = arith.constant 0 : i32
    %c0_i32_0 = arith.constant 0 : i32
    %c0_i32_1 = arith.constant 0 : i32
    return %c0_i32, %c0_i32_0 : i32, i32
  }
  func.func @transform_8(%arg0: i32) -> (i32, i32) {
    %c0_i32 = arith.constant 0 : i32
    %c0_i32_0 = arith.constant 0 : i32
    return %arg0, %c0_i32 : i32, i32
  }
  func.func @transform_9(%arg0: i32) -> (i32, i32) {
    %c0_i32 = arith.constant 0 : i32
    %c0_i32_0 = arith.constant 0 : i32
    return %arg0, %c0_i32 : i32, i32
  }
}

module attributes {stable_mosaic.version = 14 : i64} {
  func.func @_k(%arg0: i32, %arg1: memref<2000x512xf32, #tpu.memory_space<vmem>>, %arg2: memref<2000x16xf32, #tpu.memory_space<vmem>>, %arg3: memref<2000x96xf32, #tpu.memory_space<vmem>>, %arg4: memref<2000x512xf32, #tpu.memory_space<vmem>>) attributes {dimension_semantics = [#tpu.dimension_semantics<arbitrary>], iteration_bounds = array<i64: 80>, scalar_prefetch = 0 : i64, scratch_operands = 0 : i64, tpu.core_type = #tpu.core_type<tc>, window_params = [{transform_indices = @transform_0, window_bounds = array<i64: 2000, 512>}, {transform_indices = @transform_1, window_bounds = array<i64: 2000, 16>}, {transform_indices = @transform_2, window_bounds = array<i64: 2000, 96>}, {transform_indices = @transform_3, window_bounds = array<i64: 2000, 512>}]} {
    %get3A = arith.constant 0 : index
    %get3A_0 = arith.constant 32 : index
    %get3A_1 = vector.load %arg3[%get3A, %get3A_0] : memref<2000x96xf32, #tpu.memory_space<vmem>>, vector<2000x32xf32>
    %get3A_2 = arith.constant 0 : index
    %get3A_3 = arith.constant 0 : index
    %get3A_4 = vector.load %arg1[%get3A_2, %get3A_3] : memref<2000x512xf32, #tpu.memory_space<vmem>>, vector<2000x32xf32>
    %get3A_5 = arith.constant 0 : index
    %get3A_6 = arith.constant 0 : index
    %get3A_7 = vector.load %arg2[%get3A_5, %get3A_6] : memref<2000x16xf32, #tpu.memory_space<vmem>>, vector<2000x1xf32>
    %get3A_8 = arith.constant 0 : index
    %get3A_9 = arith.constant 0 : index
    %get3A_10 = vector.load %arg1[%get3A_8, %get3A_9] : memref<2000x512xf32, #tpu.memory_space<vmem>>, vector<2000x32xf32>
    %mul3A = vector.broadcast %get3A_7 : vector<2000x1xf32> to vector<2000x32xf32>
    %mul3A_11 = arith.mulf %get3A_4, %mul3A : vector<2000x32xf32>
    %add3A = arith.addf %get3A_10, %mul3A_11 : vector<2000x32xf32>
    %mul3A_12 = arith.mulf %get3A_1, %add3A : vector<2000x32xf32>
    %swap3A = arith.constant 0 : index
    %swap3A_13 = arith.constant 0 : index
    %swap3A_14 = vector.load %arg4[%swap3A, %swap3A_13] : memref<2000x512xf32, #tpu.memory_space<vmem>>, vector<2000x32xf32>
    tpu.vector_store %arg4[%swap3A, %swap3A_13], %mul3A_12 {strides = array<i32>} : memref<2000x512xf32, #tpu.memory_space<vmem>>, vector<2000x32xf32>,
    %get3A_15 = arith.constant 0 : index
    %get3A_16 = arith.constant 1 : index
    %get3A_17 = vector.load %arg2[%get3A_15, %get3A_16] : memref<2000x16xf32, #tpu.memory_space<vmem>>, vector<2000x1xf32>
    %get3A_18 = arith.constant 0 : index
    %get3A_19 = arith.constant 32 : index
    %get3A_20 = vector.load %arg1[%get3A_18, %get3A_19] : memref<2000x512xf32, #tpu.memory_space<vmem>>, vector<2000x32xf32>
    %mul3A_21 = vector.broadcast %get3A_17 : vector<2000x1xf32> to vector<2000x32xf32>
    %mul3A_22 = arith.mulf %get3A_4, %mul3A_21 : vector<2000x32xf32>
    %add3A_23 = arith.addf %get3A_20, %mul3A_22 : vector<2000x32xf32>
    %mul3A_24 = arith.mulf %get3A_1, %add3A_23 : vector<2000x32xf32>
    %swap3A_25 = arith.constant 0 : index
    %swap3A_26 = arith.constant 32 : index
    %swap3A_27 = vector.load %arg4[%swap3A_25, %swap3A_26] : memref<2000x512xf32, #tpu.memory_space<vmem>>, vector<2000x32xf32>
    tpu.vector_store %arg4[%swap3A_25, %swap3A_26], %mul3A_24 {strides = array<i32>} : memref<2000x512xf32, #tpu.memory_space<vmem>>, vector<2000x32xf32>,
    %get3A_28 = arith.constant 0 : index
    %get3A_29 = arith.constant 2 : index
    %get3A_30 = vector.load %arg2[%get3A_28, %get3A_29] : memref<2000x16xf32, #tpu.memory_space<vmem>>, vector<2000x1xf32>
    %get3A_31 = arith.constant 0 : index
    %get3A_32 = arith.constant 64 : index
    %get3A_33 = vector.load %arg1[%get3A_31, %get3A_32] : memref<2000x512xf32, #tpu.memory_space<vmem>>, vector<2000x32xf32>
    %mul3A_34 = vector.broadcast %get3A_30 : vector<2000x1xf32> to vector<2000x32xf32>
    %mul3A_35 = arith.mulf %get3A_4, %mul3A_34 : vector<2000x32xf32>
    %add3A_36 = arith.addf %get3A_33, %mul3A_35 : vector<2000x32xf32>
    %mul3A_37 = arith.mulf %get3A_1, %add3A_36 : vector<2000x32xf32>
    %swap3A_38 = arith.constant 0 : index
    %swap3A_39 = arith.constant 64 : index
    %swap3A_40 = vector.load %arg4[%swap3A_38, %swap3A_39] : memref<2000x512xf32, #tpu.memory_space<vmem>>, vector<2000x32xf32>
    tpu.vector_store %arg4[%swap3A_38, %swap3A_39], %mul3A_37 {strides = array<i32>} : memref<2000x512xf32, #tpu.memory_space<vmem>>, vector<2000x32xf32>,
    %get3A_41 = arith.constant 0 : index
    %get3A_42 = arith.constant 3 : index
    %get3A_43 = vector.load %arg2[%get3A_41, %get3A_42] : memref<2000x16xf32, #tpu.memory_space<vmem>>, vector<2000x1xf32>
    %get3A_44 = arith.constant 0 : index
    %get3A_45 = arith.constant 96 : index
    %get3A_46 = vector.load %arg1[%get3A_44, %get3A_45] : memref<2000x512xf32, #tpu.memory_space<vmem>>, vector<2000x32xf32>
    %mul3A_47 = vector.broadcast %get3A_43 : vector<2000x1xf32> to vector<2000x32xf32>
    %mul3A_48 = arith.mulf %get3A_4, %mul3A_47 : vector<2000x32xf32>
    %add3A_49 = arith.addf %get3A_46, %mul3A_48 : vector<2000x32xf32>
    %mul3A_50 = arith.mulf %get3A_1, %add3A_49 : vector<2000x32xf32>
    %swap3A_51 = arith.constant 0 : index
    %swap3A_52 = arith.constant 96 : index
    %swap3A_53 = vector.load %arg4[%swap3A_51, %swap3A_52] : memref<2000x512xf32, #tpu.memory_space<vmem>>, vector<2000x32xf32>
    tpu.vector_store %arg4[%swap3A_51, %swap3A_52], %mul3A_50 {strides = array<i32>} : memref<2000x512xf32, #tpu.memory_space<vmem>>, vector<2000x32xf32>,
    %get3A_54 = arith.constant 0 : index
    %get3A_55 = arith.constant 4 : index
    %get3A_56 = vector.load %arg2[%get3A_54, %get3A_55] : memref<2000x16xf32, #tpu.memory_space<vmem>>, vector<2000x1xf32>
    %get3A_57 = arith.constant 0 : index
    %get3A_58 = arith.constant 128 : index
    %get3A_59 = vector.load %arg1[%get3A_57, %get3A_58] : memref<2000x512xf32, #tpu.memory_space<vmem>>, vector<2000x32xf32>
    %mul3A_60 = vector.broadcast %get3A_56 : vector<2000x1xf32> to vector<2000x32xf32>
    %mul3A_61 = arith.mulf %get3A_4, %mul3A_60 : vector<2000x32xf32>
    %add3A_62 = arith.addf %get3A_59, %mul3A_61 : vector<2000x32xf32>
    %mul3A_63 = arith.mulf %get3A_1, %add3A_62 : vector<2000x32xf32>
    %swap3A_64 = arith.constant 0 : index
    %swap3A_65 = arith.constant 128 : index
    %swap3A_66 = vector.load %arg4[%swap3A_64, %swap3A_65] : memref<2000x512xf32, #tpu.memory_space<vmem>>, vector<2000x32xf32>
    tpu.vector_store %arg4[%swap3A_64, %swap3A_65], %mul3A_63 {strides = array<i32>} : memref<2000x512xf32, #tpu.memory_space<vmem>>, vector<2000x32xf32>,
    %get3A_67 = arith.constant 0 : index
    %get3A_68 = arith.constant 5 : index
    %get3A_69 = vector.load %arg2[%get3A_67, %get3A_68] : memref<2000x16xf32, #tpu.memory_space<vmem>>, vector<2000x1xf32>
    %get3A_70 = arith.constant 0 : index
    %get3A_71 = arith.constant 160 : index
    %get3A_72 = vector.load %arg1[%get3A_70, %get3A_71] : memref<2000x512xf32, #tpu.memory_space<vmem>>, vector<2000x32xf32>
    %mul3A_73 = vector.broadcast %get3A_69 : vector<2000x1xf32> to vector<2000x32xf32>
    %mul3A_74 = arith.mulf %get3A_4, %mul3A_73 : vector<2000x32xf32>
    %add3A_75 = arith.addf %get3A_72, %mul3A_74 : vector<2000x32xf32>
    %mul3A_76 = arith.mulf %get3A_1, %add3A_75 : vector<2000x32xf32>
    %swap3A_77 = arith.constant 0 : index
    %swap3A_78 = arith.constant 160 : index
    %swap3A_79 = vector.load %arg4[%swap3A_77, %swap3A_78] : memref<2000x512xf32, #tpu.memory_space<vmem>>, vector<2000x32xf32>
    tpu.vector_store %arg4[%swap3A_77, %swap3A_78], %mul3A_76 {strides = array<i32>} : memref<2000x512xf32, #tpu.memory_space<vmem>>, vector<2000x32xf32>,
    %get3A_80 = arith.constant 0 : index
    %get3A_81 = arith.constant 6 : index
    %get3A_82 = vector.load %arg2[%get3A_80, %get3A_81] : memref<2000x16xf32, #tpu.memory_space<vmem>>, vector<2000x1xf32>
    %get3A_83 = arith.constant 0 : index
    %get3A_84 = arith.constant 192 : index
    %get3A_85 = vector.load %arg1[%get3A_83, %get3A_84] : memref<2000x512xf32, #tpu.memory_space<vmem>>, vector<2000x32xf32>
    %mul3A_86 = vector.broadcast %get3A_82 : vector<2000x1xf32> to vector<2000x32xf32>
    %mul3A_87 = arith.mulf %get3A_4, %mul3A_86 : vector<2000x32xf32>
    %add3A_88 = arith.addf %get3A_85, %mul3A_87 : vector<2000x32xf32>
    %mul3A_89 = arith.mulf %get3A_1, %add3A_88 : vector<2000x32xf32>
    %swap3A_90 = arith.constant 0 : index
    %swap3A_91 = arith.constant 192 : index
    %swap3A_92 = vector.load %arg4[%swap3A_90, %swap3A_91] : memref<2000x512xf32, #tpu.memory_space<vmem>>, vector<2000x32xf32>
    tpu.vector_store %arg4[%swap3A_90, %swap3A_91], %mul3A_89 {strides = array<i32>} : memref<2000x512xf32, #tpu.memory_space<vmem>>, vector<2000x32xf32>,
    %get3A_93 = arith.constant 0 : index
    %get3A_94 = arith.constant 7 : index
    %get3A_95 = vector.load %arg2[%get3A_93, %get3A_94] : memref<2000x16xf32, #tpu.memory_space<vmem>>, vector<2000x1xf32>
    %get3A_96 = arith.constant 0 : index
    %get3A_97 = arith.constant 224 : index
    %get3A_98 = vector.load %arg1[%get3A_96, %get3A_97] : memref<2000x512xf32, #tpu.memory_space<vmem>>, vector<2000x32xf32>
    %mul3A_99 = vector.broadcast %get3A_95 : vector<2000x1xf32> to vector<2000x32xf32>
    %mul3A_100 = arith.mulf %get3A_4, %mul3A_99 : vector<2000x32xf32>
    %add3A_101 = arith.addf %get3A_98, %mul3A_100 : vector<2000x32xf32>
    %mul3A_102 = arith.mulf %get3A_1, %add3A_101 : vector<2000x32xf32>
    %swap3A_103 = arith.constant 0 : index
    %swap3A_104 = arith.constant 224 : index
    %swap3A_105 = vector.load %arg4[%swap3A_103, %swap3A_104] : memref<2000x512xf32, #tpu.memory_space<vmem>>, vector<2000x32xf32>
    tpu.vector_store %arg4[%swap3A_103, %swap3A_104], %mul3A_102 {strides = array<i32>} : memref<2000x512xf32, #tpu.memory_space<vmem>>, vector<2000x32xf32>,
    %get3A_106 = arith.constant 0 : index
    %get3A_107 = arith.constant 8 : index
    %get3A_108 = vector.load %arg2[%get3A_106, %get3A_107] : memref<2000x16xf32, #tpu.memory_space<vmem>>, vector<2000x1xf32>
    %get3A_109 = arith.constant 0 : index
    %get3A_110 = arith.constant 256 : index
    %get3A_111 = vector.load %arg1[%get3A_109, %get3A_110] : memref<2000x512xf32, #tpu.memory_space<vmem>>, vector<2000x32xf32>
    %mul3A_112 = vector.broadcast %get3A_108 : vector<2000x1xf32> to vector<2000x32xf32>
    %mul3A_113 = arith.mulf %get3A_4, %mul3A_112 : vector<2000x32xf32>
    %add3A_114 = arith.addf %get3A_111, %mul3A_113 : vector<2000x32xf32>
    %mul3A_115 = arith.mulf %get3A_1, %add3A_114 : vector<2000x32xf32>
    %swap3A_116 = arith.constant 0 : index
    %swap3A_117 = arith.constant 256 : index
    %swap3A_118 = vector.load %arg4[%swap3A_116, %swap3A_117] : memref<2000x512xf32, #tpu.memory_space<vmem>>, vector<2000x32xf32>
    tpu.vector_store %arg4[%swap3A_116, %swap3A_117], %mul3A_115 {strides = array<i32>} : memref<2000x512xf32, #tpu.memory_space<vmem>>, vector<2000x32xf32>,
    %get3A_119 = arith.constant 0 : index
    %get3A_120 = arith.constant 9 : index
    %get3A_121 = vector.load %arg2[%get3A_119, %get3A_120] : memref<2000x16xf32, #tpu.memory_space<vmem>>, vector<2000x1xf32>
    %get3A_122 = arith.constant 0 : index
    %get3A_123 = arith.constant 288 : index
    %get3A_124 = vector.load %arg1[%get3A_122, %get3A_123] : memref<2000x512xf32, #tpu.memory_space<vmem>>, vector<2000x32xf32>
    %mul3A_125 = vector.broadcast %get3A_121 : vector<2000x1xf32> to vector<2000x32xf32>
    %mul3A_126 = arith.mulf %get3A_4, %mul3A_125 : vector<2000x32xf32>
    %add3A_127 = arith.addf %get3A_124, %mul3A_126 : vector<2000x32xf32>
    %mul3A_128 = arith.mulf %get3A_1, %add3A_127 : vector<2000x32xf32>
    %swap3A_129 = arith.constant 0 : index
    %swap3A_130 = arith.constant 288 : index
    %swap3A_131 = vector.load %arg4[%swap3A_129, %swap3A_130] : memref<2000x512xf32, #tpu.memory_space<vmem>>, vector<2000x32xf32>
    tpu.vector_store %arg4[%swap3A_129, %swap3A_130], %mul3A_128 {strides = array<i32>} : memref<2000x512xf32, #tpu.memory_space<vmem>>, vector<2000x32xf32>,
    %get3A_132 = arith.constant 0 : index
    %get3A_133 = arith.constant 10 : index
    %get3A_134 = vector.load %arg2[%get3A_132, %get3A_133] : memref<2000x16xf32, #tpu.memory_space<vmem>>, vector<2000x1xf32>
    %get3A_135 = arith.constant 0 : index
    %get3A_136 = arith.constant 320 : index
    %get3A_137 = vector.load %arg1[%get3A_135, %get3A_136] : memref<2000x512xf32, #tpu.memory_space<vmem>>, vector<2000x32xf32>
    %mul3A_138 = vector.broadcast %get3A_134 : vector<2000x1xf32> to vector<2000x32xf32>
    %mul3A_139 = arith.mulf %get3A_4, %mul3A_138 : vector<2000x32xf32>
    %add3A_140 = arith.addf %get3A_137, %mul3A_139 : vector<2000x32xf32>
    %mul3A_141 = arith.mulf %get3A_1, %add3A_140 : vector<2000x32xf32>
    %swap3A_142 = arith.constant 0 : index
    %swap3A_143 = arith.constant 320 : index
    %swap3A_144 = vector.load %arg4[%swap3A_142, %swap3A_143] : memref<2000x512xf32, #tpu.memory_space<vmem>>, vector<2000x32xf32>
    tpu.vector_store %arg4[%swap3A_142, %swap3A_143], %mul3A_141 {strides = array<i32>} : memref<2000x512xf32, #tpu.memory_space<vmem>>, vector<2000x32xf32>,
    %get3A_145 = arith.constant 0 : index
    %get3A_146 = arith.constant 11 : index
    %get3A_147 = vector.load %arg2[%get3A_145, %get3A_146] : memref<2000x16xf32, #tpu.memory_space<vmem>>, vector<2000x1xf32>
    %get3A_148 = arith.constant 0 : index
    %get3A_149 = arith.constant 352 : index
    %get3A_150 = vector.load %arg1[%get3A_148, %get3A_149] : memref<2000x512xf32, #tpu.memory_space<vmem>>, vector<2000x32xf32>
    %mul3A_151 = vector.broadcast %get3A_147 : vector<2000x1xf32> to vector<2000x32xf32>
    %mul3A_152 = arith.mulf %get3A_4, %mul3A_151 : vector<2000x32xf32>
    %add3A_153 = arith.addf %get3A_150, %mul3A_152 : vector<2000x32xf32>
    %mul3A_154 = arith.mulf %get3A_1, %add3A_153 : vector<2000x32xf32>
    %swap3A_155 = arith.constant 0 : index
    %swap3A_156 = arith.constant 352 : index
    %swap3A_157 = vector.load %arg4[%swap3A_155, %swap3A_156] : memref<2000x512xf32, #tpu.memory_space<vmem>>, vector<2000x32xf32>
    tpu.vector_store %arg4[%swap3A_155, %swap3A_156], %mul3A_154 {strides = array<i32>} : memref<2000x512xf32, #tpu.memory_space<vmem>>, vector<2000x32xf32>,
    %get3A_158 = arith.constant 0 : index
    %get3A_159 = arith.constant 12 : index
    %get3A_160 = vector.load %arg2[%get3A_158, %get3A_159] : memref<2000x16xf32, #tpu.memory_space<vmem>>, vector<2000x1xf32>
    %get3A_161 = arith.constant 0 : index
    %get3A_162 = arith.constant 384 : index
    %get3A_163 = vector.load %arg1[%get3A_161, %get3A_162] : memref<2000x512xf32, #tpu.memory_space<vmem>>, vector<2000x32xf32>
    %mul3A_164 = vector.broadcast %get3A_160 : vector<2000x1xf32> to vector<2000x32xf32>
    %mul3A_165 = arith.mulf %get3A_4, %mul3A_164 : vector<2000x32xf32>
    %add3A_166 = arith.addf %get3A_163, %mul3A_165 : vector<2000x32xf32>
    %mul3A_167 = arith.mulf %get3A_1, %add3A_166 : vector<2000x32xf32>
    %swap3A_168 = arith.constant 0 : index
    %swap3A_169 = arith.constant 384 : index
    %swap3A_170 = vector.load %arg4[%swap3A_168, %swap3A_169] : memref<2000x512xf32, #tpu.memory_space<vmem>>, vector<2000x32xf32>
    tpu.vector_store %arg4[%swap3A_168, %swap3A_169], %mul3A_167 {strides = array<i32>} : memref<2000x512xf32, #tpu.memory_space<vmem>>, vector<2000x32xf32>,
    %get3A_171 = arith.constant 0 : index
    %get3A_172 = arith.constant 13 : index
    %get3A_173 = vector.load %arg2[%get3A_171, %get3A_172] : memref<2000x16xf32, #tpu.memory_space<vmem>>, vector<2000x1xf32>
    %get3A_174 = arith.constant 0 : index
    %get3A_175 = arith.constant 416 : index
    %get3A_176 = vector.load %arg1[%get3A_174, %get3A_175] : memref<2000x512xf32, #tpu.memory_space<vmem>>, vector<2000x32xf32>
    %mul3A_177 = vector.broadcast %get3A_173 : vector<2000x1xf32> to vector<2000x32xf32>
    %mul3A_178 = arith.mulf %get3A_4, %mul3A_177 : vector<2000x32xf32>
    %add3A_179 = arith.addf %get3A_176, %mul3A_178 : vector<2000x32xf32>
    %mul3A_180 = arith.mulf %get3A_1, %add3A_179 : vector<2000x32xf32>
    %swap3A_181 = arith.constant 0 : index
    %swap3A_182 = arith.constant 416 : index
    %swap3A_183 = vector.load %arg4[%swap3A_181, %swap3A_182] : memref<2000x512xf32, #tpu.memory_space<vmem>>, vector<2000x32xf32>
    tpu.vector_store %arg4[%swap3A_181, %swap3A_182], %mul3A_180 {strides = array<i32>} : memref<2000x512xf32, #tpu.memory_space<vmem>>, vector<2000x32xf32>,
    %get3A_184 = arith.constant 0 : index
    %get3A_185 = arith.constant 14 : index
    %get3A_186 = vector.load %arg2[%get3A_184, %get3A_185] : memref<2000x16xf32, #tpu.memory_space<vmem>>, vector<2000x1xf32>
    %get3A_187 = arith.constant 0 : index
    %get3A_188 = arith.constant 448 : index
    %get3A_189 = vector.load %arg1[%get3A_187, %get3A_188] : memref<2000x512xf32, #tpu.memory_space<vmem>>, vector<2000x32xf32>
    %mul3A_190 = vector.broadcast %get3A_186 : vector<2000x1xf32> to vector<2000x32xf32>
    %mul3A_191 = arith.mulf %get3A_4, %mul3A_190 : vector<2000x32xf32>
    %add3A_192 = arith.addf %get3A_189, %mul3A_191 : vector<2000x32xf32>
    %mul3A_193 = arith.mulf %get3A_1, %add3A_192 : vector<2000x32xf32>
    %swap3A_194 = arith.constant 0 : index
    %swap3A_195 = arith.constant 448 : index
    %swap3A_196 = vector.load %arg4[%swap3A_194, %swap3A_195] : memref<2000x512xf32, #tpu.memory_space<vmem>>, vector<2000x32xf32>
    tpu.vector_store %arg4[%swap3A_194, %swap3A_195], %mul3A_193 {strides = array<i32>} : memref<2000x512xf32, #tpu.memory_space<vmem>>, vector<2000x32xf32>,
    %get3A_197 = arith.constant 0 : index
    %get3A_198 = arith.constant 15 : index
    %get3A_199 = vector.load %arg2[%get3A_197, %get3A_198] : memref<2000x16xf32, #tpu.memory_space<vmem>>, vector<2000x1xf32>
    %get3A_200 = arith.constant 0 : index
    %get3A_201 = arith.constant 480 : index
    %get3A_202 = vector.load %arg1[%get3A_200, %get3A_201] : memref<2000x512xf32, #tpu.memory_space<vmem>>, vector<2000x32xf32>
    %mul3A_203 = vector.broadcast %get3A_199 : vector<2000x1xf32> to vector<2000x32xf32>
    %mul3A_204 = arith.mulf %get3A_4, %mul3A_203 : vector<2000x32xf32>
    %add3A_205 = arith.addf %get3A_202, %mul3A_204 : vector<2000x32xf32>
    %mul3A_206 = arith.mulf %get3A_1, %add3A_205 : vector<2000x32xf32>
    %swap3A_207 = arith.constant 0 : index
    %swap3A_208 = arith.constant 480 : index
    %swap3A_209 = vector.load %arg4[%swap3A_207, %swap3A_208] : memref<2000x512xf32, #tpu.memory_space<vmem>>, vector<2000x32xf32>
    tpu.vector_store %arg4[%swap3A_207, %swap3A_208], %mul3A_206 {strides = array<i32>} : memref<2000x512xf32, #tpu.memory_space<vmem>>, vector<2000x32xf32>,
    return
  }
  func.func @transform_0(%arg0: i32) -> (i32, i32) {
    %c0_i32 = arith.constant 0 : i32
    %c0_i32_0 = arith.constant 0 : i32
    return %arg0, %c0_i32 : i32, i32
  }
  func.func @transform_1(%arg0: i32) -> (i32, i32) {
    %c0_i32 = arith.constant 0 : i32
    %c0_i32_0 = arith.constant 0 : i32
    return %arg0, %c0_i32 : i32, i32
  }
  func.func @transform_2(%arg0: i32) -> (i32, i32) {
    %c0_i32 = arith.constant 0 : i32
    %c0_i32_0 = arith.constant 0 : i32
    return %arg0, %c0_i32 : i32, i32
  }
  func.func @transform_3(%arg0: i32) -> (i32, i32) {
    %c0_i32 = arith.constant 0 : i32
    %c0_i32_0 = arith.constant 0 : i32
    return %arg0, %c0_i32 : i32, i32
  }
}

module attributes {stable_mosaic.version = 14 : i64} {
  func.func @_k(%arg0: i32, %arg1: memref<2000x512xf32, #tpu.memory_space<vmem>>, %arg2: memref<2000x16xf32, #tpu.memory_space<vmem>>, %arg3: memref<2000x96xf32, #tpu.memory_space<vmem>>, %arg4: memref<2000x512xf32, #tpu.memory_space<vmem>>) attributes {dimension_semantics = [#tpu.dimension_semantics<arbitrary>], iteration_bounds = array<i64: 80>, scalar_prefetch = 0 : i64, scratch_operands = 0 : i64, tpu.core_type = #tpu.core_type<tc>, window_params = [{transform_indices = @transform_0, window_bounds = array<i64: 2000, 512>}, {transform_indices = @transform_1, window_bounds = array<i64: 2000, 16>}, {transform_indices = @transform_2, window_bounds = array<i64: 2000, 96>}, {transform_indices = @transform_3, window_bounds = array<i64: 2000, 512>}]} {
    %get3A = arith.constant 0 : index
    %get3A_0 = arith.constant 64 : index
    %get3A_1 = vector.load %arg3[%get3A, %get3A_0] : memref<2000x96xf32, #tpu.memory_space<vmem>>, vector<2000x32xf32>
    %get3A_2 = arith.constant 0 : index
    %get3A_3 = arith.constant 0 : index
    %get3A_4 = vector.load %arg1[%get3A_2, %get3A_3] : memref<2000x512xf32, #tpu.memory_space<vmem>>, vector<2000x32xf32>
    %get3A_5 = arith.constant 0 : index
    %get3A_6 = arith.constant 0 : index
    %get3A_7 = vector.load %arg2[%get3A_5, %get3A_6] : memref<2000x16xf32, #tpu.memory_space<vmem>>, vector<2000x1xf32>
    %get3A_8 = arith.constant 0 : index
    %get3A_9 = arith.constant 0 : index
    %get3A_10 = vector.load %arg1[%get3A_8, %get3A_9] : memref<2000x512xf32, #tpu.memory_space<vmem>>, vector<2000x32xf32>
    %mul3A = vector.broadcast %get3A_7 : vector<2000x1xf32> to vector<2000x32xf32>
    %mul3A_11 = arith.mulf %get3A_4, %mul3A : vector<2000x32xf32>
    %add3A = arith.addf %get3A_10, %mul3A_11 : vector<2000x32xf32>
    %mul3A_12 = arith.mulf %get3A_1, %add3A : vector<2000x32xf32>
    %swap3A = arith.constant 0 : index
    %swap3A_13 = arith.constant 0 : index
    %swap3A_14 = vector.load %arg4[%swap3A, %swap3A_13] : memref<2000x512xf32, #tpu.memory_space<vmem>>, vector<2000x32xf32>
    tpu.vector_store %arg4[%swap3A, %swap3A_13], %mul3A_12 {strides = array<i32>} : memref<2000x512xf32, #tpu.memory_space<vmem>>, vector<2000x32xf32>,
    %get3A_15 = arith.constant 0 : index
    %get3A_16 = arith.constant 1 : index
    %get3A_17 = vector.load %arg2[%get3A_15, %get3A_16] : memref<2000x16xf32, #tpu.memory_space<vmem>>, vector<2000x1xf32>
    %get3A_18 = arith.constant 0 : index
    %get3A_19 = arith.constant 32 : index
    %get3A_20 = vector.load %arg1[%get3A_18, %get3A_19] : memref<2000x512xf32, #tpu.memory_space<vmem>>, vector<2000x32xf32>
    %mul3A_21 = vector.broadcast %get3A_17 : vector<2000x1xf32> to vector<2000x32xf32>
    %mul3A_22 = arith.mulf %get3A_4, %mul3A_21 : vector<2000x32xf32>
    %add3A_23 = arith.addf %get3A_20, %mul3A_22 : vector<2000x32xf32>
    %mul3A_24 = arith.mulf %get3A_1, %add3A_23 : vector<2000x32xf32>
    %swap3A_25 = arith.constant 0 : index
    %swap3A_26 = arith.constant 32 : index
    %swap3A_27 = vector.load %arg4[%swap3A_25, %swap3A_26] : memref<2000x512xf32, #tpu.memory_space<vmem>>, vector<2000x32xf32>
    tpu.vector_store %arg4[%swap3A_25, %swap3A_26], %mul3A_24 {strides = array<i32>} : memref<2000x512xf32, #tpu.memory_space<vmem>>, vector<2000x32xf32>,
    %get3A_28 = arith.constant 0 : index
    %get3A_29 = arith.constant 2 : index
    %get3A_30 = vector.load %arg2[%get3A_28, %get3A_29] : memref<2000x16xf32, #tpu.memory_space<vmem>>, vector<2000x1xf32>
    %get3A_31 = arith.constant 0 : index
    %get3A_32 = arith.constant 64 : index
    %get3A_33 = vector.load %arg1[%get3A_31, %get3A_32] : memref<2000x512xf32, #tpu.memory_space<vmem>>, vector<2000x32xf32>
    %mul3A_34 = vector.broadcast %get3A_30 : vector<2000x1xf32> to vector<2000x32xf32>
    %mul3A_35 = arith.mulf %get3A_4, %mul3A_34 : vector<2000x32xf32>
    %add3A_36 = arith.addf %get3A_33, %mul3A_35 : vector<2000x32xf32>
    %mul3A_37 = arith.mulf %get3A_1, %add3A_36 : vector<2000x32xf32>
    %swap3A_38 = arith.constant 0 : index
    %swap3A_39 = arith.constant 64 : index
    %swap3A_40 = vector.load %arg4[%swap3A_38, %swap3A_39] : memref<2000x512xf32, #tpu.memory_space<vmem>>, vector<2000x32xf32>
    tpu.vector_store %arg4[%swap3A_38, %swap3A_39], %mul3A_37 {strides = array<i32>} : memref<2000x512xf32, #tpu.memory_space<vmem>>, vector<2000x32xf32>,
    %get3A_41 = arith.constant 0 : index
    %get3A_42 = arith.constant 3 : index
    %get3A_43 = vector.load %arg2[%get3A_41, %get3A_42] : memref<2000x16xf32, #tpu.memory_space<vmem>>, vector<2000x1xf32>
    %get3A_44 = arith.constant 0 : index
    %get3A_45 = arith.constant 96 : index
    %get3A_46 = vector.load %arg1[%get3A_44, %get3A_45] : memref<2000x512xf32, #tpu.memory_space<vmem>>, vector<2000x32xf32>
    %mul3A_47 = vector.broadcast %get3A_43 : vector<2000x1xf32> to vector<2000x32xf32>
    %mul3A_48 = arith.mulf %get3A_4, %mul3A_47 : vector<2000x32xf32>
    %add3A_49 = arith.addf %get3A_46, %mul3A_48 : vector<2000x32xf32>
    %mul3A_50 = arith.mulf %get3A_1, %add3A_49 : vector<2000x32xf32>
    %swap3A_51 = arith.constant 0 : index
    %swap3A_52 = arith.constant 96 : index
    %swap3A_53 = vector.load %arg4[%swap3A_51, %swap3A_52] : memref<2000x512xf32, #tpu.memory_space<vmem>>, vector<2000x32xf32>
    tpu.vector_store %arg4[%swap3A_51, %swap3A_52], %mul3A_50 {strides = array<i32>} : memref<2000x512xf32, #tpu.memory_space<vmem>>, vector<2000x32xf32>,
    %get3A_54 = arith.constant 0 : index
    %get3A_55 = arith.constant 4 : index
    %get3A_56 = vector.load %arg2[%get3A_54, %get3A_55] : memref<2000x16xf32, #tpu.memory_space<vmem>>, vector<2000x1xf32>
    %get3A_57 = arith.constant 0 : index
    %get3A_58 = arith.constant 128 : index
    %get3A_59 = vector.load %arg1[%get3A_57, %get3A_58] : memref<2000x512xf32, #tpu.memory_space<vmem>>, vector<2000x32xf32>
    %mul3A_60 = vector.broadcast %get3A_56 : vector<2000x1xf32> to vector<2000x32xf32>
    %mul3A_61 = arith.mulf %get3A_4, %mul3A_60 : vector<2000x32xf32>
    %add3A_62 = arith.addf %get3A_59, %mul3A_61 : vector<2000x32xf32>
    %mul3A_63 = arith.mulf %get3A_1, %add3A_62 : vector<2000x32xf32>
    %swap3A_64 = arith.constant 0 : index
    %swap3A_65 = arith.constant 128 : index
    %swap3A_66 = vector.load %arg4[%swap3A_64, %swap3A_65] : memref<2000x512xf32, #tpu.memory_space<vmem>>, vector<2000x32xf32>
    tpu.vector_store %arg4[%swap3A_64, %swap3A_65], %mul3A_63 {strides = array<i32>} : memref<2000x512xf32, #tpu.memory_space<vmem>>, vector<2000x32xf32>,
    %get3A_67 = arith.constant 0 : index
    %get3A_68 = arith.constant 5 : index
    %get3A_69 = vector.load %arg2[%get3A_67, %get3A_68] : memref<2000x16xf32, #tpu.memory_space<vmem>>, vector<2000x1xf32>
    %get3A_70 = arith.constant 0 : index
    %get3A_71 = arith.constant 160 : index
    %get3A_72 = vector.load %arg1[%get3A_70, %get3A_71] : memref<2000x512xf32, #tpu.memory_space<vmem>>, vector<2000x32xf32>
    %mul3A_73 = vector.broadcast %get3A_69 : vector<2000x1xf32> to vector<2000x32xf32>
    %mul3A_74 = arith.mulf %get3A_4, %mul3A_73 : vector<2000x32xf32>
    %add3A_75 = arith.addf %get3A_72, %mul3A_74 : vector<2000x32xf32>
    %mul3A_76 = arith.mulf %get3A_1, %add3A_75 : vector<2000x32xf32>
    %swap3A_77 = arith.constant 0 : index
    %swap3A_78 = arith.constant 160 : index
    %swap3A_79 = vector.load %arg4[%swap3A_77, %swap3A_78] : memref<2000x512xf32, #tpu.memory_space<vmem>>, vector<2000x32xf32>
    tpu.vector_store %arg4[%swap3A_77, %swap3A_78], %mul3A_76 {strides = array<i32>} : memref<2000x512xf32, #tpu.memory_space<vmem>>, vector<2000x32xf32>,
    %get3A_80 = arith.constant 0 : index
    %get3A_81 = arith.constant 6 : index
    %get3A_82 = vector.load %arg2[%get3A_80, %get3A_81] : memref<2000x16xf32, #tpu.memory_space<vmem>>, vector<2000x1xf32>
    %get3A_83 = arith.constant 0 : index
    %get3A_84 = arith.constant 192 : index
    %get3A_85 = vector.load %arg1[%get3A_83, %get3A_84] : memref<2000x512xf32, #tpu.memory_space<vmem>>, vector<2000x32xf32>
    %mul3A_86 = vector.broadcast %get3A_82 : vector<2000x1xf32> to vector<2000x32xf32>
    %mul3A_87 = arith.mulf %get3A_4, %mul3A_86 : vector<2000x32xf32>
    %add3A_88 = arith.addf %get3A_85, %mul3A_87 : vector<2000x32xf32>
    %mul3A_89 = arith.mulf %get3A_1, %add3A_88 : vector<2000x32xf32>
    %swap3A_90 = arith.constant 0 : index
    %swap3A_91 = arith.constant 192 : index
    %swap3A_92 = vector.load %arg4[%swap3A_90, %swap3A_91] : memref<2000x512xf32, #tpu.memory_space<vmem>>, vector<2000x32xf32>
    tpu.vector_store %arg4[%swap3A_90, %swap3A_91], %mul3A_89 {strides = array<i32>} : memref<2000x512xf32, #tpu.memory_space<vmem>>, vector<2000x32xf32>,
    %get3A_93 = arith.constant 0 : index
    %get3A_94 = arith.constant 7 : index
    %get3A_95 = vector.load %arg2[%get3A_93, %get3A_94] : memref<2000x16xf32, #tpu.memory_space<vmem>>, vector<2000x1xf32>
    %get3A_96 = arith.constant 0 : index
    %get3A_97 = arith.constant 224 : index
    %get3A_98 = vector.load %arg1[%get3A_96, %get3A_97] : memref<2000x512xf32, #tpu.memory_space<vmem>>, vector<2000x32xf32>
    %mul3A_99 = vector.broadcast %get3A_95 : vector<2000x1xf32> to vector<2000x32xf32>
    %mul3A_100 = arith.mulf %get3A_4, %mul3A_99 : vector<2000x32xf32>
    %add3A_101 = arith.addf %get3A_98, %mul3A_100 : vector<2000x32xf32>
    %mul3A_102 = arith.mulf %get3A_1, %add3A_101 : vector<2000x32xf32>
    %swap3A_103 = arith.constant 0 : index
    %swap3A_104 = arith.constant 224 : index
    %swap3A_105 = vector.load %arg4[%swap3A_103, %swap3A_104] : memref<2000x512xf32, #tpu.memory_space<vmem>>, vector<2000x32xf32>
    tpu.vector_store %arg4[%swap3A_103, %swap3A_104], %mul3A_102 {strides = array<i32>} : memref<2000x512xf32, #tpu.memory_space<vmem>>, vector<2000x32xf32>,
    %get3A_106 = arith.constant 0 : index
    %get3A_107 = arith.constant 8 : index
    %get3A_108 = vector.load %arg2[%get3A_106, %get3A_107] : memref<2000x16xf32, #tpu.memory_space<vmem>>, vector<2000x1xf32>
    %get3A_109 = arith.constant 0 : index
    %get3A_110 = arith.constant 256 : index
    %get3A_111 = vector.load %arg1[%get3A_109, %get3A_110] : memref<2000x512xf32, #tpu.memory_space<vmem>>, vector<2000x32xf32>
    %mul3A_112 = vector.broadcast %get3A_108 : vector<2000x1xf32> to vector<2000x32xf32>
    %mul3A_113 = arith.mulf %get3A_4, %mul3A_112 : vector<2000x32xf32>
    %add3A_114 = arith.addf %get3A_111, %mul3A_113 : vector<2000x32xf32>
    %mul3A_115 = arith.mulf %get3A_1, %add3A_114 : vector<2000x32xf32>
    %swap3A_116 = arith.constant 0 : index
    %swap3A_117 = arith.constant 256 : index
    %swap3A_118 = vector.load %arg4[%swap3A_116, %swap3A_117] : memref<2000x512xf32, #tpu.memory_space<vmem>>, vector<2000x32xf32>
    tpu.vector_store %arg4[%swap3A_116, %swap3A_117], %mul3A_115 {strides = array<i32>} : memref<2000x512xf32, #tpu.memory_space<vmem>>, vector<2000x32xf32>,
    %get3A_119 = arith.constant 0 : index
    %get3A_120 = arith.constant 9 : index
    %get3A_121 = vector.load %arg2[%get3A_119, %get3A_120] : memref<2000x16xf32, #tpu.memory_space<vmem>>, vector<2000x1xf32>
    %get3A_122 = arith.constant 0 : index
    %get3A_123 = arith.constant 288 : index
    %get3A_124 = vector.load %arg1[%get3A_122, %get3A_123] : memref<2000x512xf32, #tpu.memory_space<vmem>>, vector<2000x32xf32>
    %mul3A_125 = vector.broadcast %get3A_121 : vector<2000x1xf32> to vector<2000x32xf32>
    %mul3A_126 = arith.mulf %get3A_4, %mul3A_125 : vector<2000x32xf32>
    %add3A_127 = arith.addf %get3A_124, %mul3A_126 : vector<2000x32xf32>
    %mul3A_128 = arith.mulf %get3A_1, %add3A_127 : vector<2000x32xf32>
    %swap3A_129 = arith.constant 0 : index
    %swap3A_130 = arith.constant 288 : index
    %swap3A_131 = vector.load %arg4[%swap3A_129, %swap3A_130] : memref<2000x512xf32, #tpu.memory_space<vmem>>, vector<2000x32xf32>
    tpu.vector_store %arg4[%swap3A_129, %swap3A_130], %mul3A_128 {strides = array<i32>} : memref<2000x512xf32, #tpu.memory_space<vmem>>, vector<2000x32xf32>,
    %get3A_132 = arith.constant 0 : index
    %get3A_133 = arith.constant 10 : index
    %get3A_134 = vector.load %arg2[%get3A_132, %get3A_133] : memref<2000x16xf32, #tpu.memory_space<vmem>>, vector<2000x1xf32>
    %get3A_135 = arith.constant 0 : index
    %get3A_136 = arith.constant 320 : index
    %get3A_137 = vector.load %arg1[%get3A_135, %get3A_136] : memref<2000x512xf32, #tpu.memory_space<vmem>>, vector<2000x32xf32>
    %mul3A_138 = vector.broadcast %get3A_134 : vector<2000x1xf32> to vector<2000x32xf32>
    %mul3A_139 = arith.mulf %get3A_4, %mul3A_138 : vector<2000x32xf32>
    %add3A_140 = arith.addf %get3A_137, %mul3A_139 : vector<2000x32xf32>
    %mul3A_141 = arith.mulf %get3A_1, %add3A_140 : vector<2000x32xf32>
    %swap3A_142 = arith.constant 0 : index
    %swap3A_143 = arith.constant 320 : index
    %swap3A_144 = vector.load %arg4[%swap3A_142, %swap3A_143] : memref<2000x512xf32, #tpu.memory_space<vmem>>, vector<2000x32xf32>
    tpu.vector_store %arg4[%swap3A_142, %swap3A_143], %mul3A_141 {strides = array<i32>} : memref<2000x512xf32, #tpu.memory_space<vmem>>, vector<2000x32xf32>,
    %get3A_145 = arith.constant 0 : index
    %get3A_146 = arith.constant 11 : index
    %get3A_147 = vector.load %arg2[%get3A_145, %get3A_146] : memref<2000x16xf32, #tpu.memory_space<vmem>>, vector<2000x1xf32>
    %get3A_148 = arith.constant 0 : index
    %get3A_149 = arith.constant 352 : index
    %get3A_150 = vector.load %arg1[%get3A_148, %get3A_149] : memref<2000x512xf32, #tpu.memory_space<vmem>>, vector<2000x32xf32>
    %mul3A_151 = vector.broadcast %get3A_147 : vector<2000x1xf32> to vector<2000x32xf32>
    %mul3A_152 = arith.mulf %get3A_4, %mul3A_151 : vector<2000x32xf32>
    %add3A_153 = arith.addf %get3A_150, %mul3A_152 : vector<2000x32xf32>
    %mul3A_154 = arith.mulf %get3A_1, %add3A_153 : vector<2000x32xf32>
    %swap3A_155 = arith.constant 0 : index
    %swap3A_156 = arith.constant 352 : index
    %swap3A_157 = vector.load %arg4[%swap3A_155, %swap3A_156] : memref<2000x512xf32, #tpu.memory_space<vmem>>, vector<2000x32xf32>
    tpu.vector_store %arg4[%swap3A_155, %swap3A_156], %mul3A_154 {strides = array<i32>} : memref<2000x512xf32, #tpu.memory_space<vmem>>, vector<2000x32xf32>,
    %get3A_158 = arith.constant 0 : index
    %get3A_159 = arith.constant 12 : index
    %get3A_160 = vector.load %arg2[%get3A_158, %get3A_159] : memref<2000x16xf32, #tpu.memory_space<vmem>>, vector<2000x1xf32>
    %get3A_161 = arith.constant 0 : index
    %get3A_162 = arith.constant 384 : index
    %get3A_163 = vector.load %arg1[%get3A_161, %get3A_162] : memref<2000x512xf32, #tpu.memory_space<vmem>>, vector<2000x32xf32>
    %mul3A_164 = vector.broadcast %get3A_160 : vector<2000x1xf32> to vector<2000x32xf32>
    %mul3A_165 = arith.mulf %get3A_4, %mul3A_164 : vector<2000x32xf32>
    %add3A_166 = arith.addf %get3A_163, %mul3A_165 : vector<2000x32xf32>
    %mul3A_167 = arith.mulf %get3A_1, %add3A_166 : vector<2000x32xf32>
    %swap3A_168 = arith.constant 0 : index
    %swap3A_169 = arith.constant 384 : index
    %swap3A_170 = vector.load %arg4[%swap3A_168, %swap3A_169] : memref<2000x512xf32, #tpu.memory_space<vmem>>, vector<2000x32xf32>
    tpu.vector_store %arg4[%swap3A_168, %swap3A_169], %mul3A_167 {strides = array<i32>} : memref<2000x512xf32, #tpu.memory_space<vmem>>, vector<2000x32xf32>,
    %get3A_171 = arith.constant 0 : index
    %get3A_172 = arith.constant 13 : index
    %get3A_173 = vector.load %arg2[%get3A_171, %get3A_172] : memref<2000x16xf32, #tpu.memory_space<vmem>>, vector<2000x1xf32>
    %get3A_174 = arith.constant 0 : index
    %get3A_175 = arith.constant 416 : index
    %get3A_176 = vector.load %arg1[%get3A_174, %get3A_175] : memref<2000x512xf32, #tpu.memory_space<vmem>>, vector<2000x32xf32>
    %mul3A_177 = vector.broadcast %get3A_173 : vector<2000x1xf32> to vector<2000x32xf32>
    %mul3A_178 = arith.mulf %get3A_4, %mul3A_177 : vector<2000x32xf32>
    %add3A_179 = arith.addf %get3A_176, %mul3A_178 : vector<2000x32xf32>
    %mul3A_180 = arith.mulf %get3A_1, %add3A_179 : vector<2000x32xf32>
    %swap3A_181 = arith.constant 0 : index
    %swap3A_182 = arith.constant 416 : index
    %swap3A_183 = vector.load %arg4[%swap3A_181, %swap3A_182] : memref<2000x512xf32, #tpu.memory_space<vmem>>, vector<2000x32xf32>
    tpu.vector_store %arg4[%swap3A_181, %swap3A_182], %mul3A_180 {strides = array<i32>} : memref<2000x512xf32, #tpu.memory_space<vmem>>, vector<2000x32xf32>,
    %get3A_184 = arith.constant 0 : index
    %get3A_185 = arith.constant 14 : index
    %get3A_186 = vector.load %arg2[%get3A_184, %get3A_185] : memref<2000x16xf32, #tpu.memory_space<vmem>>, vector<2000x1xf32>
    %get3A_187 = arith.constant 0 : index
    %get3A_188 = arith.constant 448 : index
    %get3A_189 = vector.load %arg1[%get3A_187, %get3A_188] : memref<2000x512xf32, #tpu.memory_space<vmem>>, vector<2000x32xf32>
    %mul3A_190 = vector.broadcast %get3A_186 : vector<2000x1xf32> to vector<2000x32xf32>
    %mul3A_191 = arith.mulf %get3A_4, %mul3A_190 : vector<2000x32xf32>
    %add3A_192 = arith.addf %get3A_189, %mul3A_191 : vector<2000x32xf32>
    %mul3A_193 = arith.mulf %get3A_1, %add3A_192 : vector<2000x32xf32>
    %swap3A_194 = arith.constant 0 : index
    %swap3A_195 = arith.constant 448 : index
    %swap3A_196 = vector.load %arg4[%swap3A_194, %swap3A_195] : memref<2000x512xf32, #tpu.memory_space<vmem>>, vector<2000x32xf32>
    tpu.vector_store %arg4[%swap3A_194, %swap3A_195], %mul3A_193 {strides = array<i32>} : memref<2000x512xf32, #tpu.memory_space<vmem>>, vector<2000x32xf32>,
    %get3A_197 = arith.constant 0 : index
    %get3A_198 = arith.constant 15 : index
    %get3A_199 = vector.load %arg2[%get3A_197, %get3A_198] : memref<2000x16xf32, #tpu.memory_space<vmem>>, vector<2000x1xf32>
    %get3A_200 = arith.constant 0 : index
    %get3A_201 = arith.constant 480 : index
    %get3A_202 = vector.load %arg1[%get3A_200, %get3A_201] : memref<2000x512xf32, #tpu.memory_space<vmem>>, vector<2000x32xf32>
    %mul3A_203 = vector.broadcast %get3A_199 : vector<2000x1xf32> to vector<2000x32xf32>
    %mul3A_204 = arith.mulf %get3A_4, %mul3A_203 : vector<2000x32xf32>
    %add3A_205 = arith.addf %get3A_202, %mul3A_204 : vector<2000x32xf32>
    %mul3A_206 = arith.mulf %get3A_1, %add3A_205 : vector<2000x32xf32>
    %swap3A_207 = arith.constant 0 : index
    %swap3A_208 = arith.constant 480 : index
    %swap3A_209 = vector.load %arg4[%swap3A_207, %swap3A_208] : memref<2000x512xf32, #tpu.memory_space<vmem>>, vector<2000x32xf32>
    tpu.vector_store %arg4[%swap3A_207, %swap3A_208], %mul3A_206 {strides = array<i32>} : memref<2000x512xf32, #tpu.memory_space<vmem>>, vector<2000x32xf32>,
    return
  }
  func.func @transform_0(%arg0: i32) -> (i32, i32) {
    %c0_i32 = arith.constant 0 : i32
    %c0_i32_0 = arith.constant 0 : i32
    return %arg0, %c0_i32 : i32, i32
  }
  func.func @transform_1(%arg0: i32) -> (i32, i32) {
    %c0_i32 = arith.constant 0 : i32
    %c0_i32_0 = arith.constant 0 : i32
    return %arg0, %c0_i32 : i32, i32
  }
  func.func @transform_2(%arg0: i32) -> (i32, i32) {
    %c0_i32 = arith.constant 0 : i32
    %c0_i32_0 = arith.constant 0 : i32
    return %arg0, %c0_i32 : i32, i32
  }
  func.func @transform_3(%arg0: i32) -> (i32, i32) {
    %c0_i32 = arith.constant 0 : i32
    %c0_i32_0 = arith.constant 0 : i32
    return %arg0, %c0_i32 : i32, i32
  }
}

module attributes {stable_mosaic.version = 14 : i64} {
  func.func @_node_last_kernel(%arg0: i32, %arg1: memref<2000x32xf32, #tpu.memory_space<vmem>>, %arg2: memref<2000x32xf32, #tpu.memory_space<vmem>>, %arg3: memref<2000x32xf32, #tpu.memory_space<vmem>>, %arg4: memref<2000x4xf32, #tpu.memory_space<vmem>>, %arg5: memref<32x32xf32, #tpu.memory_space<vmem>>, %arg6: memref<32x32xf32, #tpu.memory_space<vmem>>, %arg7: memref<4x32x32xf32, #tpu.memory_space<vmem>>, %arg8: memref<2000x32xf32, #tpu.memory_space<vmem>>) attributes {dimension_semantics = [#tpu.dimension_semantics<arbitrary>], iteration_bounds = array<i64: 80>, scalar_prefetch = 0 : i64, scratch_operands = 0 : i64, tpu.core_type = #tpu.core_type<tc>, window_params = [{transform_indices = @transform_0, window_bounds = array<i64: 2000, 32>}, {transform_indices = @transform_1, window_bounds = array<i64: 2000, 32>}, {transform_indices = @transform_2, window_bounds = array<i64: 2000, 32>}, {transform_indices = @transform_3, window_bounds = array<i64: 2000, 4>}, {pipeline_mode = #tpu.pipeline_mode<synchronous>, transform_indices = @transform_4, window_bounds = array<i64: 32, 32>}, {pipeline_mode = #tpu.pipeline_mode<synchronous>, transform_indices = @transform_5, window_bounds = array<i64: 32, 32>}, {pipeline_mode = #tpu.pipeline_mode<synchronous>, transform_indices = @transform_6, window_bounds = array<i64: 4, 32, 32>}, {transform_indices = @transform_7, window_bounds = array<i64: 2000, 32>}]} {
    %get3A = arith.constant 0 : index
    %get3A_0 = arith.constant 0 : index
    %get3A_1 = vector.load %arg1[%get3A, %get3A_0] : memref<2000x32xf32, #tpu.memory_space<vmem>>, vector<2000x32xf32>
    %get3A_2 = arith.constant 0 : index
    %get3A_3 = arith.constant 0 : index
    %get3A_4 = vector.load %arg5[%get3A_2, %get3A_3] : memref<32x32xf32, #tpu.memory_space<vmem>>, vector<32x32xf32>
    %dot_general3A = arith.constant dense<0.000000e+00> : vector<2000x32xf32>
    %dot_general3A_5 = tpu.matmul %get3A_1, %get3A_4, %dot_general3A {dimension_numbers = #tpu.dot_dimension_numbers<[1], [0], [0], [1], [0, 0, 1, 1], [], []>, precision = #tpu.contract_precision<fp32>, transpose_lhs_hint = false} : vector<2000x32xf32>, vector<32x32xf32>, vector<2000x32xf32> -> vector<2000x32xf32>
    %get3A_6 = arith.constant 0 : index
    %get3A_7 = arith.constant 0 : index
    %get3A_8 = vector.load %arg3[%get3A_6, %get3A_7] : memref<2000x32xf32, #tpu.memory_space<vmem>>, vector<2000x32xf32>
    %mul3A = arith.mulf %dot_general3A_5, %get3A_8 : vector<2000x32xf32>
    %get3A_9 = arith.constant 0 : index
    %get3A_10 = arith.constant 0 : index
    %get3A_11 = vector.load %arg6[%get3A_9, %get3A_10] : memref<32x32xf32, #tpu.memory_space<vmem>>, vector<32x32xf32>
    %dot_general3A_12 = arith.constant dense<0.000000e+00> : vector<2000x32xf32>
    %dot_general3A_13 = tpu.matmul %mul3A, %get3A_11, %dot_general3A_12 {dimension_numbers = #tpu.dot_dimension_numbers<[1], [0], [0], [1], [0, 0, 1, 1], [], []>, precision = #tpu.contract_precision<fp32>, transpose_lhs_hint = false} : vector<2000x32xf32>, vector<32x32xf32>, vector<2000x32xf32> -> vector<2000x32xf32>
    %get3A_14 = arith.constant 0 : index
    %get3A_15 = arith.constant 0 : index
    %get3A_16 = vector.load %arg2[%get3A_14, %get3A_15] : memref<2000x32xf32, #tpu.memory_space<vmem>>, vector<2000x32xf32>
    %get3A_17 = arith.constant 0 : index
    %get3A_18 = arith.constant 0 : index
    %get3A_19 = vector.load %arg4[%get3A_17, %get3A_18] : memref<2000x4xf32, #tpu.memory_space<vmem>>, vector<2000x1xf32>
    %get3A_20 = arith.constant 0 : index
    %get3A_21 = arith.constant 0 : index
    %get3A_22 = arith.constant 0 : index
    %get3A_23 = vector.load %arg7[%get3A_20, %get3A_21, %get3A_22] : memref<4x32x32xf32, #tpu.memory_space<vmem>>, vector<1x32x32xf32>
    %get3A_24 = vector.shape_cast %get3A_23 : vector<1x32x32xf32> to vector<32x32xf32>
    %dot_general3A_25 = arith.constant dense<0.000000e+00> : vector<2000x32xf32>
    %dot_general3A_26 = tpu.matmul %get3A_16, %get3A_24, %dot_general3A_25 {dimension_numbers = #tpu.dot_dimension_numbers<[1], [0], [0], [1], [0, 0, 1, 1], [], []>, precision = #tpu.contract_precision<fp32>, transpose_lhs_hint = false} : vector<2000x32xf32>, vector<32x32xf32>, vector<2000x32xf32> -> vector<2000x32xf32>
    %mul3A_27 = vector.broadcast %get3A_19 : vector<2000x1xf32> to vector<2000x32xf32>
    %mul3A_28 = arith.mulf %mul3A_27, %dot_general3A_26 : vector<2000x32xf32>
    %get3A_29 = arith.constant 0 : index
    %get3A_30 = arith.constant 1 : index
    %get3A_31 = vector.load %arg4[%get3A_29, %get3A_30] : memref<2000x4xf32, #tpu.memory_space<vmem>>, vector<2000x1xf32>
    %get3A_32 = arith.constant 1 : index
    %get3A_33 = arith.constant 0 : index
    %get3A_34 = arith.constant 0 : index
    %get3A_35 = vector.load %arg7[%get3A_32, %get3A_33, %get3A_34] : memref<4x32x32xf32, #tpu.memory_space<vmem>>, vector<1x32x32xf32>
    %get3A_36 = vector.shape_cast %get3A_35 : vector<1x32x32xf32> to vector<32x32xf32>
    %dot_general3A_37 = arith.constant dense<0.000000e+00> : vector<2000x32xf32>
    %dot_general3A_38 = tpu.matmul %get3A_16, %get3A_36, %dot_general3A_37 {dimension_numbers = #tpu.dot_dimension_numbers<[1], [0], [0], [1], [0, 0, 1, 1], [], []>, precision = #tpu.contract_precision<fp32>, transpose_lhs_hint = false} : vector<2000x32xf32>, vector<32x32xf32>, vector<2000x32xf32> -> vector<2000x32xf32>
    %mul3A_39 = vector.broadcast %get3A_31 : vector<2000x1xf32> to vector<2000x32xf32>
    %mul3A_40 = arith.mulf %mul3A_39, %dot_general3A_38 : vector<2000x32xf32>
    %add3A = arith.addf %mul3A_28, %mul3A_40 : vector<2000x32xf32>
    %get3A_41 = arith.constant 0 : index
    %get3A_42 = arith.constant 2 : index
    %get3A_43 = vector.load %arg4[%get3A_41, %get3A_42] : memref<2000x4xf32, #tpu.memory_space<vmem>>, vector<2000x1xf32>
    %get3A_44 = arith.constant 2 : index
    %get3A_45 = arith.constant 0 : index
    %get3A_46 = arith.constant 0 : index
    %get3A_47 = vector.load %arg7[%get3A_44, %get3A_45, %get3A_46] : memref<4x32x32xf32, #tpu.memory_space<vmem>>, vector<1x32x32xf32>
    %get3A_48 = vector.shape_cast %get3A_47 : vector<1x32x32xf32> to vector<32x32xf32>
    %dot_general3A_49 = arith.constant dense<0.000000e+00> : vector<2000x32xf32>
    %dot_general3A_50 = tpu.matmul %get3A_16, %get3A_48, %dot_general3A_49 {dimension_numbers = #tpu.dot_dimension_numbers<[1], [0], [0], [1], [0, 0, 1, 1], [], []>, precision = #tpu.contract_precision<fp32>, transpose_lhs_hint = false} : vector<2000x32xf32>, vector<32x32xf32>, vector<2000x32xf32> -> vector<2000x32xf32>
    %mul3A_51 = vector.broadcast %get3A_43 : vector<2000x1xf32> to vector<2000x32xf32>
    %mul3A_52 = arith.mulf %mul3A_51, %dot_general3A_50 : vector<2000x32xf32>
    %add3A_53 = arith.addf %add3A, %mul3A_52 : vector<2000x32xf32>
    %get3A_54 = arith.constant 0 : index
    %get3A_55 = arith.constant 3 : index
    %get3A_56 = vector.load %arg4[%get3A_54, %get3A_55] : memref<2000x4xf32, #tpu.memory_space<vmem>>, vector<2000x1xf32>
    %get3A_57 = arith.constant 3 : index
    %get3A_58 = arith.constant 0 : index
    %get3A_59 = arith.constant 0 : index
    %get3A_60 = vector.load %arg7[%get3A_57, %get3A_58, %get3A_59] : memref<4x32x32xf32, #tpu.memory_space<vmem>>, vector<1x32x32xf32>
    %get3A_61 = vector.shape_cast %get3A_60 : vector<1x32x32xf32> to vector<32x32xf32>
    %dot_general3A_62 = arith.constant dense<0.000000e+00> : vector<2000x32xf32>
    %dot_general3A_63 = tpu.matmul %get3A_16, %get3A_61, %dot_general3A_62 {dimension_numbers = #tpu.dot_dimension_numbers<[1], [0], [0], [1], [0, 0, 1, 1], [], []>, precision = #tpu.contract_precision<fp32>, transpose_lhs_hint = false} : vector<2000x32xf32>, vector<32x32xf32>, vector<2000x32xf32> -> vector<2000x32xf32>
    %mul3A_64 = vector.broadcast %get3A_56 : vector<2000x1xf32> to vector<2000x32xf32>
    %mul3A_65 = arith.mulf %mul3A_64, %dot_general3A_63 : vector<2000x32xf32>
    %add3A_66 = arith.addf %add3A_53, %mul3A_65 : vector<2000x32xf32>
    %add3A_67 = arith.addf %dot_general3A_13, %add3A_66 : vector<2000x32xf32>
    %swap3A = arith.constant 0 : index
    %swap3A_68 = arith.constant 0 : index
    %swap3A_69 = vector.load %arg8[%swap3A, %swap3A_68] : memref<2000x32xf32, #tpu.memory_space<vmem>>, vector<2000x32xf32>
    tpu.vector_store %arg8[%swap3A, %swap3A_68], %add3A_67 {strides = array<i32>} : memref<2000x32xf32, #tpu.memory_space<vmem>>, vector<2000x32xf32>,
    return
  }
  func.func @transform_0(%arg0: i32) -> (i32, i32) {
    %c0_i32 = arith.constant 0 : i32
    %c0_i32_0 = arith.constant 0 : i32
    return %arg0, %c0_i32 : i32, i32
  }
  func.func @transform_1(%arg0: i32) -> (i32, i32) {
    %c0_i32 = arith.constant 0 : i32
    %c0_i32_0 = arith.constant 0 : i32
    return %arg0, %c0_i32 : i32, i32
  }
  func.func @transform_2(%arg0: i32) -> (i32, i32) {
    %c0_i32 = arith.constant 0 : i32
    %c0_i32_0 = arith.constant 0 : i32
    return %arg0, %c0_i32 : i32, i32
  }
  func.func @transform_3(%arg0: i32) -> (i32, i32) {
    %c0_i32 = arith.constant 0 : i32
    %c0_i32_0 = arith.constant 0 : i32
    return %arg0, %c0_i32 : i32, i32
  }
  func.func @transform_4(%arg0: i32) -> (i32, i32) {
    %c0_i32 = arith.constant 0 : i32
    %c0_i32_0 = arith.constant 0 : i32
    %c0_i32_1 = arith.constant 0 : i32
    return %c0_i32, %c0_i32_0 : i32, i32
  }
  func.func @transform_5(%arg0: i32) -> (i32, i32) {
    %c0_i32 = arith.constant 0 : i32
    %c0_i32_0 = arith.constant 0 : i32
    %c0_i32_1 = arith.constant 0 : i32
    return %c0_i32, %c0_i32_0 : i32, i32
  }
  func.func @transform_6(%arg0: i32) -> (i32, i32, i32) {
    %c0_i32 = arith.constant 0 : i32
    %c0_i32_0 = arith.constant 0 : i32
    %c0_i32_1 = arith.constant 0 : i32
    %c0_i32_2 = arith.constant 0 : i32
    return %c0_i32, %c0_i32_0, %c0_i32_1 : i32, i32, i32
  }
  func.func @transform_7(%arg0: i32) -> (i32, i32) {
    %c0_i32 = arith.constant 0 : i32
    %c0_i32_0 = arith.constant 0 : i32
    return %arg0, %c0_i32 : i32, i32
  }
}

module attributes {stable_mosaic.version = 14 : i64} {
  func.func @_energy_kernel(%arg0: i32, %arg1: memref<1x500x512xf32, #tpu.memory_space<vmem>>, %arg2: memref<1x500x512xf32, #tpu.memory_space<vmem>>, %arg3: memref<1x500x512xf32, #tpu.memory_space<vmem>>, %arg4: memref<96x9xf32, #tpu.memory_space<vmem>>, %arg5: memref<96x9xf32, #tpu.memory_space<vmem>>, %arg6: memref<96x9xf32, #tpu.memory_space<vmem>>, %arg7: memref<1x1x9xf32, #tpu.memory_space<vmem>>) attributes {dimension_semantics = [#tpu.dimension_semantics<arbitrary>], iteration_bounds = array<i64: 20>, scalar_prefetch = 0 : i64, scratch_operands = 0 : i64, tpu.core_type = #tpu.core_type<tc>, window_params = [{transform_indices = @transform_0, window_bounds = array<i64: 1, 500, 512>}, {transform_indices = @transform_1, window_bounds = array<i64: 1, 500, 512>}, {transform_indices = @transform_2, window_bounds = array<i64: 1, 500, 512>}, {pipeline_mode = #tpu.pipeline_mode<synchronous>, transform_indices = @transform_3, window_bounds = array<i64: 96, 9>}, {pipeline_mode = #tpu.pipeline_mode<synchronous>, transform_indices = @transform_4, window_bounds = array<i64: 96, 9>}, {pipeline_mode = #tpu.pipeline_mode<synchronous>, transform_indices = @transform_5, window_bounds = array<i64: 96, 9>}, {transform_indices = @transform_6, window_bounds = array<i64: 1, 1, 9>}]} {
    %get3A = arith.constant 0 : index
    %get3A_0 = arith.constant 0 : index
    %get3A_1 = arith.constant 32 : index
    %get3A_2 = vector.load %arg1[%get3A, %get3A_0, %get3A_1] : memref<1x500x512xf32, #tpu.memory_space<vmem>>, vector<1x500x96xf32>
    %get3A_3 = vector.shape_cast %get3A_2 : vector<1x500x96xf32> to vector<500x96xf32>
    %get3A_4 = arith.constant 0 : index
    %get3A_5 = arith.constant 0 : index
    %get3A_6 = vector.load %arg4[%get3A_4, %get3A_5] : memref<96x9xf32, #tpu.memory_space<vmem>>, vector<96x9xf32>
    %dot_general3A = arith.constant dense<0.000000e+00> : vector<500x9xf32>
    %dot_general3A_7 = tpu.matmul %get3A_3, %get3A_6, %dot_general3A {dimension_numbers = #tpu.dot_dimension_numbers<[1], [0], [0], [1], [0, 0, 1, 1], [], []>, precision = #tpu.contract_precision<fp32>, transpose_lhs_hint = false} : vector<500x96xf32>, vector<96x9xf32>, vector<500x9xf32> -> vector<500x9xf32>
    %logistic3A = arith.negf %dot_general3A_7 : vector<500x9xf32>
    %logistic3A_8 = math.exp %logistic3A : vector<500x9xf32>
    %logistic3A_9 = arith.constant 1.000000e+00 : f32
    %logistic3A_10 = vector.broadcast %logistic3A_9 : f32 to vector<500x9xf32>
    %logistic3A_11 = arith.addf %logistic3A_10, %logistic3A_8 : vector<500x9xf32>
    %logistic3A_12 = arith.divf %logistic3A_10, %logistic3A_11 : vector<500x9xf32>
    %mul3A = arith.mulf %dot_general3A_7, %logistic3A_12 : vector<500x9xf32>
    %get3A_13 = arith.constant 0 : index
    %get3A_14 = arith.constant 0 : index
    %get3A_15 = arith.constant 32 : index
    %get3A_16 = vector.load %arg2[%get3A_13, %get3A_14, %get3A_15] : memref<1x500x512xf32, #tpu.memory_space<vmem>>, vector<1x500x96xf32>
    %get3A_17 = vector.shape_cast %get3A_16 : vector<1x500x96xf32> to vector<500x96xf32>
    %get3A_18 = arith.constant 0 : index
    %get3A_19 = arith.constant 0 : index
    %get3A_20 = vector.load %arg5[%get3A_18, %get3A_19] : memref<96x9xf32, #tpu.memory_space<vmem>>, vector<96x9xf32>
    %dot_general3A_21 = arith.constant dense<0.000000e+00> : vector<500x9xf32>
    %dot_general3A_22 = tpu.matmul %get3A_17, %get3A_20, %dot_general3A_21 {dimension_numbers = #tpu.dot_dimension_numbers<[1], [0], [0], [1], [0, 0, 1, 1], [], []>, precision = #tpu.contract_precision<fp32>, transpose_lhs_hint = false} : vector<500x96xf32>, vector<96x9xf32>, vector<500x9xf32> -> vector<500x9xf32>
    %logistic3A_23 = arith.negf %dot_general3A_22 : vector<500x9xf32>
    %logistic3A_24 = math.exp %logistic3A_23 : vector<500x9xf32>
    %logistic3A_25 = arith.constant 1.000000e+00 : f32
    %logistic3A_26 = vector.broadcast %logistic3A_25 : f32 to vector<500x9xf32>
    %logistic3A_27 = arith.addf %logistic3A_26, %logistic3A_24 : vector<500x9xf32>
    %logistic3A_28 = arith.divf %logistic3A_26, %logistic3A_27 : vector<500x9xf32>
    %mul3A_29 = arith.mulf %dot_general3A_22, %logistic3A_28 : vector<500x9xf32>
    %add3A = arith.addf %mul3A, %mul3A_29 : vector<500x9xf32>
    %get3A_30 = arith.constant 0 : index
    %get3A_31 = arith.constant 0 : index
    %get3A_32 = arith.constant 32 : index
    %get3A_33 = vector.load %arg3[%get3A_30, %get3A_31, %get3A_32] : memref<1x500x512xf32, #tpu.memory_space<vmem>>, vector<1x500x96xf32>
    %get3A_34 = vector.shape_cast %get3A_33 : vector<1x500x96xf32> to vector<500x96xf32>
    %get3A_35 = arith.constant 0 : index
    %get3A_36 = arith.constant 0 : index
    %get3A_37 = vector.load %arg6[%get3A_35, %get3A_36] : memref<96x9xf32, #tpu.memory_space<vmem>>, vector<96x9xf32>
    %dot_general3A_38 = arith.constant dense<0.000000e+00> : vector<500x9xf32>
    %dot_general3A_39 = tpu.matmul %get3A_34, %get3A_37, %dot_general3A_38 {dimension_numbers = #tpu.dot_dimension_numbers<[1], [0], [0], [1], [0, 0, 1, 1], [], []>, precision = #tpu.contract_precision<fp32>, transpose_lhs_hint = false} : vector<500x96xf32>, vector<96x9xf32>, vector<500x9xf32> -> vector<500x9xf32>
    %logistic3A_40 = arith.negf %dot_general3A_39 : vector<500x9xf32>
    %logistic3A_41 = math.exp %logistic3A_40 : vector<500x9xf32>
    %logistic3A_42 = arith.constant 1.000000e+00 : f32
    %logistic3A_43 = vector.broadcast %logistic3A_42 : f32 to vector<500x9xf32>
    %logistic3A_44 = arith.addf %logistic3A_43, %logistic3A_41 : vector<500x9xf32>
    %logistic3A_45 = arith.divf %logistic3A_43, %logistic3A_44 : vector<500x9xf32>
    %mul3A_46 = arith.mulf %dot_general3A_39, %logistic3A_45 : vector<500x9xf32>
    %add3A_47 = arith.addf %add3A, %mul3A_46 : vector<500x9xf32>
    %reduce_sum3A = arith.constant dense<0.000000e+00> : vector<9xf32>
    %reduce_sum3A_48 = vector.multi_reduction <add>, %add3A_47, %reduce_sum3A [0] : vector<500x9xf32> to vector<9xf32>
    %swap3A = arith.constant 0 : index
    %swap3A_49 = arith.constant 0 : index
    %swap3A_50 = arith.constant 0 : index
    %swap3A_51 = vector.load %arg7[%swap3A, %swap3A_49, %swap3A_50] : memref<1x1x9xf32, #tpu.memory_space<vmem>>, vector<1x1x9xf32>
    %swap3A_52 = vector.shape_cast %swap3A_51 : vector<1x1x9xf32> to vector<9xf32>
    %swap3A_53 = vector.shape_cast %reduce_sum3A_48 : vector<9xf32> to vector<1x1x9xf32>
    tpu.vector_store %arg7[%swap3A, %swap3A_49, %swap3A_50], %swap3A_53 {strides = array<i32>} : memref<1x1x9xf32, #tpu.memory_space<vmem>>, vector<1x1x9xf32>,
    return
  }
  func.func @transform_0(%arg0: i32) -> (i32, i32, i32) {
    %c0_i32 = arith.constant 0 : i32
    %c0_i32_0 = arith.constant 0 : i32
    %c0_i32_1 = arith.constant 0 : i32
    return %arg0, %c0_i32, %c0_i32_0 : i32, i32, i32
  }
  func.func @transform_1(%arg0: i32) -> (i32, i32, i32) {
    %c0_i32 = arith.constant 0 : i32
    %c0_i32_0 = arith.constant 0 : i32
    %c0_i32_1 = arith.constant 0 : i32
    return %arg0, %c0_i32, %c0_i32_0 : i32, i32, i32
  }
  func.func @transform_2(%arg0: i32) -> (i32, i32, i32) {
    %c0_i32 = arith.constant 0 : i32
    %c0_i32_0 = arith.constant 0 : i32
    %c0_i32_1 = arith.constant 0 : i32
    return %arg0, %c0_i32, %c0_i32_0 : i32, i32, i32
  }
  func.func @transform_3(%arg0: i32) -> (i32, i32) {
    %c0_i32 = arith.constant 0 : i32
    %c0_i32_0 = arith.constant 0 : i32
    %c0_i32_1 = arith.constant 0 : i32
    return %c0_i32, %c0_i32_0 : i32, i32
  }
  func.func @transform_4(%arg0: i32) -> (i32, i32) {
    %c0_i32 = arith.constant 0 : i32
    %c0_i32_0 = arith.constant 0 : i32
    %c0_i32_1 = arith.constant 0 : i32
    return %c0_i32, %c0_i32_0 : i32, i32
  }
  func.func @transform_5(%arg0: i32) -> (i32, i32) {
    %c0_i32 = arith.constant 0 : i32
    %c0_i32_0 = arith.constant 0 : i32
    %c0_i32_1 = arith.constant 0 : i32
    return %c0_i32, %c0_i32_0 : i32, i32
  }
  func.func @transform_6(%arg0: i32) -> (i32, i32, i32) {
    %c0_i32 = arith.constant 0 : i32
    %c0_i32_0 = arith.constant 0 : i32
    %c0_i32_1 = arith.constant 0 : i32
    return %arg0, %c0_i32, %c0_i32_0 : i32, i32, i32
  }
}

</mosaic_0001>

<sc_bundles>
// kernel: scatter_offload_async_start.1
scs
__scs_entry_jumppad:
0x0: {  	(pc) =	sbr.rel $0x88, $3  }
0x1: {  	(tag) =	ssettag $0x0;
	lr =	simm.s32 $0x1  }
0x2: {  	[smem:$0x3F92] =	sst lr;
	_ =	strace $0xD0000000  }
0x3: {  	_ = 	snop  }
0x4: {  	_ = 	snop  }
0x5: {  	_ = 	snop  }
0x6: {  	_ = 	snop  }
0x7: {  	_ = 	snop  }
__scs_overlays_trampoline_lowered:
0x8: {  	[smem:$0x3FA1] =	sst s0  }
0x9: {  	[smem:$0x3FA2] =	sst s1  }
0xa: {  	[smem:$0x3FA3] =	sst s2  }
0xb: {  	[smem:$0x3FA4] =	sst s3  }
0xc: {  	[smem:$0x3FA5] =	sst s4  }
0xd: {  	[smem:$0x3FA6] =	sst s5  }
0xe: {  	[smem:$0x3FA7] =	sst s6  }
0xf: {  	[smem:$0x3FA8] =	sst s7  }
0x10: {  	[smem:$0x3FA9] =	sst s8  }
0x11: {  	[smem:$0x3FAA] =	sst s9;
	s0 =	simm.s32 @!p0 $0x0  }
0x12: {  	s1 =	sld [smem:$0x3F90];
	s0 =	simm.s32 @p0 $0x1  }
0x13: {  	[smem:$0x3FAB] =	sst s0;
	s0 =	simm.s32 @!p1 $0x0  }
0x14: {  	s2 =	sld [smem:$0x3F8F];
	s0 =	simm.s32 @p1 $0x1  }
0x15: {  	[smem:$0x3FAC] =	sst s0;
	s0 =	simm.s32 @!p2 $0x0  }
0x16: {  	s3 =	sld [smem:$0x3FDB];
	s0 =	simm.s32 @p2 $0x1  }
0x17: {  	s4 =	simm.s32 $0x1BF5;
	[smem:$0x3FAE] =	sst s0  }
0x18: {  	s0 =	sld [smem:$0x3F91];
	_ =	swait.ge [sflag:s4], $0x0  }
0x19: {  	s7 =	sld [smem:$0x3F92]  }
0x1a: {  	s8 =	sadd.s32 $0xFFFFE003, lr  }
0x1b: {  	s9 =	sadd.s32 $0xFFFFFEF7, lr;
	s5 =	simm.s32 $0xFFFFFFFF;
	p2 =	slt.u32 s8, $0xFFFFF086  }
0x1c: {  	p1 =	slt.u32 s9, $0xF7A;
	s5 =	simm.s32 @!p2 $0x0  }
0x1d: {  	s5 =	simm.s32 @p1 $0x1;
	p0 =	seq.s32 s7, s2  }
0x1e: {  	s7 =	smul.u32 @!p0 $0xF7A, s2;
	p2 =	seq.s32 @!p0 s5, $0x0  }
0x1f: {  	s9 =	smul.u32 $0xF7A, s1;
	s8 =	simm.s32 @!p0 $0x1BF5;
	p2 =	por !p2, p0  }
0x20: {  	[sflag:s8] =	ssyncset.s32 @!p0 $0xFFFFF086;
	s6 =	sadd.s32 @!p0 s3, s7;
	s7 =	simm.s32 @!p0 $0x108  }
0x21: {  	s3 =	sadd.s32 s3, s9;
	s6 =	sadd.s32 @!p0 $0x88, s6;
	s7 =	simm.s32 @p2 $0x1082  }
0x22: {  	[simem:s7], [sflag:s8] =	dma.local @!p0 [hbm:s6], $0xF7A  }
0x23: {  	s9 =	sor.u32 $0xD0000000, s2;
	s6 =	simm.s32 $0x108;
	_ =	swait.ge @!p0 [sflag:s8], $0x0  }
0x24: {  	s3 =	sadd.s32 $0x88, s3;
	s6 =	simm.s32 @!p1 $0x1082;
	[sflag:s4] =	ssyncset.s32 $0xFFFFF086  }
0x25: {  	[simem:s6], [sflag:s4] =	dma.local [hbm:s3], $0xF7A  }
0x26: {  	[smem:$0x3F92] =	sst s1;
	(tag) =	ssettag s2;
	_ =	strace s9  }
0x27: {  	s1 =	sld [smem:$0x3FA2]  }
0x28: {  	s2 =	sld [smem:$0x3FA3]  }
0x29: {  	s4 =	sld [smem:$0x3FA5]  }
0x2a: {  	p0 =	seq.s32 s5, $0x0;
	s5 =	sld [smem:$0x3FA6]  }
0x2b: {  	s6 =	sld [smem:$0x3FA7]  }
0x2c: {  	s7 =	sld [smem:$0x3FA8]  }
0x2d: {  	s3 =	simm.s32 $0x108;
	s8 =	sld [smem:$0x3FA9]  }
0x2e: {  	s3 =	simm.s32 @!p0 $0x1082;
	s9 =	sld [smem:$0x3FAA]  }
0x2f: {  	lr =	sadd.s32 s0, s3;
	s0 =	sld [smem:$0x3FA1]  }
0x30: {  	s3 =	sld [smem:$0x3FA4]  }
0x31: {  	[smem:$0x3FAD] =	sst s10  }
0x32: {  	s10 =	sld [smem:$0x3FAB];
	_ =	sdelay $0x3  }
0x33: {  	p0 =	seq.s32 s10, $0x1;
	s10 =	sld [smem:$0x3FAD];
	_ =	sdelay $0x3  }
0x34: {  	[smem:$0x3FAD] =	sst s10  }
0x35: {  	s10 =	sld [smem:$0x3FAC];
	_ =	sdelay $0x3  }
0x36: {  	p1 =	seq.s32 s10, $0x1;
	s10 =	sld [smem:$0x3FAD];
	_ =	sdelay $0x3  }
0x37: {  	[smem:$0x3FAD] =	sst s10  }
0x38: {  	s10 =	sld [smem:$0x3FAE]  }
0x39: {  	_ = 	snop;
	(pc) =	sbr.ind lr, $3  }
0x3a: {  	_ = 	snop  }
0x3b: {  	_ = 	snop  }
0x3c: {  	p2 =	seq.s32 s10, $0x1;
	s10 =	sld [smem:$0x3FAD]  }
0x3d: {  	_ =	shalt  }
0x3e: {  	_ =	shalt  }
0x3f: {  	_ =	shalt  }
0x40: {  	_ =	shalt  }
0x41: {  	_ =	shalt  }
0x42: {  	_ =	shalt  }
0x43: {  	_ =	shalt  }
0x44: {  	_ =	shalt  }
0x45: {  	_ =	shalt  }
0x46: {  	_ =	shalt  }
0x47: {  	_ =	shalt  }
0x48: {  	_ =	shalt  }
0x49: {  	_ =	shalt  }
0x4a: {  	_ =	shalt  }
0x4b: {  	_ =	shalt  }
0x4c: {  	_ =	shalt  }
0x4d: {  	_ =	shalt  }
0x4e: {  	_ =	shalt  }
0x4f: {  	_ =	shalt  }
0x50: {  	_ =	shalt  }
0x51: {  	_ =	shalt  }
0x52: {  	_ =	shalt  }
0x53: {  	_ =	shalt  }
0x54: {  	_ =	shalt  }
0x55: {  	_ =	shalt  }
0x56: {  	_ =	shalt  }
0x57: {  	_ =	shalt  }
0x58: {  	_ =	shalt  }
0x59: {  	_ =	shalt  }
0x5a: {  	_ =	shalt  }
0x5b: {  	_ =	shalt  }
0x5c: {  	_ =	shalt  }
0x5d: {  	_ =	shalt  }
0x5e: {  	_ =	shalt  }
0x5f: {  	_ =	shalt  }
0x60: {  	_ =	shalt  }
0x61: {  	_ =	shalt  }
0x62: {  	_ =	shalt  }
0x63: {  	_ =	shalt  }
0x64: {  	_ =	shalt  }
0x65: {  	_ =	shalt  }
0x66: {  	_ =	shalt  }
0x67: {  	_ =	shalt  }
0x68: {  	_ =	shalt  }
0x69: {  	_ =	shalt  }
0x6a: {  	_ =	shalt  }
0x6b: {  	_ =	shalt  }
0x6c: {  	_ =	shalt  }
0x6d: {  	_ =	shalt  }
0x6e: {  	_ =	shalt  }
0x6f: {  	_ =	shalt  }
0x70: {  	_ =	shalt  }
0x71: {  	_ =	shalt  }
0x72: {  	_ =	shalt  }
0x73: {  	_ =	shalt  }
0x74: {  	_ =	shalt  }
0x75: {  	_ =	shalt  }
0x76: {  	_ =	shalt  }
0x77: {  	_ =	shalt  }
0x78: {  	_ =	shalt  }
0x79: {  	_ =	shalt  }
0x7a: {  	_ =	shalt  }
0x7b: {  	_ =	shalt  }
0x7c: {  	_ =	shalt  }
0x7d: {  	_ =	shalt  }
0x7e: {  	_ =	shalt  }
0x7f: {  	_ =	shalt  }
0x80: {  	_ =	shalt  }
0x81: {  	_ =	shalt  }
0x82: {  	_ =	shalt  }
0x83: {  	_ =	shalt  }
0x84: {  	_ =	shalt  }
0x85: {  	_ =	shalt  }
0x86: {  	_ =	shalt  }
0x87: {  	_ =	shalt  }
.Lfunc_end0:
.L_simem_size_0:
called_computation.1_lowered:
.L_overlay_start_0:
0x88: {  	s2 =	sld [smem:$0x3FD9]  }
0x89: {  	s3 =	sld [smem:$0x3FFE];
	_ =	sdelay $0x1  }
0x8a: {  	s1 =	srdreg.scid  }
0x8b: {  	s0 =	sand.u32 $0x1, s1  }
0x8c: {  	s15 =	sshll.u32 s0, $0xA;
	s2 =	sadd.s32 s3, s2  }
0x8d: {  	s2 =	sadd.s32 s2, s15  }
0x8e: {  	[smem:$0x3FB9] =	sst s2  }
0x8f: {  	_ = 	snop  }
0x90: {  	(tm) =	ssettm $0x1  }
0x91: {  	s16 =	sld [smem:$0x3FFB];
	_ =	sdelay $0x3  }
0x92: {  	_ =	strace s16  }
0x93: {  	s2 =	sld [smem:$0x3FFC];
	_ =	sdelay $0x3  }
0x94: {  	_ =	strace s2  }
0x95: {  	s2 =	sld [smem:$0x3FFD];
	_ =	sdelay $0x3  }
0x96: {  	_ =	strace s2  }
0x97: {  	_ =	strace $0x8FFFFFFF  }
0x98: {  	s17 =	sld [smem:$0x3FDB];
	_ =	sdelay $0x1  }
0x99: {  	s18 =	simm.s32 $_scs_section_size  }
0x9a: {  	s4 =	simm.s32 $_size__tile_overlayer_lowered;
	s5 =	simm.s32 $_tile_overlayer_lowered  }
0x9b: {  	s6 =	simm.s32 $0x1BFF;
	s19 =	sshll.u32 s5, $0x1;
	s3 =	sadd.s32 s18, s17  }
0x9c: {  	s20 =	simm.s32 $0x0;
	s4 =	sshll.u32 s4, $0x1;
	s5 =	sadd.s32 s19, s3  }
0x9d: {  	[timem:s20], [sflag:s6] =	dma.local [hbm:s5], s4  }
0x9e: {  	_ =	swait.ge [sflag:s6], s4  }
0x9f: {  	s4 =	ssub.s32 $0x0, s4;
	[sflag:s6] =	ssyncset.done $0x0  }
0xa0: {  	[sflag:s6] =	ssyncadd.s32 s4;
	_ =	sdelay $0x1  }
0xa1: {  	s21 =	simm.s32 $0x1B8B  }
0xa2: {  	_ =	swait.ge [sflag:s21], $0x1  }
0xa3: {  	[sflag:s21] =	ssyncset.done $0x0  }
0xa4: {  	s22 =	sld [smem:$0x3FFE];
	[sflag:s21] =	ssyncadd.s32 $0xFFFFFFFF  }
0xa5: {  	s24 =	simm.s32 $0x1B8E;
	s23 =	sld [smem:$0x0]  }
0xa6: {  	s25 =	simm.s32 $execute0_lowered;
	[smem:$0x3FD2] =	sst s24  }
0xa7: {  	s6 =	sshll.u32 s25, $0x1;
	_ =	strace $0x8000004C;
	[dreg:$0x1] =	wrdreg $0xFFFFFFFF  }
0xa8: {  	s7 =	simm.s32 $_size_execute0_lowered;
	s6 =	sadd.s32 s3, s6;
	[dreg:$0x0] =	wrdreg $0x0  }
0xa9: {  	s7 =	sshll.u32 s7, $0x1;
	[dreg:$0x2] =	wrdreg s6  }
0xaa: {  	[dreg:$0x3] =	wrdreg s7  }
0xab: {  	[dreg:$0x4] =	wrdreg $0xC0  }
0xac: {  	s26 =	simm.s32 $execute1_lowered;
	_ =	task [dreg:s20], $0x5FFFF  }
0xad: {  	s6 =	sshll.u32 s26, $0x1;
	[dreg:$0x1] =	wrdreg $0xFFFFFFFF  }
0xae: {  	s3 =	sadd.s32 s3, s6;
	[dreg:$0x0] =	wrdreg $0x60  }
0xaf: {  	[dreg:$0x2] =	wrdreg s3  }
0xb0: {  	[dreg:$0x3] =	wrdreg s22  }
0xb1: {  	[dreg:$0x4] =	wrdreg $0x9  }
0xb2: {  	_ =	task.clear_ibuf [dreg:s20], $0x5FFFF;
	_ =	strace $0x9000004C  }
0xb3: {  	s28 =	simm.s32 $0x9;
	_ =	strace $0x8000004E  }
0xb4: {  	_ =	swait.ge [sflag:s28], $0x1  }
0xb5: {  	[sflag:s28] =	ssyncadd.s32 $0xFFFFFFFF  }
0xb6: {  	_ =	strace $0x9000004E  }
0xb7: {  	s3 =	sld [smem:$0x0]  }
0xb8: {  	s6 =	sand.u32 $0xFFFFFFFE, s1  }
0xb9: {  	p0 =	sne.s32 s1, s6  }
0xba: {  	s6 =	sshll.u32 @p0 s6, $0xE  }
0xbb: {  	s6 =	sadd.s32 @p0 $0x11BF3, s6;
	s7 =	sshll.u32 @p0 s3, $0x11  }
0xbc: {  	s6 =	sor.u32 @p0 s7, s6  }
0xbd: {  	[sflag:s6] =	ssyncadd.remote.s32 @p0 $0x1;
	_ =	sdelay $0x1  }
0xbe: {  	s6 =	simm.s32 @p0 $0x1BF3  }
0xbf: {  	_ =	swait.eq @p0 [sflag:s6], $0x1  }
0xc0: {  	[sflag:s6] =	ssyncadd.s32 @p0 $0xFFFFFFFF  }
0xc1: {  	s7 =	sshll.u32 @!p0 s1, $0xE  }
0xc2: {  	s7 =	sor.u32 @!p0 $0x4000, s7;
	s6 =	simm.s32 @!p0 $0x1BF3  }
0xc3: {  	s3 =	sshll.u32 @!p0 s3, $0x11;
	s7 =	sadd.s32 @!p0 $0x11BF3, s7;
	_ =	swait.eq @!p0 [sflag:s6], $0x1  }
0xc4: {  	s3 =	sor.u32 @!p0 s3, s7;
	[sflag:s6] =	ssyncadd.s32 @!p0 $0xFFFFFFFF  }
0xc5: {  	[sflag:s3] =	ssyncadd.remote.s32 @!p0 $0x1  }
0xc6: {  	_ =	strace $0x8000004F;
	[dreg:$0x1] =	wrdreg $0xFFFFFFFF  }
0xc7: {  	[dreg:$0x0] =	wrdreg $0x2030  }
0xc8: {  	[dreg:$0x2] =	wrdreg s22  }
0xc9: {  	[dreg:$0x3] =	wrdreg s1  }
0xca: {  	[dreg:$0x4] =	wrdreg s23  }
0xcb: {  	[dreg:$0x5] =	wrdreg $0xA  }
0xcc: {  	_ =	task.clear_ibuf [dreg:s20], $0x6FFFF;
	_ =	strace $0x9000004F  }
0xcd: {  	s29 =	simm.s32 $0xA;
	_ =	strace $0x80000051  }
0xce: {  	_ =	swait.ge [sflag:s29], $0x1  }
0xcf: {  	[sflag:s29] =	ssyncadd.s32 $0xFFFFFFFF  }
0xd0: {  	_ =	strace $0x90000051  }
0xd1: {  	_ =	sfence  }
0xd2: {  	s30 =	sld [smem:$0x0];
	_ =	sdelay $0x2  }
0xd3: {  	s31 =	sshll.u32 s1, $0xD;
	s1 =	sshrl.u32 s1, $0x2  }
0xd4: {  	s4 =	sand.u32 $0x4000, s31;
	s1 =	sadd.s32 s1, s30  }
0xd5: {  	s0 =	sor.u32 s4, s0;
	s1 =	sshll.u32 s1, $0x11  }
0xd6: {  	s0 =	sor.u32 s1, s0  }
0xd7: {  	s0 =	sadd.s32 $0x8F2B, s0  }
0xd8: {  	[sflag:s0] =	ssyncadd.remote.s32 $0x1  }
0xd9: {  	_ =	sfence.sel $0xFFFF  }
0xda: {  	[dreg:$0x0] =	wrdreg $0xFFFFFFFF;
	(pc) =	sbr.abs _section_cstart, $3  }
0xdb: {  	[dreg:$0x1] =	wrdreg $0xFFFFFFFF  }
0xdc: {  	_ =	task.clear_ibuf [dreg:s20], $0x2FFFF;
	_ =	strace $0x9FFFFFFF  }
0xdd: {  	(tm) =	ssettm $0x7FFFFFFF  }
tec
execute0_lowered:
.L_overlay_start_1:
0x0: {  	(tag) =	ssettag $0x1  }
0x1: {  	s0 =	rddreg [dreg:$0x0]  }
0x2: {  	s1 =	rddreg [dreg:$0x1]  }
0x3: {  	s2 =	stileid.u32;
	[bflag:$0x3] =	sbarrier.arrive $0xFFFF;
	s3 =	simm.s32 $_size_execute1_lowered  }
0x4: {  	s26 =	srdreg.scid;
	s29 =	simm.s32 $0x1;
	s31 =	simm.s32 $0x2  }
0x5: {  	s14 =	simm.s32 $0x0;
	p0 =	sne.s32 s2, $0x0;
	s5 =	sshll.u32 s3, $0x1  }
0x6: {  	s3 =	simm.s32 @!p0 $0x1C3F;
	s4 =	simm.s32 @!p0 $0x4060;
	[dreg:$0x4] =	wrdreg s5  }
0x7: {  	[timem:s4], [sflag:s3] =	dma.local @!p0 [hbm:s0], s5  }
0x8: {  	s2 =	sshll.u32 s2, $0x6;
	s7 =	sadd.s32 $0x49400, s1;
	s0 =	sshll.u32 s26, $0x5  }
0x9: {  	s28 =	sadd.s32 $0x8D4C00, s1;
	s0 =	sand.u32 $0x20, s0;
	_ =	strace $0x8000004D  }
.Ltmp0:
0xa: {  	[dreg:$0x7] =	wrdreg s28;
	s8 =	sor.u32 s2, s0;
	(pc) =	sbr.rel .LBB2_1-.Ltmp0, $4  }
0xb: {  	s12 =	simm.s32 $0x0;
	[dreg:$0x5] =	wrdreg s7;
	s30 =	ssub.s32 $0x2700, s8  }
0xc: {  	s13 =	simm.s32 $0x0;
	[dreg:$0x6] =	wrdreg s8;
	s9 =	sshrl.u32 s30, $0xA  }
0xd: {  	[sflag:s29] =	ssyncpa.u1 $0x0;
	s10 =	sor.u32 $0x2, s9;
	[dreg:$0x8] =	wrdreg s9  }
0xe: {  	[sflag:s31] =	ssyncpa.u1 $0x0;
	s11 =	smov.u32 s8;
	[dreg:$0x9] =	wrdreg s10  }
.LBB2_4:
0xf: {  	_ = 	snop  }
.LBB2_9:
0x10: {  	_ =	sdelay $0x3  }
0x11: {  	[tilespmem:v0+s24+$0x0 ss:$0x1] =	vst.idx.msk @p1 $0xffff, v2  }
0x12: {  	s0 =	sor.u32 s1, s0;
	v2 =	vld.idx.msk @p1 [tilespmem:v1+s30+$0x0 ss:$0x1], $0xffff;
	[tilespmem:v0+s25+$0x0 ss:$0x1] =	vst.idx.msk @p1 $0xffff, v3  }
0x13: {  	s15 =	sand.u32 $0x180, s15;
	v3 =	vld.idx.msk @p1 [tilespmem:v1+s4+$0x0 ss:$0x1], $0xffff;
	[tilespmem:v0+s20+$0x0 ss:$0x1] =	vst.idx.msk @p1 $0xffff, v7;
	s2 =	sand.u32 $0x3200, s0  }
0x14: {  	[tilespmem:v0+s26+$0x0 ss:$0x1] =	vst.idx.msk @p1 $0xffff, v4;
	v4 =	vld.idx.msk @p1 [tilespmem:v1+s3+$0x0 ss:$0x1], $0xffff;
	s0 =	sand.u32 $0x3380, s0;
	s1 =	sor.u32 s15, s2  }
0x15: {  	[tilespmem:v0+s23+$0x0 ss:$0x1] =	vst.idx.msk @p1 $0xffff, v5;
	s25 =	sor.u32 $0x410, s0;
	v36 =	vld.idx.msk [tilespmem:v1+s1+$0x0 ss:$0x1], $0xffff  }
0x16: {  	s26 =	sor.u32 $0x420, s0;
	[tilespmem:v0+s22+$0x0 ss:$0x1] =	vst.idx.msk @p1 $0xffff, v6;
	v43 =	vld.idx.msk [tilespmem:v1+s25+$0x0 ss:$0x1], $0xffff  }
0x17: {  	s15 =	smov.u32 s4;
	s28 =	sor.u32 $0x430, s0;
	v44 =	vld.idx.msk [tilespmem:v1+s26+$0x0 ss:$0x1], $0xffff;
	[tilespmem:v0+s30+$0x0 ss:$0x1] =	vst.idx.msk @p1 $0xffff, v2  }
0x18: {  	s6 =	smov.u32 s3;
	s29 =	sor.u32 $0x440, s0;
	v45 =	vld.idx.msk [tilespmem:v1+s28+$0x0 ss:$0x1], $0xffff;
	[tilespmem:v0+s15+$0x0 ss:$0x1] =	vst.idx.msk @p1 $0xffff, v3  }
0x19: {  	s31 =	sor.u32 $0x460, s0;
	v46 =	vld.idx.msk [tilespmem:v1+s29+$0x0 ss:$0x1], $0xffff;
	[tilespmem:v0+s6+$0x0 ss:$0x1] =	vst.idx.msk @p1 $0xffff, v4  }
0x1a: {  	s2 =	sor.u32 $0xC00, s1;
	v48 =	vld.idx.msk [tilespmem:v1+s31+$0x0 ss:$0x1], $0xffff;
	[tilespmem:v0+s1+$0x0 ss:$0x1] =	vst.idx.msk $0xffff, v36  }
0x1b: {  	s18 =	sor.u32 $0x10, s1;
	v32 =	vld.idx.msk [tilespmem:v1+s2+$0x0 ss:$0x1], $0xffff;
	[tilespmem:v0+s25+$0x0 ss:$0x1] =	vst.idx.msk $0xffff, v43  }
0x1c: {  	s19 =	sor.u32 $0x20, s1;
	v33 =	vld.idx.msk [tilespmem:v1+s18+$0x0 ss:$0x1], $0xffff;
	[tilespmem:v0+s26+$0x0 ss:$0x1] =	vst.idx.msk $0xffff, v44  }
0x1d: {  	s5 =	sor.u32 $0x30, s1;
	v34 =	vld.idx.msk [tilespmem:v1+s19+$0x0 ss:$0x1], $0xffff;
	[tilespmem:v0+s28+$0x0 ss:$0x1] =	vst.idx.msk $0xffff, v45  }
0x1e: {  	s20 =	sor.u32 $0x40, s1;
	v35 =	vld.idx.msk [tilespmem:v1+s5+$0x0 ss:$0x1], $0xffff;
	[tilespmem:v0+s29+$0x0 ss:$0x1] =	vst.idx.msk $0xffff, v46  }
0x1f: {  	s21 =	sor.u32 $0x50, s1;
	v37 =	vld.idx.msk [tilespmem:v1+s20+$0x0 ss:$0x1], $0xffff;
	[tilespmem:v0+s31+$0x0 ss:$0x1] =	vst.idx.msk $0xffff, v48  }
0x20: {  	s22 =	sor.u32 $0x60, s1;
	v38 =	vld.idx.msk [tilespmem:v1+s21+$0x0 ss:$0x1], $0xffff;
	[tilespmem:v0+s2+$0x0 ss:$0x1] =	vst.idx.msk $0xffff, v32  }
0x21: {  	s23 =	sor.u32 $0x70, s1;
	v39 =	vld.idx.msk [tilespmem:v1+s22+$0x0 ss:$0x1], $0xffff;
	[tilespmem:v0+s18+$0x0 ss:$0x1] =	vst.idx.msk $0xffff, v33  }
0x22: {  	s24 =	sor.u32 $0x400, s1;
	v40 =	vld.idx.msk [tilespmem:v1+s23+$0x0 ss:$0x1], $0xffff;
	[tilespmem:v0+s19+$0x0 ss:$0x1] =	vst.idx.msk $0xffff, v34  }
0x23: {  	v41 =	vld.idx.msk [tilespmem:v1+s24+$0x0 ss:$0x1], $0xffff;
	s30 =	sor.u32 $0x450, s0;
	[tilespmem:v0+s5+$0x0 ss:$0x1] =	vst.idx.msk $0xffff, v35  }
0x24: {  	s15 =	sor.u32 $0x470, s0;
	v47 =	vld.idx.msk [tilespmem:v1+s30+$0x0 ss:$0x1], $0xffff;
	[tilespmem:v0+s20+$0x0 ss:$0x1] =	vst.idx.msk $0xffff, v37  }
0x25: {  	v49 =	vld.idx.msk [tilespmem:v1+s15+$0x0 ss:$0x1], $0xffff;
	s1 =	sor.u32 $0x800, s1;
	[tilespmem:v0+s21+$0x0 ss:$0x1] =	vst.idx.msk $0xffff, v38  }
0x26: {  	s25 =	sor.u32 $0xC10, s0;
	v42 =	vld.idx.msk [tilespmem:v1+s1+$0x0 ss:$0x1], $0xffff;
	[tilespmem:v0+s22+$0x0 ss:$0x1] =	vst.idx.msk $0xffff, v39  }
0x27: {  	s26 =	sor.u32 $0xC20, s0;
	[tilespmem:v0+s23+$0x0 ss:$0x1] =	vst.idx.msk $0xffff, v40;
	v57 =	vld.idx.msk [tilespmem:v1+s25+$0x0 ss:$0x1], $0xffff  }
0x28: {  	s28 =	sor.u32 $0xC30, s0;
	[tilespmem:v0+s24+$0x0 ss:$0x1] =	vst.idx.msk $0xffff, v41;
	v58 =	vld.idx.msk [tilespmem:v1+s26+$0x0 ss:$0x1], $0xffff  }
0x29: {  	s29 =	sor.u32 $0xC40, s0;
	v59 =	vld.idx.msk [tilespmem:v1+s28+$0x0 ss:$0x1], $0xffff;
	[tilespmem:v0+s30+$0x0 ss:$0x1] =	vst.idx.msk $0xffff, v47  }
0x2a: {  	s31 =	sor.u32 $0xC60, s0;
	v60 =	vld.idx.msk [tilespmem:v1+s29+$0x0 ss:$0x1], $0xffff;
	[tilespmem:v0+s15+$0x0 ss:$0x1] =	vst.idx.msk $0xffff, v49  }
0x2b: {  	s18 =	sor.u32 $0x810, s0;
	v62 =	vld.idx.msk [tilespmem:v1+s31+$0x0 ss:$0x1], $0xffff;
	[tilespmem:v0+s1+$0x0 ss:$0x1] =	vst.idx.msk $0xffff, v42  }
0x2c: {  	s19 =	sor.u32 $0x820, s0;
	v50 =	vld.idx.msk [tilespmem:v1+s18+$0x0 ss:$0x1], $0xffff;
	[tilespmem:v0+s25+$0x0 ss:$0x1] =	vst.idx.msk $0xffff, v57  }
0x2d: {  	s20 =	sor.u32 $0x830, s0;
	v51 =	vld.idx.msk [tilespmem:v1+s19+$0x0 ss:$0x1], $0xffff;
	[tilespmem:v0+s26+$0x0 ss:$0x1] =	vst.idx.msk $0xffff, v58  }
0x2e: {  	s21 =	sor.u32 $0x840, s0;
	v52 =	vld.idx.msk [tilespmem:v1+s20+$0x0 ss:$0x1], $0xffff;
	[tilespmem:v0+s28+$0x0 ss:$0x1] =	vst.idx.msk $0xffff, v59  }
0x2f: {  	s22 =	sor.u32 $0x850, s0;
	v53 =	vld.idx.msk [tilespmem:v1+s21+$0x0 ss:$0x1], $0xffff;
	[tilespmem:v0+s29+$0x0 ss:$0x1] =	vst.idx.msk $0xffff, v60  }
0x30: {  	s23 =	sor.u32 $0x860, s0;
	v54 =	vld.idx.msk [tilespmem:v1+s22+$0x0 ss:$0x1], $0xffff;
	[tilespmem:v0+s31+$0x0 ss:$0x1] =	vst.idx.msk $0xffff, v62  }
0x31: {  	s24 =	sor.u32 $0x870, s0;
	v55 =	vld.idx.msk [tilespmem:v1+s23+$0x0 ss:$0x1], $0xffff;
	[tilespmem:v0+s18+$0x0 ss:$0x1] =	vst.idx.msk $0xffff, v50  }
0x32: {  	v56 =	vld.idx.msk [tilespmem:v1+s24+$0x0 ss:$0x1], $0xffff;
	s30 =	sor.u32 $0xC50, s0;
	[tilespmem:v0+s19+$0x0 ss:$0x1] =	vst.idx.msk $0xffff, v51  }
0x33: {  	s0 =	sor.u32 $0xC70, s0;
	v61 =	vld.idx.msk [tilespmem:v1+s30+$0x0 ss:$0x1], $0xffff;
	[tilespmem:v0+s20+$0x0 ss:$0x1] =	vst.idx.msk $0xffff, v52  }
0x34: {  	v63 =	vld.idx.msk [tilespmem:v1+s0+$0x0 ss:$0x1], $0xffff;
	[tilespmem:v0+s21+$0x0 ss:$0x1] =	vst.idx.msk $0xffff, v53  }
0x35: {  	[tilespmem:v0+s22+$0x0 ss:$0x1] =	vst.idx.msk $0xffff, v54  }
0x36: {  	[tilespmem:v0+s23+$0x0 ss:$0x1] =	vst.idx.msk $0xffff, v55  }
0x37: {  	[tilespmem:v0+s24+$0x0 ss:$0x1] =	vst.idx.msk $0xffff, v56  }
0x38: {  	[tilespmem:v0+s30+$0x0 ss:$0x1] =	vst.idx.msk $0xffff, v61  }
0x39: {  	[tilespmem:v0+s0+$0x0 ss:$0x1] =	vst.idx.msk $0xffff, v63  }
.LBB2_10:
0x3a: {  	s0 =	sshll.u32 s12, $0x9;
	s1 =	sshll.u32 s12, $0x7  }
0x3b: {  	s0 =	sand.u32 $0xFFFFF000, s0;
	s1 =	sand.u32 $0x200, s1  }
0x3c: {  	s0 =	sor.u32 s1, s0  }
0x3d: {  	s0 =	sshrl.u32 s0, $0x9  }
0x3e: {  	s28 =	smulhi.u32 $0x1A36E3, s0;
	_ =	sdelay $0x1  }
0x3f: {  	s1 =	sshrl.u32 s28, $0x2  }
0x40: {  	s1 =	smul.u32 $0x2710, s1  }
0x41: {  	s2 =	sshll.u32 s12, $0x4  }
0x42: {  	s30 =	rddreg [dreg:$0x7];
	s29 =	sand.u32 $0x30, s2;
	s0 =	ssub.s32 s0, s1  }
0x43: {  	s1 =	sadd.s32 s30, s29;
	s0 =	sshll.u32 s0, $0x6  }
0x44: {  	s31 =	simm.s32 $0x0;
	s0 =	sadd.s32 s0, s1  }
0x45: {  	[hbm4b:s0+s31] =	stream.linear.scatter [tilespmem:s17], [sflag:$0x2], s16, $0x38;
	[tilespmem:$0x10000] =	vst v63  }
.LBB2_11:
0x46: {  	p1 =	slt.u32 s13, $0x2  }
0x47: {  	p2 =	sgt.s32 @!p1 s14, $0x26F0  }
0x48: {  	s0 =	smov.u32 s14;
	s1 =	sshra.s32 @!p1 s14, $0x1F;
	p2 =	por !p2, p1  }
0x49: {  	s1 =	sand.u32 @!p1 s1, s14;
	s0 =	simm.s32 @p2 $0x26F0  }
0x4a: {  	s0 =	ssub.s32 @!p1 s0, s1  }
0x4b: {  	s0 =	sadd.s32 @!p1 $0xFFFFD910, s0  }
0x4c: {  	s1 =	sshll.u32 @!p1 s0, $0xB  }
0x4d: {  	p2 =	sgt.s32 @!p1 s0, $0x1F;
	s0 =	ssub.s32 @!p1 $0x10000, s1  }
0x4e: {  	s2 =	sadd.s32 $0x400, s11;
	p2 =	por !p2, p1;
	s0 =	sshrl.u32 @!p1 s0, $0x2  }
0x4f: {  	s0 =	simm.s32 @!p2 $0x0;
	p2 =	sgt.s32 s2, $0x270F  }
0x50: {  	s2 =	smov.u32 @p2 s8;
	p2 =	sne.s32 s13, s10  }
.Ltmp1:
0x51: {  	_ = 	snop;
	(pc) =	sbr.rel @!p2 .LBB2_12-.Ltmp1, $4  }
0x52: {  	s1 =	simm.s32 @!p1 $0x2  }
0x53: {  	s14 =	smov.u32 s12;
	_ =	swait.ge @!p1 [sflag:s1], s0  }
0x54: {  	s12 =	smov.u32 s11;
	s0 =	ssub.s32 @!p1 $0x0, s0;
	[sflag:s1] =	ssyncset.done @!p1 $0x0  }
0x55: {  	s13 =	sadd.s32 $0x1, s13;
	s11 =	smov.u32 s2;
	[sflag:s1] =	ssyncadd.s32 @!p1 s0  }
.LBB2_1:
0x56: {  	p1 =	sgt.u32 s13, s9  }
0x57: {  	s0 =	sshll.u32 @!p1 s11, $0x9;
	s1 =	sshll.u32 @!p1 s11, $0x7  }
0x58: {  	s0 =	sand.u32 @!p1 $0xFFFFF000, s0;
	s1 =	sand.u32 @!p1 $0x200, s1  }
0x59: {  	s0 =	sor.u32 @!p1 s1, s0  }
0x5a: {  	s2 =	smov.u32 s11;
	p2 =	sgt.s32 @!p1 s11, $0x26F0;
	s0 =	sshrl.u32 @!p1 s0, $0x9  }
0x5b: {  	s3 =	sshra.s32 @!p1 s11, $0x1F;
	p2 =	por !p2, p1;
	s1 =	smulhi.u32 @!p1 $0x1A36E3, s0  }
0x5c: {  	s3 =	sand.u32 @!p1 s3, s11;
	s2 =	simm.s32 @p2 $0x26F0  }
0x5d: {  	s2 =	ssub.s32 @!p1 s2, s3;
	s3 =	sxor.u32 @!p1 $0xFFFFFFFF, s13;
	s1 =	sshrl.u32 @!p1 s1, $0x2  }
0x5e: {  	s2 =	sadd.s32 @!p1 $0xFFFFD910, s2;
	s3 =	sshll.u32 @!p1 s3, $0xE;
	s1 =	smul.u32 @!p1 $0x2710, s1  }
0x5f: {  	p2 =	sgt.s32 @!p1 s2, $0x1F;
	s3 =	sand.u32 @!p1 $0x4000, s3  }
0x60: {  	s0 =	ssub.s32 @!p1 s0, s1;
	s1 =	sshll.u32 @!p1 s2, $0xB;
	s2 =	sshll.u32 @!p1 s11, $0x4  }
0x61: {  	p2 =	por !p2, p1;
	s1 =	ssub.s32 @!p1 $0x10000, s1;
	s2 =	sand.u32 @!p1 $0x30, s2  }
0x62: {  	s0 =	sshll.u32 @!p1 s0, $0x6;
	s1 =	sshrl.u32 @!p1 s1, $0x2;
	s2 =	sadd.s32 @!p1 s7, s2  }
0x63: {  	s1 =	simm.s32 @!p2 $0x0;
	s0 =	sadd.s32 @!p1 s0, s2;
	s2 =	simm.s32 @!p1 $0x0  }
0x64: {  	[tilespmem:s3], [sflag:$0x1] =	stream.linear.gather @!p1 [hbm4b:s0+s2], s1, $0x38;
	[tilespmem:$0x10000] =	vst v63  }
0x65: {  	p1 =	seq.s32 s13, $0x0  }
0x66: {  	p2 =	sge.u32 @!p1 s13, s10  }
0x67: {  	p1 =	por p1, p2  }
.Ltmp2:
0x68: {  	_ = 	snop;
	(pc) =	sbr.rel @p1 .LBB2_11-.Ltmp2, $1  }
0x69: {  	_ =	sdelay $0x3  }
0x6a: {  	p1 =	sgt.s32 s12, $0x26F0;
	s0 =	smov.u32 s12;
	s1 =	sshra.s32 s12, $0x1F  }
0x6b: {  	s0 =	simm.s32 @!p1 $0x26F0;
	s1 =	sand.u32 s1, s12  }
0x6c: {  	s0 =	ssub.s32 s0, s1  }
0x6d: {  	s0 =	sadd.s32 $0xFFFFD910, s0  }
0x6e: {  	s30 =	sshll.u32 s0, $0xB  }
0x6f: {  	s1 =	ssub.s32 $0x10000, s30  }
0x70: {  	p1 =	sgt.s32 s0, $0x1F;
	s0 =	sadd.s32 $0x20, s12;
	s16 =	sshrl.u32 s1, $0x2  }
0x71: {  	s16 =	simm.s32 @p1 $0x0;
	p1 =	slt.s32 s0, $0x2710  }
0x72: {  	s0 =	simm.s32 @!p1 $0x2710  }
0x73: {  	s2 =	ssub.s32 s0, s12  }
0x74: {  	p1 =	slt.s32 s2, $0x1  }
.Ltmp3:
0x75: {  	_ = 	snop;
	(pc) =	sbr.rel @p1 .LBB2_10-.Ltmp3, $4  }
0x76: {  	s4 =	simm.s32 $0x1  }
0x77: {  	s31 =	sshll.u32 s13, $0xE;
	_ =	swait.ge [sflag:s4], s16  }
0x78: {  	s1 =	sand.u32 $0x4000, s31;
	s3 =	ssub.s32 $0x0, s16;
	[sflag:s4] =	ssyncset.done $0x0  }
0x79: {  	s17 =	sor.u32 $0x8000, s1;
	[sflag:s4] =	ssyncadd.s32 s3  }
0x7a: {  	p2 =	sne.s32 s2, $0x1  }
.Ltmp4:
0x7b: {  	_ = 	snop;
	(pc) =	sbr.rel @!p2 .LBB2_4-.Ltmp4, $3  }
0x7c: {  	_ =	sdelay $0x1  }
0x7d: {  	s15 =	simm.s32 $0x0;
	v1 =	vmov s1;
	v0 =	vmov s17;
	s21 =	sadd.s32 $0xFFFFFFFF, s2  }
0x7e: {  	p1 =	por $0x0, $0x0;
	s0 =	sand.u32 $0xFFFFF000, s15;
	s1 =	sand.u32 $0x380, s15  }
0x7f: {  	[dreg:$0xf] =	wrdreg s17  }
0x80: {  	[dreg:$0xe] =	wrdreg s16  }
0x81: {  	[dreg:$0xd] =	wrdreg s14  }
0x82: {  	[dreg:$0xc] =	wrdreg s13;
	s0 =	sor.u32 s1, s0  }
0x83: {  	[dreg:$0xb] =	wrdreg s12;
	s29 =	sand.u32 $0x180, s15;
	s2 =	sand.u32 $0x3200, s0  }
0x84: {  	[dreg:$0xa] =	wrdreg s11;
	s0 =	sand.u32 $0x3380, s0;
	s1 =	sor.u32 s29, s2  }
0x85: {  	s28 =	sor.u32 $0x830, s0;
	v2 =	vld.idx.msk [tilespmem:v1+s1+$0x0 ss:$0x1], $0xffff  }
0x86: {  	s29 =	sor.u32 $0x840, s0;
	v9 =	vld.idx.msk [tilespmem:v1+s28+$0x0 ss:$0x1], $0xffff  }
0x87: {  	s2 =	sor.u32 $0xC00, s1;
	v10 =	vld.idx.msk [tilespmem:v1+s29+$0x0 ss:$0x1], $0xffff  }
0x88: {  	s3 =	sor.u32 $0x10, s1;
	v3 =	vld.idx.msk [tilespmem:v1+s2+$0x0 ss:$0x1], $0xffff  }
0x89: {  	s4 =	sor.u32 $0x20, s1;
	v4 =	vld.idx.msk [tilespmem:v1+s3+$0x0 ss:$0x1], $0xffff  }
0x8a: {  	s5 =	sor.u32 $0x30, s1;
	v5 =	vld.idx.msk [tilespmem:v1+s4+$0x0 ss:$0x1], $0xffff  }
0x8b: {  	s6 =	sor.u32 $0x40, s1;
	v6 =	vld.idx.msk [tilespmem:v1+s5+$0x0 ss:$0x1], $0xffff;
	[tilespmem:v0+s1+$0x0 ss:$0x1] =	vst.idx.msk $0xffff, v2  }
0x8c: {  	s8 =	sor.u32 $0x60, s1;
	v7 =	vld.idx.msk [tilespmem:v1+s6+$0x0 ss:$0x1], $0xffff;
	[tilespmem:v0+s28+$0x0 ss:$0x1] =	vst.idx.msk $0xffff, v9  }
0x8d: {  	s7 =	sor.u32 $0x50, s1;
	v8 =	vld.idx.msk [tilespmem:v1+s8+$0x0 ss:$0x1], $0xffff;
	[tilespmem:v0+s29+$0x0 ss:$0x1] =	vst.idx.msk $0xffff, v10  }
0x8e: {  	s31 =	sor.u32 $0x70, s1;
	v2 =	vld.idx.msk [tilespmem:v1+s7+$0x0 ss:$0x1], $0xffff;
	[tilespmem:v0+s2+$0x0 ss:$0x1] =	vst.idx.msk $0xffff, v3  }
0x8f: {  	s9 =	sor.u32 $0x400, s1;
	[tilespmem:v0+s3+$0x0 ss:$0x1] =	vst.idx.msk $0xffff, v4;
	v3 =	vld.idx.msk [tilespmem:v1+s31+$0x0 ss:$0x1], $0xffff  }
0x90: {  	s1 =	sor.u32 $0x800, s1;
	[tilespmem:v0+s4+$0x0 ss:$0x1] =	vst.idx.msk $0xffff, v5;
	v4 =	vld.idx.msk [tilespmem:v1+s9+$0x0 ss:$0x1], $0xffff  }
0x91: {  	s10 =	sor.u32 $0x410, s0;
	[tilespmem:v0+s5+$0x0 ss:$0x1] =	vst.idx.msk $0xffff, v6;
	v5 =	vld.idx.msk [tilespmem:v1+s1+$0x0 ss:$0x1], $0xffff  }
0x92: {  	s12 =	sor.u32 $0x430, s0;
	[tilespmem:v0+s6+$0x0 ss:$0x1] =	vst.idx.msk $0xffff, v7;
	v6 =	vld.idx.msk [tilespmem:v1+s10+$0x0 ss:$0x1], $0xffff  }
0x93: {  	s16 =	sor.u32 $0x460, s0;
	[tilespmem:v0+s8+$0x0 ss:$0x1] =	vst.idx.msk $0xffff, v8;
	v7 =	vld.idx.msk [tilespmem:v1+s12+$0x0 ss:$0x1], $0xffff  }
0x94: {  	s11 =	sor.u32 $0x420, s0;
	v8 =	vld.idx.msk [tilespmem:v1+s16+$0x0 ss:$0x1], $0xffff;
	[tilespmem:v0+s7+$0x0 ss:$0x1] =	vst.idx.msk $0xffff, v2  }
0x95: {  	s13 =	sor.u32 $0x440, s0;
	v2 =	vld.idx.msk [tilespmem:v1+s11+$0x0 ss:$0x1], $0xffff;
	[tilespmem:v0+s31+$0x0 ss:$0x1] =	vst.idx.msk $0xffff, v3  }
0x96: {  	s14 =	sor.u32 $0x450, s0;
	v3 =	vld.idx.msk [tilespmem:v1+s13+$0x0 ss:$0x1], $0xffff;
	[tilespmem:v0+s9+$0x0 ss:$0x1] =	vst.idx.msk $0xffff, v4  }
0x97: {  	s17 =	sor.u32 $0x470, s0;
	v4 =	vld.idx.msk [tilespmem:v1+s14+$0x0 ss:$0x1], $0xffff;
	[tilespmem:v0+s1+$0x0 ss:$0x1] =	vst.idx.msk $0xffff, v5  }
0x98: {  	s18 =	sor.u32 $0x810, s0;
	[tilespmem:v0+s10+$0x0 ss:$0x1] =	vst.idx.msk $0xffff, v6;
	v5 =	vld.idx.msk [tilespmem:v1+s17+$0x0 ss:$0x1], $0xffff  }
0x99: {  	s19 =	sor.u32 $0x820, s0;
	v6 =	vld.idx.msk [tilespmem:v1+s18+$0x0 ss:$0x1], $0xffff;
	[tilespmem:v0+s12+$0x0 ss:$0x1] =	vst.idx.msk $0xffff, v7  }
0x9a: {  	v7 =	vld.idx.msk [tilespmem:v1+s19+$0x0 ss:$0x1], $0xffff;
	s31 =	sor.u32 $0x850, s0;
	[tilespmem:v0+s16+$0x0 ss:$0x1] =	vst.idx.msk $0xffff, v8  }
0x9b: {  	s24 =	sor.u32 $0x860, s0;
	v8 =	vld.idx.msk [tilespmem:v1+s31+$0x0 ss:$0x1], $0xffff;
	[tilespmem:v0+s11+$0x0 ss:$0x1] =	vst.idx.msk $0xffff, v2  }
0x9c: {  	p2 =	sne.s32 s21, $0x1;
	s25 =	sor.u32 $0x870, s0;
	v2 =	vld.idx.msk [tilespmem:v1+s24+$0x0 ss:$0x1], $0xffff;
	[tilespmem:v0+s13+$0x0 ss:$0x1] =	vst.idx.msk $0xffff, v3  }
.Ltmp5:
0x9d: {  	s26 =	sor.u32 $0xC10, s0;
	[tilespmem:v0+s14+$0x0 ss:$0x1] =	vst.idx.msk $0xffff, v4;
	v3 =	vld.idx.msk [tilespmem:v1+s25+$0x0 ss:$0x1], $0xffff;
	(pc) =	sbr.rel @!p2 .LBB2_6-.Ltmp5, $4  }
0x9e: {  	s15 =	simm.s32 $0x80;
	s21 =	sadd.s32 $0xFFFFFFFF, s21;
	s23 =	sor.u32 $0xC20, s0;
	[tilespmem:v0+s17+$0x0 ss:$0x1] =	vst.idx.msk $0xffff, v5;
	v4 =	vld.idx.msk [tilespmem:v1+s26+$0x0 ss:$0x1], $0xffff  }
0x9f: {  	p1 =	por $0x1, $0x1;
	s22 =	sor.u32 $0xC30, s0;
	s20 =	sor.u32 $0xC40, s0;
	[tilespmem:v0+s18+$0x0 ss:$0x1] =	vst.idx.msk $0xffff, v6;
	v5 =	vld.idx.msk [tilespmem:v1+s23+$0x0 ss:$0x1], $0xffff  }
0xa0: {  	s30 =	sor.u32 $0xC50, s0;
	s1 =	sand.u32 $0x380, s15;
	[tilespmem:v0+s19+$0x0 ss:$0x1] =	vst.idx.msk $0xffff, v7;
	s19 =	simm.s32 $0x200;
	v6 =	vld.idx.msk [tilespmem:v1+s22+$0x0 ss:$0x1], $0xffff  }
0xa1: {  	s14 =	sor.u32 $0xC60, s0;
	s13 =	sor.u32 $0xC70, s0;
	v7 =	vld.idx.msk [tilespmem:v1+s20+$0x0 ss:$0x1], $0xffff;
	s0 =	sand.u32 $0xFFFFF000, s19;
	[tilespmem:v0+s31+$0x0 ss:$0x1] =	vst.idx.msk $0xffff, v8  }
.LBB2_7:
0xa2: {  	s0 =	sor.u32 s1, s0  }
0xa3: {  	s18 =	sand.u32 $0x180, s15;
	s2 =	sand.u32 $0x3200, s0  }
0xa4: {  	s1 =	sor.u32 s18, s2  }
0xa5: {  	v8 =	vld.idx.msk [tilespmem:v1+s1+$0x0 ss:$0x1], $0xffff;
	[tilespmem:v0+s24+$0x0 ss:$0x1] =	vst.idx.msk $0xffff, v2  }
0xa6: {  	v2 =	vld.idx.msk [tilespmem:v1+s30+$0x0 ss:$0x1], $0xffff;
	[tilespmem:v0+s25+$0x0 ss:$0x1] =	vst.idx.msk $0xffff, v3  }
0xa7: {  	v3 =	vld.idx.msk [tilespmem:v1+s14+$0x0 ss:$0x1], $0xffff;
	[tilespmem:v0+s26+$0x0 ss:$0x1] =	vst.idx.msk $0xffff, v4  }
0xa8: {  	v4 =	vld.idx.msk [tilespmem:v1+s13+$0x0 ss:$0x1], $0xffff;
	s26 =	sor.u32 $0xC00, s1;
	[tilespmem:v0+s23+$0x0 ss:$0x1] =	vst.idx.msk $0xffff, v5  }
0xa9: {  	s24 =	smov.u32 s14;
	s14 =	sor.u32 $0x10, s1;
	[tilespmem:v0+s22+$0x0 ss:$0x1] =	vst.idx.msk $0xffff, v6;
	v5 =	vld.idx.msk [tilespmem:v1+s26+$0x0 ss:$0x1], $0xffff  }
0xaa: {  	s25 =	smov.u32 s13;
	s13 =	sor.u32 $0x20, s1;
	[tilespmem:v0+s20+$0x0 ss:$0x1] =	vst.idx.msk $0xffff, v7;
	v6 =	vld.idx.msk [tilespmem:v1+s14+$0x0 ss:$0x1], $0xffff  }
0xab: {  	s9 =	sor.u32 $0x60, s1;
	v7 =	vld.idx.msk [tilespmem:v1+s13+$0x0 ss:$0x1], $0xffff;
	[tilespmem:v0+s1+$0x0 ss:$0x1] =	vst.idx.msk $0xffff, v8  }
0xac: {  	s12 =	sor.u32 $0x30, s1;
	v8 =	vld.idx.msk [tilespmem:v1+s9+$0x0 ss:$0x1], $0xffff;
	[tilespmem:v0+s30+$0x0 ss:$0x1] =	vst.idx.msk $0xffff, v2  }
0xad: {  	s10 =	sor.u32 $0x40, s1;
	v2 =	vld.idx.msk [tilespmem:v1+s12+$0x0 ss:$0x1], $0xffff;
	[tilespmem:v0+s24+$0x0 ss:$0x1] =	vst.idx.msk $0xffff, v3  }
0xae: {  	s11 =	sor.u32 $0x50, s1;
	v3 =	vld.idx.msk [tilespmem:v1+s10+$0x0 ss:$0x1], $0xffff;
	[tilespmem:v0+s25+$0x0 ss:$0x1] =	vst.idx.msk $0xffff, v4  }
0xaf: {  	s16 =	sor.u32 $0x70, s1;
	v4 =	vld.idx.msk [tilespmem:v1+s11+$0x0 ss:$0x1], $0xffff;
	[tilespmem:v0+s26+$0x0 ss:$0x1] =	vst.idx.msk $0xffff, v5  }
0xb0: {  	s6 =	sand.u32 $0x3380, s0;
	s17 =	sor.u32 $0x400, s1;
	[tilespmem:v0+s14+$0x0 ss:$0x1] =	vst.idx.msk $0xffff, v6;
	v5 =	vld.idx.msk [tilespmem:v1+s16+$0x0 ss:$0x1], $0xffff  }
0xb1: {  	s3 =	sor.u32 $0x430, s6;
	[tilespmem:v0+s13+$0x0 ss:$0x1] =	vst.idx.msk $0xffff, v7;
	v6 =	vld.idx.msk [tilespmem:v1+s17+$0x0 ss:$0x1], $0xffff  }
0xb2: {  	s5 =	sor.u32 $0x460, s6;
	v7 =	vld.idx.msk [tilespmem:v1+s3+$0x0 ss:$0x1], $0xffff;
	[tilespmem:v0+s9+$0x0 ss:$0x1] =	vst.idx.msk $0xffff, v8  }
0xb3: {  	s18 =	sor.u32 $0x800, s1;
	v8 =	vld.idx.msk [tilespmem:v1+s5+$0x0 ss:$0x1], $0xffff;
	[tilespmem:v0+s12+$0x0 ss:$0x1] =	vst.idx.msk $0xffff, v2  }
0xb4: {  	s29 =	sor.u32 $0x410, s6;
	v2 =	vld.idx.msk [tilespmem:v1+s18+$0x0 ss:$0x1], $0xffff;
	[tilespmem:v0+s10+$0x0 ss:$0x1] =	vst.idx.msk $0xffff, v3  }
0xb5: {  	s28 =	sor.u32 $0x420, s6;
	v3 =	vld.idx.msk [tilespmem:v1+s29+$0x0 ss:$0x1], $0xffff;
	[tilespmem:v0+s11+$0x0 ss:$0x1] =	vst.idx.msk $0xffff, v4  }
0xb6: {  	s2 =	sor.u32 $0x440, s6;
	v4 =	vld.idx.msk [tilespmem:v1+s28+$0x0 ss:$0x1], $0xffff;
	[tilespmem:v0+s16+$0x0 ss:$0x1] =	vst.idx.msk $0xffff, v5  }
0xb7: {  	s7 =	sor.u32 $0x450, s6;
	v5 =	vld.idx.msk [tilespmem:v1+s2+$0x0 ss:$0x1], $0xffff;
	[tilespmem:v0+s17+$0x0 ss:$0x1] =	vst.idx.msk $0xffff, v6  }
0xb8: {  	s30 =	sor.u32 $0x850, s6;
	v6 =	vld.idx.msk [tilespmem:v1+s7+$0x0 ss:$0x1], $0xffff;
	[tilespmem:v0+s3+$0x0 ss:$0x1] =	vst.idx.msk $0xffff, v7  }
0xb9: {  	s8 =	sor.u32 $0x470, s6;
	v7 =	vld.idx.msk [tilespmem:v1+s30+$0x0 ss:$0x1], $0xffff;
	[tilespmem:v0+s5+$0x0 ss:$0x1] =	vst.idx.msk $0xffff, v8  }
0xba: {  	s4 =	sor.u32 $0x810, s6;
	[tilespmem:v0+s18+$0x0 ss:$0x1] =	vst.idx.msk $0xffff, v2;
	v2 =	vld.idx.msk [tilespmem:v1+s8+$0x0 ss:$0x1], $0xffff  }
0xbb: {  	s0 =	sor.u32 $0x820, s6;
	[tilespmem:v0+s29+$0x0 ss:$0x1] =	vst.idx.msk $0xffff, v3;
	v3 =	vld.idx.msk [tilespmem:v1+s4+$0x0 ss:$0x1], $0xffff  }
0xbc: {  	s31 =	sor.u32 $0x830, s6;
	[tilespmem:v0+s28+$0x0 ss:$0x1] =	vst.idx.msk $0xffff, v4;
	v4 =	vld.idx.msk [tilespmem:v1+s0+$0x0 ss:$0x1], $0xffff  }
0xbd: {  	s1 =	sor.u32 $0x840, s6;
	[tilespmem:v0+s2+$0x0 ss:$0x1] =	vst.idx.msk $0xffff, v5;
	v5 =	vld.idx.msk [tilespmem:v1+s31+$0x0 ss:$0x1], $0xffff  }
0xbe: {  	s20 =	sor.u32 $0xC40, s6;
	[tilespmem:v0+s7+$0x0 ss:$0x1] =	vst.idx.msk $0xffff, v6;
	v6 =	vld.idx.msk [tilespmem:v1+s1+$0x0 ss:$0x1], $0xffff  }
0xbf: {  	p2 =	sne.s32 s21, $0x1;
	s24 =	sor.u32 $0x860, s6;
	[tilespmem:v0+s30+$0x0 ss:$0x1] =	vst.idx.msk $0xffff, v7;
	v7 =	vld.idx.msk [tilespmem:v1+s20+$0x0 ss:$0x1], $0xffff  }
.Ltmp6:
0xc0: {  	s15 =	sadd.s32 $0x80, s15;
	s25 =	sor.u32 $0x870, s6;
	[tilespmem:v0+s8+$0x0 ss:$0x1] =	vst.idx.msk $0xffff, v2;
	v2 =	vld.idx.msk [tilespmem:v1+s24+$0x0 ss:$0x1], $0xffff;
	(pc) =	sbr.rel @p2 .LBB2_7-.Ltmp6, $4  }
0xc1: {  	s19 =	sadd.s32 $0x200, s19;
	s21 =	sadd.s32 $0xFFFFFFFF, s21;
	s26 =	sor.u32 $0xC10, s6;
	[tilespmem:v0+s4+$0x0 ss:$0x1] =	vst.idx.msk $0xffff, v3;
	v3 =	vld.idx.msk [tilespmem:v1+s25+$0x0 ss:$0x1], $0xffff  }
0xc2: {  	s23 =	sor.u32 $0xC20, s6;
	s22 =	sor.u32 $0xC30, s6;
	s14 =	sor.u32 $0xC50, s6;
	[tilespmem:v0+s0+$0x0 ss:$0x1] =	vst.idx.msk $0xffff, v4;
	v4 =	vld.idx.msk [tilespmem:v1+s26+$0x0 ss:$0x1], $0xffff  }
0xc3: {  	s13 =	sor.u32 $0xC70, s6;
	[dreg:$0x3] =	wrdreg s14;
	s14 =	sor.u32 $0xC60, s6;
	[tilespmem:v0+s31+$0x0 ss:$0x1] =	vst.idx.msk $0xffff, v5;
	v5 =	vld.idx.msk [tilespmem:v1+s23+$0x0 ss:$0x1], $0xffff  }
0xc4: {  	s30 =	rddreg [dreg:$0x3];
	s0 =	sand.u32 $0xFFFFF000, s19;
	[tilespmem:v0+s1+$0x0 ss:$0x1] =	vst.idx.msk $0xffff, v6;
	v6 =	vld.idx.msk [tilespmem:v1+s22+$0x0 ss:$0x1], $0xffff;
	s1 =	sand.u32 $0x380, s15  }
0xc5: {  	s7 =	rddreg [dreg:$0x5]  }
0xc6: {  	s8 =	rddreg [dreg:$0x6]  }
0xc7: {  	s9 =	rddreg [dreg:$0x8]  }
0xc8: {  	s10 =	rddreg [dreg:$0x9]  }
0xc9: {  	s11 =	rddreg [dreg:$0xa]  }
.Ltmp7:
0xca: {  	s12 =	rddreg [dreg:$0xb];
	(pc) =	sbr.rel .LBB2_9-.Ltmp7, $4  }
0xcb: {  	s3 =	smov.u32 s13;
	s13 =	rddreg [dreg:$0xc]  }
0xcc: {  	s4 =	smov.u32 s14;
	s14 =	rddreg [dreg:$0xd]  }
0xcd: {  	s16 =	rddreg [dreg:$0xe]  }
0xce: {  	s17 =	rddreg [dreg:$0xf]  }
.LBB2_6:
0xcf: {  	s7 =	rddreg [dreg:$0x5]  }
0xd0: {  	s8 =	rddreg [dreg:$0x6]  }
0xd1: {  	s9 =	rddreg [dreg:$0x8]  }
0xd2: {  	s10 =	rddreg [dreg:$0x9]  }
0xd3: {  	s11 =	rddreg [dreg:$0xa]  }
.Ltmp8:
0xd4: {  	s12 =	rddreg [dreg:$0xb];
	(pc) =	sbr.rel .LBB2_9-.Ltmp8, $4  }
0xd5: {  	s3 =	smov.u32 s13;
	s13 =	rddreg [dreg:$0xc]  }
0xd6: {  	s4 =	smov.u32 s14;
	s14 =	rddreg [dreg:$0xd]  }
0xd7: {  	s16 =	rddreg [dreg:$0xe]  }
0xd8: {  	s17 =	rddreg [dreg:$0xf]  }
.LBB2_12:
0xd9: {  	_ =	sfence.sel $0x180000  }
0xda: {  	s0 =	simm.s32 $0x1;
	[bflag:$0x0] =	sbarrier.arrive $0xFFFF  }
0xdb: {  	s31 =	simm.s32 $0x2;
	[sflag:s0] =	ssyncpa.u1 $0x1  }
0xdc: {  	[sflag:s31] =	ssyncpa.u1 $0x1  }
0xdd: {  	_ =	strace $0x9000004D  }
0xde: {  	[bflag:$0x2] =	sbarrier.arrive $0xFFFF  }
0xdf: {  	s0 =	rddreg [dreg:$0x2]  }
0xe0: {  	s0 =	sadd.s32 @!p0 $0x100000, s0  }
0xe1: {  	s1 =	rddreg [dreg:$0x4];
	[sflag:s0] =	ssyncadd.tile.s32 @!p0 $0x1;
	s0 =	simm.s32 @!p0 $0x3F  }
0xe2: {  	_ =	swait.ge @!p0 [sflag:s0], s1  }
0xe3: {  	s1 =	ssub.s32 @!p0 $0x0, s1;
	[sflag:s0] =	ssyncset.done @!p0 $0x0  }
0xe4: {  	[sflag:s0] =	ssyncadd.s32 @!p0 s1  }
0xe5: {  	[bflag:$0x3] =	sbarrier.arrive $0xFFFF  }
0xe6: {  	_ =	shalt  }
.Lfunc_end2:
execute1_lowered:
.L_overlay_start_2:
0xe7: {  	(tag) =	ssettag $0x2  }
0xe8: {  	s2 =	rddreg [dreg:$0x0]  }
0xe9: {  	s3 =	rddreg [dreg:$0x1];
	_ =	strace $0x80000050;
	s0 =	simm.s32 $0x1  }
0xea: {  	s4 =	simm.s32 $0x408;
	v0 =	vimm.s32 $0x0;
	[sflag:s0] =	ssyncpa.u1 $0x0  }
0xeb: {  	[tilespmem:s4+$0x70] =	vst v0  }
0xec: {  	[tilespmem:s4+$0x60] =	vst v0  }
0xed: {  	[tilespmem:s4+$0x50] =	vst v0  }
0xee: {  	[tilespmem:s4+$0x40] =	vst v0  }
0xef: {  	s1 =	sadd.s32 $0x8D4C00, s2;
	[tilespmem:s4+$0x30] =	vst v0  }
0xf0: {  	s0 =	sadd.s32 $0x4400, s2;
	s6 =	sadd.s32 $0x2006400, s2;
	[tilespmem:s4+$0x20] =	vst v0  }
0xf1: {  	s2 =	sadd.s32 $0x9400, s2;
	s7 =	sand.u32 $0x1, s3;
	s3 =	simm.s32 $0x40;
	[tilespmem:s4+$0x10] =	vst v0  }
.LBB3_1:
0xf2: {  	s3 =	sadd.s32 $0x40, s3;
	[tilespmem:s4+$0x0] =	vst v0;
	s4 =	sadd.s32 $0x80, s4  }
0xf3: {  	p0 =	slt.u32 s3, $0x3100;
	[tilespmem:s4+$0x70] =	vst v0  }
0xf4: {  	[tilespmem:s4+$0x60] =	vst v0  }
.Ltmp9:
0xf5: {  	[tilespmem:s4+$0x50] =	vst v0;
	(pc) =	sbr.rel @p0 .LBB3_1-.Ltmp9, $4  }
0xf6: {  	[tilespmem:s4+$0x40] =	vst v0  }
0xf7: {  	[tilespmem:s4+$0x30] =	vst v0  }
0xf8: {  	[tilespmem:s4+$0x20] =	vst v0  }
0xf9: {  	[tilespmem:s4+$0x10] =	vst v0  }
0xfa: {  	s10 =	stileid.u32  }
0xfb: {  	s3 =	smul.u32 $0x68, s10  }
0xfc: {  	s5 =	smin.u32 s10, $0x3  }
0xfd: {  	s3 =	sor.u32 s5, s3  }
0xfe: {  	p0 =	slt.u32 s10, $0x3;
	s11 =	smul.u32 $0x30, s3;
	s3 =	simm.s32 $0x13B0  }
0xff: {  	s3 =	simm.s32 @!p0 $0x1380  }
0x100: {  	s3 =	sadd.s32 s3, s11  }
0x101: {  	s8 =	smin.u32 s3, $0x13880  }
0x102: {  	s26 =	simm.s32 $0x2;
	s9 =	simm.s32 $0x9;
	s3 =	ssub.s32 s8, s11  }
0x103: {  	s29 =	simm.s32 $0xA;
	s30 =	simm.s32 $0xB;
	p0 =	sgt.s32 s3, $0x0  }
0x104: {  	[dreg:$0x4] =	wrdreg s7;
	s31 =	smul.u32 $0x2710, s7;
	s3 =	simm.s32 @!p0 $0x0  }
0x105: {  	s12 =	simm.s32 $0x1;
	s24 =	simm.s32 $0x0;
	s25 =	smulhi.u32 $0x2AAAAAAB, s3  }
0x106: {  	p1 =	por $0x0, $0x0;
	s18 =	simm.s32 $0x80;
	s19 =	simm.s32 $0x400  }
0x107: {  	s20 =	simm.s32 $0xC;
	s21 =	simm.s32 $0x0;
	s28 =	sshrl.u32 s25, $0x3  }
0x108: {  	[tilespmem:s4+$0x0] =	vst v0;
	v0 =	vimm.s32 $0xFFFFFFFF;
	s23 =	simm.s32 $0x0;
	[sflag:s26] =	ssyncpa.u1 $0x0;
	s5 =	smul.u32 $0x30, s28  }
0x109: {  	s16 =	sshll.u32 s10, $0xA;
	[tilespmem:$0xC808] =	vst v0;
	[sflag:s9] =	ssyncpa.u1 $0x0;
	s14 =	sadd.s32 s31, s2  }
.Ltmp10:
0x10a: {  	p0 =	sne.s32 s3, s5;
	s3 =	simm.s32 $0x1;
	(pc) =	sbr.rel .LBB3_3-.Ltmp10, $4  }
0x10b: {  	s15 =	sadd.s32 s31, s0;
	[dreg:$0x6] =	wrdreg s14;
	s3 =	simm.s32 @!p0 $0x0  }
0x10c: {  	[sflag:s29] =	ssyncpa.u1 $0x0;
	[dreg:$0x7] =	wrdreg s15;
	s13 =	sadd.s32 s3, s28  }
0x10d: {  	[sflag:s30] =	ssyncpa.u1 $0x0;
	s17 =	sadd.s32 $0x1, s13;
	[dreg:$0x5] =	wrdreg s13  }
0x10e: {  	v0 =	vlaneseq.u32;
	s22 =	smov.u32 s11;
	p0 =	por $0x1, $0x1;
	[dreg:$0x8] =	wrdreg s17  }
.LBB3_30:
0x10f: {  	s0 =	sshrl.u32 s0, $0x2  }
.LBB3_32:
0x110: {  	_ =	swait.ge [sflag:s20], s0  }
0x111: {  	s30 =	ssub.s32 $0x0, s0;
	v1 =	vmov s26;
	vm0 =	veq.s32 v0, $0x0;
	[sflag:s20] =	ssyncset.done $0x0  }
0x112: {  	vm15 =	veq.s32 v0, $0x2;
	v1 =	vsel vm0, s31, v1;
	[sflag:s20] =	ssyncadd.s32 s30  }
0x113: {  	v1 =	vsel vm15, s24, v1;
	[sflag:s20] =	ssyncpa.u1 $0x1  }
0x114: {  	[tilespmem:$0xC808] =	vst v1  }
.LBB3_33:
0x115: {  	s0 =	sadd.s32 $0x30, s22  }
0x116: {  	s2 =	smov.u32 s11;
	p2 =	slt.s32 s0, s8  }
0x117: {  	s2 =	smov.u32 @p2 s0;
	p2 =	sne.s32 s23, s17  }
.Ltmp11:
0x118: {  	_ = 	snop;
	(pc) =	sbr.rel @!p2 .LBB3_34-.Ltmp11, $4  }
0x119: {  	_ = 	snop  }
0x11a: {  	s24 =	smov.u32 s21  }
0x11b: {  	s31 =	sadd.s32 $0x1, s23;
	s21 =	smov.u32 s22;
	p0 =	por !p0, !p0  }
0x11c: {  	p1 =	por !p1, !p1;
	s23 =	smov.u32 s31;
	s22 =	smov.u32 s2  }
.LBB3_3:
0x11d: {  	p2 =	sge.u32 s23, s13  }
0x11e: {  	s0 =	smulhi.u32 @!p2 $0xAAAAAAAB, s23  }
0x11f: {  	s2 =	smov.u32 s22;
	p3 =	sgt.s32 @!p2 s22, $0x13850  }
0x120: {  	s3 =	sshra.s32 @!p2 s22, $0x1F;
	p3 =	por !p3, p2;
	s0 =	sshrl.u32 @!p2 s0, $0x1  }
0x121: {  	s3 =	sand.u32 @!p2 s3, s22;
	s2 =	simm.s32 @p3 $0x13850;
	s0 =	smul.u32 @!p2 $0x3, s0  }
0x122: {  	s2 =	ssub.s32 @!p2 s2, s3  }
0x123: {  	s2 =	sadd.s32 @!p2 $0xFFFEC7B0, s2;
	s0 =	ssub.s32 @!p2 s23, s0  }
0x124: {  	s3 =	sshll.u32 @!p2 s2, $0x2;
	p3 =	sgt.s32 @!p2 s2, $0x2F;
	s0 =	smul.u32 @!p2 $0xC0, s0  }
0x125: {  	s4 =	sand.u32 @!p2 $0x7, s22;
	s2 =	ssub.s32 @!p2 $0xC0, s3;
	p3 =	por !p3, p2  }
0x126: {  	s3 =	sshrl.u32 @!p2 s22, $0x3;
	s2 =	sshrl.u32 @!p2 s2, $0x2;
	s0 =	sshrl.u32 @!p2 s0, $0x2  }
0x127: {  	s3 =	sadd.s32 @!p2 s3, s14;
	s2 =	simm.s32 @!p3 $0x0;
	s0 =	sadd.s32 @!p2 $0x10848, s0  }
0x128: {  	[tilespmem:s0], [sflag:$0xA] =	stream.linear.gather @!p2 [hbm4b:s3+s4], s2, $0x38;
	[tilespmem:$0x1C938] =	vst v63  }
0x129: {  	s2 =	sadd.s32 $0xFFFFFFFF, s23  }
0x12a: {  	p2 =	sge.u32 s2, s13  }
0x12b: {  	p3 =	sgt.s32 @!p2 s21, $0x13850  }
0x12c: {  	s0 =	smov.u32 s21;
	s3 =	sshra.s32 @!p2 s21, $0x1F;
	p3 =	por !p3, p2  }
0x12d: {  	s3 =	sand.u32 @!p2 s3, s21;
	s0 =	simm.s32 @p3 $0x13850  }
0x12e: {  	s0 =	ssub.s32 @!p2 s0, s3  }
0x12f: {  	s0 =	sadd.s32 @!p2 $0xFFFEC7B0, s0  }
0x130: {  	s3 =	sshll.u32 @!p2 s0, $0x2  }
0x131: {  	p3 =	sgt.s32 @!p2 s0, $0x2F;
	s0 =	ssub.s32 @!p2 $0xC0, s3  }
0x132: {  	p3 =	por !p3, p2;
	s0 =	sshrl.u32 @!p2 s0, $0x2  }
0x133: {  	s4 =	simm.s32 @!p2 $0xA;
	s3 =	sand.u32 @!p2 $0x1, s2;
	s0 =	simm.s32 @!p3 $0x0  }
0x134: {  	s3 =	smul.u32 @!p2 $0xC0, s3;
	_ =	swait.ge @!p2 [sflag:s4], s0  }
0x135: {  	s5 =	ssub.s32 @!p2 $0x0, s0;
	[sflag:s4] =	ssyncset.done @!p2 $0x0  }
0x136: {  	s3 =	sshrl.u32 @!p2 s3, $0x2;
	[sflag:s4] =	ssyncadd.s32 @!p2 s5;
	s4 =	sshrl.u32 @!p2 s21, $0x3  }
0x137: {  	s3 =	sadd.s32 @!p2 $0x108D8, s3;
	s5 =	sand.u32 @!p2 $0x7, s21;
	s4 =	sadd.s32 @!p2 s4, s15  }
0x138: {  	[tilespmem:s3], [sflag:$0xB] =	stream.linear.gather @!p2 [hbm4b:s4+s5], s0, $0x38;
	[tilespmem:$0x1C938] =	vst v63  }
0x139: {  	s0 =	ssub.s32 @!p2 $0x13880, s21  }
0x13a: {  	p3 =	slt.s32 @!p2 s0, $0x1  }
0x13b: {  	p3 =	por p2, p3  }
.Ltmp12:
0x13c: {  	_ = 	snop;
	(pc) =	sbr.rel @p3 .LBB3_9-.Ltmp12, $1  }
0x13d: {  	_ =	sdelay $0x3  }
0x13e: {  	s3 =	smulhi.u32 $0xAAAAAAAB, s2;
	_ =	sdelay $0x1  }
0x13f: {  	s3 =	sshrl.u32 s3, $0x1  }
0x140: {  	s3 =	smul.u32 $0x3, s3;
	_ =	sdelay $0x1  }
0x141: {  	s29 =	ssub.s32 s2, s3  }
0x142: {  	s4 =	simm.s32 $0x1;
	s2 =	smul.u32 $0xC0, s29  }
.Ltmp13:
0x143: {  	s4 =	simm.s32 @!p0 $0x0;
	(pc) =	sbr.rel .LBB3_6-.Ltmp13, $4  }
0x144: {  	s30 =	smul.u32 $0x18000, s4  }
0x145: {  	p3 =	slt.s32 @!p2 s0, $0x30;
	s2 =	sshrl.u32 s2, $0x2  }
0x146: {  	p2 =	por !p3, p2;
	s3 =	sshrl.u32 s30, $0x2;
	s31 =	sadd.s32 $0x10848, s2  }
0x147: {  	s0 =	simm.s32 @p2 $0x30;
	s2 =	sor.u32 $0x10938, s3;
	s3 =	simm.s32 $0x0;
	v1 =	vmov s31  }
.LBB3_5:
0x148: {  	p2 =	sge.s32 s3, s0  }
.Ltmp14:
0x149: {  	_ = 	snop;
	(pc) =	sbr.rel @p2 .LBB3_9-.Ltmp14, $2  }
0x14a: {  	_ =	sdelay $0x2  }
0x14b: {  	s2 =	sadd.s32 $0x2000, s2  }
.LBB3_6:
0x14c: {  	p2 =	sle.s32 s0, s3  }
.Ltmp15:
0x14d: {  	_ = 	snop;
	(pc) =	sbr.rel @p2 .LBB3_5-.Ltmp15, $2  }
0x14e: {  	_ =	sdelay $0x2  }
0x14f: {  	s4 =	smov.u32 s3;
	s3 =	sadd.s32 $0x10, s3  }
0x150: {  	s5 =	ssub.s32 s0, s4  }
0x151: {  	p2 =	slt.s32 s5, $0x10  }
0x152: {  	s5 =	simm.s32 @!p2 $0x10  }
0x153: {  	v2 =	vmov s5  }
0x154: {  	vm0 =	vgt.s32 v2, v0;
	_ =	sdelay $0x5  }
0x155: {  	v2 =	vld.idx.msk [tilespmem:v1+s4+$0x0 ss:$0x1], vm0;
	_ =	sdelay $0x2  }
0x156: {  	p2 =	slt.s32 s3, s0;
	s5 =	smov.u32 s0  }
0x157: {  	s9 =	smov.u32 s2;
	s25 =	simm.s32 $0x0;
	s5 =	smov.u32 @p2 s3  }
.LBB3_8:
0x158: {  	(v2sf) =	vpush v2, s25;
	_ =	sdelay $0xe  }
0x159: {  	s25 =	sadd.s32 $0x1, s25;
	s10 =	spop (v2sf)  }
0x15a: {  	s31 =	sadd.s32 s25, s4;
	s26 =	sshll.u32 s10, $0x9;
	s10 =	sshll.u32 s10, $0x7  }
0x15b: {  	p2 =	slt.s32 s31, s5;
	s26 =	sand.u32 $0xFFFFF000, s26;
	s10 =	sand.u32 $0x380, s10  }
.Ltmp16:
0x15c: {  	s10 =	sor.u32 s10, s26;
	(pc) =	sbr.rel @p2 .LBB3_8-.Ltmp16, $4  }
0x15d: {  	s10 =	sshrl.u32 s10, $0x3  }
0x15e: {  	s10 =	sadd.s32 s6, s10  }
0x15f: {  	[tilespmem:s9], [sflag:$0x9] =	stream.strided.gather [hbm4b:s10+s18], $0x200, s19, s18, $0x38;
	[tilespmem:$0x1C938] =	vst v63  }
0x160: {  	s9 =	sadd.s32 $0x200, s9  }
.Ltmp17:
0x161: {  	_ = 	snop;
	(pc) =	sbr.rel .LBB3_5-.Ltmp17, $1  }
0x162: {  	_ =	sdelay $0x3  }
.LBB3_9:
0x163: {  	p2 =	slt.u32 s23, $0x2  }
.Ltmp18:
0x164: {  	_ = 	snop;
	(pc) =	sbr.rel @p2 .LBB3_33-.Ltmp18, $1  }
0x165: {  	_ =	sdelay $0x3  }
0x166: {  	p2 =	sgt.s32 s24, $0x13850  }
0x167: {  	s0 =	smov.u32 s24;
	s2 =	sshra.s32 s24, $0x1F;
	s3 =	ssub.s32 $0x13880, s24  }
0x168: {  	s0 =	simm.s32 @!p2 $0x13850;
	s2 =	sand.u32 s2, s24;
	p2 =	slt.s32 s3, $0x30  }
0x169: {  	s0 =	ssub.s32 s0, s2;
	s3 =	simm.s32 @!p2 $0x30  }
0x16a: {  	s0 =	sadd.s32 $0xFFFEC7B0, s0;
	s25 =	sshll.u32 s3, $0x9  }
0x16b: {  	s29 =	simm.s32 $0x9;
	s26 =	sshll.u32 s0, $0x2;
	s2 =	sand.u32 $0x3FFFFE00, s25  }
0x16c: {  	p2 =	sgt.s32 s0, $0x2F;
	s28 =	ssub.s32 $0xC0, s26;
	_ =	swait.ge [sflag:s29], s2  }
0x16d: {  	s2 =	ssub.s32 $0x0, s2;
	[sflag:s29] =	ssyncset.done $0x0;
	s0 =	sshrl.u32 s28, $0x2  }
0x16e: {  	s30 =	simm.s32 $0xB;
	[sflag:s29] =	ssyncadd.s32 s2;
	s0 =	simm.s32 @p2 $0x0  }
0x16f: {  	_ =	swait.ge [sflag:s30], s0  }
0x170: {  	s0 =	ssub.s32 $0x0, s0;
	[sflag:s30] =	ssyncset.done $0x0  }
0x171: {  	[sflag:s30] =	ssyncadd.s32 s0  }
0x172: {  	v1 =	vld [tilespmem:$0xC808];
	_ =	sdelay $0x4  }
0x173: {  	(v2sf) =	vpush v1, $0x0  }
0x174: {  	(v2sf) =	vpush v1, $0x1  }
0x175: {  	(v2sf) =	vpush v1, $0x2;
	_ =	sdelay $0x3  }
0x176: {  	s2 =	sadd.s32 $0x30, s24  }
0x177: {  	s3 =	ssub.s32 $0x27100, s24;
	p2 =	slt.s32 s8, s2  }
0x178: {  	s2 =	smov.u32 @p2 s8;
	p2 =	sgt.s32 s3, $0x0  }
0x179: {  	s25 =	ssub.s32 s2, s24;
	s3 =	simm.s32 @!p2 $0x0  }
0x17a: {  	p2 =	slt.s32 s3, s25  }
0x17b: {  	s25 =	smov.u32 @p2 s3  }
0x17c: {  	s0 =	simm.s32 $0x1;
	p2 =	slt.s32 s25, $0x1  }
.Ltmp19:
0x17d: {  	s0 =	simm.s32 @!p1 $0x0;
	(pc) =	sbr.rel @p2 .LBB3_14-.Ltmp19, $4  }
0x17e: {  	s4 =	smul.u32 $0xC0, s0  }
0x17f: {  	s2 =	spop (v2sf)  }
0x180: {  	s31 =	sshrl.u32 s4, $0x2;
	s5 =	spop (v2sf)  }
0x181: {  	s4 =	sadd.s32 $0x108D8, s31;
	s24 =	spop (v2sf)  }
0x182: {  	s3 =	smin.u32 s25, $0x10  }
0x183: {  	v1 =	vmov s3  }
0x184: {  	vm1 =	vgt.u32 v1, v0  }
0x185: {  	p3 =	sgt.s32 s25, $0x10  }
.Ltmp20:
0x186: {  	_ = 	snop;
	(pc) =	sbr.rel @!p3 .LBB3_13-.Ltmp20, $2  }
0x187: {  	_ =	sdelay $0x2  }
0x188: {  	s9 =	simm.s32 $0x10;
	s26 =	sadd.s32 $0xFFFFFFF0, s25;
	s3 =	smov.u32 s4;
	vm0 =	vmmov vm1;
	v1 =	vld.msk [tilespmem:s4+$0x0 ss:$0x1], vm1  }
.LBB3_12:
0x189: {  	s10 =	smin.u32 s26, $0x10;
	s9 =	sadd.s32 $0x10, s9  }
0x18a: {  	v2 =	vmov s10;
	p3 =	slt.s32 s9, s25  }
0x18b: {  	vm1 =	vgt.u32 v2, v0;
	_ =	sdelay $0x1  }
0x18c: {  	v2 =	vshll.u32 v1, $0x6;
	v1 =	vshll.u32 v1, $0x4  }
.Ltmp21:
0x18d: {  	v2 =	vand.u32 $0xFFFFFE00, v2;
	v1 =	vand.u32 $0x70, v1;
	(pc) =	sbr.rel @p3 .LBB3_12-.Ltmp21, $4  }
0x18e: {  	v1 =	vor.u32 v1, v2  }
0x18f: {  	[tilespmem:s3+$0x0] =	vst.msk vm0, v1;
	s3 =	sadd.s32 $0x10, s3;
	vm0 =	vmmov vm1  }
0x190: {  	v1 =	vld.msk [tilespmem:s3+$0x0 ss:$0x1], vm1  }
0x191: {  	s26 =	sadd.s32 $0xFFFFFFF0, s26  }
.LBB3_13:
0x192: {  	_ =	sdelay $0x3  }
0x193: {  	v2 =	vshll.u32 v1, $0x6;
	v1 =	vshll.u32 v1, $0x4  }
0x194: {  	v2 =	vand.u32 $0xFFFFFE00, v2;
	v1 =	vand.u32 $0x70, v1  }
0x195: {  	v1 =	vor.u32 v1, v2  }
0x196: {  	[tilespmem:s3+$0x0] =	vst.msk vm0, v1  }
.LBB3_14:
0x197: {  	s3 =	sand.u32 $0x1, s23  }
0x198: {  	s3 =	smul.u32 $0x30, s3  }
0x199: {  	p3 =	sne.s32 s5, $0xFFFFFFFF  }
0x19a: {  	v1 =	vld.msk @!p3 [tilespmem:s3+$0x108D8], $0x1;
	_ =	sdelay $0x4  }
0x19b: {  	(v2sf) =	vpush @!p3 v1, $0x0;
	_ =	sdelay $0xc  }
.Ltmp22:
0x19c: {  	_ = 	snop;
	(pc) =	sbr.rel @p2 .LBB3_31-.Ltmp22, $4  }
0x19d: {  	_ = 	snop  }
0x19e: {  	s30 =	spop @!p3 (v2sf)  }
0x19f: {  	s24 =	simm.s32 @!p3 $0x0;
	s26 =	smov.u32 s30  }
0x1a0: {  	[sflag:s20] =	ssyncpa.u1 $0x0;
	s30 =	smov.u32 @p3 s2;
	s26 =	smov.u32 @p3 s5  }
0x1a1: {  	v1 =	vld.msk [tilespmem:s4+$0x0], $0x1;
	_ =	sdelay $0x4  }
0x1a2: {  	(v2sf) =	vpush v1, $0x0;
	_ =	sdelay $0xd  }
0x1a3: {  	s0 =	smul.u32 $0x18000, s0  }
0x1a4: {  	s13 =	smov.u32 s8;
	s8 =	smov.u32 s11;
	s5 =	spop (v2sf)  }
0x1a5: {  	s2 =	ssub.s32 $0x0, s25;
	s0 =	sshrl.u32 s0, $0x2;
	p2 =	seq.s32 s30, s5  }
0x1a6: {  	s29 =	simm.s32 $0x0;
	s28 =	sor.u32 $0x10938, s0;
	p3 =	sgt.s32 @!p2 s30, $0x0  }
0x1a7: {  	s0 =	sadd.s32 $0x108D8, s3;
	s3 =	smov.u32 s30;
	p3 =	por !p3, p2  }
0x1a8: {  	s4 =	sadd.s32 $0x1, s4;
	s31 =	sadd.s32 $0x1, s2;
	s3 =	simm.s32 @p3 $0x0  }
0x1a9: {  	s2 =	simm.s32 @!p2 $0x1;
	s9 =	simm.s32 @!p2 $0x6608;
	s10 =	smin.u32 @!p2 s3, $0x9C270  }
0x1aa: {  	p3 =	seq.s32 s31, $0x0;
	s3 =	sand.u32 @!p2 $0xFFFF8, s10;
	s11 =	sadd.s32 @!p2 $0x80, s10  }
0x1ab: {  	s14 =	sadd.s32 @!p2 $0x100, s10;
	s15 =	sadd.s32 @!p2 s1, s3;
	s3 =	sand.u32 @!p2 $0x7, s10  }
0x1ac: {  	s11 =	sand.u32 @!p2 $0x1FFFF8, s11;
	s14 =	sand.u32 @!p2 $0x1FFFF8, s14;
	s10 =	sadd.s32 @!p2 $0x180, s10  }
0x1ad: {  	[tilespmem:s9], [sflag:$0x2] =	stream.linear.gather @!p2 [hbm4b:s15+s3], $0x80, $0x38;
	[tilespmem:$0x1C938] =	vst v63  }
.Ltmp23:
0x1ae: {  	s9 =	simm.s32 @!p2 $0x6688;
	s11 =	sadd.s32 @!p2 s1, s11;
	(pc) =	sbr.rel @p3 .LBB3_17-.Ltmp23, $4  }
0x1af: {  	[tilespmem:s9], [sflag:$0x2] =	stream.linear.gather @!p2 [hbm4b:s11+s3], $0x80, $0x38;
	[tilespmem:$0x1C938] =	vst v63  }
0x1b0: {  	s10 =	sand.u32 @!p2 $0x1FFFF8, s10;
	s9 =	simm.s32 @!p2 $0x6708;
	s11 =	sadd.s32 @!p2 s1, s14  }
0x1b1: {  	[tilespmem:s9], [sflag:$0x2] =	stream.linear.gather @!p2 [hbm4b:s11+s3], $0x80, $0x38;
	[tilespmem:$0x1C938] =	vst v63  }
0x1b2: {  	s2 =	smov.u32 @p2 s29;
	s10 =	sadd.s32 @!p2 s1, s10;
	s9 =	simm.s32 @!p2 $0x6788  }
.LBB3_16:
0x1b3: {  	s11 =	smov.u32 s2  }
0x1b4: {  	[tilespmem:s9], [sflag:$0x2] =	stream.linear.gather @!p2 [hbm4b:s10+s3], $0x80, $0x38;
	[tilespmem:$0x1C938] =	vst v63  }
0x1b5: {  	s31 =	sadd.s32 $0x1, s31;
	s3 =	smov.u32 s5  }
0x1b6: {  	p3 =	seq.s32 s31, $0x0;
	v1 =	vld.msk [tilespmem:s4+$0x0], $0x1;
	_ =	sdelay $0x4  }
0x1b7: {  	(v2sf) =	vpush v1, $0x0;
	_ =	sdelay $0xe  }
0x1b8: {  	s5 =	spop (v2sf)  }
0x1b9: {  	p2 =	seq.s32 s3, s5  }
0x1ba: {  	p4 =	sgt.s32 @!p2 s3, $0x0  }
0x1bb: {  	s9 =	sshll.u32 @!p2 s2, $0xB;
	s2 =	sadd.s32 @!p2 $0x1, s2;
	p4 =	por !p4, p2  }
0x1bc: {  	s9 =	sshra.s32 @!p2 s9, $0x2;
	s2 =	smov.u32 @p2 s11;
	s3 =	simm.s32 @p4 $0x0  }
0x1bd: {  	s10 =	sadd.s32 @!p2 $0x6608, s9;
	s11 =	sadd.s32 @!p2 $0x6688, s9;
	s14 =	smin.u32 @!p2 s3, $0x9C270  }
0x1be: {  	s15 =	sadd.s32 @!p2 $0x6708, s9;
	s9 =	sadd.s32 @!p2 $0x6788, s9;
	s3 =	sand.u32 @!p2 $0xFFFF8, s14  }
0x1bf: {  	s17 =	sadd.s32 @!p2 $0x80, s14;
	s7 =	sadd.s32 @!p2 $0x100, s14;
	s20 =	sadd.s32 @!p2 s1, s3  }
0x1c0: {  	s3 =	sand.u32 @!p2 $0x7, s14;
	s17 =	sand.u32 @!p2 $0x1FFFF8, s17;
	s7 =	sand.u32 @!p2 $0x1FFFF8, s7  }
0x1c1: {  	[tilespmem:s10], [sflag:$0x2] =	stream.linear.gather @!p2 [hbm4b:s20+s3], $0x80, $0x38;
	[tilespmem:$0x1C938] =	vst v63  }
.Ltmp24:
0x1c2: {  	s14 =	sadd.s32 @!p2 $0x180, s14;
	s10 =	sadd.s32 @!p2 s1, s17;
	(pc) =	sbr.rel @!p3 .LBB3_16-.Ltmp24, $4  }
0x1c3: {  	[tilespmem:s11], [sflag:$0x2] =	stream.linear.gather @!p2 [hbm4b:s10+s3], $0x80, $0x38;
	[tilespmem:$0x1C938] =	vst v63  }
0x1c4: {  	s7 =	sadd.s32 @!p2 s1, s7;
	s10 =	sand.u32 @!p2 $0x1FFFF8, s14  }
0x1c5: {  	[tilespmem:s15], [sflag:$0x2] =	stream.linear.gather @!p2 [hbm4b:s7+s3], $0x80, $0x38;
	[tilespmem:$0x1C938] =	vst v63  }
0x1c6: {  	s4 =	sadd.s32 $0x1, s4;
	s10 =	sadd.s32 @!p2 s1, s10  }
.LBB3_17:
0x1c7: {  	[tilespmem:s9], [sflag:$0x2] =	stream.linear.gather @!p2 [hbm4b:s10+s3], $0x80, $0x38;
	[tilespmem:$0x1C938] =	vst v63  }
0x1c8: {  	s2 =	sshll.u32 s2, $0x9  }
0x1c9: {  	s31 =	simm.s32 $0x2;
	s2 =	sand.u32 $0x3FFFFE00, s2  }
.Ltmp25:
0x1ca: {  	_ =	swait.ge [sflag:s31], s2;
	(pc) =	sbr.rel .LBB3_18-.Ltmp25, $4  }
0x1cb: {  	s11 =	smov.u32 s8;
	s8 =	smov.u32 s13;
	s13 =	rddreg [dreg:$0x5]  }
0x1cc: {  	v1 =	vmov s0;
	s0 =	simm.s32 $0x0;
	s4 =	simm.s32 $0x0;
	s14 =	rddreg [dreg:$0x6]  }
0x1cd: {  	s2 =	ssub.s32 $0x0, s2;
	[sflag:s31] =	ssyncset.done $0x0;
	s15 =	rddreg [dreg:$0x7]  }
0x1ce: {  	s20 =	simm.s32 $0xC;
	s17 =	rddreg [dreg:$0x8];
	[sflag:s31] =	ssyncadd.s32 s2  }
.LBB3_28:
0x1cf: {  	[tilespmem:s2+$0x0] =	vst v2;
	s29 =	sadd.s32 $0x1, s29  }
.LBB3_29:
0x1d0: {  	s4 =	sadd.s32 $0x1, s4  }
0x1d1: {  	p2 =	sne.s32 s4, s25  }
.Ltmp26:
0x1d2: {  	_ = 	snop;
	(pc) =	sbr.rel @!p2 .LBB3_30-.Ltmp26, $2  }
0x1d3: {  	_ =	sdelay $0x2  }
0x1d4: {  	s28 =	sadd.s32 $0x200, s28;
	s30 =	smov.u32 s31  }
.LBB3_18:
0x1d5: {  	_ =	sdelay $0x3  }
0x1d6: {  	v2 =	vld.idx.msk [tilespmem:v1+s4+$0x0 ss:$0x1], $0x1;
	_ =	sdelay $0x4  }
0x1d7: {  	(v2sf) =	vpush v2, $0x0;
	_ =	sdelay $0xe  }
0x1d8: {  	s31 =	spop (v2sf)  }
0x1d9: {  	p2 =	sne.s32 s30, s31  }
.Ltmp27:
0x1da: {  	_ = 	snop;
	(pc) =	sbr.rel @p2 .LBB3_22-.Ltmp27, $3  }
0x1db: {  	_ =	sdelay $0x1  }
0x1dc: {  	s2 =	sshll.u32 s24, $0xB  }
0x1dd: {  	s2 =	sshra.s32 s2, $0x2  }
0x1de: {  	s2 =	sadd.s32 $0x408, s2;
	s3 =	simm.s32 $0x0;
	v2 =	vld [tilespmem:s28+$0x0];
	s5 =	smov.u32 s28  }
.LBB3_20:
0x1df: {  	s3 =	sadd.s32 $0x10, s3  }
0x1e0: {  	p2 =	slt.u32 s3, $0x1F0  }
.Ltmp28:
0x1e1: {  	_ = 	snop;
	(pc) =	sbr.rel @p2 .LBB3_20-.Ltmp28, $3  }
0x1e2: {  	_ =	sdelay $0x1  }
0x1e3: {  	s5 =	sadd.s32 $0x10, s5;
	[tilespmem:s2+$0x0] =	vst.add.f32.msk $0xffff, v2;
	s2 =	sadd.s32 $0x10, s2  }
0x1e4: {  	v2 =	vld [tilespmem:s5+$0x0]  }
.Ltmp29:
0x1e5: {  	_ = 	snop;
	(pc) =	sbr.rel .LBB3_29-.Ltmp29, $2  }
0x1e6: {  	_ =	sdelay $0x2  }
0x1e7: {  	[tilespmem:s2+$0x0] =	vst.add.f32.msk $0xffff, v2  }
.LBB3_22:
0x1e8: {  	p2 =	seq.s32 s30, s26  }
.Ltmp30:
0x1e9: {  	_ = 	snop;
	(pc) =	sbr.rel @!p2 .LBB3_23-.Ltmp30, $1  }
0x1ea: {  	_ =	sdelay $0x3  }
.Ltmp31:
0x1eb: {  	s2 =	sadd.s32 $0x408, s2;
	(pc) =	sbr.rel .LBB3_26-.Ltmp31, $4  }
0x1ec: {  	[spmem:s16] =	stream.linear.scatter [tilespmem:s2], [sflag:$0x1], $0x200, $0x38;
	[tilespmem:$0x1C938] =	vst v63  }
0x1ed: {  	_ =	swait.ge [sflag:s12], $0x200  }
0x1ee: {  	[sflag:s12] =	ssyncset.done $0x0  }
0x1ef: {  	[sflag:s12] =	ssyncadd.s32 $0xFFFFFE00  }
.LBB3_23:
0x1f0: {  	s3 =	sshll.u32 s29, $0xB  }
0x1f1: {  	s3 =	sshra.s32 s3, $0x2  }
0x1f2: {  	s5 =	sadd.s32 $0x6608, s3;
	s3 =	sadd.s32 $0x408, s2  }
0x1f3: {  	s10 =	simm.s32 $0x0;
	v2 =	vld [tilespmem:s5+$0x0];
	s9 =	smov.u32 s3  }
.LBB3_24:
0x1f4: {  	s10 =	sadd.s32 $0x10, s10  }
0x1f5: {  	p2 =	slt.u32 s10, $0x1F0  }
.Ltmp32:
0x1f6: {  	_ = 	snop;
	(pc) =	sbr.rel @p2 .LBB3_24-.Ltmp32, $3  }
0x1f7: {  	_ =	sdelay $0x1  }
0x1f8: {  	s5 =	sadd.s32 $0x10, s5;
	[tilespmem:s9+$0x0] =	vst.add.f32.msk $0xffff, v2;
	s9 =	sadd.s32 $0x10, s9  }
0x1f9: {  	v2 =	vld [tilespmem:s5+$0x0]  }
0x1fa: {  	_ =	sdelay $0x1  }
0x1fb: {  	p2 =	sgt.u32 s30, $0x9C270  }
0x1fc: {  	s5 =	sand.u32 @!p2 $0xFFFF8, s30  }
0x1fd: {  	s7 =	sand.u32 @!p2 $0x7, s30;
	s5 =	sadd.s32 @!p2 s1, s5;
	[tilespmem:s9+$0x0] =	vst.add.f32.msk $0xffff, v2  }
0x1fe: {  	[hbm4b:s5+s7] =	stream.linear.scatter @!p2 [tilespmem:s3], [sflag:$0xC], $0x80, $0x38;
	[tilespmem:$0x1C938] =	vst v63  }
0x1ff: {  	s3 =	sadd.s32 @!p2 $0x80, s30  }
0x200: {  	s3 =	sand.u32 @!p2 $0x1FFFF8, s3  }
0x201: {  	s5 =	sadd.s32 @!p2 $0x488, s2;
	s3 =	sadd.s32 @!p2 s1, s3  }
0x202: {  	[hbm4b:s3+s7] =	stream.linear.scatter @!p2 [tilespmem:s5], [sflag:$0xC], $0x80, $0x38;
	[tilespmem:$0x1C938] =	vst v63  }
0x203: {  	s3 =	sadd.s32 @!p2 $0x100, s30  }
0x204: {  	s3 =	sand.u32 @!p2 $0x1FFFF8, s3  }
0x205: {  	s5 =	sadd.s32 @!p2 $0x508, s2;
	s3 =	sadd.s32 @!p2 s1, s3  }
0x206: {  	[hbm4b:s3+s7] =	stream.linear.scatter @!p2 [tilespmem:s5], [sflag:$0xC], $0x80, $0x38;
	[tilespmem:$0x1C938] =	vst v63  }
0x207: {  	s3 =	sadd.s32 @!p2 $0x180, s30;
	s5 =	simm.s32 $0x0  }
0x208: {  	s3 =	sand.u32 @!p2 $0x1FFFF8, s3;
	s5 =	simm.s32 @!p2 $0x800  }
0x209: {  	s2 =	sadd.s32 @!p2 $0x588, s2;
	s3 =	sadd.s32 @!p2 s1, s3;
	s0 =	sadd.s32 s5, s0  }
0x20a: {  	[hbm4b:s3+s7] =	stream.linear.scatter @!p2 [tilespmem:s2], [sflag:$0xC], $0x80, $0x38;
	[tilespmem:$0x1C938] =	vst v63  }
.LBB3_26:
0x20b: {  	s2 =	sadd.s32 $0x1, s24  }
0x20c: {  	s3 =	smulhi.u32 $0xAAAAAAAB, s2;
	_ =	sdelay $0x1  }
0x20d: {  	s3 =	sshrl.u32 s3, $0x5  }
0x20e: {  	s3 =	smul.u32 $0x30, s3;
	_ =	sdelay $0x1  }
0x20f: {  	s24 =	ssub.s32 s2, s3  }
0x210: {  	s2 =	sshll.u32 s24, $0x9  }
0x211: {  	v2 =	vld [tilespmem:s28+$0x0];
	s5 =	smov.u32 s28;
	s3 =	simm.s32 $0x0;
	s2 =	sadd.s32 $0x408, s2  }
.LBB3_27:
0x212: {  	s3 =	sadd.s32 $0x10, s3  }
0x213: {  	p2 =	slt.u32 s3, $0x1F0  }
.Ltmp33:
0x214: {  	_ = 	snop;
	(pc) =	sbr.rel @p2 .LBB3_27-.Ltmp33, $3  }
0x215: {  	_ =	sdelay $0x1  }
0x216: {  	[tilespmem:s2+$0x0] =	vst v2;
	s2 =	sadd.s32 $0x10, s2;
	s5 =	sadd.s32 $0x10, s5  }
0x217: {  	v2 =	vld [tilespmem:s5+$0x0]  }
.Ltmp34:
0x218: {  	_ = 	snop;
	(pc) =	sbr.rel .LBB3_28-.Ltmp34, $1  }
0x219: {  	_ =	sdelay $0x3  }
.LBB3_31:
.Ltmp35:
0x21a: {  	(pc) =	sbr.rel .LBB3_32-.Ltmp35, $4  }
0x21b: {  	_ = 	snop  }
0x21c: {  	s0 =	simm.s32 $0x2  }
0x21d: {  	_ =	swait.ge [sflag:s0], $0x0  }
0x21e: {  	s31 =	smov.u32 s30;
	[sflag:s0] =	ssyncset.done $0x0;
	s0 =	simm.s32 $0x0  }
.LBB3_34:
0x21f: {  	_ =	sfence.sel $0x180000  }
0x220: {  	s0 =	simm.s32 $0x9;
	[bflag:$0x0] =	sbarrier.arrive $0xFFFF  }
0x221: {  	s24 =	simm.s32 $0xA;
	[sflag:s0] =	ssyncpa.u1 $0x1  }
0x222: {  	s25 =	simm.s32 $0xB;
	[sflag:s24] =	ssyncpa.u1 $0x1  }
0x223: {  	s26 =	simm.s32 $0x2;
	[sflag:s25] =	ssyncpa.u1 $0x1  }
0x224: {  	[sflag:s26] =	ssyncpa.u1 $0x1  }
0x225: {  	v0 =	vld [tilespmem:$0xC808];
	_ =	sdelay $0x4  }
0x226: {  	(v2sf) =	vpush v0, $0x0  }
0x227: {  	(v2sf) =	vpush v0, $0x1;
	_ =	sdelay $0x1  }
0x228: {  	(v2sf) =	vpush v0, $0x2;
	_ =	sdelay $0xb  }
0x229: {  	s0 =	spop (v2sf)  }
0x22a: {  	s2 =	spop (v2sf)  }
0x22b: {  	s3 =	smov.u32 s0;
	p0 =	sne.s32 s0, s2  }
0x22c: {  	s4 =	spop (v2sf);
	s3 =	simm.s32 @!p0 $0xFFFFFFFF  }
0x22d: {  	v2 =	vimm.s32 $0x1;
	v3 =	vlaneseq.u32;
	p0 =	seq.s32 s4, $0xFFFFFFFF;
	v1 =	vmov s3  }
0x22e: {  	s17 =	stileid.u32;
	v0 =	vperm.xlane v0, v2;
	p1 =	sne.s32 @!p0 s0, s2;
	v1 =	vperm.xlane v1, v3  }
0x22f: {  	vm0 =	vcmask $0x3F04;
	s6 =	simm.s32 $0xC808;
	s0 =	simm.s32 @!p0 $0x1;
	p1 =	por !p1, p0  }
0x230: {  	s3 =	sshll.u32 s17, $0x1;
	s2 =	sshll.u32 @!p0 s4, $0xB;
	s0 =	simm.s32 @p1 $0x0;
	v0 =	vsel vm0, v1, v0  }
0x231: {  	s5 =	sor.u32 $0x4000, s3;
	s2 =	sshra.s32 @!p0 s2, $0x2;
	s0 =	sor.u32 @!p0 s0, s3;
	[tilespmem:$0xC808] =	vst v0  }
0x232: {  	[spmem:s5] =	stream.linear.scatter [tilespmem:s6], [sflag:$0x1], $0x2, $0x38;
	[tilespmem:$0x1C938] =	vst v63  }
0x233: {  	s2 =	sadd.s32 @!p0 $0x408, s2;
	s0 =	sshll.u32 @!p0 s0, $0x9  }
0x234: {  	[spmem:s0] =	stream.linear.scatter @!p0 [tilespmem:s2], [sflag:$0x1], $0x200, $0x38;
	[tilespmem:$0x1C938] =	vst v63  }
0x235: {  	s0 =	simm.s32 @!p0 $0x202  }
0x236: {  	s28 =	simm.s32 $0x1;
	s0 =	simm.s32 @p0 $0x2  }
0x237: {  	_ =	swait.ge [sflag:s28], s0  }
0x238: {  	s0 =	ssub.s32 $0x0, s0;
	[sflag:s28] =	ssyncset.done $0x0  }
0x239: {  	p0 =	sne.s32 s17, $0x0;
	[sflag:s28] =	ssyncadd.s32 s0  }
.Ltmp36:
0x23a: {  	_ =	sfence.stream.spmem;
	(pc) =	sbr.rel @p0 .LBB3_59-.Ltmp36, $4  }
0x23b: {  	s29 =	simm.s32 $0x3;
	[bflag:$0x0] =	sbarrier.arrive $0xFFFF  }
0x23c: {  	s30 =	simm.s32 $0x4;
	[sflag:s29] =	ssyncpa.u1 $0x1  }
0x23d: {  	s31 =	simm.s32 $0x3C;
	[sflag:s30] =	ssyncpa.u1 $0x1  }
0x23e: {  	s16 =	rddreg [dreg:$0x4];
	[sflag:s31] =	ssyncpa.u1 $0x1  }
0x23f: {  	_ =	sfence.stream.spmem;
	s0 =	simm.s32 $0x5  }
0x240: {  	s2 =	simm.s32 $0x4000;
	s3 =	simm.s32 $0xC818;
	[sflag:s0] =	ssyncpa.u1 $0x0  }
0x241: {  	[tilespmem:s3], [sflag:$0x5] =	stream.linear.gather [spmem:s2], $0x20, $0x38;
	[tilespmem:$0x1C938] =	vst v63  }
0x242: {  	s26 =	simm.s32 $0x0;
	s28 =	simm.s32 $0xC838  }
0x243: {  	[tilespmem:s28], [sflag:$0x5] =	stream.linear.gather [spmem:s26], $0x4000, $0x38;
	[tilespmem:$0x1C938] =	vst v63  }
0x244: {  	_ =	swait.ge [sflag:s0], $0x4020  }
0x245: {  	[sflag:s0] =	ssyncset.done $0x0  }
0x246: {  	s29 =	simm.s32 $0x0;
	[sflag:s0] =	ssyncadd.s32 $0xFFFFBFE0  }
0x247: {  	v0 =	vld.msk [tilespmem:s29+$0xC818], $0x1;
	_ =	sdelay $0x1  }
0x248: {  	s30 =	simm.s32 $0x1  }
0x249: {  	v1 =	vld.msk [tilespmem:s30+$0xC818], $0x1;
	_ =	sdelay $0x1  }
0x24a: {  	(v2sf) =	vpush v0, $0x0;
	_ =	sdelay $0x2  }
0x24b: {  	(v2sf) =	vpush v1, $0x0;
	_ =	sdelay $0x2  }
0x24c: {  	s31 =	simm.s32 $0x2  }
0x24d: {  	v0 =	vld.msk [tilespmem:s31+$0xC818], $0x1;
	_ =	sdelay $0x2  }
0x24e: {  	s2 =	simm.s32 $0xFFFFFFFF;
	s3 =	simm.s32 $0xFFFFFFFF;
	s0 =	simm.s32 $0xC  }
.LBB3_36:
0x24f: {  	s4 =	smov.u32 s3;
	s5 =	smov.u32 s2  }
0x250: {  	s2 =	sshra.s32 s0, $0x2;
	p1 =	sne.s32 s0, $0x7C;
	s0 =	sadd.s32 $0x4, s0;
	(v2sf) =	vpush v0, $0x0  }
0x251: {  	v0 =	vld.msk [tilespmem:s2+$0xC818], $0x1  }
.Ltmp37:
0x252: {  	(pc) =	sbr.rel @p1 .LBB3_36-.Ltmp37, $4  }
0x253: {  	s3 =	spop (v2sf)  }
0x254: {  	p2 =	sne.s32 s5, $0xFFFFFFFF;
	s2 =	smov.u32 s3  }
0x255: {  	p3 =	seq.s32 s3, $0xFFFFFFFF;
	s2 =	smov.u32 @p2 s5  }
0x256: {  	s3 =	smov.u32 @p3 s4;
	s2 =	smov.u32 @p3 s5  }
0x257: {  	(v2sf) =	vpush v0, $0x0;
	_ =	sdelay $0x8  }
0x258: {  	s0 =	spop (v2sf);
	p1 =	sne.s32 s2, $0xFFFFFFFF;
	s9 =	simm.s32 $0x6  }
0x259: {  	s6 =	simm.s32 $0x0;
	s10 =	simm.s32 $0xC838;
	s4 =	smov.u32 s0  }
0x25a: {  	s11 =	simm.s32 $0xC688;
	p2 =	seq.s32 s0, $0xFFFFFFFF;
	s4 =	smov.u32 @p1 s2  }
0x25b: {  	s12 =	simm.s32 $0xC708;
	s4 =	smov.u32 @p2 s2;
	s2 =	spop (v2sf)  }
0x25c: {  	s0 =	smov.u32 @p2 s3;
	p1 =	sne.s32 s4, $0xFFFFFFFF;
	s5 =	smov.u32 s2  }
.Ltmp38:
0x25d: {  	p2 =	seq.s32 s2, $0xFFFFFFFF;
	s5 =	smov.u32 @p1 s4;
	(pc) =	sbr.rel .LBB3_38-.Ltmp38, $4  }
0x25e: {  	s13 =	simm.s32 $0xC788;
	s5 =	smov.u32 @p2 s4;
	s7 =	spop (v2sf)  }
0x25f: {  	s14 =	simm.s32 $0x0;
	p1 =	sne.s32 s5, $0xFFFFFFFF;
	s8 =	smov.u32 s7  }
0x260: {  	s2 =	smov.u32 @p2 s0;
	p2 =	seq.s32 s7, $0xFFFFFFFF;
	s8 =	smov.u32 @p1 s5  }
0x261: {  	[sflag:s9] =	ssyncpa.u1 $0x0;
	s7 =	smov.u32 @p2 s2;
	s8 =	smov.u32 @p2 s5  }
.LBB3_53:
0x262: {  	s14 =	sadd.s32 $0x1, s14  }
0x263: {  	p1 =	sne.s32 s14, $0x20  }
.Ltmp39:
0x264: {  	_ = 	snop;
	(pc) =	sbr.rel @!p1 .LBB3_54-.Ltmp39, $2  }
0x265: {  	_ =	sdelay $0x2  }
0x266: {  	s10 =	sadd.s32 $0x200, s10  }
.LBB3_38:
0x267: {  	v0 =	vld.msk [tilespmem:s14+$0xC818], $0x1;
	_ =	sdelay $0x4  }
0x268: {  	(v2sf) =	vpush v0, $0x0;
	_ =	sdelay $0xe  }
0x269: {  	s0 =	spop (v2sf)  }
0x26a: {  	p1 =	seq.s32 s0, $0xFFFFFFFF  }
.Ltmp40:
0x26b: {  	_ = 	snop;
	(pc) =	sbr.rel @p1 .LBB3_53-.Ltmp40, $1  }
0x26c: {  	_ =	sdelay $0x3  }
0x26d: {  	p1 =	slt.s32 s6, $0x1  }
.Ltmp41:
0x26e: {  	_ = 	snop;
	(pc) =	sbr.rel @p1 .LBB3_46-.Ltmp41, $1  }
0x26f: {  	_ =	sdelay $0x3  }
0x270: {  	s2 =	simm.s32 $0xC818;
	p1 =	por $0x0, $0x0  }
0x271: {  	v1 =	vld.msk @!p1 [tilespmem:s2+$0x0], $0x1;
	_ =	sdelay $0x4  }
0x272: {  	(v2sf) =	vpush @!p1 v1, $0x0;
	_ =	sdelay $0xd  }
0x273: {  	p3 =	sne.s32 s6, $0x1  }
.Ltmp42:
0x274: {  	s3 =	spop @!p1 (v2sf);
	(pc) =	sbr.rel @!p3 .LBB3_42-.Ltmp42, $4  }
0x275: {  	p2 =	seq.s32 @!p1 s0, s3  }
0x276: {  	s4 =	simm.s32 $0x0;
	p2 =	por !p2, p1  }
0x277: {  	s3 =	simm.s32 $0xFFFFFFFF;
	s4 =	simm.s32 @p2 $0xFFFFFFFF  }
0x278: {  	s5 =	simm.s32 $0x1;
	s4 =	smov.u32 @p1 s3  }
.LBB3_41:
0x279: {  	s3 =	smov.u32 s4;
	p1 =	sne.s32 s4, $0xFFFFFFFF  }
0x27a: {  	s2 =	sadd.s32 $0x1, s2;
	s4 =	smov.u32 s5;
	s5 =	sadd.s32 $0x1, s5  }
0x27b: {  	p2 =	sne.s32 s6, s5;
	v1 =	vld.msk @!p1 [tilespmem:s2+$0x0], $0x1;
	_ =	sdelay $0x4  }
0x27c: {  	(v2sf) =	vpush @!p1 v1, $0x0;
	_ =	sdelay $0xe  }
.Ltmp43:
0x27d: {  	s15 =	spop @!p1 (v2sf);
	(pc) =	sbr.rel @p2 .LBB3_41-.Ltmp43, $4  }
0x27e: {  	p3 =	seq.s32 @!p1 s0, s15  }
0x27f: {  	p3 =	por !p3, p1  }
0x280: {  	s4 =	simm.s32 @p3 $0xFFFFFFFF  }
0x281: {  	s4 =	smov.u32 @p1 s3  }
.LBB3_42:
0x282: {  	p1 =	seq.s32 s4, $0xFFFFFFFF  }
.Ltmp44:
0x283: {  	_ = 	snop;
	(pc) =	sbr.rel @p1 .LBB3_46-.Ltmp44, $1  }
0x284: {  	_ =	sdelay $0x3  }
0x285: {  	s0 =	sshll.u32 s4, $0xB  }
0x286: {  	s0 =	sshra.s32 s0, $0x2  }
0x287: {  	s2 =	simm.s32 $0x0;
	v0 =	vld [tilespmem:s10+$0x0];
	s3 =	smov.u32 s10;
	s0 =	sadd.s32 $0xC838, s0  }
.LBB3_44:
0x288: {  	s2 =	sadd.s32 $0x10, s2  }
0x289: {  	p1 =	slt.u32 s2, $0x1F0  }
.Ltmp45:
0x28a: {  	_ = 	snop;
	(pc) =	sbr.rel @p1 .LBB3_44-.Ltmp45, $3  }
0x28b: {  	_ =	sdelay $0x1  }
0x28c: {  	s3 =	sadd.s32 $0x10, s3;
	[tilespmem:s0+$0x0] =	vst.add.f32.msk $0xffff, v0;
	s0 =	sadd.s32 $0x10, s0  }
0x28d: {  	v0 =	vld [tilespmem:s3+$0x0]  }
.Ltmp46:
0x28e: {  	_ = 	snop;
	(pc) =	sbr.rel .LBB3_53-.Ltmp46, $2  }
0x28f: {  	_ =	sdelay $0x2  }
0x290: {  	[tilespmem:s0+$0x0] =	vst.add.f32.msk $0xffff, v0  }
.LBB3_46:
0x291: {  	p1 =	sgt.u32 s0, $0x9C270  }
0x292: {  	p2 =	seq.s32 @!p1 s0, s8  }
0x293: {  	p1 =	por p1, p2  }
0x294: {  	p2 =	seq.s32 @!p1 s0, s7  }
0x295: {  	p1 =	por p1, p2  }
.Ltmp47:
0x296: {  	_ = 	snop;
	(pc) =	sbr.rel @p1 .LBB3_50-.Ltmp47, $1  }
0x297: {  	_ =	sdelay $0x3  }
0x298: {  	s2 =	sand.u32 $0xFFFF8, s0;
	s4 =	sand.u32 $0x7, s0  }
0x299: {  	s29 =	sadd.s32 $0x80, s0;
	s3 =	sadd.s32 s1, s2;
	s2 =	simm.s32 $0xC608  }
0x29a: {  	[tilespmem:s2], [sflag:$0x6] =	stream.linear.gather [hbm4b:s3+s4], $0x80, $0x38;
	[tilespmem:$0x1C938] =	vst v63  }
0x29b: {  	s3 =	sand.u32 $0x1FFFF8, s29  }
0x29c: {  	s30 =	sadd.s32 $0x100, s0;
	s3 =	sadd.s32 s1, s3  }
0x29d: {  	[tilespmem:s11], [sflag:$0x6] =	stream.linear.gather [hbm4b:s3+s4], $0x80, $0x38;
	[tilespmem:$0x1C938] =	vst v63  }
0x29e: {  	s31 =	sadd.s32 $0x180, s0;
	s3 =	sand.u32 $0x1FFFF8, s30  }
0x29f: {  	s0 =	sand.u32 $0x1FFFF8, s31;
	s3 =	sadd.s32 s1, s3  }
0x2a0: {  	[tilespmem:s12], [sflag:$0x6] =	stream.linear.gather [hbm4b:s3+s4], $0x80, $0x38;
	[tilespmem:$0x1C938] =	vst v63  }
0x2a1: {  	s0 =	sadd.s32 s1, s0  }
0x2a2: {  	[tilespmem:s13], [sflag:$0x6] =	stream.linear.gather [hbm4b:s0+s4], $0x80, $0x38;
	[tilespmem:$0x1C938] =	vst v63  }
0x2a3: {  	_ =	swait.ge [sflag:s9], $0x200  }
0x2a4: {  	[sflag:s9] =	ssyncset.done $0x0  }
0x2a5: {  	[sflag:s9] =	ssyncadd.s32 $0xFFFFFE00  }
0x2a6: {  	s3 =	smov.u32 s10;
	s0 =	simm.s32 $0x0;
	v1 =	vld [tilespmem:s2+$0x0]  }
.LBB3_48:
0x2a7: {  	s0 =	sadd.s32 $0x10, s0  }
0x2a8: {  	p1 =	slt.u32 s0, $0x1F0  }
.Ltmp48:
0x2a9: {  	_ = 	snop;
	(pc) =	sbr.rel @p1 .LBB3_48-.Ltmp48, $3  }
0x2aa: {  	_ =	sdelay $0x1  }
0x2ab: {  	s2 =	sadd.s32 $0x10, s2;
	[tilespmem:s3+$0x0] =	vst.add.f32.msk $0xffff, v1;
	s3 =	sadd.s32 $0x10, s3  }
0x2ac: {  	v1 =	vld [tilespmem:s2+$0x0]  }
0x2ad: {  	_ =	sdelay $0x3  }
0x2ae: {  	[tilespmem:s3+$0x0] =	vst.add.f32.msk $0xffff, v1  }
.LBB3_50:
0x2af: {  	s0 =	sshll.u32 s6, $0xB  }
0x2b0: {  	[tilespmem:s6+$0xC818] =	vst.msk $0x1, v0;
	s0 =	sshra.s32 s0, $0x2  }
0x2b1: {  	s2 =	simm.s32 $0x0;
	s3 =	smov.u32 s10;
	v0 =	vld [tilespmem:s10+$0x0];
	s0 =	sadd.s32 $0xC838, s0  }
.LBB3_51:
0x2b2: {  	s2 =	sadd.s32 $0x10, s2  }
0x2b3: {  	p1 =	slt.u32 s2, $0x1F0  }
.Ltmp49:
0x2b4: {  	_ = 	snop;
	(pc) =	sbr.rel @p1 .LBB3_51-.Ltmp49, $3  }
0x2b5: {  	_ =	sdelay $0x1  }
0x2b6: {  	s3 =	sadd.s32 $0x10, s3;
	[tilespmem:s0+$0x0] =	vst v0;
	s0 =	sadd.s32 $0x10, s0  }
0x2b7: {  	v0 =	vld [tilespmem:s3+$0x0]  }
.Ltmp50:
0x2b8: {  	_ = 	snop;
	(pc) =	sbr.rel .LBB3_53-.Ltmp50, $2  }
0x2b9: {  	_ =	sdelay $0x2  }
0x2ba: {  	s6 =	sadd.s32 $0x1, s6;
	[tilespmem:s0+$0x0] =	vst v0  }
.LBB3_54:
0x2bb: {  	s0 =	simm.s32 $0x6;
	p1 =	seq.s32 s6, $0x0  }
0x2bc: {  	[sflag:s0] =	ssyncpa.u1 $0x1;
	v0 =	vimm.s32 @p1 $0xFFFFFFFF  }
0x2bd: {  	s0 =	sadd.s32 $0xFFFFFFFF, s6;
	[tilespmem:$0x10838] =	vst @p1 v0  }
0x2be: {  	v0 =	vld.msk @!p1 [tilespmem:s0+$0xC818], $0x1;
	_ =	sdelay $0x1  }
0x2bf: {  	v1 =	vld.msk @!p1 [tilespmem:$0xC818], $0x1;
	_ =	sdelay $0x2  }
0x2c0: {  	p2 =	seq.s32 @!p1 s0, $0x0;
	v0 =	vbroadcast @!p1 v0, $0x0  }
0x2c1: {  	vm0 =	vmmov @!p1 $0x1;
	p2 =	por !p2, p1  }
0x2c2: {  	v1 =	vnsel @!p1 vm0, $0xFFFFFFFF, v1;
	vm0 =	vcmask @!p1 $0x308;
	v0 =	vpsel !p2, $0xFFFFFFFF, v0  }
0x2c3: {  	p2 =	sne.s32 @!p1 s8, s7;
	v0 =	vsel @!p1 vm0, v1, v0  }
0x2c4: {  	s2 =	simm.s32 @!p1 $0xC838;
	s3 =	simm.s32 @!p1 $0x0;
	p3 =	por !p2, p1;
	[tilespmem:$0x10838] =	vst @!p1 v0  }
0x2c5: {  	[spmem:s3] =	stream.linear.scatter @!p1 [tilespmem:s2], [sflag:$0x1], $0x200, $0x38;
	[tilespmem:$0x1C938] =	vst v63  }
0x2c6: {  	s2 =	sshll.u32 @!p3 s0, $0xB  }
0x2c7: {  	s2 =	sshra.s32 @!p3 s2, $0x2  }
0x2c8: {  	s3 =	simm.s32 @!p3 $0x200;
	s2 =	sadd.s32 @!p3 $0xC838, s2  }
0x2c9: {  	[spmem:s3] =	stream.linear.scatter @!p3 [tilespmem:s2], [sflag:$0x1], $0x200, $0x38;
	[tilespmem:$0x1C938] =	vst v63  }
0x2ca: {  	s2 =	simm.s32 @!p3 $0x1  }
0x2cb: {  	_ =	swait.ge @!p3 [sflag:s2], $0x400  }
0x2cc: {  	p1 =	por p2, p1;
	[sflag:s2] =	ssyncset.done @!p3 $0x0  }
0x2cd: {  	[sflag:s2] =	ssyncadd.s32 @!p3 $0xFFFFFC00;
	s2 =	simm.s32 @!p1 $0x1  }
0x2ce: {  	_ =	swait.ge @!p1 [sflag:s2], $0x200  }
0x2cf: {  	s29 =	simm.s32 $0x10838;
	[sflag:s2] =	ssyncset.done @!p1 $0x0  }
0x2d0: {  	s30 =	simm.s32 $0x4000;
	s31 =	simm.s32 $0x1;
	[sflag:s2] =	ssyncadd.s32 @!p1 $0xFFFFFE00  }
0x2d1: {  	[spmem:s30] =	stream.linear.scatter [tilespmem:s29], [sflag:$0x1], $0x10, $0x38;
	[tilespmem:$0x1C938] =	vst v63  }
0x2d2: {  	_ =	swait.ge [sflag:s31], $0x10  }
0x2d3: {  	[sflag:s31] =	ssyncset.done $0x0  }
0x2d4: {  	p1 =	seq.s32 s16, $0x0;
	s9 =	rddreg [dreg:$0x1];
	[sflag:s31] =	ssyncadd.s32 $0xFFFFFFF0  }
0x2d5: {  	s3 =	sshll.u32 @p1 s9, $0xE;
	s8 =	rddreg [dreg:$0x2]  }
0x2d6: {  	s2 =	sadd.s32 @p1 $0x15C3C, s3;
	s3 =	sshll.u32 @p1 s8, $0x11  }
0x2d7: {  	_ =	sfence.stream.spmem;
	s2 =	sor.u32 @p1 s3, s2  }
0x2d8: {  	[sflag:s2] =	ssyncadd.remote.s32 @p1 $0x1;
	s2 =	simm.s32 @p1 $0x4  }
0x2d9: {  	s4 =	simm.s32 @!p1 $0x3C;
	s3 =	sand.u32 $0xFFFFFFFE, s9;
	_ =	swait.ge @p1 [sflag:s2], $0x82  }
0x2da: {  	s5 =	simm.s32 @!p1 $0x0;
	s3 =	sadd.s32 @!p1 $0x4, s3;
	[sflag:s2] =	ssyncset.done @p1 $0x0  }
0x2db: {  	s7 =	simm.s32 @!p1 $0x400;
	[sflag:s2] =	ssyncadd.s32 @p1 $0xFFFFFF7E;
	s2 =	sshll.u32 @!p1 s3, $0x1A  }
0x2dc: {  	s3 =	sshll.u32 @!p1 s3, $0xD;
	s2 =	sor.u32 @!p1 s2, s8;
	_ =	swait.eq @!p1 [sflag:s4], $0x1  }
0x2dd: {  	s3 =	sor.u32 @!p1 $0x1C04, s3;
	s4 =	simm.s32 @!p1 $0x1C03;
	s2 =	sor.u32 @!p1 $0x80004000, s2  }
0x2de: {  	[spmem:s7], [sflag:s3] =	dma.general @!p1 [spmem:s5], [sflag:s4], length:$0x80, [dreg:$0x0], stride_count:$0x0, ici_dest:s2, dma_misc:DstOpCode:WRITE  }
0x2df: {  	p2 =	slt.s32 s0, $0x2;
	s5 =	simm.s32 @!p1 $0x800;
	s7 =	simm.s32 @!p1 $0x802  }
0x2e0: {  	[spmem:s7], [sflag:s3] =	dma.general @!p1 [spmem:s5], [sflag:s4], length:$0x2, [dreg:$0x0], stride_count:$0x0, ici_dest:s2, dma_misc:DstOpCode:WRITE  }
.Ltmp51:
0x2e1: {  	s2 =	simm.s32 @!p1 $0x3;
	(pc) =	sbr.rel @p2 .LBB3_58-.Ltmp51, $4  }
0x2e2: {  	s3 =	sshll.u32 @!p1 s9, $0xE;
	_ =	swait.ge @!p1 [sflag:s2], $0x82  }
0x2e3: {  	s4 =	sshll.u32 @!p1 s8, $0x11;
	s3 =	sadd.s32 @!p1 $0x11C3C, s3;
	[sflag:s2] =	ssyncset.done @!p1 $0x0  }
0x2e4: {  	[sflag:s2] =	ssyncadd.s32 @!p1 $0xFFFFFF7E;
	s2 =	sor.u32 @!p1 s4, s3  }
0x2e5: {  	s0 =	simm.s32 $0x0;
	[sflag:s2] =	ssyncadd.remote.s32 @!p1 $0xFFFFFFFF  }
0x2e6: {  	s0 =	simm.s32 $0xC819  }
0x2e7: {  	v0 =	vld.msk [tilespmem:s0+$0x0], $0x1;
	_ =	sdelay $0x4  }
0x2e8: {  	(v2sf) =	vpush v0, $0x0;
	_ =	sdelay $0xe  }
0x2e9: {  	s2 =	sadd.s32 $0xFFFFFFFE, s6;
	s3 =	spop (v2sf)  }
0x2ea: {  	s5 =	simm.s32 $0xCA38;
	s4 =	sadd.s32 $0xFFFFFFFF, s2;
	p1 =	sgt.u32 s3, $0x9C270  }
0x2eb: {  	s0 =	simm.s32 $0x0;
	p2 =	sne.s32 s4, $0x0;
	s2 =	sand.u32 @!p1 $0xFFFF8, s3  }
0x2ec: {  	s6 =	sadd.s32 @!p1 $0x80, s3;
	s7 =	sadd.s32 @!p1 $0x100, s3;
	s8 =	sadd.s32 @!p1 s1, s2  }
0x2ed: {  	s2 =	sand.u32 @!p1 $0x7, s3;
	s6 =	sand.u32 @!p1 $0x1FFFF8, s6;
	s7 =	sand.u32 @!p1 $0x1FFFF8, s7  }
0x2ee: {  	[hbm4b:s8+s2] =	stream.linear.scatter @!p1 [tilespmem:s5], [sflag:$0x5], $0x80, $0x38;
	[tilespmem:$0x1C938] =	vst v63  }
0x2ef: {  	s5 =	simm.s32 @!p1 $0xCAB8;
	s6 =	sadd.s32 @!p1 s1, s6;
	s7 =	sadd.s32 @!p1 s1, s7  }
.Ltmp52:
0x2f0: {  	s8 =	sadd.s32 @!p1 $0x180, s3;
	s3 =	simm.s32 $0x0;
	(pc) =	sbr.rel @!p2 .LBB3_57-.Ltmp52, $4  }
0x2f1: {  	[hbm4b:s6+s2] =	stream.linear.scatter @!p1 [tilespmem:s5], [sflag:$0x5], $0x80, $0x38;
	[tilespmem:$0x1C938] =	vst v63  }
0x2f2: {  	s3 =	simm.s32 @!p1 $0x800;
	s8 =	sand.u32 @!p1 $0x1FFFF8, s8;
	s6 =	simm.s32 @!p1 $0xCB38  }
0x2f3: {  	[hbm4b:s7+s2] =	stream.linear.scatter @!p1 [tilespmem:s6], [sflag:$0x5], $0x80, $0x38;
	[tilespmem:$0x1C938] =	vst v63  }
0x2f4: {  	s5 =	simm.s32 $0xC81A;
	s6 =	simm.s32 $0xCC38;
	s7 =	simm.s32 @!p1 $0xCBB8  }
.LBB3_56:
0x2f5: {  	s4 =	sadd.s32 $0xFFFFFFFF, s4;
	s8 =	sadd.s32 @!p1 s1, s8;
	s0 =	sadd.s32 s0, s3  }
0x2f6: {  	[hbm4b:s8+s2] =	stream.linear.scatter @!p1 [tilespmem:s7], [sflag:$0x5], $0x80, $0x38;
	[tilespmem:$0x1C938] =	vst v63  }
0x2f7: {  	p2 =	sne.s32 s4, $0x0;
	s7 =	smov.u32 s6;
	v0 =	vld.msk [tilespmem:s5+$0x0], $0x1;
	_ =	sdelay $0x4  }
0x2f8: {  	(v2sf) =	vpush v0, $0x0;
	_ =	sdelay $0xe  }
0x2f9: {  	s3 =	spop (v2sf)  }
0x2fa: {  	s6 =	sadd.s32 $0x200, s6;
	s5 =	sadd.s32 $0x1, s5;
	p1 =	sgt.u32 s3, $0x9C270  }
0x2fb: {  	s2 =	sand.u32 @!p1 $0xFFFF8, s3;
	s8 =	sadd.s32 @!p1 $0x80, s3;
	s9 =	sadd.s32 @!p1 $0x100, s3  }
0x2fc: {  	s10 =	sadd.s32 @!p1 s1, s2;
	s2 =	sand.u32 @!p1 $0x7, s3;
	s8 =	sand.u32 @!p1 $0x1FFFF8, s8  }
0x2fd: {  	[hbm4b:s10+s2] =	stream.linear.scatter @!p1 [tilespmem:s7], [sflag:$0x5], $0x80, $0x38;
	[tilespmem:$0x1C938] =	vst v63  }
0x2fe: {  	s9 =	sand.u32 @!p1 $0x1FFFF8, s9;
	s10 =	sadd.s32 @!p1 $0x80, s7  }
.Ltmp53:
0x2ff: {  	s8 =	sadd.s32 @!p1 s1, s8;
	s9 =	sadd.s32 @!p1 s1, s9;
	(pc) =	sbr.rel @p2 .LBB3_56-.Ltmp53, $4  }
0x300: {  	[hbm4b:s8+s2] =	stream.linear.scatter @!p1 [tilespmem:s10], [sflag:$0x5], $0x80, $0x38;
	[tilespmem:$0x1C938] =	vst v63  }
0x301: {  	s8 =	sadd.s32 @!p1 $0x100, s7;
	s10 =	sadd.s32 @!p1 $0x180, s3;
	s3 =	simm.s32 $0x0  }
0x302: {  	[hbm4b:s9+s2] =	stream.linear.scatter @!p1 [tilespmem:s8], [sflag:$0x5], $0x80, $0x38;
	[tilespmem:$0x1C938] =	vst v63  }
0x303: {  	s7 =	sadd.s32 @!p1 $0x180, s7;
	s3 =	simm.s32 @!p1 $0x800;
	s8 =	sand.u32 @!p1 $0x1FFFF8, s10  }
.LBB3_57:
0x304: {  	s4 =	sadd.s32 @!p1 s1, s8;
	s0 =	sadd.s32 s0, s3  }
0x305: {  	[hbm4b:s4+s2] =	stream.linear.scatter @!p1 [tilespmem:s7], [sflag:$0x5], $0x80, $0x38;
	[tilespmem:$0x1C938] =	vst v63  }
0x306: {  	s0 =	sshrl.u32 s0, $0x2  }
.LBB3_58:
0x307: {  	s2 =	simm.s32 $0x5  }
0x308: {  	_ =	swait.ge [sflag:s2], s0  }
0x309: {  	s31 =	ssub.s32 $0x0, s0;
	[sflag:s2] =	ssyncset.done $0x0  }
0x30a: {  	[sflag:s2] =	ssyncadd.s32 s31  }
0x30b: {  	[sflag:s2] =	ssyncpa.u1 $0x1  }
.LBB3_59:
0x30c: {  	s0 =	sor.u32 s16, s17  }
0x30d: {  	p1 =	sne.s32 s0, $0x0  }
.Ltmp54:
0x30e: {  	_ = 	snop;
	(pc) =	sbr.rel @p1 .LBB3_82-.Ltmp54, $3  }
0x30f: {  	_ =	sdelay $0x1  }
0x310: {  	[bflag:$0x0] =	sbarrier.arrive $0xFFFF  }
0x311: {  	_ =	sfence  }
0x312: {  	s0 =	simm.s32 $0x7  }
0x313: {  	s2 =	simm.s32 $0x4000;
	s3 =	simm.s32 $0xC818;
	[sflag:s0] =	ssyncpa.u1 $0x0  }
0x314: {  	[tilespmem:s3], [sflag:$0x7] =	stream.linear.gather [spmem:s2], $0x20, $0x38;
	[tilespmem:$0x1C938] =	vst v63  }
0x315: {  	s2 =	simm.s32 $0x0;
	s3 =	simm.s32 $0xC838  }
0x316: {  	[tilespmem:s3], [sflag:$0x7] =	stream.linear.gather [spmem:s2], $0x4000, $0x38;
	[tilespmem:$0x1C938] =	vst v63  }
.Ltmp55:
0x317: {  	_ = 	snop;
	(pc) =	sbr.rel .LBB3_61-.Ltmp55, $4  }
0x318: {  	_ =	swait.ge [sflag:s0], $0x4020  }
0x319: {  	s4 =	simm.s32 $0x8;
	[sflag:s0] =	ssyncset.done $0x0  }
0x31a: {  	s5 =	simm.s32 $0xC688;
	s6 =	simm.s32 $0xC708;
	[sflag:s0] =	ssyncadd.s32 $0xFFFFBFE0  }
0x31b: {  	s7 =	simm.s32 $0xC788;
	s8 =	simm.s32 $0x0;
	[sflag:s4] =	ssyncpa.u1 $0x0  }
.LBB3_76:
0x31c: {  	s8 =	sadd.s32 $0x1, s8  }
0x31d: {  	p1 =	sne.s32 s8, $0x20  }
.Ltmp56:
0x31e: {  	_ = 	snop;
	(pc) =	sbr.rel @!p1 .LBB3_77-.Ltmp56, $2  }
0x31f: {  	_ =	sdelay $0x2  }
0x320: {  	s3 =	sadd.s32 $0x200, s3  }
.LBB3_61:
0x321: {  	v0 =	vld.msk [tilespmem:s8+$0xC818], $0x1;
	_ =	sdelay $0x4  }
0x322: {  	(v2sf) =	vpush v0, $0x0;
	_ =	sdelay $0xe  }
0x323: {  	s0 =	spop (v2sf)  }
0x324: {  	p1 =	seq.s32 s0, $0xFFFFFFFF  }
.Ltmp57:
0x325: {  	_ = 	snop;
	(pc) =	sbr.rel @p1 .LBB3_76-.Ltmp57, $1  }
0x326: {  	_ =	sdelay $0x3  }
0x327: {  	p1 =	slt.s32 s2, $0x1  }
.Ltmp58:
0x328: {  	_ = 	snop;
	(pc) =	sbr.rel @p1 .LBB3_69-.Ltmp58, $1  }
0x329: {  	_ =	sdelay $0x3  }
0x32a: {  	s9 =	simm.s32 $0xC818;
	p1 =	por $0x0, $0x0  }
0x32b: {  	v1 =	vld.msk @!p1 [tilespmem:s9+$0x0], $0x1;
	_ =	sdelay $0x4  }
0x32c: {  	(v2sf) =	vpush @!p1 v1, $0x0;
	_ =	sdelay $0xd  }
0x32d: {  	p3 =	sne.s32 s2, $0x1  }
.Ltmp59:
0x32e: {  	s10 =	spop @!p1 (v2sf);
	(pc) =	sbr.rel @!p3 .LBB3_65-.Ltmp59, $4  }
0x32f: {  	p2 =	seq.s32 @!p1 s0, s10  }
0x330: {  	s10 =	simm.s32 $0x0;
	p2 =	por !p2, p1  }
0x331: {  	s12 =	simm.s32 $0xFFFFFFFF;
	s10 =	simm.s32 @p2 $0xFFFFFFFF  }
0x332: {  	s11 =	simm.s32 $0x1;
	s10 =	smov.u32 @p1 s12  }
.LBB3_64:
0x333: {  	s12 =	smov.u32 s10;
	p1 =	sne.s32 s10, $0xFFFFFFFF  }
0x334: {  	s9 =	sadd.s32 $0x1, s9;
	s10 =	smov.u32 s11;
	s11 =	sadd.s32 $0x1, s11  }
0x335: {  	p2 =	sne.s32 s2, s11;
	v1 =	vld.msk @!p1 [tilespmem:s9+$0x0], $0x1;
	_ =	sdelay $0x4  }
0x336: {  	(v2sf) =	vpush @!p1 v1, $0x0;
	_ =	sdelay $0xe  }
.Ltmp60:
0x337: {  	s13 =	spop @!p1 (v2sf);
	(pc) =	sbr.rel @p2 .LBB3_64-.Ltmp60, $4  }
0x338: {  	p3 =	seq.s32 @!p1 s0, s13  }
0x339: {  	p3 =	por !p3, p1  }
0x33a: {  	s10 =	simm.s32 @p3 $0xFFFFFFFF  }
0x33b: {  	s10 =	smov.u32 @p1 s12  }
.LBB3_65:
0x33c: {  	p1 =	seq.s32 s10, $0xFFFFFFFF  }
.Ltmp61:
0x33d: {  	_ = 	snop;
	(pc) =	sbr.rel @p1 .LBB3_69-.Ltmp61, $1  }
0x33e: {  	_ =	sdelay $0x3  }
0x33f: {  	s0 =	sshll.u32 s10, $0xB  }
0x340: {  	s0 =	sshra.s32 s0, $0x2  }
0x341: {  	s9 =	simm.s32 $0x0;
	v0 =	vld [tilespmem:s3+$0x0];
	s10 =	smov.u32 s3;
	s0 =	sadd.s32 $0xC838, s0  }
.LBB3_67:
0x342: {  	s9 =	sadd.s32 $0x10, s9  }
0x343: {  	p1 =	slt.u32 s9, $0x1F0  }
.Ltmp62:
0x344: {  	_ = 	snop;
	(pc) =	sbr.rel @p1 .LBB3_67-.Ltmp62, $3  }
0x345: {  	_ =	sdelay $0x1  }
0x346: {  	s10 =	sadd.s32 $0x10, s10;
	[tilespmem:s0+$0x0] =	vst.add.f32.msk $0xffff, v0;
	s0 =	sadd.s32 $0x10, s0  }
0x347: {  	v0 =	vld [tilespmem:s10+$0x0]  }
.Ltmp63:
0x348: {  	_ = 	snop;
	(pc) =	sbr.rel .LBB3_76-.Ltmp63, $2  }
0x349: {  	_ =	sdelay $0x2  }
0x34a: {  	[tilespmem:s0+$0x0] =	vst.add.f32.msk $0xffff, v0  }
.LBB3_69:
0x34b: {  	p1 =	sgt.u32 s0, $0x9C270  }
.Ltmp64:
0x34c: {  	_ = 	snop;
	(pc) =	sbr.rel @p1 .LBB3_73-.Ltmp64, $1  }
0x34d: {  	_ =	sdelay $0x3  }
0x34e: {  	s9 =	sand.u32 $0xFFFF8, s0;
	s11 =	sand.u32 $0x7, s0  }
0x34f: {  	s29 =	sadd.s32 $0x80, s0;
	s10 =	sadd.s32 s1, s9;
	s9 =	simm.s32 $0xC608  }
0x350: {  	[tilespmem:s9], [sflag:$0x8] =	stream.linear.gather [hbm4b:s10+s11], $0x80, $0x38;
	[tilespmem:$0x1C938] =	vst v63  }
0x351: {  	s10 =	sand.u32 $0x1FFFF8, s29  }
0x352: {  	s30 =	sadd.s32 $0x100, s0;
	s10 =	sadd.s32 s1, s10  }
0x353: {  	[tilespmem:s5], [sflag:$0x8] =	stream.linear.gather [hbm4b:s10+s11], $0x80, $0x38;
	[tilespmem:$0x1C938] =	vst v63  }
0x354: {  	s31 =	sadd.s32 $0x180, s0;
	s10 =	sand.u32 $0x1FFFF8, s30  }
0x355: {  	s0 =	sand.u32 $0x1FFFF8, s31;
	s10 =	sadd.s32 s1, s10  }
0x356: {  	[tilespmem:s6], [sflag:$0x8] =	stream.linear.gather [hbm4b:s10+s11], $0x80, $0x38;
	[tilespmem:$0x1C938] =	vst v63  }
0x357: {  	s0 =	sadd.s32 s1, s0  }
0x358: {  	[tilespmem:s7], [sflag:$0x8] =	stream.linear.gather [hbm4b:s0+s11], $0x80, $0x38;
	[tilespmem:$0x1C938] =	vst v63  }
0x359: {  	_ =	swait.ge [sflag:s4], $0x200  }
0x35a: {  	[sflag:s4] =	ssyncset.done $0x0  }
0x35b: {  	[sflag:s4] =	ssyncadd.s32 $0xFFFFFE00  }
0x35c: {  	s10 =	smov.u32 s3;
	s0 =	simm.s32 $0x0;
	v1 =	vld [tilespmem:s9+$0x0]  }
.LBB3_71:
0x35d: {  	s0 =	sadd.s32 $0x10, s0  }
0x35e: {  	p1 =	slt.u32 s0, $0x1F0  }
.Ltmp65:
0x35f: {  	_ = 	snop;
	(pc) =	sbr.rel @p1 .LBB3_71-.Ltmp65, $3  }
0x360: {  	_ =	sdelay $0x1  }
0x361: {  	s9 =	sadd.s32 $0x10, s9;
	[tilespmem:s10+$0x0] =	vst.add.f32.msk $0xffff, v1;
	s10 =	sadd.s32 $0x10, s10  }
0x362: {  	v1 =	vld [tilespmem:s9+$0x0]  }
0x363: {  	_ =	sdelay $0x3  }
0x364: {  	[tilespmem:s10+$0x0] =	vst.add.f32.msk $0xffff, v1  }
.LBB3_73:
0x365: {  	s0 =	sshll.u32 s2, $0xB  }
0x366: {  	[tilespmem:s2+$0xC818] =	vst.msk $0x1, v0;
	s0 =	sshra.s32 s0, $0x2  }
0x367: {  	s9 =	simm.s32 $0x0;
	s10 =	smov.u32 s3;
	v0 =	vld [tilespmem:s3+$0x0];
	s0 =	sadd.s32 $0xC838, s0  }
.LBB3_74:
0x368: {  	s9 =	sadd.s32 $0x10, s9  }
0x369: {  	p1 =	slt.u32 s9, $0x1F0  }
.Ltmp66:
0x36a: {  	_ = 	snop;
	(pc) =	sbr.rel @p1 .LBB3_74-.Ltmp66, $3  }
0x36b: {  	_ =	sdelay $0x1  }
0x36c: {  	s10 =	sadd.s32 $0x10, s10;
	[tilespmem:s0+$0x0] =	vst v0;
	s0 =	sadd.s32 $0x10, s0  }
0x36d: {  	v0 =	vld [tilespmem:s10+$0x0]  }
.Ltmp67:
0x36e: {  	_ = 	snop;
	(pc) =	sbr.rel .LBB3_76-.Ltmp67, $2  }
0x36f: {  	_ =	sdelay $0x2  }
0x370: {  	s2 =	sadd.s32 $0x1, s2;
	[tilespmem:s0+$0x0] =	vst v0  }
.LBB3_77:
0x371: {  	p1 =	slt.s32 s2, $0x1  }
.Ltmp68:
0x372: {  	_ = 	snop;
	(pc) =	sbr.rel @p1 .LBB3_81-.Ltmp68, $3  }
0x373: {  	_ =	sdelay $0x1  }
0x374: {  	s0 =	simm.s32 $0x8  }
0x375: {  	[sflag:s0] =	ssyncpa.u1 $0x1;
	s0 =	simm.s32 $0x0  }
0x376: {  	s3 =	simm.s32 $0xC818  }
0x377: {  	v0 =	vld.msk [tilespmem:s3+$0x0], $0x1;
	_ =	sdelay $0x4  }
0x378: {  	(v2sf) =	vpush v0, $0x0;
	_ =	sdelay $0xe  }
0x379: {  	s7 =	spop (v2sf)  }
0x37a: {  	s2 =	sadd.s32 $0xFFFFFFFF, s2;
	p1 =	sgt.u32 s7, $0x9C270  }
0x37b: {  	s3 =	simm.s32 $0xC838;
	s4 =	sand.u32 @!p1 $0xFFFF8, s7;
	s8 =	sadd.s32 @!p1 $0x80, s7  }
0x37c: {  	s5 =	sand.u32 @!p1 $0x7, s7;
	s4 =	sadd.s32 @!p1 s1, s4;
	s8 =	sand.u32 @!p1 $0x1FFFF8, s8  }
0x37d: {  	[hbm4b:s4+s5] =	stream.linear.scatter @!p1 [tilespmem:s3], [sflag:$0x7], $0x80, $0x38;
	[tilespmem:$0x1C938] =	vst v63  }
0x37e: {  	p2 =	sne.s32 s2, $0x0;
	s3 =	simm.s32 @!p1 $0xC8B8;
	s4 =	sadd.s32 @!p1 s1, s8  }
0x37f: {  	[hbm4b:s4+s5] =	stream.linear.scatter @!p1 [tilespmem:s3], [sflag:$0x7], $0x80, $0x38;
	[tilespmem:$0x1C938] =	vst v63  }
.Ltmp69:
0x380: {  	s6 =	simm.s32 $0x0;
	s9 =	sadd.s32 @!p1 $0x100, s7;
	(pc) =	sbr.rel @!p2 .LBB3_80-.Ltmp69, $4  }
0x381: {  	s6 =	simm.s32 @!p1 $0x800;
	s8 =	sand.u32 @!p1 $0x1FFFF8, s9;
	s3 =	simm.s32 @!p1 $0xC938  }
0x382: {  	s4 =	sadd.s32 @!p1 s1, s8;
	s8 =	sadd.s32 @!p1 $0x180, s7;
	s7 =	simm.s32 @!p1 $0xC9B8  }
0x383: {  	[hbm4b:s4+s5] =	stream.linear.scatter @!p1 [tilespmem:s3], [sflag:$0x7], $0x80, $0x38;
	[tilespmem:$0x1C938] =	vst v63  }
0x384: {  	s8 =	sand.u32 @!p1 $0x1FFFF8, s8;
	s3 =	simm.s32 $0xC819;
	s4 =	simm.s32 $0xCA38  }
.LBB3_79:
0x385: {  	s2 =	sadd.s32 $0xFFFFFFFF, s2;
	s8 =	sadd.s32 @!p1 s1, s8;
	s0 =	sadd.s32 s0, s6  }
0x386: {  	[hbm4b:s8+s5] =	stream.linear.scatter @!p1 [tilespmem:s7], [sflag:$0x7], $0x80, $0x38;
	[tilespmem:$0x1C938] =	vst v63  }
0x387: {  	p2 =	sne.s32 s2, $0x0;
	s7 =	smov.u32 s4;
	v0 =	vld.msk [tilespmem:s3+$0x0], $0x1;
	_ =	sdelay $0x4  }
0x388: {  	(v2sf) =	vpush v0, $0x0;
	_ =	sdelay $0xe  }
0x389: {  	s6 =	spop (v2sf)  }
0x38a: {  	s4 =	sadd.s32 $0x200, s4;
	s3 =	sadd.s32 $0x1, s3;
	p1 =	sgt.u32 s6, $0x9C270  }
0x38b: {  	s5 =	sand.u32 @!p1 $0xFFFF8, s6;
	s8 =	sadd.s32 @!p1 $0x80, s6;
	s9 =	sadd.s32 @!p1 $0x100, s6  }
0x38c: {  	s10 =	sadd.s32 @!p1 s1, s5;
	s5 =	sand.u32 @!p1 $0x7, s6;
	s8 =	sand.u32 @!p1 $0x1FFFF8, s8  }
0x38d: {  	[hbm4b:s10+s5] =	stream.linear.scatter @!p1 [tilespmem:s7], [sflag:$0x7], $0x80, $0x38;
	[tilespmem:$0x1C938] =	vst v63  }
0x38e: {  	s9 =	sand.u32 @!p1 $0x1FFFF8, s9;
	s10 =	sadd.s32 @!p1 $0x80, s7  }
.Ltmp70:
0x38f: {  	s8 =	sadd.s32 @!p1 s1, s8;
	s9 =	sadd.s32 @!p1 s1, s9;
	(pc) =	sbr.rel @p2 .LBB3_79-.Ltmp70, $4  }
0x390: {  	[hbm4b:s8+s5] =	stream.linear.scatter @!p1 [tilespmem:s10], [sflag:$0x7], $0x80, $0x38;
	[tilespmem:$0x1C938] =	vst v63  }
0x391: {  	s8 =	sadd.s32 @!p1 $0x100, s7;
	s10 =	sadd.s32 @!p1 $0x180, s6;
	s6 =	simm.s32 $0x0  }
0x392: {  	[hbm4b:s9+s5] =	stream.linear.scatter @!p1 [tilespmem:s8], [sflag:$0x7], $0x80, $0x38;
	[tilespmem:$0x1C938] =	vst v63  }
0x393: {  	s7 =	sadd.s32 @!p1 $0x180, s7;
	s6 =	simm.s32 @!p1 $0x800;
	s8 =	sand.u32 @!p1 $0x1FFFF8, s10  }
.LBB3_80:
0x394: {  	s1 =	sadd.s32 @!p1 s1, s8;
	s0 =	sadd.s32 s0, s6  }
0x395: {  	[hbm4b:s1+s5] =	stream.linear.scatter @!p1 [tilespmem:s7], [sflag:$0x7], $0x80, $0x38;
	[tilespmem:$0x1C938] =	vst v63  }
0x396: {  	s0 =	sshrl.u32 s0, $0x2  }
.LBB3_81:
0x397: {  	s1 =	simm.s32 $0x7  }
0x398: {  	_ =	swait.ge [sflag:s1], s0  }
0x399: {  	s31 =	ssub.s32 $0x0, s0;
	[sflag:s1] =	ssyncset.done $0x0  }
0x39a: {  	[sflag:s1] =	ssyncadd.s32 s31  }
0x39b: {  	[sflag:s1] =	ssyncpa.u1 $0x1  }
.LBB3_82:
0x39c: {  	_ =	sfence;
	s0 =	simm.s32 $0x1  }
0x39d: {  	[sflag:s0] =	ssyncpa.u1 $0x1  }
0x39e: {  	_ =	strace $0x90000050  }
0x39f: {  	[bflag:$0x2] =	sbarrier.arrive $0xFFFF  }
0x3a0: {  	s0 =	rddreg [dreg:$0x3]  }
0x3a1: {  	s0 =	sadd.s32 @!p0 $0x100000, s0  }
0x3a2: {  	[sflag:s0] =	ssyncadd.tile.s32 @!p0 $0x1;
	_ =	shalt  }
.Lfunc_end3:
_tile_overlayer_lowered:
.L_overlay_start_3:
0x3a3: {  	(tag) =	ssettag $0x3  }
0x3a4: {  	s0 =	rddreg [dreg:$0x0];
	s2 =	stileid.u32  }
0x3a5: {  	s1 =	rddreg [dreg:$0x1];
	p0 =	sne.s32 s2, $0x0  }
0x3a6: {  	s3 =	rddreg [dreg:$0x2];
	[bflag:$0x3] =	sbarrier.arrive $0xFFFF;
	s2 =	simm.s32 @!p0 $0x1C01  }
0x3a7: {  	[timem:s3], [sflag:s2] =	dma.local @!p0 [hbm:s0], s1  }
0x3a8: {  	s0 =	simm.s32 @!p0 $0x1  }
0x3a9: {  	_ =	swait.ge @!p0 [sflag:s0], s1  }
0x3aa: {  	s1 =	ssub.s32 @!p0 $0x0, s1;
	[sflag:s0] =	ssyncset.done @!p0 $0x0  }
0x3ab: {  	[sflag:s0] =	ssyncadd.s32 @!p0 s1  }
0x3ac: {  	[bflag:$0x3] =	sbarrier.arrive $0xFFFF  }
0x3ad: {  	_ =	shalt  }

// kernel: scatter_offload_async_start.2
scs
__scs_entry_jumppad:
0x0: {  	(pc) =	sbr.rel $0x88, $3  }
0x1: {  	(tag) =	ssettag $0x0;
	lr =	simm.s32 $0x1  }
0x2: {  	[smem:$0x3F92] =	sst lr;
	_ =	strace $0xD0000000  }
0x3: {  	_ = 	snop  }
0x4: {  	_ = 	snop  }
0x5: {  	_ = 	snop  }
0x6: {  	_ = 	snop  }
0x7: {  	_ = 	snop  }
__scs_overlays_trampoline_lowered:
0x8: {  	[smem:$0x3FA1] =	sst s0  }
0x9: {  	[smem:$0x3FA2] =	sst s1  }
0xa: {  	[smem:$0x3FA3] =	sst s2  }
0xb: {  	[smem:$0x3FA4] =	sst s3  }
0xc: {  	[smem:$0x3FA5] =	sst s4  }
0xd: {  	[smem:$0x3FA6] =	sst s5  }
0xe: {  	[smem:$0x3FA7] =	sst s6  }
0xf: {  	[smem:$0x3FA8] =	sst s7  }
0x10: {  	[smem:$0x3FA9] =	sst s8  }
0x11: {  	[smem:$0x3FAA] =	sst s9;
	s0 =	simm.s32 @!p0 $0x0  }
0x12: {  	s1 =	sld [smem:$0x3F90];
	s0 =	simm.s32 @p0 $0x1  }
0x13: {  	[smem:$0x3FAB] =	sst s0;
	s0 =	simm.s32 @!p1 $0x0  }
0x14: {  	s2 =	sld [smem:$0x3F8F];
	s0 =	simm.s32 @p1 $0x1  }
0x15: {  	[smem:$0x3FAC] =	sst s0;
	s0 =	simm.s32 @!p2 $0x0  }
0x16: {  	s3 =	sld [smem:$0x3FDB];
	s0 =	simm.s32 @p2 $0x1  }
0x17: {  	s4 =	simm.s32 $0x1BF5;
	[smem:$0x3FAE] =	sst s0  }
0x18: {  	s0 =	sld [smem:$0x3F91];
	_ =	swait.ge [sflag:s4], $0x0  }
0x19: {  	s7 =	sld [smem:$0x3F92]  }
0x1a: {  	s8 =	sadd.s32 $0xFFFFE003, lr  }
0x1b: {  	s9 =	sadd.s32 $0xFFFFFEF7, lr;
	s5 =	simm.s32 $0xFFFFFFFF;
	p2 =	slt.u32 s8, $0xFFFFF086  }
0x1c: {  	p1 =	slt.u32 s9, $0xF7A;
	s5 =	simm.s32 @!p2 $0x0  }
0x1d: {  	s5 =	simm.s32 @p1 $0x1;
	p0 =	seq.s32 s7, s2  }
0x1e: {  	s7 =	smul.u32 @!p0 $0xF7A, s2;
	p2 =	seq.s32 @!p0 s5, $0x0  }
0x1f: {  	s9 =	smul.u32 $0xF7A, s1;
	s8 =	simm.s32 @!p0 $0x1BF5;
	p2 =	por !p2, p0  }
0x20: {  	[sflag:s8] =	ssyncset.s32 @!p0 $0xFFFFF086;
	s6 =	sadd.s32 @!p0 s3, s7;
	s7 =	simm.s32 @!p0 $0x108  }
0x21: {  	s3 =	sadd.s32 s3, s9;
	s6 =	sadd.s32 @!p0 $0x88, s6;
	s7 =	simm.s32 @p2 $0x1082  }
0x22: {  	[simem:s7], [sflag:s8] =	dma.local @!p0 [hbm:s6], $0xF7A  }
0x23: {  	s9 =	sor.u32 $0xD0000000, s2;
	s6 =	simm.s32 $0x108;
	_ =	swait.ge @!p0 [sflag:s8], $0x0  }
0x24: {  	s3 =	sadd.s32 $0x88, s3;
	s6 =	simm.s32 @!p1 $0x1082;
	[sflag:s4] =	ssyncset.s32 $0xFFFFF086  }
0x25: {  	[simem:s6], [sflag:s4] =	dma.local [hbm:s3], $0xF7A  }
0x26: {  	[smem:$0x3F92] =	sst s1;
	(tag) =	ssettag s2;
	_ =	strace s9  }
0x27: {  	s1 =	sld [smem:$0x3FA2]  }
0x28: {  	s2 =	sld [smem:$0x3FA3]  }
0x29: {  	s4 =	sld [smem:$0x3FA5]  }
0x2a: {  	p0 =	seq.s32 s5, $0x0;
	s5 =	sld [smem:$0x3FA6]  }
0x2b: {  	s6 =	sld [smem:$0x3FA7]  }
0x2c: {  	s7 =	sld [smem:$0x3FA8]  }
0x2d: {  	s3 =	simm.s32 $0x108;
	s8 =	sld [smem:$0x3FA9]  }
0x2e: {  	s3 =	simm.s32 @!p0 $0x1082;
	s9 =	sld [smem:$0x3FAA]  }
0x2f: {  	lr =	sadd.s32 s0, s3;
	s0 =	sld [smem:$0x3FA1]  }
0x30: {  	s3 =	sld [smem:$0x3FA4]  }
0x31: {  	[smem:$0x3FAD] =	sst s10  }
0x32: {  	s10 =	sld [smem:$0x3FAB];
	_ =	sdelay $0x3  }
0x33: {  	p0 =	seq.s32 s10, $0x1;
	s10 =	sld [smem:$0x3FAD];
	_ =	sdelay $0x3  }
0x34: {  	[smem:$0x3FAD] =	sst s10  }
0x35: {  	s10 =	sld [smem:$0x3FAC];
	_ =	sdelay $0x3  }
0x36: {  	p1 =	seq.s32 s10, $0x1;
	s10 =	sld [smem:$0x3FAD];
	_ =	sdelay $0x3  }
0x37: {  	[smem:$0x3FAD] =	sst s10  }
0x38: {  	s10 =	sld [smem:$0x3FAE]  }
0x39: {  	_ = 	snop;
	(pc) =	sbr.ind lr, $3  }
0x3a: {  	_ = 	snop  }
0x3b: {  	_ = 	snop  }
0x3c: {  	p2 =	seq.s32 s10, $0x1;
	s10 =	sld [smem:$0x3FAD]  }
0x3d: {  	_ =	shalt  }
0x3e: {  	_ =	shalt  }
0x3f: {  	_ =	shalt  }
0x40: {  	_ =	shalt  }
0x41: {  	_ =	shalt  }
0x42: {  	_ =	shalt  }
0x43: {  	_ =	shalt  }
0x44: {  	_ =	shalt  }
0x45: {  	_ =	shalt  }
0x46: {  	_ =	shalt  }
0x47: {  	_ =	shalt  }
0x48: {  	_ =	shalt  }
0x49: {  	_ =	shalt  }
0x4a: {  	_ =	shalt  }
0x4b: {  	_ =	shalt  }
0x4c: {  	_ =	shalt  }
0x4d: {  	_ =	shalt  }
0x4e: {  	_ =	shalt  }
0x4f: {  	_ =	shalt  }
0x50: {  	_ =	shalt  }
0x51: {  	_ =	shalt  }
0x52: {  	_ =	shalt  }
0x53: {  	_ =	shalt  }
0x54: {  	_ =	shalt  }
0x55: {  	_ =	shalt  }
0x56: {  	_ =	shalt  }
0x57: {  	_ =	shalt  }
0x58: {  	_ =	shalt  }
0x59: {  	_ =	shalt  }
0x5a: {  	_ =	shalt  }
0x5b: {  	_ =	shalt  }
0x5c: {  	_ =	shalt  }
0x5d: {  	_ =	shalt  }
0x5e: {  	_ =	shalt  }
0x5f: {  	_ =	shalt  }
0x60: {  	_ =	shalt  }
0x61: {  	_ =	shalt  }
0x62: {  	_ =	shalt  }
0x63: {  	_ =	shalt  }
0x64: {  	_ =	shalt  }
0x65: {  	_ =	shalt  }
0x66: {  	_ =	shalt  }
0x67: {  	_ =	shalt  }
0x68: {  	_ =	shalt  }
0x69: {  	_ =	shalt  }
0x6a: {  	_ =	shalt  }
0x6b: {  	_ =	shalt  }
0x6c: {  	_ =	shalt  }
0x6d: {  	_ =	shalt  }
0x6e: {  	_ =	shalt  }
0x6f: {  	_ =	shalt  }
0x70: {  	_ =	shalt  }
0x71: {  	_ =	shalt  }
0x72: {  	_ =	shalt  }
0x73: {  	_ =	shalt  }
0x74: {  	_ =	shalt  }
0x75: {  	_ =	shalt  }
0x76: {  	_ =	shalt  }
0x77: {  	_ =	shalt  }
0x78: {  	_ =	shalt  }
0x79: {  	_ =	shalt  }
0x7a: {  	_ =	shalt  }
0x7b: {  	_ =	shalt  }
0x7c: {  	_ =	shalt  }
0x7d: {  	_ =	shalt  }
0x7e: {  	_ =	shalt  }
0x7f: {  	_ =	shalt  }
0x80: {  	_ =	shalt  }
0x81: {  	_ =	shalt  }
0x82: {  	_ =	shalt  }
0x83: {  	_ =	shalt  }
0x84: {  	_ =	shalt  }
0x85: {  	_ =	shalt  }
0x86: {  	_ =	shalt  }
0x87: {  	_ =	shalt  }
.Lfunc_end0:
.L_simem_size_0:
called_computation.2_lowered:
.L_overlay_start_0:
0x88: {  	s2 =	sld [smem:$0x3FD9]  }
0x89: {  	s3 =	sld [smem:$0x3FFE];
	_ =	sdelay $0x1  }
0x8a: {  	s1 =	srdreg.scid  }
0x8b: {  	s0 =	sand.u32 $0x1, s1  }
0x8c: {  	s15 =	sshll.u32 s0, $0xA;
	s2 =	sadd.s32 s3, s2  }
0x8d: {  	s2 =	sadd.s32 s2, s15  }
0x8e: {  	[smem:$0x3FB9] =	sst s2  }
0x8f: {  	_ = 	snop  }
0x90: {  	(tm) =	ssettm $0x1  }
0x91: {  	s16 =	sld [smem:$0x3FFB];
	_ =	sdelay $0x3  }
0x92: {  	_ =	strace s16  }
0x93: {  	s2 =	sld [smem:$0x3FFC];
	_ =	sdelay $0x3  }
0x94: {  	_ =	strace s2  }
0x95: {  	s2 =	sld [smem:$0x3FFD];
	_ =	sdelay $0x3  }
0x96: {  	_ =	strace s2  }
0x97: {  	_ =	strace $0x8FFFFFFF  }
0x98: {  	s17 =	sld [smem:$0x3FDB];
	_ =	sdelay $0x1  }
0x99: {  	s18 =	simm.s32 $_scs_section_size  }
0x9a: {  	s4 =	simm.s32 $_size__tile_overlayer_lowered;
	s5 =	simm.s32 $_tile_overlayer_lowered  }
0x9b: {  	s21 =	simm.s32 $0x1BFF;
	s20 =	sshll.u32 s5, $0x1;
	s2 =	sadd.s32 s18, s17  }
0x9c: {  	s6 =	simm.s32 $0x0;
	s19 =	sshll.u32 s4, $0x1;
	s4 =	sadd.s32 s20, s2  }
0x9d: {  	[timem:s6], [sflag:s21] =	dma.local [hbm:s4], s19  }
0x9e: {  	_ =	swait.ge [sflag:s21], s19  }
0x9f: {  	s3 =	ssub.s32 $0x0, s19;
	[sflag:s21] =	ssyncset.done $0x0  }
0xa0: {  	[sflag:s21] =	ssyncadd.s32 s3;
	_ =	sdelay $0x1  }
0xa1: {  	s22 =	simm.s32 $0x1B8B  }
0xa2: {  	_ =	swait.ge [sflag:s22], $0x1  }
0xa3: {  	[sflag:s22] =	ssyncset.done $0x0  }
0xa4: {  	s23 =	sld [smem:$0x3FFE];
	[sflag:s22] =	ssyncadd.s32 $0xFFFFFFFF  }
0xa5: {  	s25 =	simm.s32 $0x1B8E;
	s24 =	sld [smem:$0x0]  }
0xa6: {  	s26 =	simm.s32 $execute0_lowered;
	[smem:$0x3FD2] =	sst s25  }
0xa7: {  	s5 =	sshll.u32 s26, $0x1;
	_ =	strace $0x80000052;
	[dreg:$0x1] =	wrdreg $0xFFFFFFFF  }
0xa8: {  	s28 =	simm.s32 $_size_execute0_lowered;
	s2 =	sadd.s32 s2, s5;
	[dreg:$0x0] =	wrdreg $0x0  }
0xa9: {  	s5 =	sshll.u32 s28, $0x1;
	[dreg:$0x2] =	wrdreg s2  }
0xaa: {  	[dreg:$0x3] =	wrdreg s5  }
0xab: {  	[dreg:$0x4] =	wrdreg $0xC0  }
0xac: {  	_ =	task [dreg:s6], $0x5FFFF  }
0xad: {  	[dreg:$0x1] =	wrdreg $0xFFFFFFFF  }
0xae: {  	[dreg:$0x0] =	wrdreg $0x60  }
0xaf: {  	[dreg:$0x2] =	wrdreg s23  }
0xb0: {  	[dreg:$0x3] =	wrdreg s1  }
0xb1: {  	[dreg:$0x4] =	wrdreg s24  }
0xb2: {  	[dreg:$0x5] =	wrdreg $0x9  }
0xb3: {  	_ =	task.clear_ibuf [dreg:s6], $0x6FFFF;
	_ =	strace $0x90000052  }
0xb4: {  	s29 =	simm.s32 $0x9;
	_ =	strace $0x80000054  }
0xb5: {  	_ =	swait.ge [sflag:s29], $0x1  }
0xb6: {  	[sflag:s29] =	ssyncadd.s32 $0xFFFFFFFF  }
0xb7: {  	_ =	strace $0x90000054  }
0xb8: {  	_ =	sfence  }
0xb9: {  	s30 =	sld [smem:$0x0];
	_ =	sdelay $0x2  }
0xba: {  	s31 =	sshll.u32 s1, $0xD;
	s1 =	sshrl.u32 s1, $0x2  }
0xbb: {  	s3 =	sand.u32 $0x4000, s31;
	s1 =	sadd.s32 s1, s30  }
0xbc: {  	s0 =	sor.u32 s3, s0;
	s1 =	sshll.u32 s1, $0x11  }
0xbd: {  	s0 =	sor.u32 s1, s0  }
0xbe: {  	s0 =	sadd.s32 $0x8F2B, s0  }
0xbf: {  	[sflag:s0] =	ssyncadd.remote.s32 $0x1  }
0xc0: {  	_ =	sfence.sel $0xFFFF  }
0xc1: {  	[dreg:$0x0] =	wrdreg $0xFFFFFFFF;
	(pc) =	sbr.abs _section_cstart, $3  }
0xc2: {  	[dreg:$0x1] =	wrdreg $0xFFFFFFFF  }
0xc3: {  	_ =	task.clear_ibuf [dreg:s6], $0x2FFFF;
	_ =	strace $0x9FFFFFFF  }
0xc4: {  	(tm) =	ssettm $0x7FFFFFFF  }
0xc5: {  	_ =	shalt  }
tec
execute0_lowered:
.L_overlay_start_1:
0x0: {  	(tag) =	ssettag $0x1  }
0x1: {  	s2 =	rddreg [dreg:$0x0]  }
0x2: {  	s3 =	rddreg [dreg:$0x1];
	_ =	strace $0x80000053;
	s0 =	simm.s32 $0x1  }
0x3: {  	s4 =	simm.s32 $0x408;
	v0 =	vimm.s32 $0x0;
	[sflag:s0] =	ssyncpa.u1 $0x0  }
0x4: {  	[tilespmem:s4+$0x70] =	vst v0  }
0x5: {  	[tilespmem:s4+$0x60] =	vst v0  }
0x6: {  	[tilespmem:s4+$0x50] =	vst v0  }
0x7: {  	[tilespmem:s4+$0x40] =	vst v0  }
0x8: {  	[tilespmem:s4+$0x30] =	vst v0  }
0x9: {  	s1 =	sadd.s32 $0x49400, s2;
	s0 =	sadd.s32 $0x4400, s2;
	s6 =	sadd.s32 $0x2006400, s2;
	[tilespmem:s4+$0x20] =	vst v0  }
0xa: {  	s2 =	sadd.s32 $0x9400, s2;
	s7 =	sand.u32 $0x1, s3;
	s3 =	simm.s32 $0x40;
	[tilespmem:s4+$0x10] =	vst v0  }
.LBB2_1:
0xb: {  	s3 =	sadd.s32 $0x40, s3;
	[tilespmem:s4+$0x0] =	vst v0;
	s4 =	sadd.s32 $0x80, s4  }
0xc: {  	p0 =	slt.u32 s3, $0x3100;
	[tilespmem:s4+$0x70] =	vst v0  }
0xd: {  	[tilespmem:s4+$0x60] =	vst v0  }
.Ltmp0:
0xe: {  	[tilespmem:s4+$0x50] =	vst v0;
	(pc) =	sbr.rel @p0 .LBB2_1-.Ltmp0, $4  }
0xf: {  	[tilespmem:s4+$0x40] =	vst v0  }
0x10: {  	[tilespmem:s4+$0x30] =	vst v0  }
0x11: {  	[tilespmem:s4+$0x20] =	vst v0  }
0x12: {  	[tilespmem:s4+$0x10] =	vst v0  }
0x13: {  	s10 =	stileid.u32  }
0x14: {  	s3 =	smul.u32 $0x68, s10  }
0x15: {  	s5 =	smin.u32 s10, $0x3  }
0x16: {  	s3 =	sor.u32 s5, s3  }
0x17: {  	p0 =	slt.u32 s10, $0x3;
	s11 =	smul.u32 $0x30, s3;
	s3 =	simm.s32 $0x13B0  }
0x18: {  	s3 =	simm.s32 @!p0 $0x1380  }
0x19: {  	s3 =	sadd.s32 s3, s11  }
0x1a: {  	s8 =	smin.u32 s3, $0x13880  }
0x1b: {  	s26 =	simm.s32 $0x2;
	s9 =	simm.s32 $0x9;
	s3 =	ssub.s32 s8, s11  }
0x1c: {  	s29 =	simm.s32 $0xA;
	s30 =	simm.s32 $0xB;
	p0 =	sgt.s32 s3, $0x0  }
0x1d: {  	[dreg:$0x4] =	wrdreg s7;
	s31 =	smul.u32 $0x2710, s7;
	s3 =	simm.s32 @!p0 $0x0  }
0x1e: {  	s12 =	simm.s32 $0x1;
	s24 =	simm.s32 $0x0;
	s25 =	smulhi.u32 $0x2AAAAAAB, s3  }
0x1f: {  	p1 =	por $0x0, $0x0;
	s18 =	simm.s32 $0x80;
	s19 =	simm.s32 $0x400  }
0x20: {  	s20 =	simm.s32 $0xC;
	s21 =	simm.s32 $0x0;
	s28 =	sshrl.u32 s25, $0x3  }
0x21: {  	[tilespmem:s4+$0x0] =	vst v0;
	v0 =	vimm.s32 $0xFFFFFFFF;
	s23 =	simm.s32 $0x0;
	[sflag:s26] =	ssyncpa.u1 $0x0;
	s5 =	smul.u32 $0x30, s28  }
0x22: {  	s16 =	sshll.u32 s10, $0xA;
	[tilespmem:$0xC808] =	vst v0;
	[sflag:s9] =	ssyncpa.u1 $0x0;
	s14 =	sadd.s32 s31, s2  }
.Ltmp1:
0x23: {  	p0 =	sne.s32 s3, s5;
	s3 =	simm.s32 $0x1;
	(pc) =	sbr.rel .LBB2_3-.Ltmp1, $4  }
0x24: {  	s15 =	sadd.s32 s31, s0;
	[dreg:$0x6] =	wrdreg s14;
	s3 =	simm.s32 @!p0 $0x0  }
0x25: {  	[sflag:s29] =	ssyncpa.u1 $0x0;
	[dreg:$0x7] =	wrdreg s15;
	s13 =	sadd.s32 s3, s28  }
0x26: {  	[sflag:s30] =	ssyncpa.u1 $0x0;
	s17 =	sadd.s32 $0x1, s13;
	[dreg:$0x5] =	wrdreg s13  }
0x27: {  	v0 =	vlaneseq.u32;
	s22 =	smov.u32 s11;
	p0 =	por $0x1, $0x1;
	[dreg:$0x8] =	wrdreg s17  }
.LBB2_30:
0x28: {  	s0 =	sshrl.u32 s0, $0x2  }
.LBB2_32:
0x29: {  	_ =	swait.ge [sflag:s20], s0  }
0x2a: {  	s30 =	ssub.s32 $0x0, s0;
	v1 =	vmov s26;
	vm0 =	veq.s32 v0, $0x0;
	[sflag:s20] =	ssyncset.done $0x0  }
0x2b: {  	vm15 =	veq.s32 v0, $0x2;
	v1 =	vsel vm0, s31, v1;
	[sflag:s20] =	ssyncadd.s32 s30  }
0x2c: {  	v1 =	vsel vm15, s24, v1;
	[sflag:s20] =	ssyncpa.u1 $0x1  }
0x2d: {  	[tilespmem:$0xC808] =	vst v1  }
.LBB2_33:
0x2e: {  	s0 =	sadd.s32 $0x30, s22  }
0x2f: {  	s2 =	smov.u32 s11;
	p2 =	slt.s32 s0, s8  }
0x30: {  	s2 =	smov.u32 @p2 s0;
	p2 =	sne.s32 s23, s17  }
.Ltmp2:
0x31: {  	_ = 	snop;
	(pc) =	sbr.rel @!p2 .LBB2_34-.Ltmp2, $4  }
0x32: {  	_ = 	snop  }
0x33: {  	s24 =	smov.u32 s21  }
0x34: {  	s31 =	sadd.s32 $0x1, s23;
	s21 =	smov.u32 s22;
	p0 =	por !p0, !p0  }
0x35: {  	p1 =	por !p1, !p1;
	s23 =	smov.u32 s31;
	s22 =	smov.u32 s2  }
.LBB2_3:
0x36: {  	p2 =	sge.u32 s23, s13  }
0x37: {  	s0 =	smulhi.u32 @!p2 $0xAAAAAAAB, s23  }
0x38: {  	s2 =	smov.u32 s22;
	p3 =	sgt.s32 @!p2 s22, $0x13850  }
0x39: {  	s3 =	sshra.s32 @!p2 s22, $0x1F;
	p3 =	por !p3, p2;
	s0 =	sshrl.u32 @!p2 s0, $0x1  }
0x3a: {  	s3 =	sand.u32 @!p2 s3, s22;
	s2 =	simm.s32 @p3 $0x13850;
	s0 =	smul.u32 @!p2 $0x3, s0  }
0x3b: {  	s2 =	ssub.s32 @!p2 s2, s3  }
0x3c: {  	s2 =	sadd.s32 @!p2 $0xFFFEC7B0, s2;
	s0 =	ssub.s32 @!p2 s23, s0  }
0x3d: {  	s3 =	sshll.u32 @!p2 s2, $0x2;
	p3 =	sgt.s32 @!p2 s2, $0x2F;
	s0 =	smul.u32 @!p2 $0xC0, s0  }
0x3e: {  	s4 =	sand.u32 @!p2 $0x7, s22;
	s2 =	ssub.s32 @!p2 $0xC0, s3;
	p3 =	por !p3, p2  }
0x3f: {  	s3 =	sshrl.u32 @!p2 s22, $0x3;
	s2 =	sshrl.u32 @!p2 s2, $0x2;
	s0 =	sshrl.u32 @!p2 s0, $0x2  }
0x40: {  	s3 =	sadd.s32 @!p2 s3, s14;
	s2 =	simm.s32 @!p3 $0x0;
	s0 =	sadd.s32 @!p2 $0x10848, s0  }
0x41: {  	[tilespmem:s0], [sflag:$0xA] =	stream.linear.gather @!p2 [hbm4b:s3+s4], s2, $0x38;
	[tilespmem:$0x1C938] =	vst v63  }
0x42: {  	s2 =	sadd.s32 $0xFFFFFFFF, s23  }
0x43: {  	p2 =	sge.u32 s2, s13  }
0x44: {  	p3 =	sgt.s32 @!p2 s21, $0x13850  }
0x45: {  	s0 =	smov.u32 s21;
	s3 =	sshra.s32 @!p2 s21, $0x1F;
	p3 =	por !p3, p2  }
0x46: {  	s3 =	sand.u32 @!p2 s3, s21;
	s0 =	simm.s32 @p3 $0x13850  }
0x47: {  	s0 =	ssub.s32 @!p2 s0, s3  }
0x48: {  	s0 =	sadd.s32 @!p2 $0xFFFEC7B0, s0  }
0x49: {  	s3 =	sshll.u32 @!p2 s0, $0x2  }
0x4a: {  	p3 =	sgt.s32 @!p2 s0, $0x2F;
	s0 =	ssub.s32 @!p2 $0xC0, s3  }
0x4b: {  	p3 =	por !p3, p2;
	s0 =	sshrl.u32 @!p2 s0, $0x2  }
0x4c: {  	s4 =	simm.s32 @!p2 $0xA;
	s3 =	sand.u32 @!p2 $0x1, s2;
	s0 =	simm.s32 @!p3 $0x0  }
0x4d: {  	s3 =	smul.u32 @!p2 $0xC0, s3;
	_ =	swait.ge @!p2 [sflag:s4], s0  }
0x4e: {  	s5 =	ssub.s32 @!p2 $0x0, s0;
	[sflag:s4] =	ssyncset.done @!p2 $0x0  }
0x4f: {  	s3 =	sshrl.u32 @!p2 s3, $0x2;
	[sflag:s4] =	ssyncadd.s32 @!p2 s5;
	s4 =	sshrl.u32 @!p2 s21, $0x3  }
0x50: {  	s3 =	sadd.s32 @!p2 $0x108D8, s3;
	s5 =	sand.u32 @!p2 $0x7, s21;
	s4 =	sadd.s32 @!p2 s4, s15  }
0x51: {  	[tilespmem:s3], [sflag:$0xB] =	stream.linear.gather @!p2 [hbm4b:s4+s5], s0, $0x38;
	[tilespmem:$0x1C938] =	vst v63  }
0x52: {  	s0 =	ssub.s32 @!p2 $0x13880, s21  }
0x53: {  	p3 =	slt.s32 @!p2 s0, $0x1  }
0x54: {  	p3 =	por p2, p3  }
.Ltmp3:
0x55: {  	_ = 	snop;
	(pc) =	sbr.rel @p3 .LBB2_9-.Ltmp3, $1  }
0x56: {  	_ =	sdelay $0x3  }
0x57: {  	s3 =	smulhi.u32 $0xAAAAAAAB, s2;
	_ =	sdelay $0x1  }
0x58: {  	s3 =	sshrl.u32 s3, $0x1  }
0x59: {  	s3 =	smul.u32 $0x3, s3;
	_ =	sdelay $0x1  }
0x5a: {  	s29 =	ssub.s32 s2, s3  }
0x5b: {  	s4 =	simm.s32 $0x1;
	s2 =	smul.u32 $0xC0, s29  }
.Ltmp4:
0x5c: {  	s4 =	simm.s32 @!p0 $0x0;
	(pc) =	sbr.rel .LBB2_6-.Ltmp4, $4  }
0x5d: {  	s30 =	smul.u32 $0x18000, s4  }
0x5e: {  	p3 =	slt.s32 @!p2 s0, $0x30;
	s2 =	sshrl.u32 s2, $0x2  }
0x5f: {  	p2 =	por !p3, p2;
	s3 =	sshrl.u32 s30, $0x2;
	s31 =	sadd.s32 $0x10848, s2  }
0x60: {  	s0 =	simm.s32 @p2 $0x30;
	s2 =	sor.u32 $0x10938, s3;
	s3 =	simm.s32 $0x0;
	v1 =	vmov s31  }
.LBB2_5:
0x61: {  	p2 =	sge.s32 s3, s0  }
.Ltmp5:
0x62: {  	_ = 	snop;
	(pc) =	sbr.rel @p2 .LBB2_9-.Ltmp5, $2  }
0x63: {  	_ =	sdelay $0x2  }
0x64: {  	s2 =	sadd.s32 $0x2000, s2  }
.LBB2_6:
0x65: {  	p2 =	sle.s32 s0, s3  }
.Ltmp6:
0x66: {  	_ = 	snop;
	(pc) =	sbr.rel @p2 .LBB2_5-.Ltmp6, $2  }
0x67: {  	_ =	sdelay $0x2  }
0x68: {  	s4 =	smov.u32 s3;
	s3 =	sadd.s32 $0x10, s3  }
0x69: {  	s5 =	ssub.s32 s0, s4  }
0x6a: {  	p2 =	slt.s32 s5, $0x10  }
0x6b: {  	s5 =	simm.s32 @!p2 $0x10  }
0x6c: {  	v2 =	vmov s5  }
0x6d: {  	vm0 =	vgt.s32 v2, v0;
	_ =	sdelay $0x5  }
0x6e: {  	v2 =	vld.idx.msk [tilespmem:v1+s4+$0x0 ss:$0x1], vm0;
	_ =	sdelay $0x2  }
0x6f: {  	p2 =	slt.s32 s3, s0;
	s5 =	smov.u32 s0  }
0x70: {  	s9 =	smov.u32 s2;
	s25 =	simm.s32 $0x0;
	s5 =	smov.u32 @p2 s3  }
.LBB2_8:
0x71: {  	(v2sf) =	vpush v2, s25;
	_ =	sdelay $0xe  }
0x72: {  	s25 =	sadd.s32 $0x1, s25;
	s10 =	spop (v2sf)  }
0x73: {  	s31 =	sadd.s32 s25, s4;
	s26 =	sshll.u32 s10, $0x9;
	s10 =	sshll.u32 s10, $0x7  }
0x74: {  	p2 =	slt.s32 s31, s5;
	s26 =	sand.u32 $0xFFFFF000, s26;
	s10 =	sand.u32 $0x380, s10  }
.Ltmp7:
0x75: {  	s10 =	sor.u32 s10, s26;
	(pc) =	sbr.rel @p2 .LBB2_8-.Ltmp7, $4  }
0x76: {  	s10 =	sshrl.u32 s10, $0x3  }
0x77: {  	s10 =	sadd.s32 s6, s10  }
0x78: {  	[tilespmem:s9], [sflag:$0x9] =	stream.strided.gather [hbm4b:s10+s18], $0x200, s19, s18, $0x38;
	[tilespmem:$0x1C938] =	vst v63  }
0x79: {  	s9 =	sadd.s32 $0x200, s9  }
.Ltmp8:
0x7a: {  	_ = 	snop;
	(pc) =	sbr.rel .LBB2_5-.Ltmp8, $1  }
0x7b: {  	_ =	sdelay $0x3  }
.LBB2_9:
0x7c: {  	p2 =	slt.u32 s23, $0x2  }
.Ltmp9:
0x7d: {  	_ = 	snop;
	(pc) =	sbr.rel @p2 .LBB2_33-.Ltmp9, $1  }
0x7e: {  	_ =	sdelay $0x3  }
0x7f: {  	p2 =	sgt.s32 s24, $0x13850  }
0x80: {  	s0 =	smov.u32 s24;
	s2 =	sshra.s32 s24, $0x1F;
	s3 =	ssub.s32 $0x13880, s24  }
0x81: {  	s0 =	simm.s32 @!p2 $0x13850;
	s2 =	sand.u32 s2, s24;
	p2 =	slt.s32 s3, $0x30  }
0x82: {  	s0 =	ssub.s32 s0, s2;
	s3 =	simm.s32 @!p2 $0x30  }
0x83: {  	s0 =	sadd.s32 $0xFFFEC7B0, s0;
	s25 =	sshll.u32 s3, $0x9  }
0x84: {  	s29 =	simm.s32 $0x9;
	s26 =	sshll.u32 s0, $0x2;
	s2 =	sand.u32 $0x3FFFFE00, s25  }
0x85: {  	p2 =	sgt.s32 s0, $0x2F;
	s28 =	ssub.s32 $0xC0, s26;
	_ =	swait.ge [sflag:s29], s2  }
0x86: {  	s2 =	ssub.s32 $0x0, s2;
	[sflag:s29] =	ssyncset.done $0x0;
	s0 =	sshrl.u32 s28, $0x2  }
0x87: {  	s30 =	simm.s32 $0xB;
	[sflag:s29] =	ssyncadd.s32 s2;
	s0 =	simm.s32 @p2 $0x0  }
0x88: {  	_ =	swait.ge [sflag:s30], s0  }
0x89: {  	s0 =	ssub.s32 $0x0, s0;
	[sflag:s30] =	ssyncset.done $0x0  }
0x8a: {  	[sflag:s30] =	ssyncadd.s32 s0  }
0x8b: {  	v1 =	vld [tilespmem:$0xC808];
	_ =	sdelay $0x4  }
0x8c: {  	(v2sf) =	vpush v1, $0x0  }
0x8d: {  	(v2sf) =	vpush v1, $0x1  }
0x8e: {  	(v2sf) =	vpush v1, $0x2;
	_ =	sdelay $0x3  }
0x8f: {  	s2 =	sadd.s32 $0x30, s24  }
0x90: {  	s3 =	ssub.s32 $0x27100, s24;
	p2 =	slt.s32 s8, s2  }
0x91: {  	s2 =	smov.u32 @p2 s8;
	p2 =	sgt.s32 s3, $0x0  }
0x92: {  	s25 =	ssub.s32 s2, s24;
	s3 =	simm.s32 @!p2 $0x0  }
0x93: {  	p2 =	slt.s32 s3, s25  }
0x94: {  	s25 =	smov.u32 @p2 s3  }
0x95: {  	s0 =	simm.s32 $0x1;
	p2 =	slt.s32 s25, $0x1  }
.Ltmp10:
0x96: {  	s0 =	simm.s32 @!p1 $0x0;
	(pc) =	sbr.rel @p2 .LBB2_14-.Ltmp10, $4  }
0x97: {  	s4 =	smul.u32 $0xC0, s0  }
0x98: {  	s2 =	spop (v2sf)  }
0x99: {  	s31 =	sshrl.u32 s4, $0x2;
	s5 =	spop (v2sf)  }
0x9a: {  	s4 =	sadd.s32 $0x108D8, s31;
	s24 =	spop (v2sf)  }
0x9b: {  	s3 =	smin.u32 s25, $0x10  }
0x9c: {  	v1 =	vmov s3  }
0x9d: {  	vm1 =	vgt.u32 v1, v0  }
0x9e: {  	p3 =	sgt.s32 s25, $0x10  }
.Ltmp11:
0x9f: {  	_ = 	snop;
	(pc) =	sbr.rel @!p3 .LBB2_13-.Ltmp11, $2  }
0xa0: {  	_ =	sdelay $0x2  }
0xa1: {  	s9 =	simm.s32 $0x10;
	s26 =	sadd.s32 $0xFFFFFFF0, s25;
	s3 =	smov.u32 s4;
	vm0 =	vmmov vm1;
	v1 =	vld.msk [tilespmem:s4+$0x0 ss:$0x1], vm1  }
.LBB2_12:
0xa2: {  	s10 =	smin.u32 s26, $0x10;
	s9 =	sadd.s32 $0x10, s9  }
0xa3: {  	v2 =	vmov s10;
	p3 =	slt.s32 s9, s25  }
0xa4: {  	vm1 =	vgt.u32 v2, v0;
	_ =	sdelay $0x1  }
0xa5: {  	v2 =	vshll.u32 v1, $0x6;
	v1 =	vshll.u32 v1, $0x4  }
.Ltmp12:
0xa6: {  	v2 =	vand.u32 $0xFFFFFE00, v2;
	v1 =	vand.u32 $0x70, v1;
	(pc) =	sbr.rel @p3 .LBB2_12-.Ltmp12, $4  }
0xa7: {  	v1 =	vor.u32 v1, v2  }
0xa8: {  	[tilespmem:s3+$0x0] =	vst.msk vm0, v1;
	s3 =	sadd.s32 $0x10, s3;
	vm0 =	vmmov vm1  }
0xa9: {  	v1 =	vld.msk [tilespmem:s3+$0x0 ss:$0x1], vm1  }
0xaa: {  	s26 =	sadd.s32 $0xFFFFFFF0, s26  }
.LBB2_13:
0xab: {  	_ =	sdelay $0x3  }
0xac: {  	v2 =	vshll.u32 v1, $0x6;
	v1 =	vshll.u32 v1, $0x4  }
0xad: {  	v2 =	vand.u32 $0xFFFFFE00, v2;
	v1 =	vand.u32 $0x70, v1  }
0xae: {  	v1 =	vor.u32 v1, v2  }
0xaf: {  	[tilespmem:s3+$0x0] =	vst.msk vm0, v1  }
.LBB2_14:
0xb0: {  	s3 =	sand.u32 $0x1, s23  }
0xb1: {  	s3 =	smul.u32 $0x30, s3  }
0xb2: {  	p3 =	sne.s32 s5, $0xFFFFFFFF  }
0xb3: {  	v1 =	vld.msk @!p3 [tilespmem:s3+$0x108D8], $0x1;
	_ =	sdelay $0x4  }
0xb4: {  	(v2sf) =	vpush @!p3 v1, $0x0;
	_ =	sdelay $0xc  }
.Ltmp13:
0xb5: {  	_ = 	snop;
	(pc) =	sbr.rel @p2 .LBB2_31-.Ltmp13, $4  }
0xb6: {  	_ = 	snop  }
0xb7: {  	s30 =	spop @!p3 (v2sf)  }
0xb8: {  	s24 =	simm.s32 @!p3 $0x0;
	s26 =	smov.u32 s30  }
0xb9: {  	[sflag:s20] =	ssyncpa.u1 $0x0;
	s30 =	smov.u32 @p3 s2;
	s26 =	smov.u32 @p3 s5  }
0xba: {  	v1 =	vld.msk [tilespmem:s4+$0x0], $0x1;
	_ =	sdelay $0x4  }
0xbb: {  	(v2sf) =	vpush v1, $0x0;
	_ =	sdelay $0xd  }
0xbc: {  	s0 =	smul.u32 $0x18000, s0  }
0xbd: {  	s13 =	smov.u32 s8;
	s8 =	smov.u32 s11;
	s5 =	spop (v2sf)  }
0xbe: {  	s2 =	ssub.s32 $0x0, s25;
	s0 =	sshrl.u32 s0, $0x2;
	p2 =	seq.s32 s30, s5  }
0xbf: {  	s29 =	simm.s32 $0x0;
	s28 =	sor.u32 $0x10938, s0;
	p3 =	sgt.s32 @!p2 s30, $0x0  }
0xc0: {  	s0 =	sadd.s32 $0x108D8, s3;
	s3 =	smov.u32 s30;
	p3 =	por !p3, p2  }
0xc1: {  	s4 =	sadd.s32 $0x1, s4;
	s31 =	sadd.s32 $0x1, s2;
	s3 =	simm.s32 @p3 $0x0  }
0xc2: {  	s2 =	simm.s32 @!p2 $0x1;
	s9 =	simm.s32 @!p2 $0x6608;
	s10 =	smin.u32 @!p2 s3, $0x9C270  }
0xc3: {  	p3 =	seq.s32 s31, $0x0;
	s3 =	sand.u32 @!p2 $0xFFFF8, s10;
	s11 =	sadd.s32 @!p2 $0x80, s10  }
0xc4: {  	s14 =	sadd.s32 @!p2 $0x100, s10;
	s15 =	sadd.s32 @!p2 s1, s3;
	s3 =	sand.u32 @!p2 $0x7, s10  }
0xc5: {  	s11 =	sand.u32 @!p2 $0x1FFFF8, s11;
	s14 =	sand.u32 @!p2 $0x1FFFF8, s14;
	s10 =	sadd.s32 @!p2 $0x180, s10  }
0xc6: {  	[tilespmem:s9], [sflag:$0x2] =	stream.linear.gather @!p2 [hbm4b:s15+s3], $0x80, $0x38;
	[tilespmem:$0x1C938] =	vst v63  }
.Ltmp14:
0xc7: {  	s9 =	simm.s32 @!p2 $0x6688;
	s11 =	sadd.s32 @!p2 s1, s11;
	(pc) =	sbr.rel @p3 .LBB2_17-.Ltmp14, $4  }
0xc8: {  	[tilespmem:s9], [sflag:$0x2] =	stream.linear.gather @!p2 [hbm4b:s11+s3], $0x80, $0x38;
	[tilespmem:$0x1C938] =	vst v63  }
0xc9: {  	s10 =	sand.u32 @!p2 $0x1FFFF8, s10;
	s9 =	simm.s32 @!p2 $0x6708;
	s11 =	sadd.s32 @!p2 s1, s14  }
0xca: {  	[tilespmem:s9], [sflag:$0x2] =	stream.linear.gather @!p2 [hbm4b:s11+s3], $0x80, $0x38;
	[tilespmem:$0x1C938] =	vst v63  }
0xcb: {  	s2 =	smov.u32 @p2 s29;
	s10 =	sadd.s32 @!p2 s1, s10;
	s9 =	simm.s32 @!p2 $0x6788  }
.LBB2_16:
0xcc: {  	s11 =	smov.u32 s2  }
0xcd: {  	[tilespmem:s9], [sflag:$0x2] =	stream.linear.gather @!p2 [hbm4b:s10+s3], $0x80, $0x38;
	[tilespmem:$0x1C938] =	vst v63  }
0xce: {  	s31 =	sadd.s32 $0x1, s31;
	s3 =	smov.u32 s5  }
0xcf: {  	p3 =	seq.s32 s31, $0x0;
	v1 =	vld.msk [tilespmem:s4+$0x0], $0x1;
	_ =	sdelay $0x4  }
0xd0: {  	(v2sf) =	vpush v1, $0x0;
	_ =	sdelay $0xe  }
0xd1: {  	s5 =	spop (v2sf)  }
0xd2: {  	p2 =	seq.s32 s3, s5  }
0xd3: {  	p4 =	sgt.s32 @!p2 s3, $0x0  }
0xd4: {  	s9 =	sshll.u32 @!p2 s2, $0xB;
	s2 =	sadd.s32 @!p2 $0x1, s2;
	p4 =	por !p4, p2  }
0xd5: {  	s9 =	sshra.s32 @!p2 s9, $0x2;
	s2 =	smov.u32 @p2 s11;
	s3 =	simm.s32 @p4 $0x0  }
0xd6: {  	s10 =	sadd.s32 @!p2 $0x6608, s9;
	s11 =	sadd.s32 @!p2 $0x6688, s9;
	s14 =	smin.u32 @!p2 s3, $0x9C270  }
0xd7: {  	s15 =	sadd.s32 @!p2 $0x6708, s9;
	s9 =	sadd.s32 @!p2 $0x6788, s9;
	s3 =	sand.u32 @!p2 $0xFFFF8, s14  }
0xd8: {  	s17 =	sadd.s32 @!p2 $0x80, s14;
	s7 =	sadd.s32 @!p2 $0x100, s14;
	s20 =	sadd.s32 @!p2 s1, s3  }
0xd9: {  	s3 =	sand.u32 @!p2 $0x7, s14;
	s17 =	sand.u32 @!p2 $0x1FFFF8, s17;
	s7 =	sand.u32 @!p2 $0x1FFFF8, s7  }
0xda: {  	[tilespmem:s10], [sflag:$0x2] =	stream.linear.gather @!p2 [hbm4b:s20+s3], $0x80, $0x38;
	[tilespmem:$0x1C938] =	vst v63  }
.Ltmp15:
0xdb: {  	s14 =	sadd.s32 @!p2 $0x180, s14;
	s10 =	sadd.s32 @!p2 s1, s17;
	(pc) =	sbr.rel @!p3 .LBB2_16-.Ltmp15, $4  }
0xdc: {  	[tilespmem:s11], [sflag:$0x2] =	stream.linear.gather @!p2 [hbm4b:s10+s3], $0x80, $0x38;
	[tilespmem:$0x1C938] =	vst v63  }
0xdd: {  	s7 =	sadd.s32 @!p2 s1, s7;
	s10 =	sand.u32 @!p2 $0x1FFFF8, s14  }
0xde: {  	[tilespmem:s15], [sflag:$0x2] =	stream.linear.gather @!p2 [hbm4b:s7+s3], $0x80, $0x38;
	[tilespmem:$0x1C938] =	vst v63  }
0xdf: {  	s4 =	sadd.s32 $0x1, s4;
	s10 =	sadd.s32 @!p2 s1, s10  }
.LBB2_17:
0xe0: {  	[tilespmem:s9], [sflag:$0x2] =	stream.linear.gather @!p2 [hbm4b:s10+s3], $0x80, $0x38;
	[tilespmem:$0x1C938] =	vst v63  }
0xe1: {  	s2 =	sshll.u32 s2, $0x9  }
0xe2: {  	s31 =	simm.s32 $0x2;
	s2 =	sand.u32 $0x3FFFFE00, s2  }
.Ltmp16:
0xe3: {  	_ =	swait.ge [sflag:s31], s2;
	(pc) =	sbr.rel .LBB2_18-.Ltmp16, $4  }
0xe4: {  	s11 =	smov.u32 s8;
	s8 =	smov.u32 s13;
	s13 =	rddreg [dreg:$0x5]  }
0xe5: {  	v1 =	vmov s0;
	s0 =	simm.s32 $0x0;
	s4 =	simm.s32 $0x0;
	s14 =	rddreg [dreg:$0x6]  }
0xe6: {  	s2 =	ssub.s32 $0x0, s2;
	[sflag:s31] =	ssyncset.done $0x0;
	s15 =	rddreg [dreg:$0x7]  }
0xe7: {  	s20 =	simm.s32 $0xC;
	s17 =	rddreg [dreg:$0x8];
	[sflag:s31] =	ssyncadd.s32 s2  }
.LBB2_28:
0xe8: {  	[tilespmem:s2+$0x0] =	vst v2;
	s29 =	sadd.s32 $0x1, s29  }
.LBB2_29:
0xe9: {  	s4 =	sadd.s32 $0x1, s4  }
0xea: {  	p2 =	sne.s32 s4, s25  }
.Ltmp17:
0xeb: {  	_ = 	snop;
	(pc) =	sbr.rel @!p2 .LBB2_30-.Ltmp17, $2  }
0xec: {  	_ =	sdelay $0x2  }
0xed: {  	s28 =	sadd.s32 $0x200, s28;
	s30 =	smov.u32 s31  }
.LBB2_18:
0xee: {  	_ =	sdelay $0x3  }
0xef: {  	v2 =	vld.idx.msk [tilespmem:v1+s4+$0x0 ss:$0x1], $0x1;
	_ =	sdelay $0x4  }
0xf0: {  	(v2sf) =	vpush v2, $0x0;
	_ =	sdelay $0xe  }
0xf1: {  	s31 =	spop (v2sf)  }
0xf2: {  	p2 =	sne.s32 s30, s31  }
.Ltmp18:
0xf3: {  	_ = 	snop;
	(pc) =	sbr.rel @p2 .LBB2_22-.Ltmp18, $3  }
0xf4: {  	_ =	sdelay $0x1  }
0xf5: {  	s2 =	sshll.u32 s24, $0xB  }
0xf6: {  	s2 =	sshra.s32 s2, $0x2  }
0xf7: {  	s2 =	sadd.s32 $0x408, s2;
	s3 =	simm.s32 $0x0;
	v2 =	vld [tilespmem:s28+$0x0];
	s5 =	smov.u32 s28  }
.LBB2_20:
0xf8: {  	s3 =	sadd.s32 $0x10, s3  }
0xf9: {  	p2 =	slt.u32 s3, $0x1F0  }
.Ltmp19:
0xfa: {  	_ = 	snop;
	(pc) =	sbr.rel @p2 .LBB2_20-.Ltmp19, $3  }
0xfb: {  	_ =	sdelay $0x1  }
0xfc: {  	s5 =	sadd.s32 $0x10, s5;
	[tilespmem:s2+$0x0] =	vst.add.f32.msk $0xffff, v2;
	s2 =	sadd.s32 $0x10, s2  }
0xfd: {  	v2 =	vld [tilespmem:s5+$0x0]  }
.Ltmp20:
0xfe: {  	_ = 	snop;
	(pc) =	sbr.rel .LBB2_29-.Ltmp20, $2  }
0xff: {  	_ =	sdelay $0x2  }
0x100: {  	[tilespmem:s2+$0x0] =	vst.add.f32.msk $0xffff, v2  }
.LBB2_22:
0x101: {  	p2 =	seq.s32 s30, s26  }
.Ltmp21:
0x102: {  	_ = 	snop;
	(pc) =	sbr.rel @!p2 .LBB2_23-.Ltmp21, $1  }
0x103: {  	_ =	sdelay $0x3  }
.Ltmp22:
0x104: {  	s2 =	sadd.s32 $0x408, s2;
	(pc) =	sbr.rel .LBB2_26-.Ltmp22, $4  }
0x105: {  	[spmem:s16] =	stream.linear.scatter [tilespmem:s2], [sflag:$0x1], $0x200, $0x38;
	[tilespmem:$0x1C938] =	vst v63  }
0x106: {  	_ =	swait.ge [sflag:s12], $0x200  }
0x107: {  	[sflag:s12] =	ssyncset.done $0x0  }
0x108: {  	[sflag:s12] =	ssyncadd.s32 $0xFFFFFE00  }
.LBB2_23:
0x109: {  	s3 =	sshll.u32 s29, $0xB  }
0x10a: {  	s3 =	sshra.s32 s3, $0x2  }
0x10b: {  	s5 =	sadd.s32 $0x6608, s3;
	s3 =	sadd.s32 $0x408, s2  }
0x10c: {  	s10 =	simm.s32 $0x0;
	v2 =	vld [tilespmem:s5+$0x0];
	s9 =	smov.u32 s3  }
.LBB2_24:
0x10d: {  	s10 =	sadd.s32 $0x10, s10  }
0x10e: {  	p2 =	slt.u32 s10, $0x1F0  }
.Ltmp23:
0x10f: {  	_ = 	snop;
	(pc) =	sbr.rel @p2 .LBB2_24-.Ltmp23, $3  }
0x110: {  	_ =	sdelay $0x1  }
0x111: {  	s5 =	sadd.s32 $0x10, s5;
	[tilespmem:s9+$0x0] =	vst.add.f32.msk $0xffff, v2;
	s9 =	sadd.s32 $0x10, s9  }
0x112: {  	v2 =	vld [tilespmem:s5+$0x0]  }
0x113: {  	_ =	sdelay $0x1  }
0x114: {  	p2 =	sgt.u32 s30, $0x9C270  }
0x115: {  	s5 =	sand.u32 @!p2 $0xFFFF8, s30  }
0x116: {  	s7 =	sand.u32 @!p2 $0x7, s30;
	s5 =	sadd.s32 @!p2 s1, s5;
	[tilespmem:s9+$0x0] =	vst.add.f32.msk $0xffff, v2  }
0x117: {  	[hbm4b:s5+s7] =	stream.linear.scatter @!p2 [tilespmem:s3], [sflag:$0xC], $0x80, $0x38;
	[tilespmem:$0x1C938] =	vst v63  }
0x118: {  	s3 =	sadd.s32 @!p2 $0x80, s30  }
0x119: {  	s3 =	sand.u32 @!p2 $0x1FFFF8, s3  }
0x11a: {  	s5 =	sadd.s32 @!p2 $0x488, s2;
	s3 =	sadd.s32 @!p2 s1, s3  }
0x11b: {  	[hbm4b:s3+s7] =	stream.linear.scatter @!p2 [tilespmem:s5], [sflag:$0xC], $0x80, $0x38;
	[tilespmem:$0x1C938] =	vst v63  }
0x11c: {  	s3 =	sadd.s32 @!p2 $0x100, s30  }
0x11d: {  	s3 =	sand.u32 @!p2 $0x1FFFF8, s3  }
0x11e: {  	s5 =	sadd.s32 @!p2 $0x508, s2;
	s3 =	sadd.s32 @!p2 s1, s3  }
0x11f: {  	[hbm4b:s3+s7] =	stream.linear.scatter @!p2 [tilespmem:s5], [sflag:$0xC], $0x80, $0x38;
	[tilespmem:$0x1C938] =	vst v63  }
0x120: {  	s3 =	sadd.s32 @!p2 $0x180, s30;
	s5 =	simm.s32 $0x0  }
0x121: {  	s3 =	sand.u32 @!p2 $0x1FFFF8, s3;
	s5 =	simm.s32 @!p2 $0x800  }
0x122: {  	s2 =	sadd.s32 @!p2 $0x588, s2;
	s3 =	sadd.s32 @!p2 s1, s3;
	s0 =	sadd.s32 s5, s0  }
0x123: {  	[hbm4b:s3+s7] =	stream.linear.scatter @!p2 [tilespmem:s2], [sflag:$0xC], $0x80, $0x38;
	[tilespmem:$0x1C938] =	vst v63  }
.LBB2_26:
0x124: {  	s2 =	sadd.s32 $0x1, s24  }
0x125: {  	s3 =	smulhi.u32 $0xAAAAAAAB, s2;
	_ =	sdelay $0x1  }
0x126: {  	s3 =	sshrl.u32 s3, $0x5  }
0x127: {  	s3 =	smul.u32 $0x30, s3;
	_ =	sdelay $0x1  }
0x128: {  	s24 =	ssub.s32 s2, s3  }
0x129: {  	s2 =	sshll.u32 s24, $0x9  }
0x12a: {  	v2 =	vld [tilespmem:s28+$0x0];
	s5 =	smov.u32 s28;
	s3 =	simm.s32 $0x0;
	s2 =	sadd.s32 $0x408, s2  }
.LBB2_27:
0x12b: {  	s3 =	sadd.s32 $0x10, s3  }
0x12c: {  	p2 =	slt.u32 s3, $0x1F0  }
.Ltmp24:
0x12d: {  	_ = 	snop;
	(pc) =	sbr.rel @p2 .LBB2_27-.Ltmp24, $3  }
0x12e: {  	_ =	sdelay $0x1  }
0x12f: {  	[tilespmem:s2+$0x0] =	vst v2;
	s2 =	sadd.s32 $0x10, s2;
	s5 =	sadd.s32 $0x10, s5  }
0x130: {  	v2 =	vld [tilespmem:s5+$0x0]  }
.Ltmp25:
0x131: {  	_ = 	snop;
	(pc) =	sbr.rel .LBB2_28-.Ltmp25, $1  }
0x132: {  	_ =	sdelay $0x3  }
.LBB2_31:
.Ltmp26:
0x133: {  	(pc) =	sbr.rel .LBB2_32-.Ltmp26, $4  }
0x134: {  	_ = 	snop  }
0x135: {  	s0 =	simm.s32 $0x2  }
0x136: {  	_ =	swait.ge [sflag:s0], $0x0  }
0x137: {  	s31 =	smov.u32 s30;
	[sflag:s0] =	ssyncset.done $0x0;
	s0 =	simm.s32 $0x0  }
.LBB2_34:
0x138: {  	_ =	sfence.sel $0x180000  }
0x139: {  	s0 =	simm.s32 $0x9;
	[bflag:$0x0] =	sbarrier.arrive $0xFFFF  }
0x13a: {  	s24 =	simm.s32 $0xA;
	[sflag:s0] =	ssyncpa.u1 $0x1  }
0x13b: {  	s25 =	simm.s32 $0xB;
	[sflag:s24] =	ssyncpa.u1 $0x1  }
0x13c: {  	s26 =	simm.s32 $0x2;
	[sflag:s25] =	ssyncpa.u1 $0x1  }
0x13d: {  	[sflag:s26] =	ssyncpa.u1 $0x1  }
0x13e: {  	v0 =	vld [tilespmem:$0xC808];
	_ =	sdelay $0x4  }
0x13f: {  	(v2sf) =	vpush v0, $0x0  }
0x140: {  	(v2sf) =	vpush v0, $0x1;
	_ =	sdelay $0x1  }
0x141: {  	(v2sf) =	vpush v0, $0x2;
	_ =	sdelay $0xb  }
0x142: {  	s0 =	spop (v2sf)  }
0x143: {  	s2 =	spop (v2sf)  }
0x144: {  	s3 =	smov.u32 s0;
	p0 =	sne.s32 s0, s2  }
0x145: {  	s4 =	spop (v2sf);
	s3 =	simm.s32 @!p0 $0xFFFFFFFF  }
0x146: {  	v2 =	vimm.s32 $0x1;
	v3 =	vlaneseq.u32;
	p0 =	seq.s32 s4, $0xFFFFFFFF;
	v1 =	vmov s3  }
0x147: {  	s17 =	stileid.u32;
	v0 =	vperm.xlane v0, v2;
	p1 =	sne.s32 @!p0 s0, s2;
	v1 =	vperm.xlane v1, v3  }
0x148: {  	vm0 =	vcmask $0x3F04;
	s6 =	simm.s32 $0xC808;
	s0 =	simm.s32 @!p0 $0x1;
	p1 =	por !p1, p0  }
0x149: {  	s3 =	sshll.u32 s17, $0x1;
	s2 =	sshll.u32 @!p0 s4, $0xB;
	s0 =	simm.s32 @p1 $0x0;
	v0 =	vsel vm0, v1, v0  }
0x14a: {  	s5 =	sor.u32 $0x4000, s3;
	s2 =	sshra.s32 @!p0 s2, $0x2;
	s0 =	sor.u32 @!p0 s0, s3;
	[tilespmem:$0xC808] =	vst v0  }
0x14b: {  	[spmem:s5] =	stream.linear.scatter [tilespmem:s6], [sflag:$0x1], $0x2, $0x38;
	[tilespmem:$0x1C938] =	vst v63  }
0x14c: {  	s2 =	sadd.s32 @!p0 $0x408, s2;
	s0 =	sshll.u32 @!p0 s0, $0x9  }
0x14d: {  	[spmem:s0] =	stream.linear.scatter @!p0 [tilespmem:s2], [sflag:$0x1], $0x200, $0x38;
	[tilespmem:$0x1C938] =	vst v63  }
0x14e: {  	s0 =	simm.s32 @!p0 $0x202  }
0x14f: {  	s28 =	simm.s32 $0x1;
	s0 =	simm.s32 @p0 $0x2  }
0x150: {  	_ =	swait.ge [sflag:s28], s0  }
0x151: {  	s0 =	ssub.s32 $0x0, s0;
	[sflag:s28] =	ssyncset.done $0x0  }
0x152: {  	p0 =	sne.s32 s17, $0x0;
	[sflag:s28] =	ssyncadd.s32 s0  }
.Ltmp27:
0x153: {  	_ =	sfence.stream.spmem;
	(pc) =	sbr.rel @p0 .LBB2_59-.Ltmp27, $4  }
0x154: {  	s29 =	simm.s32 $0x3;
	[bflag:$0x0] =	sbarrier.arrive $0xFFFF  }
0x155: {  	s30 =	simm.s32 $0x4;
	[sflag:s29] =	ssyncpa.u1 $0x1  }
0x156: {  	s31 =	simm.s32 $0x3C;
	[sflag:s30] =	ssyncpa.u1 $0x1  }
0x157: {  	s16 =	rddreg [dreg:$0x4];
	[sflag:s31] =	ssyncpa.u1 $0x1  }
0x158: {  	_ =	sfence.stream.spmem;
	s0 =	simm.s32 $0x5  }
0x159: {  	s2 =	simm.s32 $0x4000;
	s3 =	simm.s32 $0xC818;
	[sflag:s0] =	ssyncpa.u1 $0x0  }
0x15a: {  	[tilespmem:s3], [sflag:$0x5] =	stream.linear.gather [spmem:s2], $0x20, $0x38;
	[tilespmem:$0x1C938] =	vst v63  }
0x15b: {  	s26 =	simm.s32 $0x0;
	s28 =	simm.s32 $0xC838  }
0x15c: {  	[tilespmem:s28], [sflag:$0x5] =	stream.linear.gather [spmem:s26], $0x4000, $0x38;
	[tilespmem:$0x1C938] =	vst v63  }
0x15d: {  	_ =	swait.ge [sflag:s0], $0x4020  }
0x15e: {  	[sflag:s0] =	ssyncset.done $0x0  }
0x15f: {  	s29 =	simm.s32 $0x0;
	[sflag:s0] =	ssyncadd.s32 $0xFFFFBFE0  }
0x160: {  	v0 =	vld.msk [tilespmem:s29+$0xC818], $0x1;
	_ =	sdelay $0x1  }
0x161: {  	s30 =	simm.s32 $0x1  }
0x162: {  	v1 =	vld.msk [tilespmem:s30+$0xC818], $0x1;
	_ =	sdelay $0x1  }
0x163: {  	(v2sf) =	vpush v0, $0x0;
	_ =	sdelay $0x2  }
0x164: {  	(v2sf) =	vpush v1, $0x0;
	_ =	sdelay $0x2  }
0x165: {  	s31 =	simm.s32 $0x2  }
0x166: {  	v0 =	vld.msk [tilespmem:s31+$0xC818], $0x1;
	_ =	sdelay $0x2  }
0x167: {  	s2 =	simm.s32 $0xFFFFFFFF;
	s3 =	simm.s32 $0xFFFFFFFF;
	s0 =	simm.s32 $0xC  }
.LBB2_36:
0x168: {  	s4 =	smov.u32 s3;
	s5 =	smov.u32 s2  }
0x169: {  	s2 =	sshra.s32 s0, $0x2;
	p1 =	sne.s32 s0, $0x7C;
	s0 =	sadd.s32 $0x4, s0;
	(v2sf) =	vpush v0, $0x0  }
0x16a: {  	v0 =	vld.msk [tilespmem:s2+$0xC818], $0x1  }
.Ltmp28:
0x16b: {  	(pc) =	sbr.rel @p1 .LBB2_36-.Ltmp28, $4  }
0x16c: {  	s3 =	spop (v2sf)  }
0x16d: {  	p2 =	sne.s32 s5, $0xFFFFFFFF;
	s2 =	smov.u32 s3  }
0x16e: {  	p3 =	seq.s32 s3, $0xFFFFFFFF;
	s2 =	smov.u32 @p2 s5  }
0x16f: {  	s3 =	smov.u32 @p3 s4;
	s2 =	smov.u32 @p3 s5  }
0x170: {  	(v2sf) =	vpush v0, $0x0;
	_ =	sdelay $0x8  }
0x171: {  	s0 =	spop (v2sf);
	p1 =	sne.s32 s2, $0xFFFFFFFF;
	s9 =	simm.s32 $0x6  }
0x172: {  	s6 =	simm.s32 $0x0;
	s10 =	simm.s32 $0xC838;
	s4 =	smov.u32 s0  }
0x173: {  	s11 =	simm.s32 $0xC688;
	p2 =	seq.s32 s0, $0xFFFFFFFF;
	s4 =	smov.u32 @p1 s2  }
0x174: {  	s12 =	simm.s32 $0xC708;
	s4 =	smov.u32 @p2 s2;
	s2 =	spop (v2sf)  }
0x175: {  	s0 =	smov.u32 @p2 s3;
	p1 =	sne.s32 s4, $0xFFFFFFFF;
	s5 =	smov.u32 s2  }
.Ltmp29:
0x176: {  	p2 =	seq.s32 s2, $0xFFFFFFFF;
	s5 =	smov.u32 @p1 s4;
	(pc) =	sbr.rel .LBB2_38-.Ltmp29, $4  }
0x177: {  	s13 =	simm.s32 $0xC788;
	s5 =	smov.u32 @p2 s4;
	s7 =	spop (v2sf)  }
0x178: {  	s14 =	simm.s32 $0x0;
	p1 =	sne.s32 s5, $0xFFFFFFFF;
	s8 =	smov.u32 s7  }
0x179: {  	s2 =	smov.u32 @p2 s0;
	p2 =	seq.s32 s7, $0xFFFFFFFF;
	s8 =	smov.u32 @p1 s5  }
0x17a: {  	[sflag:s9] =	ssyncpa.u1 $0x0;
	s7 =	smov.u32 @p2 s2;
	s8 =	smov.u32 @p2 s5  }
.LBB2_53:
0x17b: {  	s14 =	sadd.s32 $0x1, s14  }
0x17c: {  	p1 =	sne.s32 s14, $0x20  }
.Ltmp30:
0x17d: {  	_ = 	snop;
	(pc) =	sbr.rel @!p1 .LBB2_54-.Ltmp30, $2  }
0x17e: {  	_ =	sdelay $0x2  }
0x17f: {  	s10 =	sadd.s32 $0x200, s10  }
.LBB2_38:
0x180: {  	v0 =	vld.msk [tilespmem:s14+$0xC818], $0x1;
	_ =	sdelay $0x4  }
0x181: {  	(v2sf) =	vpush v0, $0x0;
	_ =	sdelay $0xe  }
0x182: {  	s0 =	spop (v2sf)  }
0x183: {  	p1 =	seq.s32 s0, $0xFFFFFFFF  }
.Ltmp31:
0x184: {  	_ = 	snop;
	(pc) =	sbr.rel @p1 .LBB2_53-.Ltmp31, $1  }
0x185: {  	_ =	sdelay $0x3  }
0x186: {  	p1 =	slt.s32 s6, $0x1  }
.Ltmp32:
0x187: {  	_ = 	snop;
	(pc) =	sbr.rel @p1 .LBB2_46-.Ltmp32, $1  }
0x188: {  	_ =	sdelay $0x3  }
0x189: {  	s2 =	simm.s32 $0xC818;
	p1 =	por $0x0, $0x0  }
0x18a: {  	v1 =	vld.msk @!p1 [tilespmem:s2+$0x0], $0x1;
	_ =	sdelay $0x4  }
0x18b: {  	(v2sf) =	vpush @!p1 v1, $0x0;
	_ =	sdelay $0xd  }
0x18c: {  	p3 =	sne.s32 s6, $0x1  }
.Ltmp33:
0x18d: {  	s3 =	spop @!p1 (v2sf);
	(pc) =	sbr.rel @!p3 .LBB2_42-.Ltmp33, $4  }
0x18e: {  	p2 =	seq.s32 @!p1 s0, s3  }
0x18f: {  	s4 =	simm.s32 $0x0;
	p2 =	por !p2, p1  }
0x190: {  	s3 =	simm.s32 $0xFFFFFFFF;
	s4 =	simm.s32 @p2 $0xFFFFFFFF  }
0x191: {  	s5 =	simm.s32 $0x1;
	s4 =	smov.u32 @p1 s3  }
.LBB2_41:
0x192: {  	s3 =	smov.u32 s4;
	p1 =	sne.s32 s4, $0xFFFFFFFF  }
0x193: {  	s2 =	sadd.s32 $0x1, s2;
	s4 =	smov.u32 s5;
	s5 =	sadd.s32 $0x1, s5  }
0x194: {  	p2 =	sne.s32 s6, s5;
	v1 =	vld.msk @!p1 [tilespmem:s2+$0x0], $0x1;
	_ =	sdelay $0x4  }
0x195: {  	(v2sf) =	vpush @!p1 v1, $0x0;
	_ =	sdelay $0xe  }
.Ltmp34:
0x196: {  	s15 =	spop @!p1 (v2sf);
	(pc) =	sbr.rel @p2 .LBB2_41-.Ltmp34, $4  }
0x197: {  	p3 =	seq.s32 @!p1 s0, s15  }
0x198: {  	p3 =	por !p3, p1  }
0x199: {  	s4 =	simm.s32 @p3 $0xFFFFFFFF  }
0x19a: {  	s4 =	smov.u32 @p1 s3  }
.LBB2_42:
0x19b: {  	p1 =	seq.s32 s4, $0xFFFFFFFF  }
.Ltmp35:
0x19c: {  	_ = 	snop;
	(pc) =	sbr.rel @p1 .LBB2_46-.Ltmp35, $1  }
0x19d: {  	_ =	sdelay $0x3  }
0x19e: {  	s0 =	sshll.u32 s4, $0xB  }
0x19f: {  	s0 =	sshra.s32 s0, $0x2  }
0x1a0: {  	s2 =	simm.s32 $0x0;
	v0 =	vld [tilespmem:s10+$0x0];
	s3 =	smov.u32 s10;
	s0 =	sadd.s32 $0xC838, s0  }
.LBB2_44:
0x1a1: {  	s2 =	sadd.s32 $0x10, s2  }
0x1a2: {  	p1 =	slt.u32 s2, $0x1F0  }
.Ltmp36:
0x1a3: {  	_ = 	snop;
	(pc) =	sbr.rel @p1 .LBB2_44-.Ltmp36, $3  }
0x1a4: {  	_ =	sdelay $0x1  }
0x1a5: {  	s3 =	sadd.s32 $0x10, s3;
	[tilespmem:s0+$0x0] =	vst.add.f32.msk $0xffff, v0;
	s0 =	sadd.s32 $0x10, s0  }
0x1a6: {  	v0 =	vld [tilespmem:s3+$0x0]  }
.Ltmp37:
0x1a7: {  	_ = 	snop;
	(pc) =	sbr.rel .LBB2_53-.Ltmp37, $2  }
0x1a8: {  	_ =	sdelay $0x2  }
0x1a9: {  	[tilespmem:s0+$0x0] =	vst.add.f32.msk $0xffff, v0  }
.LBB2_46:
0x1aa: {  	p1 =	sgt.u32 s0, $0x9C270  }
0x1ab: {  	p2 =	seq.s32 @!p1 s0, s8  }
0x1ac: {  	p1 =	por p1, p2  }
0x1ad: {  	p2 =	seq.s32 @!p1 s0, s7  }
0x1ae: {  	p1 =	por p1, p2  }
.Ltmp38:
0x1af: {  	_ = 	snop;
	(pc) =	sbr.rel @p1 .LBB2_50-.Ltmp38, $1  }
0x1b0: {  	_ =	sdelay $0x3  }
0x1b1: {  	s2 =	sand.u32 $0xFFFF8, s0;
	s4 =	sand.u32 $0x7, s0  }
0x1b2: {  	s29 =	sadd.s32 $0x80, s0;
	s3 =	sadd.s32 s1, s2;
	s2 =	simm.s32 $0xC608  }
0x1b3: {  	[tilespmem:s2], [sflag:$0x6] =	stream.linear.gather [hbm4b:s3+s4], $0x80, $0x38;
	[tilespmem:$0x1C938] =	vst v63  }
0x1b4: {  	s3 =	sand.u32 $0x1FFFF8, s29  }
0x1b5: {  	s30 =	sadd.s32 $0x100, s0;
	s3 =	sadd.s32 s1, s3  }
0x1b6: {  	[tilespmem:s11], [sflag:$0x6] =	stream.linear.gather [hbm4b:s3+s4], $0x80, $0x38;
	[tilespmem:$0x1C938] =	vst v63  }
0x1b7: {  	s31 =	sadd.s32 $0x180, s0;
	s3 =	sand.u32 $0x1FFFF8, s30  }
0x1b8: {  	s0 =	sand.u32 $0x1FFFF8, s31;
	s3 =	sadd.s32 s1, s3  }
0x1b9: {  	[tilespmem:s12], [sflag:$0x6] =	stream.linear.gather [hbm4b:s3+s4], $0x80, $0x38;
	[tilespmem:$0x1C938] =	vst v63  }
0x1ba: {  	s0 =	sadd.s32 s1, s0  }
0x1bb: {  	[tilespmem:s13], [sflag:$0x6] =	stream.linear.gather [hbm4b:s0+s4], $0x80, $0x38;
	[tilespmem:$0x1C938] =	vst v63  }
0x1bc: {  	_ =	swait.ge [sflag:s9], $0x200  }
0x1bd: {  	[sflag:s9] =	ssyncset.done $0x0  }
0x1be: {  	[sflag:s9] =	ssyncadd.s32 $0xFFFFFE00  }
0x1bf: {  	s3 =	smov.u32 s10;
	s0 =	simm.s32 $0x0;
	v1 =	vld [tilespmem:s2+$0x0]  }
.LBB2_48:
0x1c0: {  	s0 =	sadd.s32 $0x10, s0  }
0x1c1: {  	p1 =	slt.u32 s0, $0x1F0  }
.Ltmp39:
0x1c2: {  	_ = 	snop;
	(pc) =	sbr.rel @p1 .LBB2_48-.Ltmp39, $3  }
0x1c3: {  	_ =	sdelay $0x1  }
0x1c4: {  	s2 =	sadd.s32 $0x10, s2;
	[tilespmem:s3+$0x0] =	vst.add.f32.msk $0xffff, v1;
	s3 =	sadd.s32 $0x10, s3  }
0x1c5: {  	v1 =	vld [tilespmem:s2+$0x0]  }
0x1c6: {  	_ =	sdelay $0x3  }
0x1c7: {  	[tilespmem:s3+$0x0] =	vst.add.f32.msk $0xffff, v1  }
.LBB2_50:
0x1c8: {  	s0 =	sshll.u32 s6, $0xB  }
0x1c9: {  	[tilespmem:s6+$0xC818] =	vst.msk $0x1, v0;
	s0 =	sshra.s32 s0, $0x2  }
0x1ca: {  	s2 =	simm.s32 $0x0;
	s3 =	smov.u32 s10;
	v0 =	vld [tilespmem:s10+$0x0];
	s0 =	sadd.s32 $0xC838, s0  }
.LBB2_51:
0x1cb: {  	s2 =	sadd.s32 $0x10, s2  }
0x1cc: {  	p1 =	slt.u32 s2, $0x1F0  }
.Ltmp40:
0x1cd: {  	_ = 	snop;
	(pc) =	sbr.rel @p1 .LBB2_51-.Ltmp40, $3  }
0x1ce: {  	_ =	sdelay $0x1  }
0x1cf: {  	s3 =	sadd.s32 $0x10, s3;
	[tilespmem:s0+$0x0] =	vst v0;
	s0 =	sadd.s32 $0x10, s0  }
0x1d0: {  	v0 =	vld [tilespmem:s3+$0x0]  }
.Ltmp41:
0x1d1: {  	_ = 	snop;
	(pc) =	sbr.rel .LBB2_53-.Ltmp41, $2  }
0x1d2: {  	_ =	sdelay $0x2  }
0x1d3: {  	s6 =	sadd.s32 $0x1, s6;
	[tilespmem:s0+$0x0] =	vst v0  }
.LBB2_54:
0x1d4: {  	s0 =	simm.s32 $0x6;
	p1 =	seq.s32 s6, $0x0  }
0x1d5: {  	[sflag:s0] =	ssyncpa.u1 $0x1;
	v0 =	vimm.s32 @p1 $0xFFFFFFFF  }
0x1d6: {  	s0 =	sadd.s32 $0xFFFFFFFF, s6;
	[tilespmem:$0x10838] =	vst @p1 v0  }
0x1d7: {  	v0 =	vld.msk @!p1 [tilespmem:s0+$0xC818], $0x1;
	_ =	sdelay $0x1  }
0x1d8: {  	v1 =	vld.msk @!p1 [tilespmem:$0xC818], $0x1;
	_ =	sdelay $0x2  }
0x1d9: {  	p2 =	seq.s32 @!p1 s0, $0x0;
	v0 =	vbroadcast @!p1 v0, $0x0  }
0x1da: {  	vm0 =	vmmov @!p1 $0x1;
	p2 =	por !p2, p1  }
0x1db: {  	v1 =	vnsel @!p1 vm0, $0xFFFFFFFF, v1;
	vm0 =	vcmask @!p1 $0x308;
	v0 =	vpsel !p2, $0xFFFFFFFF, v0  }
0x1dc: {  	p2 =	sne.s32 @!p1 s8, s7;
	v0 =	vsel @!p1 vm0, v1, v0  }
0x1dd: {  	s2 =	simm.s32 @!p1 $0xC838;
	s3 =	simm.s32 @!p1 $0x0;
	p3 =	por !p2, p1;
	[tilespmem:$0x10838] =	vst @!p1 v0  }
0x1de: {  	[spmem:s3] =	stream.linear.scatter @!p1 [tilespmem:s2], [sflag:$0x1], $0x200, $0x38;
	[tilespmem:$0x1C938] =	vst v63  }
0x1df: {  	s2 =	sshll.u32 @!p3 s0, $0xB  }
0x1e0: {  	s2 =	sshra.s32 @!p3 s2, $0x2  }
0x1e1: {  	s3 =	simm.s32 @!p3 $0x200;
	s2 =	sadd.s32 @!p3 $0xC838, s2  }
0x1e2: {  	[spmem:s3] =	stream.linear.scatter @!p3 [tilespmem:s2], [sflag:$0x1], $0x200, $0x38;
	[tilespmem:$0x1C938] =	vst v63  }
0x1e3: {  	s2 =	simm.s32 @!p3 $0x1  }
0x1e4: {  	_ =	swait.ge @!p3 [sflag:s2], $0x400  }
0x1e5: {  	p1 =	por p2, p1;
	[sflag:s2] =	ssyncset.done @!p3 $0x0  }
0x1e6: {  	[sflag:s2] =	ssyncadd.s32 @!p3 $0xFFFFFC00;
	s2 =	simm.s32 @!p1 $0x1  }
0x1e7: {  	_ =	swait.ge @!p1 [sflag:s2], $0x200  }
0x1e8: {  	s29 =	simm.s32 $0x10838;
	[sflag:s2] =	ssyncset.done @!p1 $0x0  }
0x1e9: {  	s30 =	simm.s32 $0x4000;
	s31 =	simm.s32 $0x1;
	[sflag:s2] =	ssyncadd.s32 @!p1 $0xFFFFFE00  }
0x1ea: {  	[spmem:s30] =	stream.linear.scatter [tilespmem:s29], [sflag:$0x1], $0x10, $0x38;
	[tilespmem:$0x1C938] =	vst v63  }
0x1eb: {  	_ =	swait.ge [sflag:s31], $0x10  }
0x1ec: {  	[sflag:s31] =	ssyncset.done $0x0  }
0x1ed: {  	p1 =	seq.s32 s16, $0x0;
	s9 =	rddreg [dreg:$0x1];
	[sflag:s31] =	ssyncadd.s32 $0xFFFFFFF0  }
0x1ee: {  	s3 =	sshll.u32 @p1 s9, $0xE;
	s8 =	rddreg [dreg:$0x2]  }
0x1ef: {  	s2 =	sadd.s32 @p1 $0x15C3C, s3;
	s3 =	sshll.u32 @p1 s8, $0x11  }
0x1f0: {  	_ =	sfence.stream.spmem;
	s2 =	sor.u32 @p1 s3, s2  }
0x1f1: {  	[sflag:s2] =	ssyncadd.remote.s32 @p1 $0x1;
	s2 =	simm.s32 @p1 $0x4  }
0x1f2: {  	s4 =	simm.s32 @!p1 $0x3C;
	s3 =	sand.u32 $0xFFFFFFFE, s9;
	_ =	swait.ge @p1 [sflag:s2], $0x82  }
0x1f3: {  	s5 =	simm.s32 @!p1 $0x0;
	s3 =	sadd.s32 @!p1 $0x4, s3;
	[sflag:s2] =	ssyncset.done @p1 $0x0  }
0x1f4: {  	s7 =	simm.s32 @!p1 $0x400;
	[sflag:s2] =	ssyncadd.s32 @p1 $0xFFFFFF7E;
	s2 =	sshll.u32 @!p1 s3, $0x1A  }
0x1f5: {  	s3 =	sshll.u32 @!p1 s3, $0xD;
	s2 =	sor.u32 @!p1 s2, s8;
	_ =	swait.eq @!p1 [sflag:s4], $0x1  }
0x1f6: {  	s3 =	sor.u32 @!p1 $0x1C04, s3;
	s4 =	simm.s32 @!p1 $0x1C03;
	s2 =	sor.u32 @!p1 $0x80004000, s2  }
0x1f7: {  	[spmem:s7], [sflag:s3] =	dma.general @!p1 [spmem:s5], [sflag:s4], length:$0x80, [dreg:$0x0], stride_count:$0x0, ici_dest:s2, dma_misc:DstOpCode:WRITE  }
0x1f8: {  	p2 =	slt.s32 s0, $0x2;
	s5 =	simm.s32 @!p1 $0x800;
	s7 =	simm.s32 @!p1 $0x802  }
0x1f9: {  	[spmem:s7], [sflag:s3] =	dma.general @!p1 [spmem:s5], [sflag:s4], length:$0x2, [dreg:$0x0], stride_count:$0x0, ici_dest:s2, dma_misc:DstOpCode:WRITE  }
.Ltmp42:
0x1fa: {  	s2 =	simm.s32 @!p1 $0x3;
	(pc) =	sbr.rel @p2 .LBB2_58-.Ltmp42, $4  }
0x1fb: {  	s3 =	sshll.u32 @!p1 s9, $0xE;
	_ =	swait.ge @!p1 [sflag:s2], $0x82  }
0x1fc: {  	s4 =	sshll.u32 @!p1 s8, $0x11;
	s3 =	sadd.s32 @!p1 $0x11C3C, s3;
	[sflag:s2] =	ssyncset.done @!p1 $0x0  }
0x1fd: {  	[sflag:s2] =	ssyncadd.s32 @!p1 $0xFFFFFF7E;
	s2 =	sor.u32 @!p1 s4, s3  }
0x1fe: {  	s0 =	simm.s32 $0x0;
	[sflag:s2] =	ssyncadd.remote.s32 @!p1 $0xFFFFFFFF  }
0x1ff: {  	s0 =	simm.s32 $0xC819  }
0x200: {  	v0 =	vld.msk [tilespmem:s0+$0x0], $0x1;
	_ =	sdelay $0x4  }
0x201: {  	(v2sf) =	vpush v0, $0x0;
	_ =	sdelay $0xe  }
0x202: {  	s2 =	sadd.s32 $0xFFFFFFFE, s6;
	s3 =	spop (v2sf)  }
0x203: {  	s5 =	simm.s32 $0xCA38;
	s4 =	sadd.s32 $0xFFFFFFFF, s2;
	p1 =	sgt.u32 s3, $0x9C270  }
0x204: {  	s0 =	simm.s32 $0x0;
	p2 =	sne.s32 s4, $0x0;
	s2 =	sand.u32 @!p1 $0xFFFF8, s3  }
0x205: {  	s6 =	sadd.s32 @!p1 $0x80, s3;
	s7 =	sadd.s32 @!p1 $0x100, s3;
	s8 =	sadd.s32 @!p1 s1, s2  }
0x206: {  	s2 =	sand.u32 @!p1 $0x7, s3;
	s6 =	sand.u32 @!p1 $0x1FFFF8, s6;
	s7 =	sand.u32 @!p1 $0x1FFFF8, s7  }
0x207: {  	[hbm4b:s8+s2] =	stream.linear.scatter @!p1 [tilespmem:s5], [sflag:$0x5], $0x80, $0x38;
	[tilespmem:$0x1C938] =	vst v63  }
0x208: {  	s5 =	simm.s32 @!p1 $0xCAB8;
	s6 =	sadd.s32 @!p1 s1, s6;
	s7 =	sadd.s32 @!p1 s1, s7  }
.Ltmp43:
0x209: {  	s8 =	sadd.s32 @!p1 $0x180, s3;
	s3 =	simm.s32 $0x0;
	(pc) =	sbr.rel @!p2 .LBB2_57-.Ltmp43, $4  }
0x20a: {  	[hbm4b:s6+s2] =	stream.linear.scatter @!p1 [tilespmem:s5], [sflag:$0x5], $0x80, $0x38;
	[tilespmem:$0x1C938] =	vst v63  }
0x20b: {  	s3 =	simm.s32 @!p1 $0x800;
	s8 =	sand.u32 @!p1 $0x1FFFF8, s8;
	s6 =	simm.s32 @!p1 $0xCB38  }
0x20c: {  	[hbm4b:s7+s2] =	stream.linear.scatter @!p1 [tilespmem:s6], [sflag:$0x5], $0x80, $0x38;
	[tilespmem:$0x1C938] =	vst v63  }
0x20d: {  	s5 =	simm.s32 $0xC81A;
	s6 =	simm.s32 $0xCC38;
	s7 =	simm.s32 @!p1 $0xCBB8  }
.LBB2_56:
0x20e: {  	s4 =	sadd.s32 $0xFFFFFFFF, s4;
	s8 =	sadd.s32 @!p1 s1, s8;
	s0 =	sadd.s32 s0, s3  }
0x20f: {  	[hbm4b:s8+s2] =	stream.linear.scatter @!p1 [tilespmem:s7], [sflag:$0x5], $0x80, $0x38;
	[tilespmem:$0x1C938] =	vst v63  }
0x210: {  	p2 =	sne.s32 s4, $0x0;
	s7 =	smov.u32 s6;
	v0 =	vld.msk [tilespmem:s5+$0x0], $0x1;
	_ =	sdelay $0x4  }
0x211: {  	(v2sf) =	vpush v0, $0x0;
	_ =	sdelay $0xe  }
0x212: {  	s3 =	spop (v2sf)  }
0x213: {  	s6 =	sadd.s32 $0x200, s6;
	s5 =	sadd.s32 $0x1, s5;
	p1 =	sgt.u32 s3, $0x9C270  }
0x214: {  	s2 =	sand.u32 @!p1 $0xFFFF8, s3;
	s8 =	sadd.s32 @!p1 $0x80, s3;
	s9 =	sadd.s32 @!p1 $0x100, s3  }
0x215: {  	s10 =	sadd.s32 @!p1 s1, s2;
	s2 =	sand.u32 @!p1 $0x7, s3;
	s8 =	sand.u32 @!p1 $0x1FFFF8, s8  }
0x216: {  	[hbm4b:s10+s2] =	stream.linear.scatter @!p1 [tilespmem:s7], [sflag:$0x5], $0x80, $0x38;
	[tilespmem:$0x1C938] =	vst v63  }
0x217: {  	s9 =	sand.u32 @!p1 $0x1FFFF8, s9;
	s10 =	sadd.s32 @!p1 $0x80, s7  }
.Ltmp44:
0x218: {  	s8 =	sadd.s32 @!p1 s1, s8;
	s9 =	sadd.s32 @!p1 s1, s9;
	(pc) =	sbr.rel @p2 .LBB2_56-.Ltmp44, $4  }
0x219: {  	[hbm4b:s8+s2] =	stream.linear.scatter @!p1 [tilespmem:s10], [sflag:$0x5], $0x80, $0x38;
	[tilespmem:$0x1C938] =	vst v63  }
0x21a: {  	s8 =	sadd.s32 @!p1 $0x100, s7;
	s10 =	sadd.s32 @!p1 $0x180, s3;
	s3 =	simm.s32 $0x0  }
0x21b: {  	[hbm4b:s9+s2] =	stream.linear.scatter @!p1 [tilespmem:s8], [sflag:$0x5], $0x80, $0x38;
	[tilespmem:$0x1C938] =	vst v63  }
0x21c: {  	s7 =	sadd.s32 @!p1 $0x180, s7;
	s3 =	simm.s32 @!p1 $0x800;
	s8 =	sand.u32 @!p1 $0x1FFFF8, s10  }
.LBB2_57:
0x21d: {  	s4 =	sadd.s32 @!p1 s1, s8;
	s0 =	sadd.s32 s0, s3  }
0x21e: {  	[hbm4b:s4+s2] =	stream.linear.scatter @!p1 [tilespmem:s7], [sflag:$0x5], $0x80, $0x38;
	[tilespmem:$0x1C938] =	vst v63  }
0x21f: {  	s0 =	sshrl.u32 s0, $0x2  }
.LBB2_58:
0x220: {  	s2 =	simm.s32 $0x5  }
0x221: {  	_ =	swait.ge [sflag:s2], s0  }
0x222: {  	s31 =	ssub.s32 $0x0, s0;
	[sflag:s2] =	ssyncset.done $0x0  }
0x223: {  	[sflag:s2] =	ssyncadd.s32 s31  }
0x224: {  	[sflag:s2] =	ssyncpa.u1 $0x1  }
.LBB2_59:
0x225: {  	s0 =	sor.u32 s16, s17  }
0x226: {  	p1 =	sne.s32 s0, $0x0  }
.Ltmp45:
0x227: {  	_ = 	snop;
	(pc) =	sbr.rel @p1 .LBB2_82-.Ltmp45, $3  }
0x228: {  	_ =	sdelay $0x1  }
0x229: {  	[bflag:$0x0] =	sbarrier.arrive $0xFFFF  }
0x22a: {  	_ =	sfence  }
0x22b: {  	s0 =	simm.s32 $0x7  }
0x22c: {  	s2 =	simm.s32 $0x4000;
	s3 =	simm.s32 $0xC818;
	[sflag:s0] =	ssyncpa.u1 $0x0  }
0x22d: {  	[tilespmem:s3], [sflag:$0x7] =	stream.linear.gather [spmem:s2], $0x20, $0x38;
	[tilespmem:$0x1C938] =	vst v63  }
0x22e: {  	s2 =	simm.s32 $0x0;
	s3 =	simm.s32 $0xC838  }
0x22f: {  	[tilespmem:s3], [sflag:$0x7] =	stream.linear.gather [spmem:s2], $0x4000, $0x38;
	[tilespmem:$0x1C938] =	vst v63  }
.Ltmp46:
0x230: {  	_ = 	snop;
	(pc) =	sbr.rel .LBB2_61-.Ltmp46, $4  }
0x231: {  	_ =	swait.ge [sflag:s0], $0x4020  }
0x232: {  	s4 =	simm.s32 $0x8;
	[sflag:s0] =	ssyncset.done $0x0  }
0x233: {  	s5 =	simm.s32 $0xC688;
	s6 =	simm.s32 $0xC708;
	[sflag:s0] =	ssyncadd.s32 $0xFFFFBFE0  }
0x234: {  	s7 =	simm.s32 $0xC788;
	s8 =	simm.s32 $0x0;
	[sflag:s4] =	ssyncpa.u1 $0x0  }
.LBB2_76:
0x235: {  	s8 =	sadd.s32 $0x1, s8  }
0x236: {  	p1 =	sne.s32 s8, $0x20  }
.Ltmp47:
0x237: {  	_ = 	snop;
	(pc) =	sbr.rel @!p1 .LBB2_77-.Ltmp47, $2  }
0x238: {  	_ =	sdelay $0x2  }
0x239: {  	s3 =	sadd.s32 $0x200, s3  }
.LBB2_61:
0x23a: {  	v0 =	vld.msk [tilespmem:s8+$0xC818], $0x1;
	_ =	sdelay $0x4  }
0x23b: {  	(v2sf) =	vpush v0, $0x0;
	_ =	sdelay $0xe  }
0x23c: {  	s0 =	spop (v2sf)  }
0x23d: {  	p1 =	seq.s32 s0, $0xFFFFFFFF  }
.Ltmp48:
0x23e: {  	_ = 	snop;
	(pc) =	sbr.rel @p1 .LBB2_76-.Ltmp48, $1  }
0x23f: {  	_ =	sdelay $0x3  }
0x240: {  	p1 =	slt.s32 s2, $0x1  }
.Ltmp49:
0x241: {  	_ = 	snop;
	(pc) =	sbr.rel @p1 .LBB2_69-.Ltmp49, $1  }
0x242: {  	_ =	sdelay $0x3  }
0x243: {  	s9 =	simm.s32 $0xC818;
	p1 =	por $0x0, $0x0  }
0x244: {  	v1 =	vld.msk @!p1 [tilespmem:s9+$0x0], $0x1;
	_ =	sdelay $0x4  }
0x245: {  	(v2sf) =	vpush @!p1 v1, $0x0;
	_ =	sdelay $0xd  }
0x246: {  	p3 =	sne.s32 s2, $0x1  }
.Ltmp50:
0x247: {  	s10 =	spop @!p1 (v2sf);
	(pc) =	sbr.rel @!p3 .LBB2_65-.Ltmp50, $4  }
0x248: {  	p2 =	seq.s32 @!p1 s0, s10  }
0x249: {  	s10 =	simm.s32 $0x0;
	p2 =	por !p2, p1  }
0x24a: {  	s12 =	simm.s32 $0xFFFFFFFF;
	s10 =	simm.s32 @p2 $0xFFFFFFFF  }
0x24b: {  	s11 =	simm.s32 $0x1;
	s10 =	smov.u32 @p1 s12  }
.LBB2_64:
0x24c: {  	s12 =	smov.u32 s10;
	p1 =	sne.s32 s10, $0xFFFFFFFF  }
0x24d: {  	s9 =	sadd.s32 $0x1, s9;
	s10 =	smov.u32 s11;
	s11 =	sadd.s32 $0x1, s11  }
0x24e: {  	p2 =	sne.s32 s2, s11;
	v1 =	vld.msk @!p1 [tilespmem:s9+$0x0], $0x1;
	_ =	sdelay $0x4  }
0x24f: {  	(v2sf) =	vpush @!p1 v1, $0x0;
	_ =	sdelay $0xe  }
.Ltmp51:
0x250: {  	s13 =	spop @!p1 (v2sf);
	(pc) =	sbr.rel @p2 .LBB2_64-.Ltmp51, $4  }
0x251: {  	p3 =	seq.s32 @!p1 s0, s13  }
0x252: {  	p3 =	por !p3, p1  }
0x253: {  	s10 =	simm.s32 @p3 $0xFFFFFFFF  }
0x254: {  	s10 =	smov.u32 @p1 s12  }
.LBB2_65:
0x255: {  	p1 =	seq.s32 s10, $0xFFFFFFFF  }
.Ltmp52:
0x256: {  	_ = 	snop;
	(pc) =	sbr.rel @p1 .LBB2_69-.Ltmp52, $1  }
0x257: {  	_ =	sdelay $0x3  }
0x258: {  	s0 =	sshll.u32 s10, $0xB  }
0x259: {  	s0 =	sshra.s32 s0, $0x2  }
0x25a: {  	s9 =	simm.s32 $0x0;
	v0 =	vld [tilespmem:s3+$0x0];
	s10 =	smov.u32 s3;
	s0 =	sadd.s32 $0xC838, s0  }
.LBB2_67:
0x25b: {  	s9 =	sadd.s32 $0x10, s9  }
0x25c: {  	p1 =	slt.u32 s9, $0x1F0  }
.Ltmp53:
0x25d: {  	_ = 	snop;
	(pc) =	sbr.rel @p1 .LBB2_67-.Ltmp53, $3  }
0x25e: {  	_ =	sdelay $0x1  }
0x25f: {  	s10 =	sadd.s32 $0x10, s10;
	[tilespmem:s0+$0x0] =	vst.add.f32.msk $0xffff, v0;
	s0 =	sadd.s32 $0x10, s0  }
0x260: {  	v0 =	vld [tilespmem:s10+$0x0]  }
.Ltmp54:
0x261: {  	_ = 	snop;
	(pc) =	sbr.rel .LBB2_76-.Ltmp54, $2  }
0x262: {  	_ =	sdelay $0x2  }
0x263: {  	[tilespmem:s0+$0x0] =	vst.add.f32.msk $0xffff, v0  }
.LBB2_69:
0x264: {  	p1 =	sgt.u32 s0, $0x9C270  }
.Ltmp55:
0x265: {  	_ = 	snop;
	(pc) =	sbr.rel @p1 .LBB2_73-.Ltmp55, $1  }
0x266: {  	_ =	sdelay $0x3  }
0x267: {  	s9 =	sand.u32 $0xFFFF8, s0;
	s11 =	sand.u32 $0x7, s0  }
0x268: {  	s29 =	sadd.s32 $0x80, s0;
	s10 =	sadd.s32 s1, s9;
	s9 =	simm.s32 $0xC608  }
0x269: {  	[tilespmem:s9], [sflag:$0x8] =	stream.linear.gather [hbm4b:s10+s11], $0x80, $0x38;
	[tilespmem:$0x1C938] =	vst v63  }
0x26a: {  	s10 =	sand.u32 $0x1FFFF8, s29  }
0x26b: {  	s30 =	sadd.s32 $0x100, s0;
	s10 =	sadd.s32 s1, s10  }
0x26c: {  	[tilespmem:s5], [sflag:$0x8] =	stream.linear.gather [hbm4b:s10+s11], $0x80, $0x38;
	[tilespmem:$0x1C938] =	vst v63  }
0x26d: {  	s31 =	sadd.s32 $0x180, s0;
	s10 =	sand.u32 $0x1FFFF8, s30  }
0x26e: {  	s0 =	sand.u32 $0x1FFFF8, s31;
	s10 =	sadd.s32 s1, s10  }
0x26f: {  	[tilespmem:s6], [sflag:$0x8] =	stream.linear.gather [hbm4b:s10+s11], $0x80, $0x38;
	[tilespmem:$0x1C938] =	vst v63  }
0x270: {  	s0 =	sadd.s32 s1, s0  }
0x271: {  	[tilespmem:s7], [sflag:$0x8] =	stream.linear.gather [hbm4b:s0+s11], $0x80, $0x38;
	[tilespmem:$0x1C938] =	vst v63  }
0x272: {  	_ =	swait.ge [sflag:s4], $0x200  }
0x273: {  	[sflag:s4] =	ssyncset.done $0x0  }
0x274: {  	[sflag:s4] =	ssyncadd.s32 $0xFFFFFE00  }
0x275: {  	s10 =	smov.u32 s3;
	s0 =	simm.s32 $0x0;
	v1 =	vld [tilespmem:s9+$0x0]  }
.LBB2_71:
0x276: {  	s0 =	sadd.s32 $0x10, s0  }
0x277: {  	p1 =	slt.u32 s0, $0x1F0  }
.Ltmp56:
0x278: {  	_ = 	snop;
	(pc) =	sbr.rel @p1 .LBB2_71-.Ltmp56, $3  }
0x279: {  	_ =	sdelay $0x1  }
0x27a: {  	s9 =	sadd.s32 $0x10, s9;
	[tilespmem:s10+$0x0] =	vst.add.f32.msk $0xffff, v1;
	s10 =	sadd.s32 $0x10, s10  }
0x27b: {  	v1 =	vld [tilespmem:s9+$0x0]  }
0x27c: {  	_ =	sdelay $0x3  }
0x27d: {  	[tilespmem:s10+$0x0] =	vst.add.f32.msk $0xffff, v1  }
.LBB2_73:
0x27e: {  	s0 =	sshll.u32 s2, $0xB  }
0x27f: {  	[tilespmem:s2+$0xC818] =	vst.msk $0x1, v0;
	s0 =	sshra.s32 s0, $0x2  }
0x280: {  	s9 =	simm.s32 $0x0;
	s10 =	smov.u32 s3;
	v0 =	vld [tilespmem:s3+$0x0];
	s0 =	sadd.s32 $0xC838, s0  }
.LBB2_74:
0x281: {  	s9 =	sadd.s32 $0x10, s9  }
0x282: {  	p1 =	slt.u32 s9, $0x1F0  }
.Ltmp57:
0x283: {  	_ = 	snop;
	(pc) =	sbr.rel @p1 .LBB2_74-.Ltmp57, $3  }
0x284: {  	_ =	sdelay $0x1  }
0x285: {  	s10 =	sadd.s32 $0x10, s10;
	[tilespmem:s0+$0x0] =	vst v0;
	s0 =	sadd.s32 $0x10, s0  }
0x286: {  	v0 =	vld [tilespmem:s10+$0x0]  }
.Ltmp58:
0x287: {  	_ = 	snop;
	(pc) =	sbr.rel .LBB2_76-.Ltmp58, $2  }
0x288: {  	_ =	sdelay $0x2  }
0x289: {  	s2 =	sadd.s32 $0x1, s2;
	[tilespmem:s0+$0x0] =	vst v0  }
.LBB2_77:
0x28a: {  	p1 =	slt.s32 s2, $0x1  }
.Ltmp59:
0x28b: {  	_ = 	snop;
	(pc) =	sbr.rel @p1 .LBB2_81-.Ltmp59, $3  }
0x28c: {  	_ =	sdelay $0x1  }
0x28d: {  	s0 =	simm.s32 $0x8  }
0x28e: {  	[sflag:s0] =	ssyncpa.u1 $0x1;
	s0 =	simm.s32 $0x0  }
0x28f: {  	s3 =	simm.s32 $0xC818  }
0x290: {  	v0 =	vld.msk [tilespmem:s3+$0x0], $0x1;
	_ =	sdelay $0x4  }
0x291: {  	(v2sf) =	vpush v0, $0x0;
	_ =	sdelay $0xe  }
0x292: {  	s7 =	spop (v2sf)  }
0x293: {  	s2 =	sadd.s32 $0xFFFFFFFF, s2;
	p1 =	sgt.u32 s7, $0x9C270  }
0x294: {  	s3 =	simm.s32 $0xC838;
	s4 =	sand.u32 @!p1 $0xFFFF8, s7;
	s8 =	sadd.s32 @!p1 $0x80, s7  }
0x295: {  	s5 =	sand.u32 @!p1 $0x7, s7;
	s4 =	sadd.s32 @!p1 s1, s4;
	s8 =	sand.u32 @!p1 $0x1FFFF8, s8  }
0x296: {  	[hbm4b:s4+s5] =	stream.linear.scatter @!p1 [tilespmem:s3], [sflag:$0x7], $0x80, $0x38;
	[tilespmem:$0x1C938] =	vst v63  }
0x297: {  	p2 =	sne.s32 s2, $0x0;
	s3 =	simm.s32 @!p1 $0xC8B8;
	s4 =	sadd.s32 @!p1 s1, s8  }
0x298: {  	[hbm4b:s4+s5] =	stream.linear.scatter @!p1 [tilespmem:s3], [sflag:$0x7], $0x80, $0x38;
	[tilespmem:$0x1C938] =	vst v63  }
.Ltmp60:
0x299: {  	s6 =	simm.s32 $0x0;
	s9 =	sadd.s32 @!p1 $0x100, s7;
	(pc) =	sbr.rel @!p2 .LBB2_80-.Ltmp60, $4  }
0x29a: {  	s6 =	simm.s32 @!p1 $0x800;
	s8 =	sand.u32 @!p1 $0x1FFFF8, s9;
	s3 =	simm.s32 @!p1 $0xC938  }
0x29b: {  	s4 =	sadd.s32 @!p1 s1, s8;
	s8 =	sadd.s32 @!p1 $0x180, s7;
	s7 =	simm.s32 @!p1 $0xC9B8  }
0x29c: {  	[hbm4b:s4+s5] =	stream.linear.scatter @!p1 [tilespmem:s3], [sflag:$0x7], $0x80, $0x38;
	[tilespmem:$0x1C938] =	vst v63  }
0x29d: {  	s8 =	sand.u32 @!p1 $0x1FFFF8, s8;
	s3 =	simm.s32 $0xC819;
	s4 =	simm.s32 $0xCA38  }
.LBB2_79:
0x29e: {  	s2 =	sadd.s32 $0xFFFFFFFF, s2;
	s8 =	sadd.s32 @!p1 s1, s8;
	s0 =	sadd.s32 s0, s6  }
0x29f: {  	[hbm4b:s8+s5] =	stream.linear.scatter @!p1 [tilespmem:s7], [sflag:$0x7], $0x80, $0x38;
	[tilespmem:$0x1C938] =	vst v63  }
0x2a0: {  	p2 =	sne.s32 s2, $0x0;
	s7 =	smov.u32 s4;
	v0 =	vld.msk [tilespmem:s3+$0x0], $0x1;
	_ =	sdelay $0x4  }
0x2a1: {  	(v2sf) =	vpush v0, $0x0;
	_ =	sdelay $0xe  }
0x2a2: {  	s6 =	spop (v2sf)  }
0x2a3: {  	s4 =	sadd.s32 $0x200, s4;
	s3 =	sadd.s32 $0x1, s3;
	p1 =	sgt.u32 s6, $0x9C270  }
0x2a4: {  	s5 =	sand.u32 @!p1 $0xFFFF8, s6;
	s8 =	sadd.s32 @!p1 $0x80, s6;
	s9 =	sadd.s32 @!p1 $0x100, s6  }
0x2a5: {  	s10 =	sadd.s32 @!p1 s1, s5;
	s5 =	sand.u32 @!p1 $0x7, s6;
	s8 =	sand.u32 @!p1 $0x1FFFF8, s8  }
0x2a6: {  	[hbm4b:s10+s5] =	stream.linear.scatter @!p1 [tilespmem:s7], [sflag:$0x7], $0x80, $0x38;
	[tilespmem:$0x1C938] =	vst v63  }
0x2a7: {  	s9 =	sand.u32 @!p1 $0x1FFFF8, s9;
	s10 =	sadd.s32 @!p1 $0x80, s7  }
.Ltmp61:
0x2a8: {  	s8 =	sadd.s32 @!p1 s1, s8;
	s9 =	sadd.s32 @!p1 s1, s9;
	(pc) =	sbr.rel @p2 .LBB2_79-.Ltmp61, $4  }
0x2a9: {  	[hbm4b:s8+s5] =	stream.linear.scatter @!p1 [tilespmem:s10], [sflag:$0x7], $0x80, $0x38;
	[tilespmem:$0x1C938] =	vst v63  }
0x2aa: {  	s8 =	sadd.s32 @!p1 $0x100, s7;
	s10 =	sadd.s32 @!p1 $0x180, s6;
	s6 =	simm.s32 $0x0  }
0x2ab: {  	[hbm4b:s9+s5] =	stream.linear.scatter @!p1 [tilespmem:s8], [sflag:$0x7], $0x80, $0x38;
	[tilespmem:$0x1C938] =	vst v63  }
0x2ac: {  	s7 =	sadd.s32 @!p1 $0x180, s7;
	s6 =	simm.s32 @!p1 $0x800;
	s8 =	sand.u32 @!p1 $0x1FFFF8, s10  }
.LBB2_80:
0x2ad: {  	s1 =	sadd.s32 @!p1 s1, s8;
	s0 =	sadd.s32 s0, s6  }
0x2ae: {  	[hbm4b:s1+s5] =	stream.linear.scatter @!p1 [tilespmem:s7], [sflag:$0x7], $0x80, $0x38;
	[tilespmem:$0x1C938] =	vst v63  }
0x2af: {  	s0 =	sshrl.u32 s0, $0x2  }
.LBB2_81:
0x2b0: {  	s1 =	simm.s32 $0x7  }
0x2b1: {  	_ =	swait.ge [sflag:s1], s0  }
0x2b2: {  	s31 =	ssub.s32 $0x0, s0;
	[sflag:s1] =	ssyncset.done $0x0  }
0x2b3: {  	[sflag:s1] =	ssyncadd.s32 s31  }
0x2b4: {  	[sflag:s1] =	ssyncpa.u1 $0x1  }
.LBB2_82:
0x2b5: {  	_ =	sfence;
	s0 =	simm.s32 $0x1  }
0x2b6: {  	[sflag:s0] =	ssyncpa.u1 $0x1  }
0x2b7: {  	_ =	strace $0x90000053  }
0x2b8: {  	[bflag:$0x2] =	sbarrier.arrive $0xFFFF  }
0x2b9: {  	s0 =	rddreg [dreg:$0x3]  }
0x2ba: {  	s0 =	sadd.s32 @!p0 $0x100000, s0  }
0x2bb: {  	[sflag:s0] =	ssyncadd.tile.s32 @!p0 $0x1;
	_ =	shalt  }
.Lfunc_end2:
_tile_overlayer_lowered:
.L_overlay_start_2:
0x2bc: {  	(tag) =	ssettag $0x2  }
0x2bd: {  	s0 =	rddreg [dreg:$0x0];
	s2 =	stileid.u32  }
0x2be: {  	s1 =	rddreg [dreg:$0x1];
	p0 =	sne.s32 s2, $0x0  }
0x2bf: {  	s3 =	rddreg [dreg:$0x2];
	[bflag:$0x3] =	sbarrier.arrive $0xFFFF;
	s2 =	simm.s32 @!p0 $0x1C01  }
0x2c0: {  	[timem:s3], [sflag:s2] =	dma.local @!p0 [hbm:s0], s1  }
0x2c1: {  	s0 =	simm.s32 @!p0 $0x1  }
0x2c2: {  	_ =	swait.ge @!p0 [sflag:s0], s1  }
0x2c3: {  	s1 =	ssub.s32 @!p0 $0x0, s1;
	[sflag:s0] =	ssyncset.done @!p0 $0x0  }
0x2c4: {  	[sflag:s0] =	ssyncadd.s32 @!p0 s1  }
0x2c5: {  	[bflag:$0x3] =	sbarrier.arrive $0xFFFF  }
0x2c6: {  	_ =	shalt  }

// kernel: scatter_offload_async_start
scs
__scs_entry_jumppad:
0x0: {  	(pc) =	sbr.rel $0x88, $3  }
0x1: {  	(tag) =	ssettag $0x0;
	lr =	simm.s32 $0x1  }
0x2: {  	[smem:$0x3F92] =	sst lr;
	_ =	strace $0xD0000000  }
0x3: {  	_ = 	snop  }
0x4: {  	_ = 	snop  }
0x5: {  	_ = 	snop  }
0x6: {  	_ = 	snop  }
0x7: {  	_ = 	snop  }
__scs_overlays_trampoline_lowered:
0x8: {  	[smem:$0x3FA1] =	sst s0  }
0x9: {  	[smem:$0x3FA2] =	sst s1  }
0xa: {  	[smem:$0x3FA3] =	sst s2  }
0xb: {  	[smem:$0x3FA4] =	sst s3  }
0xc: {  	[smem:$0x3FA5] =	sst s4  }
0xd: {  	[smem:$0x3FA6] =	sst s5  }
0xe: {  	[smem:$0x3FA7] =	sst s6  }
0xf: {  	[smem:$0x3FA8] =	sst s7  }
0x10: {  	[smem:$0x3FA9] =	sst s8  }
0x11: {  	[smem:$0x3FAA] =	sst s9;
	s0 =	simm.s32 @!p0 $0x0  }
0x12: {  	s1 =	sld [smem:$0x3F90];
	s0 =	simm.s32 @p0 $0x1  }
0x13: {  	[smem:$0x3FAB] =	sst s0;
	s0 =	simm.s32 @!p1 $0x0  }
0x14: {  	s2 =	sld [smem:$0x3F8F];
	s0 =	simm.s32 @p1 $0x1  }
0x15: {  	[smem:$0x3FAC] =	sst s0;
	s0 =	simm.s32 @!p2 $0x0  }
0x16: {  	s3 =	sld [smem:$0x3FDB];
	s0 =	simm.s32 @p2 $0x1  }
0x17: {  	s4 =	simm.s32 $0x1BF5;
	[smem:$0x3FAE] =	sst s0  }
0x18: {  	s0 =	sld [smem:$0x3F91];
	_ =	swait.ge [sflag:s4], $0x0  }
0x19: {  	s7 =	sld [smem:$0x3F92]  }
0x1a: {  	s8 =	sadd.s32 $0xFFFFE003, lr  }
0x1b: {  	s9 =	sadd.s32 $0xFFFFFEF7, lr;
	s5 =	simm.s32 $0xFFFFFFFF;
	p2 =	slt.u32 s8, $0xFFFFF086  }
0x1c: {  	p1 =	slt.u32 s9, $0xF7A;
	s5 =	simm.s32 @!p2 $0x0  }
0x1d: {  	s5 =	simm.s32 @p1 $0x1;
	p0 =	seq.s32 s7, s2  }
0x1e: {  	s7 =	smul.u32 @!p0 $0xF7A, s2;
	p2 =	seq.s32 @!p0 s5, $0x0  }
0x1f: {  	s9 =	smul.u32 $0xF7A, s1;
	s8 =	simm.s32 @!p0 $0x1BF5;
	p2 =	por !p2, p0  }
0x20: {  	[sflag:s8] =	ssyncset.s32 @!p0 $0xFFFFF086;
	s6 =	sadd.s32 @!p0 s3, s7;
	s7 =	simm.s32 @!p0 $0x108  }
0x21: {  	s3 =	sadd.s32 s3, s9;
	s6 =	sadd.s32 @!p0 $0x88, s6;
	s7 =	simm.s32 @p2 $0x1082  }
0x22: {  	[simem:s7], [sflag:s8] =	dma.local @!p0 [hbm:s6], $0xF7A  }
0x23: {  	s9 =	sor.u32 $0xD0000000, s2;
	s6 =	simm.s32 $0x108;
	_ =	swait.ge @!p0 [sflag:s8], $0x0  }
0x24: {  	s3 =	sadd.s32 $0x88, s3;
	s6 =	simm.s32 @!p1 $0x1082;
	[sflag:s4] =	ssyncset.s32 $0xFFFFF086  }
0x25: {  	[simem:s6], [sflag:s4] =	dma.local [hbm:s3], $0xF7A  }
0x26: {  	[smem:$0x3F92] =	sst s1;
	(tag) =	ssettag s2;
	_ =	strace s9  }
0x27: {  	s1 =	sld [smem:$0x3FA2]  }
0x28: {  	s2 =	sld [smem:$0x3FA3]  }
0x29: {  	s4 =	sld [smem:$0x3FA5]  }
0x2a: {  	p0 =	seq.s32 s5, $0x0;
	s5 =	sld [smem:$0x3FA6]  }
0x2b: {  	s6 =	sld [smem:$0x3FA7]  }
0x2c: {  	s7 =	sld [smem:$0x3FA8]  }
0x2d: {  	s3 =	simm.s32 $0x108;
	s8 =	sld [smem:$0x3FA9]  }
0x2e: {  	s3 =	simm.s32 @!p0 $0x1082;
	s9 =	sld [smem:$0x3FAA]  }
0x2f: {  	lr =	sadd.s32 s0, s3;
	s0 =	sld [smem:$0x3FA1]  }
0x30: {  	s3 =	sld [smem:$0x3FA4]  }
0x31: {  	[smem:$0x3FAD] =	sst s10  }
0x32: {  	s10 =	sld [smem:$0x3FAB];
	_ =	sdelay $0x3  }
0x33: {  	p0 =	seq.s32 s10, $0x1;
	s10 =	sld [smem:$0x3FAD];
	_ =	sdelay $0x3  }
0x34: {  	[smem:$0x3FAD] =	sst s10  }
0x35: {  	s10 =	sld [smem:$0x3FAC];
	_ =	sdelay $0x3  }
0x36: {  	p1 =	seq.s32 s10, $0x1;
	s10 =	sld [smem:$0x3FAD];
	_ =	sdelay $0x3  }
0x37: {  	[smem:$0x3FAD] =	sst s10  }
0x38: {  	s10 =	sld [smem:$0x3FAE]  }
0x39: {  	_ = 	snop;
	(pc) =	sbr.ind lr, $3  }
0x3a: {  	_ = 	snop  }
0x3b: {  	_ = 	snop  }
0x3c: {  	p2 =	seq.s32 s10, $0x1;
	s10 =	sld [smem:$0x3FAD]  }
0x3d: {  	_ =	shalt  }
0x3e: {  	_ =	shalt  }
0x3f: {  	_ =	shalt  }
0x40: {  	_ =	shalt  }
0x41: {  	_ =	shalt  }
0x42: {  	_ =	shalt  }
0x43: {  	_ =	shalt  }
0x44: {  	_ =	shalt  }
0x45: {  	_ =	shalt  }
0x46: {  	_ =	shalt  }
0x47: {  	_ =	shalt  }
0x48: {  	_ =	shalt  }
0x49: {  	_ =	shalt  }
0x4a: {  	_ =	shalt  }
0x4b: {  	_ =	shalt  }
0x4c: {  	_ =	shalt  }
0x4d: {  	_ =	shalt  }
0x4e: {  	_ =	shalt  }
0x4f: {  	_ =	shalt  }
0x50: {  	_ =	shalt  }
0x51: {  	_ =	shalt  }
0x52: {  	_ =	shalt  }
0x53: {  	_ =	shalt  }
0x54: {  	_ =	shalt  }
0x55: {  	_ =	shalt  }
0x56: {  	_ =	shalt  }
0x57: {  	_ =	shalt  }
0x58: {  	_ =	shalt  }
0x59: {  	_ =	shalt  }
0x5a: {  	_ =	shalt  }
0x5b: {  	_ =	shalt  }
0x5c: {  	_ =	shalt  }
0x5d: {  	_ =	shalt  }
0x5e: {  	_ =	shalt  }
0x5f: {  	_ =	shalt  }
0x60: {  	_ =	shalt  }
0x61: {  	_ =	shalt  }
0x62: {  	_ =	shalt  }
0x63: {  	_ =	shalt  }
0x64: {  	_ =	shalt  }
0x65: {  	_ =	shalt  }
0x66: {  	_ =	shalt  }
0x67: {  	_ =	shalt  }
0x68: {  	_ =	shalt  }
0x69: {  	_ =	shalt  }
0x6a: {  	_ =	shalt  }
0x6b: {  	_ =	shalt  }
0x6c: {  	_ =	shalt  }
0x6d: {  	_ =	shalt  }
0x6e: {  	_ =	shalt  }
0x6f: {  	_ =	shalt  }
0x70: {  	_ =	shalt  }
0x71: {  	_ =	shalt  }
0x72: {  	_ =	shalt  }
0x73: {  	_ =	shalt  }
0x74: {  	_ =	shalt  }
0x75: {  	_ =	shalt  }
0x76: {  	_ =	shalt  }
0x77: {  	_ =	shalt  }
0x78: {  	_ =	shalt  }
0x79: {  	_ =	shalt  }
0x7a: {  	_ =	shalt  }
0x7b: {  	_ =	shalt  }
0x7c: {  	_ =	shalt  }
0x7d: {  	_ =	shalt  }
0x7e: {  	_ =	shalt  }
0x7f: {  	_ =	shalt  }
0x80: {  	_ =	shalt  }
0x81: {  	_ =	shalt  }
0x82: {  	_ =	shalt  }
0x83: {  	_ =	shalt  }
0x84: {  	_ =	shalt  }
0x85: {  	_ =	shalt  }
0x86: {  	_ =	shalt  }
0x87: {  	_ =	shalt  }
.Lfunc_end0:
.L_simem_size_0:
called_computation_lowered:
.L_overlay_start_0:
0x88: {  	s2 =	sld [smem:$0x3FD9]  }
0x89: {  	s3 =	sld [smem:$0x3FFE];
	_ =	sdelay $0x1  }
0x8a: {  	s1 =	srdreg.scid  }
0x8b: {  	s0 =	sand.u32 $0x1, s1  }
0x8c: {  	s15 =	sshll.u32 s0, $0xA;
	s2 =	sadd.s32 s3, s2  }
0x8d: {  	s2 =	sadd.s32 s2, s15  }
0x8e: {  	[smem:$0x3FB9] =	sst s2  }
0x8f: {  	_ = 	snop  }
0x90: {  	(tm) =	ssettm $0x1  }
0x91: {  	s16 =	sld [smem:$0x3FFB];
	_ =	sdelay $0x3  }
0x92: {  	_ =	strace s16  }
0x93: {  	s2 =	sld [smem:$0x3FFC];
	_ =	sdelay $0x3  }
0x94: {  	_ =	strace s2  }
0x95: {  	s2 =	sld [smem:$0x3FFD];
	_ =	sdelay $0x3  }
0x96: {  	_ =	strace s2  }
0x97: {  	_ =	strace $0x8FFFFFFF  }
0x98: {  	s17 =	sld [smem:$0x3FDB];
	_ =	sdelay $0x1  }
0x99: {  	s18 =	simm.s32 $_scs_section_size  }
0x9a: {  	s4 =	simm.s32 $_size__tile_overlayer_lowered;
	s5 =	simm.s32 $_tile_overlayer_lowered  }
0x9b: {  	s6 =	simm.s32 $0x1BFF;
	s19 =	sshll.u32 s5, $0x1;
	s3 =	sadd.s32 s18, s17  }
0x9c: {  	s20 =	simm.s32 $0x0;
	s4 =	sshll.u32 s4, $0x1;
	s5 =	sadd.s32 s19, s3  }
0x9d: {  	[timem:s20], [sflag:s6] =	dma.local [hbm:s5], s4  }
0x9e: {  	_ =	swait.ge [sflag:s6], s4  }
0x9f: {  	s4 =	ssub.s32 $0x0, s4;
	[sflag:s6] =	ssyncset.done $0x0  }
0xa0: {  	[sflag:s6] =	ssyncadd.s32 s4;
	_ =	sdelay $0x1  }
0xa1: {  	s21 =	simm.s32 $0x1B8B  }
0xa2: {  	_ =	swait.ge [sflag:s21], $0x1  }
0xa3: {  	[sflag:s21] =	ssyncset.done $0x0  }
0xa4: {  	s22 =	sld [smem:$0x3FFE];
	[sflag:s21] =	ssyncadd.s32 $0xFFFFFFFF  }
0xa5: {  	s24 =	simm.s32 $0x1B8E;
	s23 =	sld [smem:$0x0]  }
0xa6: {  	s25 =	simm.s32 $execute0_lowered;
	[smem:$0x3FD2] =	sst s24  }
0xa7: {  	s6 =	sshll.u32 s25, $0x1;
	_ =	strace $0x80000046;
	[dreg:$0x1] =	wrdreg $0xFFFFFFFF  }
0xa8: {  	s7 =	simm.s32 $_size_execute0_lowered;
	s6 =	sadd.s32 s3, s6;
	[dreg:$0x0] =	wrdreg $0x0  }
0xa9: {  	s7 =	sshll.u32 s7, $0x1;
	[dreg:$0x2] =	wrdreg s6  }
0xaa: {  	[dreg:$0x3] =	wrdreg s7  }
0xab: {  	[dreg:$0x4] =	wrdreg $0xC0  }
0xac: {  	s26 =	simm.s32 $execute1_lowered;
	_ =	task [dreg:s20], $0x5FFFF  }
0xad: {  	s6 =	sshll.u32 s26, $0x1;
	[dreg:$0x1] =	wrdreg $0xFFFFFFFF  }
0xae: {  	s3 =	sadd.s32 s3, s6;
	[dreg:$0x0] =	wrdreg $0x60  }
0xaf: {  	[dreg:$0x2] =	wrdreg s3  }
0xb0: {  	[dreg:$0x3] =	wrdreg s22  }
0xb1: {  	[dreg:$0x4] =	wrdreg $0x9  }
0xb2: {  	_ =	task.clear_ibuf [dreg:s20], $0x5FFFF;
	_ =	strace $0x90000046  }
0xb3: {  	s28 =	simm.s32 $0x9;
	_ =	strace $0x80000048  }
0xb4: {  	_ =	swait.ge [sflag:s28], $0x1  }
0xb5: {  	[sflag:s28] =	ssyncadd.s32 $0xFFFFFFFF  }
0xb6: {  	_ =	strace $0x90000048  }
0xb7: {  	s3 =	sld [smem:$0x0]  }
0xb8: {  	s6 =	sand.u32 $0xFFFFFFFE, s1  }
0xb9: {  	p0 =	sne.s32 s1, s6  }
0xba: {  	s6 =	sshll.u32 @p0 s6, $0xE  }
0xbb: {  	s6 =	sadd.s32 @p0 $0x11BF3, s6;
	s7 =	sshll.u32 @p0 s3, $0x11  }
0xbc: {  	s6 =	sor.u32 @p0 s7, s6  }
0xbd: {  	[sflag:s6] =	ssyncadd.remote.s32 @p0 $0x1;
	_ =	sdelay $0x1  }
0xbe: {  	s6 =	simm.s32 @p0 $0x1BF3  }
0xbf: {  	_ =	swait.eq @p0 [sflag:s6], $0x1  }
0xc0: {  	[sflag:s6] =	ssyncadd.s32 @p0 $0xFFFFFFFF  }
0xc1: {  	s7 =	sshll.u32 @!p0 s1, $0xE  }
0xc2: {  	s7 =	sor.u32 @!p0 $0x4000, s7;
	s6 =	simm.s32 @!p0 $0x1BF3  }
0xc3: {  	s3 =	sshll.u32 @!p0 s3, $0x11;
	s7 =	sadd.s32 @!p0 $0x11BF3, s7;
	_ =	swait.eq @!p0 [sflag:s6], $0x1  }
0xc4: {  	s3 =	sor.u32 @!p0 s3, s7;
	[sflag:s6] =	ssyncadd.s32 @!p0 $0xFFFFFFFF  }
0xc5: {  	[sflag:s3] =	ssyncadd.remote.s32 @!p0 $0x1  }
0xc6: {  	_ =	strace $0x80000049;
	[dreg:$0x1] =	wrdreg $0xFFFFFFFF  }
0xc7: {  	[dreg:$0x0] =	wrdreg $0x2030  }
0xc8: {  	[dreg:$0x2] =	wrdreg s22  }
0xc9: {  	[dreg:$0x3] =	wrdreg s1  }
0xca: {  	[dreg:$0x4] =	wrdreg s23  }
0xcb: {  	[dreg:$0x5] =	wrdreg $0xA  }
0xcc: {  	_ =	task.clear_ibuf [dreg:s20], $0x6FFFF;
	_ =	strace $0x90000049  }
0xcd: {  	s29 =	simm.s32 $0xA;
	_ =	strace $0x8000004B  }
0xce: {  	_ =	swait.ge [sflag:s29], $0x1  }
0xcf: {  	[sflag:s29] =	ssyncadd.s32 $0xFFFFFFFF  }
0xd0: {  	_ =	strace $0x9000004B  }
0xd1: {  	_ =	sfence  }
0xd2: {  	s30 =	sld [smem:$0x0];
	_ =	sdelay $0x2  }
0xd3: {  	s31 =	sshll.u32 s1, $0xD;
	s1 =	sshrl.u32 s1, $0x2  }
0xd4: {  	s4 =	sand.u32 $0x4000, s31;
	s1 =	sadd.s32 s1, s30  }
0xd5: {  	s0 =	sor.u32 s4, s0;
	s1 =	sshll.u32 s1, $0x11  }
0xd6: {  	s0 =	sor.u32 s1, s0  }
0xd7: {  	s0 =	sadd.s32 $0x8F2B, s0  }
0xd8: {  	[sflag:s0] =	ssyncadd.remote.s32 $0x1  }
0xd9: {  	_ =	sfence.sel $0xFFFF  }
0xda: {  	[dreg:$0x0] =	wrdreg $0xFFFFFFFF;
	(pc) =	sbr.abs _section_cstart, $3  }
0xdb: {  	[dreg:$0x1] =	wrdreg $0xFFFFFFFF  }
0xdc: {  	_ =	task.clear_ibuf [dreg:s20], $0x2FFFF;
	_ =	strace $0x9FFFFFFF  }
0xdd: {  	(tm) =	ssettm $0x7FFFFFFF  }
tec
execute0_lowered:
.L_overlay_start_1:
0x0: {  	(tag) =	ssettag $0x1  }
0x1: {  	s0 =	rddreg [dreg:$0x0]  }
0x2: {  	s1 =	rddreg [dreg:$0x1]  }
0x3: {  	s2 =	stileid.u32;
	[bflag:$0x3] =	sbarrier.arrive $0xFFFF;
	s3 =	simm.s32 $_size_execute1_lowered  }
0x4: {  	s26 =	srdreg.scid;
	s29 =	simm.s32 $0x1;
	s31 =	simm.s32 $0x2  }
0x5: {  	s14 =	simm.s32 $0x0;
	p0 =	sne.s32 s2, $0x0;
	s5 =	sshll.u32 s3, $0x1  }
0x6: {  	s3 =	simm.s32 @!p0 $0x1C3F;
	s4 =	simm.s32 @!p0 $0x4060;
	[dreg:$0x4] =	wrdreg s5  }
0x7: {  	[timem:s4], [sflag:s3] =	dma.local @!p0 [hbm:s0], s5  }
0x8: {  	s2 =	sshll.u32 s2, $0x6;
	s7 =	sadd.s32 $0x49400, s1;
	s0 =	sshll.u32 s26, $0x5  }
0x9: {  	s28 =	sadd.s32 $0xE5800, s1;
	s0 =	sand.u32 $0x20, s0;
	_ =	strace $0x80000047  }
.Ltmp0:
0xa: {  	[dreg:$0x7] =	wrdreg s28;
	s8 =	sor.u32 s2, s0;
	(pc) =	sbr.rel .LBB2_1-.Ltmp0, $4  }
0xb: {  	s12 =	simm.s32 $0x0;
	[dreg:$0x5] =	wrdreg s7;
	s30 =	ssub.s32 $0x2700, s8  }
0xc: {  	s13 =	simm.s32 $0x0;
	[dreg:$0x6] =	wrdreg s8;
	s9 =	sshrl.u32 s30, $0xA  }
0xd: {  	[sflag:s29] =	ssyncpa.u1 $0x0;
	s10 =	sor.u32 $0x2, s9;
	[dreg:$0x8] =	wrdreg s9  }
0xe: {  	[sflag:s31] =	ssyncpa.u1 $0x0;
	s11 =	smov.u32 s8;
	[dreg:$0x9] =	wrdreg s10  }
.LBB2_4:
0xf: {  	_ = 	snop  }
.LBB2_9:
0x10: {  	_ =	sdelay $0x3  }
0x11: {  	[tilespmem:v0+s24+$0x0 ss:$0x1] =	vst.idx.msk @p1 $0xffff, v2  }
0x12: {  	s0 =	sor.u32 s1, s0;
	v2 =	vld.idx.msk @p1 [tilespmem:v1+s30+$0x0 ss:$0x1], $0xffff;
	[tilespmem:v0+s25+$0x0 ss:$0x1] =	vst.idx.msk @p1 $0xffff, v3  }
0x13: {  	s15 =	sand.u32 $0x180, s15;
	v3 =	vld.idx.msk @p1 [tilespmem:v1+s4+$0x0 ss:$0x1], $0xffff;
	[tilespmem:v0+s20+$0x0 ss:$0x1] =	vst.idx.msk @p1 $0xffff, v7;
	s2 =	sand.u32 $0x3200, s0  }
0x14: {  	[tilespmem:v0+s26+$0x0 ss:$0x1] =	vst.idx.msk @p1 $0xffff, v4;
	v4 =	vld.idx.msk @p1 [tilespmem:v1+s3+$0x0 ss:$0x1], $0xffff;
	s0 =	sand.u32 $0x3380, s0;
	s1 =	sor.u32 s15, s2  }
0x15: {  	[tilespmem:v0+s23+$0x0 ss:$0x1] =	vst.idx.msk @p1 $0xffff, v5;
	s25 =	sor.u32 $0x410, s0;
	v36 =	vld.idx.msk [tilespmem:v1+s1+$0x0 ss:$0x1], $0xffff  }
0x16: {  	s26 =	sor.u32 $0x420, s0;
	[tilespmem:v0+s22+$0x0 ss:$0x1] =	vst.idx.msk @p1 $0xffff, v6;
	v43 =	vld.idx.msk [tilespmem:v1+s25+$0x0 ss:$0x1], $0xffff  }
0x17: {  	s15 =	smov.u32 s4;
	s28 =	sor.u32 $0x430, s0;
	v44 =	vld.idx.msk [tilespmem:v1+s26+$0x0 ss:$0x1], $0xffff;
	[tilespmem:v0+s30+$0x0 ss:$0x1] =	vst.idx.msk @p1 $0xffff, v2  }
0x18: {  	s6 =	smov.u32 s3;
	s29 =	sor.u32 $0x440, s0;
	v45 =	vld.idx.msk [tilespmem:v1+s28+$0x0 ss:$0x1], $0xffff;
	[tilespmem:v0+s15+$0x0 ss:$0x1] =	vst.idx.msk @p1 $0xffff, v3  }
0x19: {  	s31 =	sor.u32 $0x460, s0;
	v46 =	vld.idx.msk [tilespmem:v1+s29+$0x0 ss:$0x1], $0xffff;
	[tilespmem:v0+s6+$0x0 ss:$0x1] =	vst.idx.msk @p1 $0xffff, v4  }
0x1a: {  	s2 =	sor.u32 $0xC00, s1;
	v48 =	vld.idx.msk [tilespmem:v1+s31+$0x0 ss:$0x1], $0xffff;
	[tilespmem:v0+s1+$0x0 ss:$0x1] =	vst.idx.msk $0xffff, v36  }
0x1b: {  	s18 =	sor.u32 $0x10, s1;
	v32 =	vld.idx.msk [tilespmem:v1+s2+$0x0 ss:$0x1], $0xffff;
	[tilespmem:v0+s25+$0x0 ss:$0x1] =	vst.idx.msk $0xffff, v43  }
0x1c: {  	s19 =	sor.u32 $0x20, s1;
	v33 =	vld.idx.msk [tilespmem:v1+s18+$0x0 ss:$0x1], $0xffff;
	[tilespmem:v0+s26+$0x0 ss:$0x1] =	vst.idx.msk $0xffff, v44  }
0x1d: {  	s5 =	sor.u32 $0x30, s1;
	v34 =	vld.idx.msk [tilespmem:v1+s19+$0x0 ss:$0x1], $0xffff;
	[tilespmem:v0+s28+$0x0 ss:$0x1] =	vst.idx.msk $0xffff, v45  }
0x1e: {  	s20 =	sor.u32 $0x40, s1;
	v35 =	vld.idx.msk [tilespmem:v1+s5+$0x0 ss:$0x1], $0xffff;
	[tilespmem:v0+s29+$0x0 ss:$0x1] =	vst.idx.msk $0xffff, v46  }
0x1f: {  	s21 =	sor.u32 $0x50, s1;
	v37 =	vld.idx.msk [tilespmem:v1+s20+$0x0 ss:$0x1], $0xffff;
	[tilespmem:v0+s31+$0x0 ss:$0x1] =	vst.idx.msk $0xffff, v48  }
0x20: {  	s22 =	sor.u32 $0x60, s1;
	v38 =	vld.idx.msk [tilespmem:v1+s21+$0x0 ss:$0x1], $0xffff;
	[tilespmem:v0+s2+$0x0 ss:$0x1] =	vst.idx.msk $0xffff, v32  }
0x21: {  	s23 =	sor.u32 $0x70, s1;
	v39 =	vld.idx.msk [tilespmem:v1+s22+$0x0 ss:$0x1], $0xffff;
	[tilespmem:v0+s18+$0x0 ss:$0x1] =	vst.idx.msk $0xffff, v33  }
0x22: {  	s24 =	sor.u32 $0x400, s1;
	v40 =	vld.idx.msk [tilespmem:v1+s23+$0x0 ss:$0x1], $0xffff;
	[tilespmem:v0+s19+$0x0 ss:$0x1] =	vst.idx.msk $0xffff, v34  }
0x23: {  	v41 =	vld.idx.msk [tilespmem:v1+s24+$0x0 ss:$0x1], $0xffff;
	s30 =	sor.u32 $0x450, s0;
	[tilespmem:v0+s5+$0x0 ss:$0x1] =	vst.idx.msk $0xffff, v35  }
0x24: {  	s15 =	sor.u32 $0x470, s0;
	v47 =	vld.idx.msk [tilespmem:v1+s30+$0x0 ss:$0x1], $0xffff;
	[tilespmem:v0+s20+$0x0 ss:$0x1] =	vst.idx.msk $0xffff, v37  }
0x25: {  	v49 =	vld.idx.msk [tilespmem:v1+s15+$0x0 ss:$0x1], $0xffff;
	s1 =	sor.u32 $0x800, s1;
	[tilespmem:v0+s21+$0x0 ss:$0x1] =	vst.idx.msk $0xffff, v38  }
0x26: {  	s25 =	sor.u32 $0xC10, s0;
	v42 =	vld.idx.msk [tilespmem:v1+s1+$0x0 ss:$0x1], $0xffff;
	[tilespmem:v0+s22+$0x0 ss:$0x1] =	vst.idx.msk $0xffff, v39  }
0x27: {  	s26 =	sor.u32 $0xC20, s0;
	[tilespmem:v0+s23+$0x0 ss:$0x1] =	vst.idx.msk $0xffff, v40;
	v57 =	vld.idx.msk [tilespmem:v1+s25+$0x0 ss:$0x1], $0xffff  }
0x28: {  	s28 =	sor.u32 $0xC30, s0;
	[tilespmem:v0+s24+$0x0 ss:$0x1] =	vst.idx.msk $0xffff, v41;
	v58 =	vld.idx.msk [tilespmem:v1+s26+$0x0 ss:$0x1], $0xffff  }
0x29: {  	s29 =	sor.u32 $0xC40, s0;
	v59 =	vld.idx.msk [tilespmem:v1+s28+$0x0 ss:$0x1], $0xffff;
	[tilespmem:v0+s30+$0x0 ss:$0x1] =	vst.idx.msk $0xffff, v47  }
0x2a: {  	s31 =	sor.u32 $0xC60, s0;
	v60 =	vld.idx.msk [tilespmem:v1+s29+$0x0 ss:$0x1], $0xffff;
	[tilespmem:v0+s15+$0x0 ss:$0x1] =	vst.idx.msk $0xffff, v49  }
0x2b: {  	s18 =	sor.u32 $0x810, s0;
	v62 =	vld.idx.msk [tilespmem:v1+s31+$0x0 ss:$0x1], $0xffff;
	[tilespmem:v0+s1+$0x0 ss:$0x1] =	vst.idx.msk $0xffff, v42  }
0x2c: {  	s19 =	sor.u32 $0x820, s0;
	v50 =	vld.idx.msk [tilespmem:v1+s18+$0x0 ss:$0x1], $0xffff;
	[tilespmem:v0+s25+$0x0 ss:$0x1] =	vst.idx.msk $0xffff, v57  }
0x2d: {  	s20 =	sor.u32 $0x830, s0;
	v51 =	vld.idx.msk [tilespmem:v1+s19+$0x0 ss:$0x1], $0xffff;
	[tilespmem:v0+s26+$0x0 ss:$0x1] =	vst.idx.msk $0xffff, v58  }
0x2e: {  	s21 =	sor.u32 $0x840, s0;
	v52 =	vld.idx.msk [tilespmem:v1+s20+$0x0 ss:$0x1], $0xffff;
	[tilespmem:v0+s28+$0x0 ss:$0x1] =	vst.idx.msk $0xffff, v59  }
0x2f: {  	s22 =	sor.u32 $0x850, s0;
	v53 =	vld.idx.msk [tilespmem:v1+s21+$0x0 ss:$0x1], $0xffff;
	[tilespmem:v0+s29+$0x0 ss:$0x1] =	vst.idx.msk $0xffff, v60  }
0x30: {  	s23 =	sor.u32 $0x860, s0;
	v54 =	vld.idx.msk [tilespmem:v1+s22+$0x0 ss:$0x1], $0xffff;
	[tilespmem:v0+s31+$0x0 ss:$0x1] =	vst.idx.msk $0xffff, v62  }
0x31: {  	s24 =	sor.u32 $0x870, s0;
	v55 =	vld.idx.msk [tilespmem:v1+s23+$0x0 ss:$0x1], $0xffff;
	[tilespmem:v0+s18+$0x0 ss:$0x1] =	vst.idx.msk $0xffff, v50  }
0x32: {  	v56 =	vld.idx.msk [tilespmem:v1+s24+$0x0 ss:$0x1], $0xffff;
	s30 =	sor.u32 $0xC50, s0;
	[tilespmem:v0+s19+$0x0 ss:$0x1] =	vst.idx.msk $0xffff, v51  }
0x33: {  	s0 =	sor.u32 $0xC70, s0;
	v61 =	vld.idx.msk [tilespmem:v1+s30+$0x0 ss:$0x1], $0xffff;
	[tilespmem:v0+s20+$0x0 ss:$0x1] =	vst.idx.msk $0xffff, v52  }
0x34: {  	v63 =	vld.idx.msk [tilespmem:v1+s0+$0x0 ss:$0x1], $0xffff;
	[tilespmem:v0+s21+$0x0 ss:$0x1] =	vst.idx.msk $0xffff, v53  }
0x35: {  	[tilespmem:v0+s22+$0x0 ss:$0x1] =	vst.idx.msk $0xffff, v54  }
0x36: {  	[tilespmem:v0+s23+$0x0 ss:$0x1] =	vst.idx.msk $0xffff, v55  }
0x37: {  	[tilespmem:v0+s24+$0x0 ss:$0x1] =	vst.idx.msk $0xffff, v56  }
0x38: {  	[tilespmem:v0+s30+$0x0 ss:$0x1] =	vst.idx.msk $0xffff, v61  }
0x39: {  	[tilespmem:v0+s0+$0x0 ss:$0x1] =	vst.idx.msk $0xffff, v63  }
.LBB2_10:
0x3a: {  	s0 =	sshll.u32 s12, $0x9;
	s1 =	sshll.u32 s12, $0x7  }
0x3b: {  	s0 =	sand.u32 $0xFFFFF000, s0;
	s1 =	sand.u32 $0x200, s1  }
0x3c: {  	s0 =	sor.u32 s1, s0  }
0x3d: {  	s0 =	sshrl.u32 s0, $0x9  }
0x3e: {  	s28 =	smulhi.u32 $0x1A36E3, s0;
	_ =	sdelay $0x1  }
0x3f: {  	s1 =	sshrl.u32 s28, $0x2  }
0x40: {  	s1 =	smul.u32 $0x2710, s1  }
0x41: {  	s2 =	sshll.u32 s12, $0x4  }
0x42: {  	s30 =	rddreg [dreg:$0x7];
	s29 =	sand.u32 $0x30, s2;
	s0 =	ssub.s32 s0, s1  }
0x43: {  	s1 =	sadd.s32 s30, s29;
	s0 =	sshll.u32 s0, $0x6  }
0x44: {  	s31 =	simm.s32 $0x0;
	s0 =	sadd.s32 s0, s1  }
0x45: {  	[hbm4b:s0+s31] =	stream.linear.scatter [tilespmem:s17], [sflag:$0x2], s16, $0x38;
	[tilespmem:$0x10000] =	vst v63  }
.LBB2_11:
0x46: {  	p1 =	slt.u32 s13, $0x2  }
0x47: {  	p2 =	sgt.s32 @!p1 s14, $0x26F0  }
0x48: {  	s0 =	smov.u32 s14;
	s1 =	sshra.s32 @!p1 s14, $0x1F;
	p2 =	por !p2, p1  }
0x49: {  	s1 =	sand.u32 @!p1 s1, s14;
	s0 =	simm.s32 @p2 $0x26F0  }
0x4a: {  	s0 =	ssub.s32 @!p1 s0, s1  }
0x4b: {  	s0 =	sadd.s32 @!p1 $0xFFFFD910, s0  }
0x4c: {  	s1 =	sshll.u32 @!p1 s0, $0xB  }
0x4d: {  	p2 =	sgt.s32 @!p1 s0, $0x1F;
	s0 =	ssub.s32 @!p1 $0x10000, s1  }
0x4e: {  	s2 =	sadd.s32 $0x400, s11;
	p2 =	por !p2, p1;
	s0 =	sshrl.u32 @!p1 s0, $0x2  }
0x4f: {  	s0 =	simm.s32 @!p2 $0x0;
	p2 =	sgt.s32 s2, $0x270F  }
0x50: {  	s2 =	smov.u32 @p2 s8;
	p2 =	sne.s32 s13, s10  }
.Ltmp1:
0x51: {  	_ = 	snop;
	(pc) =	sbr.rel @!p2 .LBB2_12-.Ltmp1, $4  }
0x52: {  	s1 =	simm.s32 @!p1 $0x2  }
0x53: {  	s14 =	smov.u32 s12;
	_ =	swait.ge @!p1 [sflag:s1], s0  }
0x54: {  	s12 =	smov.u32 s11;
	s0 =	ssub.s32 @!p1 $0x0, s0;
	[sflag:s1] =	ssyncset.done @!p1 $0x0  }
0x55: {  	s13 =	sadd.s32 $0x1, s13;
	s11 =	smov.u32 s2;
	[sflag:s1] =	ssyncadd.s32 @!p1 s0  }
.LBB2_1:
0x56: {  	p1 =	sgt.u32 s13, s9  }
0x57: {  	s0 =	sshll.u32 @!p1 s11, $0x9;
	s1 =	sshll.u32 @!p1 s11, $0x7  }
0x58: {  	s0 =	sand.u32 @!p1 $0xFFFFF000, s0;
	s1 =	sand.u32 @!p1 $0x200, s1  }
0x59: {  	s0 =	sor.u32 @!p1 s1, s0  }
0x5a: {  	s2 =	smov.u32 s11;
	p2 =	sgt.s32 @!p1 s11, $0x26F0;
	s0 =	sshrl.u32 @!p1 s0, $0x9  }
0x5b: {  	s3 =	sshra.s32 @!p1 s11, $0x1F;
	p2 =	por !p2, p1;
	s1 =	smulhi.u32 @!p1 $0x1A36E3, s0  }
0x5c: {  	s3 =	sand.u32 @!p1 s3, s11;
	s2 =	simm.s32 @p2 $0x26F0  }
0x5d: {  	s2 =	ssub.s32 @!p1 s2, s3;
	s3 =	sxor.u32 @!p1 $0xFFFFFFFF, s13;
	s1 =	sshrl.u32 @!p1 s1, $0x2  }
0x5e: {  	s2 =	sadd.s32 @!p1 $0xFFFFD910, s2;
	s3 =	sshll.u32 @!p1 s3, $0xE;
	s1 =	smul.u32 @!p1 $0x2710, s1  }
0x5f: {  	p2 =	sgt.s32 @!p1 s2, $0x1F;
	s3 =	sand.u32 @!p1 $0x4000, s3  }
0x60: {  	s0 =	ssub.s32 @!p1 s0, s1;
	s1 =	sshll.u32 @!p1 s2, $0xB;
	s2 =	sshll.u32 @!p1 s11, $0x4  }
0x61: {  	p2 =	por !p2, p1;
	s1 =	ssub.s32 @!p1 $0x10000, s1;
	s2 =	sand.u32 @!p1 $0x30, s2  }
0x62: {  	s0 =	sshll.u32 @!p1 s0, $0x6;
	s1 =	sshrl.u32 @!p1 s1, $0x2;
	s2 =	sadd.s32 @!p1 s7, s2  }
0x63: {  	s1 =	simm.s32 @!p2 $0x0;
	s0 =	sadd.s32 @!p1 s0, s2;
	s2 =	simm.s32 @!p1 $0x0  }
0x64: {  	[tilespmem:s3], [sflag:$0x1] =	stream.linear.gather @!p1 [hbm4b:s0+s2], s1, $0x38;
	[tilespmem:$0x10000] =	vst v63  }
0x65: {  	p1 =	seq.s32 s13, $0x0  }
0x66: {  	p2 =	sge.u32 @!p1 s13, s10  }
0x67: {  	p1 =	por p1, p2  }
.Ltmp2:
0x68: {  	_ = 	snop;
	(pc) =	sbr.rel @p1 .LBB2_11-.Ltmp2, $1  }
0x69: {  	_ =	sdelay $0x3  }
0x6a: {  	p1 =	sgt.s32 s12, $0x26F0;
	s0 =	smov.u32 s12;
	s1 =	sshra.s32 s12, $0x1F  }
0x6b: {  	s0 =	simm.s32 @!p1 $0x26F0;
	s1 =	sand.u32 s1, s12  }
0x6c: {  	s0 =	ssub.s32 s0, s1  }
0x6d: {  	s0 =	sadd.s32 $0xFFFFD910, s0  }
0x6e: {  	s30 =	sshll.u32 s0, $0xB  }
0x6f: {  	s1 =	ssub.s32 $0x10000, s30  }
0x70: {  	p1 =	sgt.s32 s0, $0x1F;
	s0 =	sadd.s32 $0x20, s12;
	s16 =	sshrl.u32 s1, $0x2  }
0x71: {  	s16 =	simm.s32 @p1 $0x0;
	p1 =	slt.s32 s0, $0x2710  }
0x72: {  	s0 =	simm.s32 @!p1 $0x2710  }
0x73: {  	s2 =	ssub.s32 s0, s12  }
0x74: {  	p1 =	slt.s32 s2, $0x1  }
.Ltmp3:
0x75: {  	_ = 	snop;
	(pc) =	sbr.rel @p1 .LBB2_10-.Ltmp3, $4  }
0x76: {  	s4 =	simm.s32 $0x1  }
0x77: {  	s31 =	sshll.u32 s13, $0xE;
	_ =	swait.ge [sflag:s4], s16  }
0x78: {  	s1 =	sand.u32 $0x4000, s31;
	s3 =	ssub.s32 $0x0, s16;
	[sflag:s4] =	ssyncset.done $0x0  }
0x79: {  	s17 =	sor.u32 $0x8000, s1;
	[sflag:s4] =	ssyncadd.s32 s3  }
0x7a: {  	p2 =	sne.s32 s2, $0x1  }
.Ltmp4:
0x7b: {  	_ = 	snop;
	(pc) =	sbr.rel @!p2 .LBB2_4-.Ltmp4, $3  }
0x7c: {  	_ =	sdelay $0x1  }
0x7d: {  	s15 =	simm.s32 $0x0;
	v1 =	vmov s1;
	v0 =	vmov s17;
	s21 =	sadd.s32 $0xFFFFFFFF, s2  }
0x7e: {  	p1 =	por $0x0, $0x0;
	s0 =	sand.u32 $0xFFFFF000, s15;
	s1 =	sand.u32 $0x380, s15  }
0x7f: {  	[dreg:$0xf] =	wrdreg s17  }
0x80: {  	[dreg:$0xe] =	wrdreg s16  }
0x81: {  	[dreg:$0xd] =	wrdreg s14  }
0x82: {  	[dreg:$0xc] =	wrdreg s13;
	s0 =	sor.u32 s1, s0  }
0x83: {  	[dreg:$0xb] =	wrdreg s12;
	s29 =	sand.u32 $0x180, s15;
	s2 =	sand.u32 $0x3200, s0  }
0x84: {  	[dreg:$0xa] =	wrdreg s11;
	s0 =	sand.u32 $0x3380, s0;
	s1 =	sor.u32 s29, s2  }
0x85: {  	s28 =	sor.u32 $0x830, s0;
	v2 =	vld.idx.msk [tilespmem:v1+s1+$0x0 ss:$0x1], $0xffff  }
0x86: {  	s29 =	sor.u32 $0x840, s0;
	v9 =	vld.idx.msk [tilespmem:v1+s28+$0x0 ss:$0x1], $0xffff  }
0x87: {  	s2 =	sor.u32 $0xC00, s1;
	v10 =	vld.idx.msk [tilespmem:v1+s29+$0x0 ss:$0x1], $0xffff  }
0x88: {  	s3 =	sor.u32 $0x10, s1;
	v3 =	vld.idx.msk [tilespmem:v1+s2+$0x0 ss:$0x1], $0xffff  }
0x89: {  	s4 =	sor.u32 $0x20, s1;
	v4 =	vld.idx.msk [tilespmem:v1+s3+$0x0 ss:$0x1], $0xffff  }
0x8a: {  	s5 =	sor.u32 $0x30, s1;
	v5 =	vld.idx.msk [tilespmem:v1+s4+$0x0 ss:$0x1], $0xffff  }
0x8b: {  	s6 =	sor.u32 $0x40, s1;
	v6 =	vld.idx.msk [tilespmem:v1+s5+$0x0 ss:$0x1], $0xffff;
	[tilespmem:v0+s1+$0x0 ss:$0x1] =	vst.idx.msk $0xffff, v2  }
0x8c: {  	s8 =	sor.u32 $0x60, s1;
	v7 =	vld.idx.msk [tilespmem:v1+s6+$0x0 ss:$0x1], $0xffff;
	[tilespmem:v0+s28+$0x0 ss:$0x1] =	vst.idx.msk $0xffff, v9  }
0x8d: {  	s7 =	sor.u32 $0x50, s1;
	v8 =	vld.idx.msk [tilespmem:v1+s8+$0x0 ss:$0x1], $0xffff;
	[tilespmem:v0+s29+$0x0 ss:$0x1] =	vst.idx.msk $0xffff, v10  }
0x8e: {  	s31 =	sor.u32 $0x70, s1;
	v2 =	vld.idx.msk [tilespmem:v1+s7+$0x0 ss:$0x1], $0xffff;
	[tilespmem:v0+s2+$0x0 ss:$0x1] =	vst.idx.msk $0xffff, v3  }
0x8f: {  	s9 =	sor.u32 $0x400, s1;
	[tilespmem:v0+s3+$0x0 ss:$0x1] =	vst.idx.msk $0xffff, v4;
	v3 =	vld.idx.msk [tilespmem:v1+s31+$0x0 ss:$0x1], $0xffff  }
0x90: {  	s1 =	sor.u32 $0x800, s1;
	[tilespmem:v0+s4+$0x0 ss:$0x1] =	vst.idx.msk $0xffff, v5;
	v4 =	vld.idx.msk [tilespmem:v1+s9+$0x0 ss:$0x1], $0xffff  }
0x91: {  	s10 =	sor.u32 $0x410, s0;
	[tilespmem:v0+s5+$0x0 ss:$0x1] =	vst.idx.msk $0xffff, v6;
	v5 =	vld.idx.msk [tilespmem:v1+s1+$0x0 ss:$0x1], $0xffff  }
0x92: {  	s12 =	sor.u32 $0x430, s0;
	[tilespmem:v0+s6+$0x0 ss:$0x1] =	vst.idx.msk $0xffff, v7;
	v6 =	vld.idx.msk [tilespmem:v1+s10+$0x0 ss:$0x1], $0xffff  }
0x93: {  	s16 =	sor.u32 $0x460, s0;
	[tilespmem:v0+s8+$0x0 ss:$0x1] =	vst.idx.msk $0xffff, v8;
	v7 =	vld.idx.msk [tilespmem:v1+s12+$0x0 ss:$0x1], $0xffff  }
0x94: {  	s11 =	sor.u32 $0x420, s0;
	v8 =	vld.idx.msk [tilespmem:v1+s16+$0x0 ss:$0x1], $0xffff;
	[tilespmem:v0+s7+$0x0 ss:$0x1] =	vst.idx.msk $0xffff, v2  }
0x95: {  	s13 =	sor.u32 $0x440, s0;
	v2 =	vld.idx.msk [tilespmem:v1+s11+$0x0 ss:$0x1], $0xffff;
	[tilespmem:v0+s31+$0x0 ss:$0x1] =	vst.idx.msk $0xffff, v3  }
0x96: {  	s14 =	sor.u32 $0x450, s0;
	v3 =	vld.idx.msk [tilespmem:v1+s13+$0x0 ss:$0x1], $0xffff;
	[tilespmem:v0+s9+$0x0 ss:$0x1] =	vst.idx.msk $0xffff, v4  }
0x97: {  	s17 =	sor.u32 $0x470, s0;
	v4 =	vld.idx.msk [tilespmem:v1+s14+$0x0 ss:$0x1], $0xffff;
	[tilespmem:v0+s1+$0x0 ss:$0x1] =	vst.idx.msk $0xffff, v5  }
0x98: {  	s18 =	sor.u32 $0x810, s0;
	[tilespmem:v0+s10+$0x0 ss:$0x1] =	vst.idx.msk $0xffff, v6;
	v5 =	vld.idx.msk [tilespmem:v1+s17+$0x0 ss:$0x1], $0xffff  }
0x99: {  	s19 =	sor.u32 $0x820, s0;
	v6 =	vld.idx.msk [tilespmem:v1+s18+$0x0 ss:$0x1], $0xffff;
	[tilespmem:v0+s12+$0x0 ss:$0x1] =	vst.idx.msk $0xffff, v7  }
0x9a: {  	v7 =	vld.idx.msk [tilespmem:v1+s19+$0x0 ss:$0x1], $0xffff;
	s31 =	sor.u32 $0x850, s0;
	[tilespmem:v0+s16+$0x0 ss:$0x1] =	vst.idx.msk $0xffff, v8  }
0x9b: {  	s24 =	sor.u32 $0x860, s0;
	v8 =	vld.idx.msk [tilespmem:v1+s31+$0x0 ss:$0x1], $0xffff;
	[tilespmem:v0+s11+$0x0 ss:$0x1] =	vst.idx.msk $0xffff, v2  }
0x9c: {  	p2 =	sne.s32 s21, $0x1;
	s25 =	sor.u32 $0x870, s0;
	v2 =	vld.idx.msk [tilespmem:v1+s24+$0x0 ss:$0x1], $0xffff;
	[tilespmem:v0+s13+$0x0 ss:$0x1] =	vst.idx.msk $0xffff, v3  }
.Ltmp5:
0x9d: {  	s26 =	sor.u32 $0xC10, s0;
	[tilespmem:v0+s14+$0x0 ss:$0x1] =	vst.idx.msk $0xffff, v4;
	v3 =	vld.idx.msk [tilespmem:v1+s25+$0x0 ss:$0x1], $0xffff;
	(pc) =	sbr.rel @!p2 .LBB2_6-.Ltmp5, $4  }
0x9e: {  	s15 =	simm.s32 $0x80;
	s21 =	sadd.s32 $0xFFFFFFFF, s21;
	s23 =	sor.u32 $0xC20, s0;
	[tilespmem:v0+s17+$0x0 ss:$0x1] =	vst.idx.msk $0xffff, v5;
	v4 =	vld.idx.msk [tilespmem:v1+s26+$0x0 ss:$0x1], $0xffff  }
0x9f: {  	p1 =	por $0x1, $0x1;
	s22 =	sor.u32 $0xC30, s0;
	s20 =	sor.u32 $0xC40, s0;
	[tilespmem:v0+s18+$0x0 ss:$0x1] =	vst.idx.msk $0xffff, v6;
	v5 =	vld.idx.msk [tilespmem:v1+s23+$0x0 ss:$0x1], $0xffff  }
0xa0: {  	s30 =	sor.u32 $0xC50, s0;
	s1 =	sand.u32 $0x380, s15;
	[tilespmem:v0+s19+$0x0 ss:$0x1] =	vst.idx.msk $0xffff, v7;
	s19 =	simm.s32 $0x200;
	v6 =	vld.idx.msk [tilespmem:v1+s22+$0x0 ss:$0x1], $0xffff  }
0xa1: {  	s14 =	sor.u32 $0xC60, s0;
	s13 =	sor.u32 $0xC70, s0;
	v7 =	vld.idx.msk [tilespmem:v1+s20+$0x0 ss:$0x1], $0xffff;
	s0 =	sand.u32 $0xFFFFF000, s19;
	[tilespmem:v0+s31+$0x0 ss:$0x1] =	vst.idx.msk $0xffff, v8  }
.LBB2_7:
0xa2: {  	s0 =	sor.u32 s1, s0  }
0xa3: {  	s18 =	sand.u32 $0x180, s15;
	s2 =	sand.u32 $0x3200, s0  }
0xa4: {  	s1 =	sor.u32 s18, s2  }
0xa5: {  	v8 =	vld.idx.msk [tilespmem:v1+s1+$0x0 ss:$0x1], $0xffff;
	[tilespmem:v0+s24+$0x0 ss:$0x1] =	vst.idx.msk $0xffff, v2  }
0xa6: {  	v2 =	vld.idx.msk [tilespmem:v1+s30+$0x0 ss:$0x1], $0xffff;
	[tilespmem:v0+s25+$0x0 ss:$0x1] =	vst.idx.msk $0xffff, v3  }
0xa7: {  	v3 =	vld.idx.msk [tilespmem:v1+s14+$0x0 ss:$0x1], $0xffff;
	[tilespmem:v0+s26+$0x0 ss:$0x1] =	vst.idx.msk $0xffff, v4  }
0xa8: {  	v4 =	vld.idx.msk [tilespmem:v1+s13+$0x0 ss:$0x1], $0xffff;
	s26 =	sor.u32 $0xC00, s1;
	[tilespmem:v0+s23+$0x0 ss:$0x1] =	vst.idx.msk $0xffff, v5  }
0xa9: {  	s24 =	smov.u32 s14;
	s14 =	sor.u32 $0x10, s1;
	[tilespmem:v0+s22+$0x0 ss:$0x1] =	vst.idx.msk $0xffff, v6;
	v5 =	vld.idx.msk [tilespmem:v1+s26+$0x0 ss:$0x1], $0xffff  }
0xaa: {  	s25 =	smov.u32 s13;
	s13 =	sor.u32 $0x20, s1;
	[tilespmem:v0+s20+$0x0 ss:$0x1] =	vst.idx.msk $0xffff, v7;
	v6 =	vld.idx.msk [tilespmem:v1+s14+$0x0 ss:$0x1], $0xffff  }
0xab: {  	s9 =	sor.u32 $0x60, s1;
	v7 =	vld.idx.msk [tilespmem:v1+s13+$0x0 ss:$0x1], $0xffff;
	[tilespmem:v0+s1+$0x0 ss:$0x1] =	vst.idx.msk $0xffff, v8  }
0xac: {  	s12 =	sor.u32 $0x30, s1;
	v8 =	vld.idx.msk [tilespmem:v1+s9+$0x0 ss:$0x1], $0xffff;
	[tilespmem:v0+s30+$0x0 ss:$0x1] =	vst.idx.msk $0xffff, v2  }
0xad: {  	s10 =	sor.u32 $0x40, s1;
	v2 =	vld.idx.msk [tilespmem:v1+s12+$0x0 ss:$0x1], $0xffff;
	[tilespmem:v0+s24+$0x0 ss:$0x1] =	vst.idx.msk $0xffff, v3  }
0xae: {  	s11 =	sor.u32 $0x50, s1;
	v3 =	vld.idx.msk [tilespmem:v1+s10+$0x0 ss:$0x1], $0xffff;
	[tilespmem:v0+s25+$0x0 ss:$0x1] =	vst.idx.msk $0xffff, v4  }
0xaf: {  	s16 =	sor.u32 $0x70, s1;
	v4 =	vld.idx.msk [tilespmem:v1+s11+$0x0 ss:$0x1], $0xffff;
	[tilespmem:v0+s26+$0x0 ss:$0x1] =	vst.idx.msk $0xffff, v5  }
0xb0: {  	s6 =	sand.u32 $0x3380, s0;
	s17 =	sor.u32 $0x400, s1;
	[tilespmem:v0+s14+$0x0 ss:$0x1] =	vst.idx.msk $0xffff, v6;
	v5 =	vld.idx.msk [tilespmem:v1+s16+$0x0 ss:$0x1], $0xffff  }
0xb1: {  	s3 =	sor.u32 $0x430, s6;
	[tilespmem:v0+s13+$0x0 ss:$0x1] =	vst.idx.msk $0xffff, v7;
	v6 =	vld.idx.msk [tilespmem:v1+s17+$0x0 ss:$0x1], $0xffff  }
0xb2: {  	s5 =	sor.u32 $0x460, s6;
	v7 =	vld.idx.msk [tilespmem:v1+s3+$0x0 ss:$0x1], $0xffff;
	[tilespmem:v0+s9+$0x0 ss:$0x1] =	vst.idx.msk $0xffff, v8  }
0xb3: {  	s18 =	sor.u32 $0x800, s1;
	v8 =	vld.idx.msk [tilespmem:v1+s5+$0x0 ss:$0x1], $0xffff;
	[tilespmem:v0+s12+$0x0 ss:$0x1] =	vst.idx.msk $0xffff, v2  }
0xb4: {  	s29 =	sor.u32 $0x410, s6;
	v2 =	vld.idx.msk [tilespmem:v1+s18+$0x0 ss:$0x1], $0xffff;
	[tilespmem:v0+s10+$0x0 ss:$0x1] =	vst.idx.msk $0xffff, v3  }
0xb5: {  	s28 =	sor.u32 $0x420, s6;
	v3 =	vld.idx.msk [tilespmem:v1+s29+$0x0 ss:$0x1], $0xffff;
	[tilespmem:v0+s11+$0x0 ss:$0x1] =	vst.idx.msk $0xffff, v4  }
0xb6: {  	s2 =	sor.u32 $0x440, s6;
	v4 =	vld.idx.msk [tilespmem:v1+s28+$0x0 ss:$0x1], $0xffff;
	[tilespmem:v0+s16+$0x0 ss:$0x1] =	vst.idx.msk $0xffff, v5  }
0xb7: {  	s7 =	sor.u32 $0x450, s6;
	v5 =	vld.idx.msk [tilespmem:v1+s2+$0x0 ss:$0x1], $0xffff;
	[tilespmem:v0+s17+$0x0 ss:$0x1] =	vst.idx.msk $0xffff, v6  }
0xb8: {  	s30 =	sor.u32 $0x850, s6;
	v6 =	vld.idx.msk [tilespmem:v1+s7+$0x0 ss:$0x1], $0xffff;
	[tilespmem:v0+s3+$0x0 ss:$0x1] =	vst.idx.msk $0xffff, v7  }
0xb9: {  	s8 =	sor.u32 $0x470, s6;
	v7 =	vld.idx.msk [tilespmem:v1+s30+$0x0 ss:$0x1], $0xffff;
	[tilespmem:v0+s5+$0x0 ss:$0x1] =	vst.idx.msk $0xffff, v8  }
0xba: {  	s4 =	sor.u32 $0x810, s6;
	[tilespmem:v0+s18+$0x0 ss:$0x1] =	vst.idx.msk $0xffff, v2;
	v2 =	vld.idx.msk [tilespmem:v1+s8+$0x0 ss:$0x1], $0xffff  }
0xbb: {  	s0 =	sor.u32 $0x820, s6;
	[tilespmem:v0+s29+$0x0 ss:$0x1] =	vst.idx.msk $0xffff, v3;
	v3 =	vld.idx.msk [tilespmem:v1+s4+$0x0 ss:$0x1], $0xffff  }
0xbc: {  	s31 =	sor.u32 $0x830, s6;
	[tilespmem:v0+s28+$0x0 ss:$0x1] =	vst.idx.msk $0xffff, v4;
	v4 =	vld.idx.msk [tilespmem:v1+s0+$0x0 ss:$0x1], $0xffff  }
0xbd: {  	s1 =	sor.u32 $0x840, s6;
	[tilespmem:v0+s2+$0x0 ss:$0x1] =	vst.idx.msk $0xffff, v5;
	v5 =	vld.idx.msk [tilespmem:v1+s31+$0x0 ss:$0x1], $0xffff  }
0xbe: {  	s20 =	sor.u32 $0xC40, s6;
	[tilespmem:v0+s7+$0x0 ss:$0x1] =	vst.idx.msk $0xffff, v6;
	v6 =	vld.idx.msk [tilespmem:v1+s1+$0x0 ss:$0x1], $0xffff  }
0xbf: {  	p2 =	sne.s32 s21, $0x1;
	s24 =	sor.u32 $0x860, s6;
	[tilespmem:v0+s30+$0x0 ss:$0x1] =	vst.idx.msk $0xffff, v7;
	v7 =	vld.idx.msk [tilespmem:v1+s20+$0x0 ss:$0x1], $0xffff  }
.Ltmp6:
0xc0: {  	s15 =	sadd.s32 $0x80, s15;
	s25 =	sor.u32 $0x870, s6;
	[tilespmem:v0+s8+$0x0 ss:$0x1] =	vst.idx.msk $0xffff, v2;
	v2 =	vld.idx.msk [tilespmem:v1+s24+$0x0 ss:$0x1], $0xffff;
	(pc) =	sbr.rel @p2 .LBB2_7-.Ltmp6, $4  }
0xc1: {  	s19 =	sadd.s32 $0x200, s19;
	s21 =	sadd.s32 $0xFFFFFFFF, s21;
	s26 =	sor.u32 $0xC10, s6;
	[tilespmem:v0+s4+$0x0 ss:$0x1] =	vst.idx.msk $0xffff, v3;
	v3 =	vld.idx.msk [tilespmem:v1+s25+$0x0 ss:$0x1], $0xffff  }
0xc2: {  	s23 =	sor.u32 $0xC20, s6;
	s22 =	sor.u32 $0xC30, s6;
	s14 =	sor.u32 $0xC50, s6;
	[tilespmem:v0+s0+$0x0 ss:$0x1] =	vst.idx.msk $0xffff, v4;
	v4 =	vld.idx.msk [tilespmem:v1+s26+$0x0 ss:$0x1], $0xffff  }
0xc3: {  	s13 =	sor.u32 $0xC70, s6;
	[dreg:$0x3] =	wrdreg s14;
	s14 =	sor.u32 $0xC60, s6;
	[tilespmem:v0+s31+$0x0 ss:$0x1] =	vst.idx.msk $0xffff, v5;
	v5 =	vld.idx.msk [tilespmem:v1+s23+$0x0 ss:$0x1], $0xffff  }
0xc4: {  	s30 =	rddreg [dreg:$0x3];
	s0 =	sand.u32 $0xFFFFF000, s19;
	[tilespmem:v0+s1+$0x0 ss:$0x1] =	vst.idx.msk $0xffff, v6;
	v6 =	vld.idx.msk [tilespmem:v1+s22+$0x0 ss:$0x1], $0xffff;
	s1 =	sand.u32 $0x380, s15  }
0xc5: {  	s7 =	rddreg [dreg:$0x5]  }
0xc6: {  	s8 =	rddreg [dreg:$0x6]  }
0xc7: {  	s9 =	rddreg [dreg:$0x8]  }
0xc8: {  	s10 =	rddreg [dreg:$0x9]  }
0xc9: {  	s11 =	rddreg [dreg:$0xa]  }
.Ltmp7:
0xca: {  	s12 =	rddreg [dreg:$0xb];
	(pc) =	sbr.rel .LBB2_9-.Ltmp7, $4  }
0xcb: {  	s3 =	smov.u32 s13;
	s13 =	rddreg [dreg:$0xc]  }
0xcc: {  	s4 =	smov.u32 s14;
	s14 =	rddreg [dreg:$0xd]  }
0xcd: {  	s16 =	rddreg [dreg:$0xe]  }
0xce: {  	s17 =	rddreg [dreg:$0xf]  }
.LBB2_6:
0xcf: {  	s7 =	rddreg [dreg:$0x5]  }
0xd0: {  	s8 =	rddreg [dreg:$0x6]  }
0xd1: {  	s9 =	rddreg [dreg:$0x8]  }
0xd2: {  	s10 =	rddreg [dreg:$0x9]  }
0xd3: {  	s11 =	rddreg [dreg:$0xa]  }
.Ltmp8:
0xd4: {  	s12 =	rddreg [dreg:$0xb];
	(pc) =	sbr.rel .LBB2_9-.Ltmp8, $4  }
0xd5: {  	s3 =	smov.u32 s13;
	s13 =	rddreg [dreg:$0xc]  }
0xd6: {  	s4 =	smov.u32 s14;
	s14 =	rddreg [dreg:$0xd]  }
0xd7: {  	s16 =	rddreg [dreg:$0xe]  }
0xd8: {  	s17 =	rddreg [dreg:$0xf]  }
.LBB2_12:
0xd9: {  	_ =	sfence.sel $0x180000  }
0xda: {  	s0 =	simm.s32 $0x1;
	[bflag:$0x0] =	sbarrier.arrive $0xFFFF  }
0xdb: {  	s31 =	simm.s32 $0x2;
	[sflag:s0] =	ssyncpa.u1 $0x1  }
0xdc: {  	[sflag:s31] =	ssyncpa.u1 $0x1  }
0xdd: {  	_ =	strace $0x90000047  }
0xde: {  	[bflag:$0x2] =	sbarrier.arrive $0xFFFF  }
0xdf: {  	s0 =	rddreg [dreg:$0x2]  }
0xe0: {  	s0 =	sadd.s32 @!p0 $0x100000, s0  }
0xe1: {  	s1 =	rddreg [dreg:$0x4];
	[sflag:s0] =	ssyncadd.tile.s32 @!p0 $0x1;
	s0 =	simm.s32 @!p0 $0x3F  }
0xe2: {  	_ =	swait.ge @!p0 [sflag:s0], s1  }
0xe3: {  	s1 =	ssub.s32 @!p0 $0x0, s1;
	[sflag:s0] =	ssyncset.done @!p0 $0x0  }
0xe4: {  	[sflag:s0] =	ssyncadd.s32 @!p0 s1  }
0xe5: {  	[bflag:$0x3] =	sbarrier.arrive $0xFFFF  }
0xe6: {  	_ =	shalt  }
.Lfunc_end2:
execute1_lowered:
.L_overlay_start_2:
0xe7: {  	(tag) =	ssettag $0x2  }
0xe8: {  	s2 =	rddreg [dreg:$0x0]  }
0xe9: {  	s3 =	rddreg [dreg:$0x1];
	_ =	strace $0x8000004A;
	s0 =	simm.s32 $0x1  }
0xea: {  	s4 =	simm.s32 $0x408;
	v0 =	vimm.s32 $0x0;
	[sflag:s0] =	ssyncpa.u1 $0x0  }
0xeb: {  	[tilespmem:s4+$0x70] =	vst v0  }
0xec: {  	[tilespmem:s4+$0x60] =	vst v0  }
0xed: {  	[tilespmem:s4+$0x50] =	vst v0  }
0xee: {  	[tilespmem:s4+$0x40] =	vst v0  }
0xef: {  	[tilespmem:s4+$0x30] =	vst v0  }
0xf0: {  	s1 =	sadd.s32 $0xE5800, s2;
	s0 =	sadd.s32 $0x4400, s2;
	s6 =	sadd.s32 $0xEEF400, s2;
	[tilespmem:s4+$0x20] =	vst v0  }
0xf1: {  	s2 =	sadd.s32 $0x9400, s2;
	s7 =	sand.u32 $0x1, s3;
	s3 =	simm.s32 $0x40;
	[tilespmem:s4+$0x10] =	vst v0  }
.LBB3_1:
0xf2: {  	s3 =	sadd.s32 $0x40, s3;
	[tilespmem:s4+$0x0] =	vst v0;
	s4 =	sadd.s32 $0x80, s4  }
0xf3: {  	p0 =	slt.u32 s3, $0x3100;
	[tilespmem:s4+$0x70] =	vst v0  }
0xf4: {  	[tilespmem:s4+$0x60] =	vst v0  }
.Ltmp9:
0xf5: {  	[tilespmem:s4+$0x50] =	vst v0;
	(pc) =	sbr.rel @p0 .LBB3_1-.Ltmp9, $4  }
0xf6: {  	[tilespmem:s4+$0x40] =	vst v0  }
0xf7: {  	[tilespmem:s4+$0x30] =	vst v0  }
0xf8: {  	[tilespmem:s4+$0x20] =	vst v0  }
0xf9: {  	[tilespmem:s4+$0x10] =	vst v0  }
0xfa: {  	s10 =	stileid.u32  }
0xfb: {  	s3 =	smul.u32 $0x68, s10  }
0xfc: {  	s5 =	smin.u32 s10, $0x3  }
0xfd: {  	s3 =	sor.u32 s5, s3  }
0xfe: {  	p0 =	slt.u32 s10, $0x3;
	s11 =	smul.u32 $0x30, s3;
	s3 =	simm.s32 $0x13B0  }
0xff: {  	s3 =	simm.s32 @!p0 $0x1380  }
0x100: {  	s3 =	sadd.s32 s3, s11  }
0x101: {  	s8 =	smin.u32 s3, $0x13880  }
0x102: {  	s26 =	simm.s32 $0x2;
	s9 =	simm.s32 $0x9;
	s3 =	ssub.s32 s8, s11  }
0x103: {  	s29 =	simm.s32 $0xA;
	s30 =	simm.s32 $0xB;
	p0 =	sgt.s32 s3, $0x0  }
0x104: {  	[dreg:$0x4] =	wrdreg s7;
	s31 =	smul.u32 $0x2710, s7;
	s3 =	simm.s32 @!p0 $0x0  }
0x105: {  	s12 =	simm.s32 $0x1;
	s24 =	simm.s32 $0x0;
	s25 =	smulhi.u32 $0x2AAAAAAB, s3  }
0x106: {  	p1 =	por $0x0, $0x0;
	s18 =	simm.s32 $0x80;
	s19 =	simm.s32 $0x400  }
0x107: {  	s20 =	simm.s32 $0xC;
	s21 =	simm.s32 $0x0;
	s28 =	sshrl.u32 s25, $0x3  }
0x108: {  	[tilespmem:s4+$0x0] =	vst v0;
	v0 =	vimm.s32 $0xFFFFFFFF;
	s23 =	simm.s32 $0x0;
	[sflag:s26] =	ssyncpa.u1 $0x0;
	s5 =	smul.u32 $0x30, s28  }
0x109: {  	s16 =	sshll.u32 s10, $0xA;
	[tilespmem:$0xC808] =	vst v0;
	[sflag:s9] =	ssyncpa.u1 $0x0;
	s14 =	sadd.s32 s31, s2  }
.Ltmp10:
0x10a: {  	p0 =	sne.s32 s3, s5;
	s3 =	simm.s32 $0x1;
	(pc) =	sbr.rel .LBB3_3-.Ltmp10, $4  }
0x10b: {  	s15 =	sadd.s32 s31, s0;
	[dreg:$0x6] =	wrdreg s14;
	s3 =	simm.s32 @!p0 $0x0  }
0x10c: {  	[sflag:s29] =	ssyncpa.u1 $0x0;
	[dreg:$0x7] =	wrdreg s15;
	s13 =	sadd.s32 s3, s28  }
0x10d: {  	[sflag:s30] =	ssyncpa.u1 $0x0;
	s17 =	sadd.s32 $0x1, s13;
	[dreg:$0x5] =	wrdreg s13  }
0x10e: {  	v0 =	vlaneseq.u32;
	s22 =	smov.u32 s11;
	p0 =	por $0x1, $0x1;
	[dreg:$0x8] =	wrdreg s17  }
.LBB3_30:
0x10f: {  	s0 =	sshrl.u32 s0, $0x2  }
.LBB3_32:
0x110: {  	_ =	swait.ge [sflag:s20], s0  }
0x111: {  	s30 =	ssub.s32 $0x0, s0;
	v1 =	vmov s26;
	vm0 =	veq.s32 v0, $0x0;
	[sflag:s20] =	ssyncset.done $0x0  }
0x112: {  	vm15 =	veq.s32 v0, $0x2;
	v1 =	vsel vm0, s31, v1;
	[sflag:s20] =	ssyncadd.s32 s30  }
0x113: {  	v1 =	vsel vm15, s24, v1;
	[sflag:s20] =	ssyncpa.u1 $0x1  }
0x114: {  	[tilespmem:$0xC808] =	vst v1  }
.LBB3_33:
0x115: {  	s0 =	sadd.s32 $0x30, s22  }
0x116: {  	s2 =	smov.u32 s11;
	p2 =	slt.s32 s0, s8  }
0x117: {  	s2 =	smov.u32 @p2 s0;
	p2 =	sne.s32 s23, s17  }
.Ltmp11:
0x118: {  	_ = 	snop;
	(pc) =	sbr.rel @!p2 .LBB3_34-.Ltmp11, $4  }
0x119: {  	_ = 	snop  }
0x11a: {  	s24 =	smov.u32 s21  }
0x11b: {  	s31 =	sadd.s32 $0x1, s23;
	s21 =	smov.u32 s22;
	p0 =	por !p0, !p0  }
0x11c: {  	p1 =	por !p1, !p1;
	s23 =	smov.u32 s31;
	s22 =	smov.u32 s2  }
.LBB3_3:
0x11d: {  	p2 =	sge.u32 s23, s13  }
0x11e: {  	s0 =	smulhi.u32 @!p2 $0xAAAAAAAB, s23  }
0x11f: {  	s2 =	smov.u32 s22;
	p3 =	sgt.s32 @!p2 s22, $0x13850  }
0x120: {  	s3 =	sshra.s32 @!p2 s22, $0x1F;
	p3 =	por !p3, p2;
	s0 =	sshrl.u32 @!p2 s0, $0x1  }
0x121: {  	s3 =	sand.u32 @!p2 s3, s22;
	s2 =	simm.s32 @p3 $0x13850;
	s0 =	smul.u32 @!p2 $0x3, s0  }
0x122: {  	s2 =	ssub.s32 @!p2 s2, s3  }
0x123: {  	s2 =	sadd.s32 @!p2 $0xFFFEC7B0, s2;
	s0 =	ssub.s32 @!p2 s23, s0  }
0x124: {  	s3 =	sshll.u32 @!p2 s2, $0x2;
	p3 =	sgt.s32 @!p2 s2, $0x2F;
	s0 =	smul.u32 @!p2 $0xC0, s0  }
0x125: {  	s4 =	sand.u32 @!p2 $0x7, s22;
	s2 =	ssub.s32 @!p2 $0xC0, s3;
	p3 =	por !p3, p2  }
0x126: {  	s3 =	sshrl.u32 @!p2 s22, $0x3;
	s2 =	sshrl.u32 @!p2 s2, $0x2;
	s0 =	sshrl.u32 @!p2 s0, $0x2  }
0x127: {  	s3 =	sadd.s32 @!p2 s3, s14;
	s2 =	simm.s32 @!p3 $0x0;
	s0 =	sadd.s32 @!p2 $0x10848, s0  }
0x128: {  	[tilespmem:s0], [sflag:$0xA] =	stream.linear.gather @!p2 [hbm4b:s3+s4], s2, $0x38;
	[tilespmem:$0x1C938] =	vst v63  }
0x129: {  	s2 =	sadd.s32 $0xFFFFFFFF, s23  }
0x12a: {  	p2 =	sge.u32 s2, s13  }
0x12b: {  	p3 =	sgt.s32 @!p2 s21, $0x13850  }
0x12c: {  	s0 =	smov.u32 s21;
	s3 =	sshra.s32 @!p2 s21, $0x1F;
	p3 =	por !p3, p2  }
0x12d: {  	s3 =	sand.u32 @!p2 s3, s21;
	s0 =	simm.s32 @p3 $0x13850  }
0x12e: {  	s0 =	ssub.s32 @!p2 s0, s3  }
0x12f: {  	s0 =	sadd.s32 @!p2 $0xFFFEC7B0, s0  }
0x130: {  	s3 =	sshll.u32 @!p2 s0, $0x2  }
0x131: {  	p3 =	sgt.s32 @!p2 s0, $0x2F;
	s0 =	ssub.s32 @!p2 $0xC0, s3  }
0x132: {  	p3 =	por !p3, p2;
	s0 =	sshrl.u32 @!p2 s0, $0x2  }
0x133: {  	s4 =	simm.s32 @!p2 $0xA;
	s3 =	sand.u32 @!p2 $0x1, s2;
	s0 =	simm.s32 @!p3 $0x0  }
0x134: {  	s3 =	smul.u32 @!p2 $0xC0, s3;
	_ =	swait.ge @!p2 [sflag:s4], s0  }
0x135: {  	s5 =	ssub.s32 @!p2 $0x0, s0;
	[sflag:s4] =	ssyncset.done @!p2 $0x0  }
0x136: {  	s3 =	sshrl.u32 @!p2 s3, $0x2;
	[sflag:s4] =	ssyncadd.s32 @!p2 s5;
	s4 =	sshrl.u32 @!p2 s21, $0x3  }
0x137: {  	s3 =	sadd.s32 @!p2 $0x108D8, s3;
	s5 =	sand.u32 @!p2 $0x7, s21;
	s4 =	sadd.s32 @!p2 s4, s15  }
0x138: {  	[tilespmem:s3], [sflag:$0xB] =	stream.linear.gather @!p2 [hbm4b:s4+s5], s0, $0x38;
	[tilespmem:$0x1C938] =	vst v63  }
0x139: {  	s0 =	ssub.s32 @!p2 $0x13880, s21  }
0x13a: {  	p3 =	slt.s32 @!p2 s0, $0x1  }
0x13b: {  	p3 =	por p2, p3  }
.Ltmp12:
0x13c: {  	_ = 	snop;
	(pc) =	sbr.rel @p3 .LBB3_9-.Ltmp12, $1  }
0x13d: {  	_ =	sdelay $0x3  }
0x13e: {  	s3 =	smulhi.u32 $0xAAAAAAAB, s2;
	_ =	sdelay $0x1  }
0x13f: {  	s3 =	sshrl.u32 s3, $0x1  }
0x140: {  	s3 =	smul.u32 $0x3, s3;
	_ =	sdelay $0x1  }
0x141: {  	s29 =	ssub.s32 s2, s3  }
0x142: {  	s4 =	simm.s32 $0x1;
	s2 =	smul.u32 $0xC0, s29  }
.Ltmp13:
0x143: {  	s4 =	simm.s32 @!p0 $0x0;
	(pc) =	sbr.rel .LBB3_6-.Ltmp13, $4  }
0x144: {  	s30 =	smul.u32 $0x18000, s4  }
0x145: {  	p3 =	slt.s32 @!p2 s0, $0x30;
	s2 =	sshrl.u32 s2, $0x2  }
0x146: {  	p2 =	por !p3, p2;
	s3 =	sshrl.u32 s30, $0x2;
	s31 =	sadd.s32 $0x10848, s2  }
0x147: {  	s0 =	simm.s32 @p2 $0x30;
	s2 =	sor.u32 $0x10938, s3;
	s3 =	simm.s32 $0x0;
	v1 =	vmov s31  }
.LBB3_5:
0x148: {  	p2 =	sge.s32 s3, s0  }
.Ltmp14:
0x149: {  	_ = 	snop;
	(pc) =	sbr.rel @p2 .LBB3_9-.Ltmp14, $2  }
0x14a: {  	_ =	sdelay $0x2  }
0x14b: {  	s2 =	sadd.s32 $0x2000, s2  }
.LBB3_6:
0x14c: {  	p2 =	sle.s32 s0, s3  }
.Ltmp15:
0x14d: {  	_ = 	snop;
	(pc) =	sbr.rel @p2 .LBB3_5-.Ltmp15, $2  }
0x14e: {  	_ =	sdelay $0x2  }
0x14f: {  	s4 =	smov.u32 s3;
	s3 =	sadd.s32 $0x10, s3  }
0x150: {  	s5 =	ssub.s32 s0, s4  }
0x151: {  	p2 =	slt.s32 s5, $0x10  }
0x152: {  	s5 =	simm.s32 @!p2 $0x10  }
0x153: {  	v2 =	vmov s5  }
0x154: {  	vm0 =	vgt.s32 v2, v0;
	_ =	sdelay $0x5  }
0x155: {  	v2 =	vld.idx.msk [tilespmem:v1+s4+$0x0 ss:$0x1], vm0;
	_ =	sdelay $0x2  }
0x156: {  	p2 =	slt.s32 s3, s0;
	s5 =	smov.u32 s0  }
0x157: {  	s9 =	smov.u32 s2;
	s25 =	simm.s32 $0x0;
	s5 =	smov.u32 @p2 s3  }
.LBB3_8:
0x158: {  	(v2sf) =	vpush v2, s25;
	_ =	sdelay $0xe  }
0x159: {  	s25 =	sadd.s32 $0x1, s25;
	s10 =	spop (v2sf)  }
0x15a: {  	s31 =	sadd.s32 s25, s4;
	s26 =	sshll.u32 s10, $0x9;
	s10 =	sshll.u32 s10, $0x7  }
0x15b: {  	p2 =	slt.s32 s31, s5;
	s26 =	sand.u32 $0xFFFFF000, s26;
	s10 =	sand.u32 $0x380, s10  }
.Ltmp16:
0x15c: {  	s10 =	sor.u32 s10, s26;
	(pc) =	sbr.rel @p2 .LBB3_8-.Ltmp16, $4  }
0x15d: {  	s10 =	sshrl.u32 s10, $0x3  }
0x15e: {  	s10 =	sadd.s32 s6, s10  }
0x15f: {  	[tilespmem:s9], [sflag:$0x9] =	stream.strided.gather [hbm4b:s10+s18], $0x200, s19, s18, $0x38;
	[tilespmem:$0x1C938] =	vst v63  }
0x160: {  	s9 =	sadd.s32 $0x200, s9  }
.Ltmp17:
0x161: {  	_ = 	snop;
	(pc) =	sbr.rel .LBB3_5-.Ltmp17, $1  }
0x162: {  	_ =	sdelay $0x3  }
.LBB3_9:
0x163: {  	p2 =	slt.u32 s23, $0x2  }
.Ltmp18:
0x164: {  	_ = 	snop;
	(pc) =	sbr.rel @p2 .LBB3_33-.Ltmp18, $1  }
0x165: {  	_ =	sdelay $0x3  }
0x166: {  	p2 =	sgt.s32 s24, $0x13850  }
0x167: {  	s0 =	smov.u32 s24;
	s2 =	sshra.s32 s24, $0x1F;
	s3 =	ssub.s32 $0x13880, s24  }
0x168: {  	s0 =	simm.s32 @!p2 $0x13850;
	s2 =	sand.u32 s2, s24;
	p2 =	slt.s32 s3, $0x30  }
0x169: {  	s0 =	ssub.s32 s0, s2;
	s3 =	simm.s32 @!p2 $0x30  }
0x16a: {  	s0 =	sadd.s32 $0xFFFEC7B0, s0;
	s25 =	sshll.u32 s3, $0x9  }
0x16b: {  	s29 =	simm.s32 $0x9;
	s26 =	sshll.u32 s0, $0x2;
	s2 =	sand.u32 $0x3FFFFE00, s25  }
0x16c: {  	p2 =	sgt.s32 s0, $0x2F;
	s28 =	ssub.s32 $0xC0, s26;
	_ =	swait.ge [sflag:s29], s2  }
0x16d: {  	s2 =	ssub.s32 $0x0, s2;
	[sflag:s29] =	ssyncset.done $0x0;
	s0 =	sshrl.u32 s28, $0x2  }
0x16e: {  	s30 =	simm.s32 $0xB;
	[sflag:s29] =	ssyncadd.s32 s2;
	s0 =	simm.s32 @p2 $0x0  }
0x16f: {  	_ =	swait.ge [sflag:s30], s0  }
0x170: {  	s0 =	ssub.s32 $0x0, s0;
	[sflag:s30] =	ssyncset.done $0x0  }
0x171: {  	[sflag:s30] =	ssyncadd.s32 s0  }
0x172: {  	v1 =	vld [tilespmem:$0xC808];
	_ =	sdelay $0x4  }
0x173: {  	(v2sf) =	vpush v1, $0x0  }
0x174: {  	(v2sf) =	vpush v1, $0x1  }
0x175: {  	(v2sf) =	vpush v1, $0x2;
	_ =	sdelay $0x3  }
0x176: {  	s2 =	sadd.s32 $0x30, s24  }
0x177: {  	s3 =	ssub.s32 $0x27100, s24;
	p2 =	slt.s32 s8, s2  }
0x178: {  	s2 =	smov.u32 @p2 s8;
	p2 =	sgt.s32 s3, $0x0  }
0x179: {  	s25 =	ssub.s32 s2, s24;
	s3 =	simm.s32 @!p2 $0x0  }
0x17a: {  	p2 =	slt.s32 s3, s25  }
0x17b: {  	s25 =	smov.u32 @p2 s3  }
0x17c: {  	s0 =	simm.s32 $0x1;
	p2 =	slt.s32 s25, $0x1  }
.Ltmp19:
0x17d: {  	s0 =	simm.s32 @!p1 $0x0;
	(pc) =	sbr.rel @p2 .LBB3_14-.Ltmp19, $4  }
0x17e: {  	s4 =	smul.u32 $0xC0, s0  }
0x17f: {  	s2 =	spop (v2sf)  }
0x180: {  	s31 =	sshrl.u32 s4, $0x2;
	s5 =	spop (v2sf)  }
0x181: {  	s4 =	sadd.s32 $0x108D8, s31;
	s24 =	spop (v2sf)  }
0x182: {  	s3 =	smin.u32 s25, $0x10  }
0x183: {  	v1 =	vmov s3  }
0x184: {  	vm1 =	vgt.u32 v1, v0  }
0x185: {  	p3 =	sgt.s32 s25, $0x10  }
.Ltmp20:
0x186: {  	_ = 	snop;
	(pc) =	sbr.rel @!p3 .LBB3_13-.Ltmp20, $2  }
0x187: {  	_ =	sdelay $0x2  }
0x188: {  	s9 =	simm.s32 $0x10;
	s26 =	sadd.s32 $0xFFFFFFF0, s25;
	s3 =	smov.u32 s4;
	vm0 =	vmmov vm1;
	v1 =	vld.msk [tilespmem:s4+$0x0 ss:$0x1], vm1  }
.LBB3_12:
0x189: {  	s10 =	smin.u32 s26, $0x10;
	s9 =	sadd.s32 $0x10, s9  }
0x18a: {  	v2 =	vmov s10;
	p3 =	slt.s32 s9, s25  }
0x18b: {  	vm1 =	vgt.u32 v2, v0;
	_ =	sdelay $0x1  }
0x18c: {  	v2 =	vshll.u32 v1, $0x6;
	v1 =	vshll.u32 v1, $0x4  }
.Ltmp21:
0x18d: {  	v2 =	vand.u32 $0xFFFFFE00, v2;
	v1 =	vand.u32 $0x70, v1;
	(pc) =	sbr.rel @p3 .LBB3_12-.Ltmp21, $4  }
0x18e: {  	v1 =	vor.u32 v1, v2  }
0x18f: {  	[tilespmem:s3+$0x0] =	vst.msk vm0, v1;
	s3 =	sadd.s32 $0x10, s3;
	vm0 =	vmmov vm1  }
0x190: {  	v1 =	vld.msk [tilespmem:s3+$0x0 ss:$0x1], vm1  }
0x191: {  	s26 =	sadd.s32 $0xFFFFFFF0, s26  }
.LBB3_13:
0x192: {  	_ =	sdelay $0x3  }
0x193: {  	v2 =	vshll.u32 v1, $0x6;
	v1 =	vshll.u32 v1, $0x4  }
0x194: {  	v2 =	vand.u32 $0xFFFFFE00, v2;
	v1 =	vand.u32 $0x70, v1  }
0x195: {  	v1 =	vor.u32 v1, v2  }
0x196: {  	[tilespmem:s3+$0x0] =	vst.msk vm0, v1  }
.LBB3_14:
0x197: {  	s3 =	sand.u32 $0x1, s23  }
0x198: {  	s3 =	smul.u32 $0x30, s3  }
0x199: {  	p3 =	sne.s32 s5, $0xFFFFFFFF  }
0x19a: {  	v1 =	vld.msk @!p3 [tilespmem:s3+$0x108D8], $0x1;
	_ =	sdelay $0x4  }
0x19b: {  	(v2sf) =	vpush @!p3 v1, $0x0;
	_ =	sdelay $0xc  }
.Ltmp22:
0x19c: {  	_ = 	snop;
	(pc) =	sbr.rel @p2 .LBB3_31-.Ltmp22, $4  }
0x19d: {  	_ = 	snop  }
0x19e: {  	s30 =	spop @!p3 (v2sf)  }
0x19f: {  	s24 =	simm.s32 @!p3 $0x0;
	s26 =	smov.u32 s30  }
0x1a0: {  	[sflag:s20] =	ssyncpa.u1 $0x0;
	s30 =	smov.u32 @p3 s2;
	s26 =	smov.u32 @p3 s5  }
0x1a1: {  	v1 =	vld.msk [tilespmem:s4+$0x0], $0x1;
	_ =	sdelay $0x4  }
0x1a2: {  	(v2sf) =	vpush v1, $0x0;
	_ =	sdelay $0xd  }
0x1a3: {  	s0 =	smul.u32 $0x18000, s0  }
0x1a4: {  	s13 =	smov.u32 s8;
	s8 =	smov.u32 s11;
	s5 =	spop (v2sf)  }
0x1a5: {  	s2 =	ssub.s32 $0x0, s25;
	s0 =	sshrl.u32 s0, $0x2;
	p2 =	seq.s32 s30, s5  }
0x1a6: {  	s29 =	simm.s32 $0x0;
	s28 =	sor.u32 $0x10938, s0;
	p3 =	sgt.s32 @!p2 s30, $0x0  }
0x1a7: {  	s0 =	sadd.s32 $0x108D8, s3;
	s3 =	smov.u32 s30;
	p3 =	por !p3, p2  }
0x1a8: {  	s4 =	sadd.s32 $0x1, s4;
	s31 =	sadd.s32 $0x1, s2;
	s3 =	simm.s32 @p3 $0x0  }
0x1a9: {  	s2 =	simm.s32 @!p2 $0x1;
	s9 =	simm.s32 @!p2 $0x6608;
	s10 =	smin.u32 @!p2 s3, $0x9C270  }
0x1aa: {  	p3 =	seq.s32 s31, $0x0;
	s3 =	sand.u32 @!p2 $0xFFFF8, s10;
	s11 =	sadd.s32 @!p2 $0x80, s10  }
0x1ab: {  	s14 =	sadd.s32 @!p2 $0x100, s10;
	s15 =	sadd.s32 @!p2 s1, s3;
	s3 =	sand.u32 @!p2 $0x7, s10  }
0x1ac: {  	s11 =	sand.u32 @!p2 $0x1FFFF8, s11;
	s14 =	sand.u32 @!p2 $0x1FFFF8, s14;
	s10 =	sadd.s32 @!p2 $0x180, s10  }
0x1ad: {  	[tilespmem:s9], [sflag:$0x2] =	stream.linear.gather @!p2 [hbm4b:s15+s3], $0x80, $0x38;
	[tilespmem:$0x1C938] =	vst v63  }
.Ltmp23:
0x1ae: {  	s9 =	simm.s32 @!p2 $0x6688;
	s11 =	sadd.s32 @!p2 s1, s11;
	(pc) =	sbr.rel @p3 .LBB3_17-.Ltmp23, $4  }
0x1af: {  	[tilespmem:s9], [sflag:$0x2] =	stream.linear.gather @!p2 [hbm4b:s11+s3], $0x80, $0x38;
	[tilespmem:$0x1C938] =	vst v63  }
0x1b0: {  	s10 =	sand.u32 @!p2 $0x1FFFF8, s10;
	s9 =	simm.s32 @!p2 $0x6708;
	s11 =	sadd.s32 @!p2 s1, s14  }
0x1b1: {  	[tilespmem:s9], [sflag:$0x2] =	stream.linear.gather @!p2 [hbm4b:s11+s3], $0x80, $0x38;
	[tilespmem:$0x1C938] =	vst v63  }
0x1b2: {  	s2 =	smov.u32 @p2 s29;
	s10 =	sadd.s32 @!p2 s1, s10;
	s9 =	simm.s32 @!p2 $0x6788  }
.LBB3_16:
0x1b3: {  	s11 =	smov.u32 s2  }
0x1b4: {  	[tilespmem:s9], [sflag:$0x2] =	stream.linear.gather @!p2 [hbm4b:s10+s3], $0x80, $0x38;
	[tilespmem:$0x1C938] =	vst v63  }
0x1b5: {  	s31 =	sadd.s32 $0x1, s31;
	s3 =	smov.u32 s5  }
0x1b6: {  	p3 =	seq.s32 s31, $0x0;
	v1 =	vld.msk [tilespmem:s4+$0x0], $0x1;
	_ =	sdelay $0x4  }
0x1b7: {  	(v2sf) =	vpush v1, $0x0;
	_ =	sdelay $0xe  }
0x1b8: {  	s5 =	spop (v2sf)  }
0x1b9: {  	p2 =	seq.s32 s3, s5  }
0x1ba: {  	p4 =	sgt.s32 @!p2 s3, $0x0  }
0x1bb: {  	s9 =	sshll.u32 @!p2 s2, $0xB;
	s2 =	sadd.s32 @!p2 $0x1, s2;
	p4 =	por !p4, p2  }
0x1bc: {  	s9 =	sshra.s32 @!p2 s9, $0x2;
	s2 =	smov.u32 @p2 s11;
	s3 =	simm.s32 @p4 $0x0  }
0x1bd: {  	s10 =	sadd.s32 @!p2 $0x6608, s9;
	s11 =	sadd.s32 @!p2 $0x6688, s9;
	s14 =	smin.u32 @!p2 s3, $0x9C270  }
0x1be: {  	s15 =	sadd.s32 @!p2 $0x6708, s9;
	s9 =	sadd.s32 @!p2 $0x6788, s9;
	s3 =	sand.u32 @!p2 $0xFFFF8, s14  }
0x1bf: {  	s17 =	sadd.s32 @!p2 $0x80, s14;
	s7 =	sadd.s32 @!p2 $0x100, s14;
	s20 =	sadd.s32 @!p2 s1, s3  }
0x1c0: {  	s3 =	sand.u32 @!p2 $0x7, s14;
	s17 =	sand.u32 @!p2 $0x1FFFF8, s17;
	s7 =	sand.u32 @!p2 $0x1FFFF8, s7  }
0x1c1: {  	[tilespmem:s10], [sflag:$0x2] =	stream.linear.gather @!p2 [hbm4b:s20+s3], $0x80, $0x38;
	[tilespmem:$0x1C938] =	vst v63  }
.Ltmp24:
0x1c2: {  	s14 =	sadd.s32 @!p2 $0x180, s14;
	s10 =	sadd.s32 @!p2 s1, s17;
	(pc) =	sbr.rel @!p3 .LBB3_16-.Ltmp24, $4  }
0x1c3: {  	[tilespmem:s11], [sflag:$0x2] =	stream.linear.gather @!p2 [hbm4b:s10+s3], $0x80, $0x38;
	[tilespmem:$0x1C938] =	vst v63  }
0x1c4: {  	s7 =	sadd.s32 @!p2 s1, s7;
	s10 =	sand.u32 @!p2 $0x1FFFF8, s14  }
0x1c5: {  	[tilespmem:s15], [sflag:$0x2] =	stream.linear.gather @!p2 [hbm4b:s7+s3], $0x80, $0x38;
	[tilespmem:$0x1C938] =	vst v63  }
0x1c6: {  	s4 =	sadd.s32 $0x1, s4;
	s10 =	sadd.s32 @!p2 s1, s10  }
.LBB3_17:
0x1c7: {  	[tilespmem:s9], [sflag:$0x2] =	stream.linear.gather @!p2 [hbm4b:s10+s3], $0x80, $0x38;
	[tilespmem:$0x1C938] =	vst v63  }
0x1c8: {  	s2 =	sshll.u32 s2, $0x9  }
0x1c9: {  	s31 =	simm.s32 $0x2;
	s2 =	sand.u32 $0x3FFFFE00, s2  }
.Ltmp25:
0x1ca: {  	_ =	swait.ge [sflag:s31], s2;
	(pc) =	sbr.rel .LBB3_18-.Ltmp25, $4  }
0x1cb: {  	s11 =	smov.u32 s8;
	s8 =	smov.u32 s13;
	s13 =	rddreg [dreg:$0x5]  }
0x1cc: {  	v1 =	vmov s0;
	s0 =	simm.s32 $0x0;
	s4 =	simm.s32 $0x0;
	s14 =	rddreg [dreg:$0x6]  }
0x1cd: {  	s2 =	ssub.s32 $0x0, s2;
	[sflag:s31] =	ssyncset.done $0x0;
	s15 =	rddreg [dreg:$0x7]  }
0x1ce: {  	s20 =	simm.s32 $0xC;
	s17 =	rddreg [dreg:$0x8];
	[sflag:s31] =	ssyncadd.s32 s2  }
.LBB3_28:
0x1cf: {  	[tilespmem:s2+$0x0] =	vst v2;
	s29 =	sadd.s32 $0x1, s29  }
.LBB3_29:
0x1d0: {  	s4 =	sadd.s32 $0x1, s4  }
0x1d1: {  	p2 =	sne.s32 s4, s25  }
.Ltmp26:
0x1d2: {  	_ = 	snop;
	(pc) =	sbr.rel @!p2 .LBB3_30-.Ltmp26, $2  }
0x1d3: {  	_ =	sdelay $0x2  }
0x1d4: {  	s28 =	sadd.s32 $0x200, s28;
	s30 =	smov.u32 s31  }
.LBB3_18:
0x1d5: {  	_ =	sdelay $0x3  }
0x1d6: {  	v2 =	vld.idx.msk [tilespmem:v1+s4+$0x0 ss:$0x1], $0x1;
	_ =	sdelay $0x4  }
0x1d7: {  	(v2sf) =	vpush v2, $0x0;
	_ =	sdelay $0xe  }
0x1d8: {  	s31 =	spop (v2sf)  }
0x1d9: {  	p2 =	sne.s32 s30, s31  }
.Ltmp27:
0x1da: {  	_ = 	snop;
	(pc) =	sbr.rel @p2 .LBB3_22-.Ltmp27, $3  }
0x1db: {  	_ =	sdelay $0x1  }
0x1dc: {  	s2 =	sshll.u32 s24, $0xB  }
0x1dd: {  	s2 =	sshra.s32 s2, $0x2  }
0x1de: {  	s2 =	sadd.s32 $0x408, s2;
	s3 =	simm.s32 $0x0;
	v2 =	vld [tilespmem:s28+$0x0];
	s5 =	smov.u32 s28  }
.LBB3_20:
0x1df: {  	s3 =	sadd.s32 $0x10, s3  }
0x1e0: {  	p2 =	slt.u32 s3, $0x1F0  }
.Ltmp28:
0x1e1: {  	_ = 	snop;
	(pc) =	sbr.rel @p2 .LBB3_20-.Ltmp28, $3  }
0x1e2: {  	_ =	sdelay $0x1  }
0x1e3: {  	s5 =	sadd.s32 $0x10, s5;
	[tilespmem:s2+$0x0] =	vst.add.f32.msk $0xffff, v2;
	s2 =	sadd.s32 $0x10, s2  }
0x1e4: {  	v2 =	vld [tilespmem:s5+$0x0]  }
.Ltmp29:
0x1e5: {  	_ = 	snop;
	(pc) =	sbr.rel .LBB3_29-.Ltmp29, $2  }
0x1e6: {  	_ =	sdelay $0x2  }
0x1e7: {  	[tilespmem:s2+$0x0] =	vst.add.f32.msk $0xffff, v2  }
.LBB3_22:
0x1e8: {  	p2 =	seq.s32 s30, s26  }
.Ltmp30:
0x1e9: {  	_ = 	snop;
	(pc) =	sbr.rel @!p2 .LBB3_23-.Ltmp30, $1  }
0x1ea: {  	_ =	sdelay $0x3  }
.Ltmp31:
0x1eb: {  	s2 =	sadd.s32 $0x408, s2;
	(pc) =	sbr.rel .LBB3_26-.Ltmp31, $4  }
0x1ec: {  	[spmem:s16] =	stream.linear.scatter [tilespmem:s2], [sflag:$0x1], $0x200, $0x38;
	[tilespmem:$0x1C938] =	vst v63  }
0x1ed: {  	_ =	swait.ge [sflag:s12], $0x200  }
0x1ee: {  	[sflag:s12] =	ssyncset.done $0x0  }
0x1ef: {  	[sflag:s12] =	ssyncadd.s32 $0xFFFFFE00  }
.LBB3_23:
0x1f0: {  	s3 =	sshll.u32 s29, $0xB  }
0x1f1: {  	s3 =	sshra.s32 s3, $0x2  }
0x1f2: {  	s5 =	sadd.s32 $0x6608, s3;
	s3 =	sadd.s32 $0x408, s2  }
0x1f3: {  	s10 =	simm.s32 $0x0;
	v2 =	vld [tilespmem:s5+$0x0];
	s9 =	smov.u32 s3  }
.LBB3_24:
0x1f4: {  	s10 =	sadd.s32 $0x10, s10  }
0x1f5: {  	p2 =	slt.u32 s10, $0x1F0  }
.Ltmp32:
0x1f6: {  	_ = 	snop;
	(pc) =	sbr.rel @p2 .LBB3_24-.Ltmp32, $3  }
0x1f7: {  	_ =	sdelay $0x1  }
0x1f8: {  	s5 =	sadd.s32 $0x10, s5;
	[tilespmem:s9+$0x0] =	vst.add.f32.msk $0xffff, v2;
	s9 =	sadd.s32 $0x10, s9  }
0x1f9: {  	v2 =	vld [tilespmem:s5+$0x0]  }
0x1fa: {  	_ =	sdelay $0x1  }
0x1fb: {  	p2 =	sgt.u32 s30, $0x9C270  }
0x1fc: {  	s5 =	sand.u32 @!p2 $0xFFFF8, s30  }
0x1fd: {  	s7 =	sand.u32 @!p2 $0x7, s30;
	s5 =	sadd.s32 @!p2 s1, s5;
	[tilespmem:s9+$0x0] =	vst.add.f32.msk $0xffff, v2  }
0x1fe: {  	[hbm4b:s5+s7] =	stream.linear.scatter @!p2 [tilespmem:s3], [sflag:$0xC], $0x80, $0x38;
	[tilespmem:$0x1C938] =	vst v63  }
0x1ff: {  	s3 =	sadd.s32 @!p2 $0x80, s30  }
0x200: {  	s3 =	sand.u32 @!p2 $0x1FFFF8, s3  }
0x201: {  	s5 =	sadd.s32 @!p2 $0x488, s2;
	s3 =	sadd.s32 @!p2 s1, s3  }
0x202: {  	[hbm4b:s3+s7] =	stream.linear.scatter @!p2 [tilespmem:s5], [sflag:$0xC], $0x80, $0x38;
	[tilespmem:$0x1C938] =	vst v63  }
0x203: {  	s3 =	sadd.s32 @!p2 $0x100, s30  }
0x204: {  	s3 =	sand.u32 @!p2 $0x1FFFF8, s3  }
0x205: {  	s5 =	sadd.s32 @!p2 $0x508, s2;
	s3 =	sadd.s32 @!p2 s1, s3  }
0x206: {  	[hbm4b:s3+s7] =	stream.linear.scatter @!p2 [tilespmem:s5], [sflag:$0xC], $0x80, $0x38;
	[tilespmem:$0x1C938] =	vst v63  }
0x207: {  	s3 =	sadd.s32 @!p2 $0x180, s30;
	s5 =	simm.s32 $0x0  }
0x208: {  	s3 =	sand.u32 @!p2 $0x1FFFF8, s3;
	s5 =	simm.s32 @!p2 $0x800  }
0x209: {  	s2 =	sadd.s32 @!p2 $0x588, s2;
	s3 =	sadd.s32 @!p2 s1, s3;
	s0 =	sadd.s32 s5, s0  }
0x20a: {  	[hbm4b:s3+s7] =	stream.linear.scatter @!p2 [tilespmem:s2], [sflag:$0xC], $0x80, $0x38;
	[tilespmem:$0x1C938] =	vst v63  }
.LBB3_26:
0x20b: {  	s2 =	sadd.s32 $0x1, s24  }
0x20c: {  	s3 =	smulhi.u32 $0xAAAAAAAB, s2;
	_ =	sdelay $0x1  }
0x20d: {  	s3 =	sshrl.u32 s3, $0x5  }
0x20e: {  	s3 =	smul.u32 $0x30, s3;
	_ =	sdelay $0x1  }
0x20f: {  	s24 =	ssub.s32 s2, s3  }
0x210: {  	s2 =	sshll.u32 s24, $0x9  }
0x211: {  	v2 =	vld [tilespmem:s28+$0x0];
	s5 =	smov.u32 s28;
	s3 =	simm.s32 $0x0;
	s2 =	sadd.s32 $0x408, s2  }
.LBB3_27:
0x212: {  	s3 =	sadd.s32 $0x10, s3  }
0x213: {  	p2 =	slt.u32 s3, $0x1F0  }
.Ltmp33:
0x214: {  	_ = 	snop;
	(pc) =	sbr.rel @p2 .LBB3_27-.Ltmp33, $3  }
0x215: {  	_ =	sdelay $0x1  }
0x216: {  	[tilespmem:s2+$0x0] =	vst v2;
	s2 =	sadd.s32 $0x10, s2;
	s5 =	sadd.s32 $0x10, s5  }
0x217: {  	v2 =	vld [tilespmem:s5+$0x0]  }
.Ltmp34:
0x218: {  	_ = 	snop;
	(pc) =	sbr.rel .LBB3_28-.Ltmp34, $1  }
0x219: {  	_ =	sdelay $0x3  }
.LBB3_31:
.Ltmp35:
0x21a: {  	(pc) =	sbr.rel .LBB3_32-.Ltmp35, $4  }
0x21b: {  	_ = 	snop  }
0x21c: {  	s0 =	simm.s32 $0x2  }
0x21d: {  	_ =	swait.ge [sflag:s0], $0x0  }
0x21e: {  	s31 =	smov.u32 s30;
	[sflag:s0] =	ssyncset.done $0x0;
	s0 =	simm.s32 $0x0  }
.LBB3_34:
0x21f: {  	_ =	sfence.sel $0x180000  }
0x220: {  	s0 =	simm.s32 $0x9;
	[bflag:$0x0] =	sbarrier.arrive $0xFFFF  }
0x221: {  	s24 =	simm.s32 $0xA;
	[sflag:s0] =	ssyncpa.u1 $0x1  }
0x222: {  	s25 =	simm.s32 $0xB;
	[sflag:s24] =	ssyncpa.u1 $0x1  }
0x223: {  	s26 =	simm.s32 $0x2;
	[sflag:s25] =	ssyncpa.u1 $0x1  }
0x224: {  	[sflag:s26] =	ssyncpa.u1 $0x1  }
0x225: {  	v0 =	vld [tilespmem:$0xC808];
	_ =	sdelay $0x4  }
0x226: {  	(v2sf) =	vpush v0, $0x0  }
0x227: {  	(v2sf) =	vpush v0, $0x1;
	_ =	sdelay $0x1  }
0x228: {  	(v2sf) =	vpush v0, $0x2;
	_ =	sdelay $0xb  }
0x229: {  	s0 =	spop (v2sf)  }
0x22a: {  	s2 =	spop (v2sf)  }
0x22b: {  	s3 =	smov.u32 s0;
	p0 =	sne.s32 s0, s2  }
0x22c: {  	s4 =	spop (v2sf);
	s3 =	simm.s32 @!p0 $0xFFFFFFFF  }
0x22d: {  	v2 =	vimm.s32 $0x1;
	v3 =	vlaneseq.u32;
	p0 =	seq.s32 s4, $0xFFFFFFFF;
	v1 =	vmov s3  }
0x22e: {  	s17 =	stileid.u32;
	v0 =	vperm.xlane v0, v2;
	p1 =	sne.s32 @!p0 s0, s2;
	v1 =	vperm.xlane v1, v3  }
0x22f: {  	vm0 =	vcmask $0x3F04;
	s6 =	simm.s32 $0xC808;
	s0 =	simm.s32 @!p0 $0x1;
	p1 =	por !p1, p0  }
0x230: {  	s3 =	sshll.u32 s17, $0x1;
	s2 =	sshll.u32 @!p0 s4, $0xB;
	s0 =	simm.s32 @p1 $0x0;
	v0 =	vsel vm0, v1, v0  }
0x231: {  	s5 =	sor.u32 $0x4000, s3;
	s2 =	sshra.s32 @!p0 s2, $0x2;
	s0 =	sor.u32 @!p0 s0, s3;
	[tilespmem:$0xC808] =	vst v0  }
0x232: {  	[spmem:s5] =	stream.linear.scatter [tilespmem:s6], [sflag:$0x1], $0x2, $0x38;
	[tilespmem:$0x1C938] =	vst v63  }
0x233: {  	s2 =	sadd.s32 @!p0 $0x408, s2;
	s0 =	sshll.u32 @!p0 s0, $0x9  }
0x234: {  	[spmem:s0] =	stream.linear.scatter @!p0 [tilespmem:s2], [sflag:$0x1], $0x200, $0x38;
	[tilespmem:$0x1C938] =	vst v63  }
0x235: {  	s0 =	simm.s32 @!p0 $0x202  }
0x236: {  	s28 =	simm.s32 $0x1;
	s0 =	simm.s32 @p0 $0x2  }
0x237: {  	_ =	swait.ge [sflag:s28], s0  }
0x238: {  	s0 =	ssub.s32 $0x0, s0;
	[sflag:s28] =	ssyncset.done $0x0  }
0x239: {  	p0 =	sne.s32 s17, $0x0;
	[sflag:s28] =	ssyncadd.s32 s0  }
.Ltmp36:
0x23a: {  	_ =	sfence.stream.spmem;
	(pc) =	sbr.rel @p0 .LBB3_59-.Ltmp36, $4  }
0x23b: {  	s29 =	simm.s32 $0x3;
	[bflag:$0x0] =	sbarrier.arrive $0xFFFF  }
0x23c: {  	s30 =	simm.s32 $0x4;
	[sflag:s29] =	ssyncpa.u1 $0x1  }
0x23d: {  	s31 =	simm.s32 $0x3C;
	[sflag:s30] =	ssyncpa.u1 $0x1  }
0x23e: {  	s16 =	rddreg [dreg:$0x4];
	[sflag:s31] =	ssyncpa.u1 $0x1  }
0x23f: {  	_ =	sfence.stream.spmem;
	s0 =	simm.s32 $0x5  }
0x240: {  	s2 =	simm.s32 $0x4000;
	s3 =	simm.s32 $0xC818;
	[sflag:s0] =	ssyncpa.u1 $0x0  }
0x241: {  	[tilespmem:s3], [sflag:$0x5] =	stream.linear.gather [spmem:s2], $0x20, $0x38;
	[tilespmem:$0x1C938] =	vst v63  }
0x242: {  	s26 =	simm.s32 $0x0;
	s28 =	simm.s32 $0xC838  }
0x243: {  	[tilespmem:s28], [sflag:$0x5] =	stream.linear.gather [spmem:s26], $0x4000, $0x38;
	[tilespmem:$0x1C938] =	vst v63  }
0x244: {  	_ =	swait.ge [sflag:s0], $0x4020  }
0x245: {  	[sflag:s0] =	ssyncset.done $0x0  }
0x246: {  	s29 =	simm.s32 $0x0;
	[sflag:s0] =	ssyncadd.s32 $0xFFFFBFE0  }
0x247: {  	v0 =	vld.msk [tilespmem:s29+$0xC818], $0x1;
	_ =	sdelay $0x1  }
0x248: {  	s30 =	simm.s32 $0x1  }
0x249: {  	v1 =	vld.msk [tilespmem:s30+$0xC818], $0x1;
	_ =	sdelay $0x1  }
0x24a: {  	(v2sf) =	vpush v0, $0x0;
	_ =	sdelay $0x2  }
0x24b: {  	(v2sf) =	vpush v1, $0x0;
	_ =	sdelay $0x2  }
0x24c: {  	s31 =	simm.s32 $0x2  }
0x24d: {  	v0 =	vld.msk [tilespmem:s31+$0xC818], $0x1;
	_ =	sdelay $0x2  }
0x24e: {  	s2 =	simm.s32 $0xFFFFFFFF;
	s3 =	simm.s32 $0xFFFFFFFF;
	s0 =	simm.s32 $0xC  }
.LBB3_36:
0x24f: {  	s4 =	smov.u32 s3;
	s5 =	smov.u32 s2  }
0x250: {  	s2 =	sshra.s32 s0, $0x2;
	p1 =	sne.s32 s0, $0x7C;
	s0 =	sadd.s32 $0x4, s0;
	(v2sf) =	vpush v0, $0x0  }
0x251: {  	v0 =	vld.msk [tilespmem:s2+$0xC818], $0x1  }
.Ltmp37:
0x252: {  	(pc) =	sbr.rel @p1 .LBB3_36-.Ltmp37, $4  }
0x253: {  	s3 =	spop (v2sf)  }
0x254: {  	p2 =	sne.s32 s5, $0xFFFFFFFF;
	s2 =	smov.u32 s3  }
0x255: {  	p3 =	seq.s32 s3, $0xFFFFFFFF;
	s2 =	smov.u32 @p2 s5  }
0x256: {  	s3 =	smov.u32 @p3 s4;
	s2 =	smov.u32 @p3 s5  }
0x257: {  	(v2sf) =	vpush v0, $0x0;
	_ =	sdelay $0x8  }
0x258: {  	s0 =	spop (v2sf);
	p1 =	sne.s32 s2, $0xFFFFFFFF;
	s9 =	simm.s32 $0x6  }
0x259: {  	s6 =	simm.s32 $0x0;
	s10 =	simm.s32 $0xC838;
	s4 =	smov.u32 s0  }
0x25a: {  	s11 =	simm.s32 $0xC688;
	p2 =	seq.s32 s0, $0xFFFFFFFF;
	s4 =	smov.u32 @p1 s2  }
0x25b: {  	s12 =	simm.s32 $0xC708;
	s4 =	smov.u32 @p2 s2;
	s2 =	spop (v2sf)  }
0x25c: {  	s0 =	smov.u32 @p2 s3;
	p1 =	sne.s32 s4, $0xFFFFFFFF;
	s5 =	smov.u32 s2  }
.Ltmp38:
0x25d: {  	p2 =	seq.s32 s2, $0xFFFFFFFF;
	s5 =	smov.u32 @p1 s4;
	(pc) =	sbr.rel .LBB3_38-.Ltmp38, $4  }
0x25e: {  	s13 =	simm.s32 $0xC788;
	s5 =	smov.u32 @p2 s4;
	s7 =	spop (v2sf)  }
0x25f: {  	s14 =	simm.s32 $0x0;
	p1 =	sne.s32 s5, $0xFFFFFFFF;
	s8 =	smov.u32 s7  }
0x260: {  	s2 =	smov.u32 @p2 s0;
	p2 =	seq.s32 s7, $0xFFFFFFFF;
	s8 =	smov.u32 @p1 s5  }
0x261: {  	[sflag:s9] =	ssyncpa.u1 $0x0;
	s7 =	smov.u32 @p2 s2;
	s8 =	smov.u32 @p2 s5  }
.LBB3_53:
0x262: {  	s14 =	sadd.s32 $0x1, s14  }
0x263: {  	p1 =	sne.s32 s14, $0x20  }
.Ltmp39:
0x264: {  	_ = 	snop;
	(pc) =	sbr.rel @!p1 .LBB3_54-.Ltmp39, $2  }
0x265: {  	_ =	sdelay $0x2  }
0x266: {  	s10 =	sadd.s32 $0x200, s10  }
.LBB3_38:
0x267: {  	v0 =	vld.msk [tilespmem:s14+$0xC818], $0x1;
	_ =	sdelay $0x4  }
0x268: {  	(v2sf) =	vpush v0, $0x0;
	_ =	sdelay $0xe  }
0x269: {  	s0 =	spop (v2sf)  }
0x26a: {  	p1 =	seq.s32 s0, $0xFFFFFFFF  }
.Ltmp40:
0x26b: {  	_ = 	snop;
	(pc) =	sbr.rel @p1 .LBB3_53-.Ltmp40, $1  }
0x26c: {  	_ =	sdelay $0x3  }
0x26d: {  	p1 =	slt.s32 s6, $0x1  }
.Ltmp41:
0x26e: {  	_ = 	snop;
	(pc) =	sbr.rel @p1 .LBB3_46-.Ltmp41, $1  }
0x26f: {  	_ =	sdelay $0x3  }
0x270: {  	s2 =	simm.s32 $0xC818;
	p1 =	por $0x0, $0x0  }
0x271: {  	v1 =	vld.msk @!p1 [tilespmem:s2+$0x0], $0x1;
	_ =	sdelay $0x4  }
0x272: {  	(v2sf) =	vpush @!p1 v1, $0x0;
	_ =	sdelay $0xd  }
0x273: {  	p3 =	sne.s32 s6, $0x1  }
.Ltmp42:
0x274: {  	s3 =	spop @!p1 (v2sf);
	(pc) =	sbr.rel @!p3 .LBB3_42-.Ltmp42, $4  }
0x275: {  	p2 =	seq.s32 @!p1 s0, s3  }
0x276: {  	s4 =	simm.s32 $0x0;
	p2 =	por !p2, p1  }
0x277: {  	s3 =	simm.s32 $0xFFFFFFFF;
	s4 =	simm.s32 @p2 $0xFFFFFFFF  }
0x278: {  	s5 =	simm.s32 $0x1;
	s4 =	smov.u32 @p1 s3  }
.LBB3_41:
0x279: {  	s3 =	smov.u32 s4;
	p1 =	sne.s32 s4, $0xFFFFFFFF  }
0x27a: {  	s2 =	sadd.s32 $0x1, s2;
	s4 =	smov.u32 s5;
	s5 =	sadd.s32 $0x1, s5  }
0x27b: {  	p2 =	sne.s32 s6, s5;
	v1 =	vld.msk @!p1 [tilespmem:s2+$0x0], $0x1;
	_ =	sdelay $0x4  }
0x27c: {  	(v2sf) =	vpush @!p1 v1, $0x0;
	_ =	sdelay $0xe  }
.Ltmp43:
0x27d: {  	s15 =	spop @!p1 (v2sf);
	(pc) =	sbr.rel @p2 .LBB3_41-.Ltmp43, $4  }
0x27e: {  	p3 =	seq.s32 @!p1 s0, s15  }
0x27f: {  	p3 =	por !p3, p1  }
0x280: {  	s4 =	simm.s32 @p3 $0xFFFFFFFF  }
0x281: {  	s4 =	smov.u32 @p1 s3  }
.LBB3_42:
0x282: {  	p1 =	seq.s32 s4, $0xFFFFFFFF  }
.Ltmp44:
0x283: {  	_ = 	snop;
	(pc) =	sbr.rel @p1 .LBB3_46-.Ltmp44, $1  }
0x284: {  	_ =	sdelay $0x3  }
0x285: {  	s0 =	sshll.u32 s4, $0xB  }
0x286: {  	s0 =	sshra.s32 s0, $0x2  }
0x287: {  	s2 =	simm.s32 $0x0;
	v0 =	vld [tilespmem:s10+$0x0];
	s3 =	smov.u32 s10;
	s0 =	sadd.s32 $0xC838, s0  }
.LBB3_44:
0x288: {  	s2 =	sadd.s32 $0x10, s2  }
0x289: {  	p1 =	slt.u32 s2, $0x1F0  }
.Ltmp45:
0x28a: {  	_ = 	snop;
	(pc) =	sbr.rel @p1 .LBB3_44-.Ltmp45, $3  }
0x28b: {  	_ =	sdelay $0x1  }
0x28c: {  	s3 =	sadd.s32 $0x10, s3;
	[tilespmem:s0+$0x0] =	vst.add.f32.msk $0xffff, v0;
	s0 =	sadd.s32 $0x10, s0  }
0x28d: {  	v0 =	vld [tilespmem:s3+$0x0]  }
.Ltmp46:
0x28e: {  	_ = 	snop;
	(pc) =	sbr.rel .LBB3_53-.Ltmp46, $2  }
0x28f: {  	_ =	sdelay $0x2  }
0x290: {  	[tilespmem:s0+$0x0] =	vst.add.f32.msk $0xffff, v0  }
.LBB3_46:
0x291: {  	p1 =	sgt.u32 s0, $0x9C270  }
0x292: {  	p2 =	seq.s32 @!p1 s0, s8  }
0x293: {  	p1 =	por p1, p2  }
0x294: {  	p2 =	seq.s32 @!p1 s0, s7  }
0x295: {  	p1 =	por p1, p2  }
.Ltmp47:
0x296: {  	_ = 	snop;
	(pc) =	sbr.rel @p1 .LBB3_50-.Ltmp47, $1  }
0x297: {  	_ =	sdelay $0x3  }
0x298: {  	s2 =	sand.u32 $0xFFFF8, s0;
	s4 =	sand.u32 $0x7, s0  }
0x299: {  	s29 =	sadd.s32 $0x80, s0;
	s3 =	sadd.s32 s1, s2;
	s2 =	simm.s32 $0xC608  }
0x29a: {  	[tilespmem:s2], [sflag:$0x6] =	stream.linear.gather [hbm4b:s3+s4], $0x80, $0x38;
	[tilespmem:$0x1C938] =	vst v63  }
0x29b: {  	s3 =	sand.u32 $0x1FFFF8, s29  }
0x29c: {  	s30 =	sadd.s32 $0x100, s0;
	s3 =	sadd.s32 s1, s3  }
0x29d: {  	[tilespmem:s11], [sflag:$0x6] =	stream.linear.gather [hbm4b:s3+s4], $0x80, $0x38;
	[tilespmem:$0x1C938] =	vst v63  }
0x29e: {  	s31 =	sadd.s32 $0x180, s0;
	s3 =	sand.u32 $0x1FFFF8, s30  }
0x29f: {  	s0 =	sand.u32 $0x1FFFF8, s31;
	s3 =	sadd.s32 s1, s3  }
0x2a0: {  	[tilespmem:s12], [sflag:$0x6] =	stream.linear.gather [hbm4b:s3+s4], $0x80, $0x38;
	[tilespmem:$0x1C938] =	vst v63  }
0x2a1: {  	s0 =	sadd.s32 s1, s0  }
0x2a2: {  	[tilespmem:s13], [sflag:$0x6] =	stream.linear.gather [hbm4b:s0+s4], $0x80, $0x38;
	[tilespmem:$0x1C938] =	vst v63  }
0x2a3: {  	_ =	swait.ge [sflag:s9], $0x200  }
0x2a4: {  	[sflag:s9] =	ssyncset.done $0x0  }
0x2a5: {  	[sflag:s9] =	ssyncadd.s32 $0xFFFFFE00  }
0x2a6: {  	s3 =	smov.u32 s10;
	s0 =	simm.s32 $0x0;
	v1 =	vld [tilespmem:s2+$0x0]  }
.LBB3_48:
0x2a7: {  	s0 =	sadd.s32 $0x10, s0  }
0x2a8: {  	p1 =	slt.u32 s0, $0x1F0  }
.Ltmp48:
0x2a9: {  	_ = 	snop;
	(pc) =	sbr.rel @p1 .LBB3_48-.Ltmp48, $3  }
0x2aa: {  	_ =	sdelay $0x1  }
0x2ab: {  	s2 =	sadd.s32 $0x10, s2;
	[tilespmem:s3+$0x0] =	vst.add.f32.msk $0xffff, v1;
	s3 =	sadd.s32 $0x10, s3  }
0x2ac: {  	v1 =	vld [tilespmem:s2+$0x0]  }
0x2ad: {  	_ =	sdelay $0x3  }
0x2ae: {  	[tilespmem:s3+$0x0] =	vst.add.f32.msk $0xffff, v1  }
.LBB3_50:
0x2af: {  	s0 =	sshll.u32 s6, $0xB  }
0x2b0: {  	[tilespmem:s6+$0xC818] =	vst.msk $0x1, v0;
	s0 =	sshra.s32 s0, $0x2  }
0x2b1: {  	s2 =	simm.s32 $0x0;
	s3 =	smov.u32 s10;
	v0 =	vld [tilespmem:s10+$0x0];
	s0 =	sadd.s32 $0xC838, s0  }
.LBB3_51:
0x2b2: {  	s2 =	sadd.s32 $0x10, s2  }
0x2b3: {  	p1 =	slt.u32 s2, $0x1F0  }
.Ltmp49:
0x2b4: {  	_ = 	snop;
	(pc) =	sbr.rel @p1 .LBB3_51-.Ltmp49, $3  }
0x2b5: {  	_ =	sdelay $0x1  }
0x2b6: {  	s3 =	sadd.s32 $0x10, s3;
	[tilespmem:s0+$0x0] =	vst v0;
	s0 =	sadd.s32 $0x10, s0  }
0x2b7: {  	v0 =	vld [tilespmem:s3+$0x0]  }
.Ltmp50:
0x2b8: {  	_ = 	snop;
	(pc) =	sbr.rel .LBB3_53-.Ltmp50, $2  }
0x2b9: {  	_ =	sdelay $0x2  }
0x2ba: {  	s6 =	sadd.s32 $0x1, s6;
	[tilespmem:s0+$0x0] =	vst v0  }
.LBB3_54:
0x2bb: {  	s0 =	simm.s32 $0x6;
	p1 =	seq.s32 s6, $0x0  }
0x2bc: {  	[sflag:s0] =	ssyncpa.u1 $0x1;
	v0 =	vimm.s32 @p1 $0xFFFFFFFF  }
0x2bd: {  	s0 =	sadd.s32 $0xFFFFFFFF, s6;
	[tilespmem:$0x10838] =	vst @p1 v0  }
0x2be: {  	v0 =	vld.msk @!p1 [tilespmem:s0+$0xC818], $0x1;
	_ =	sdelay $0x1  }
0x2bf: {  	v1 =	vld.msk @!p1 [tilespmem:$0xC818], $0x1;
	_ =	sdelay $0x2  }
0x2c0: {  	p2 =	seq.s32 @!p1 s0, $0x0;
	v0 =	vbroadcast @!p1 v0, $0x0  }
0x2c1: {  	vm0 =	vmmov @!p1 $0x1;
	p2 =	por !p2, p1  }
0x2c2: {  	v1 =	vnsel @!p1 vm0, $0xFFFFFFFF, v1;
	vm0 =	vcmask @!p1 $0x308;
	v0 =	vpsel !p2, $0xFFFFFFFF, v0  }
0x2c3: {  	p2 =	sne.s32 @!p1 s8, s7;
	v0 =	vsel @!p1 vm0, v1, v0  }
0x2c4: {  	s2 =	simm.s32 @!p1 $0xC838;
	s3 =	simm.s32 @!p1 $0x0;
	p3 =	por !p2, p1;
	[tilespmem:$0x10838] =	vst @!p1 v0  }
0x2c5: {  	[spmem:s3] =	stream.linear.scatter @!p1 [tilespmem:s2], [sflag:$0x1], $0x200, $0x38;
	[tilespmem:$0x1C938] =	vst v63  }
0x2c6: {  	s2 =	sshll.u32 @!p3 s0, $0xB  }
0x2c7: {  	s2 =	sshra.s32 @!p3 s2, $0x2  }
0x2c8: {  	s3 =	simm.s32 @!p3 $0x200;
	s2 =	sadd.s32 @!p3 $0xC838, s2  }
0x2c9: {  	[spmem:s3] =	stream.linear.scatter @!p3 [tilespmem:s2], [sflag:$0x1], $0x200, $0x38;
	[tilespmem:$0x1C938] =	vst v63  }
0x2ca: {  	s2 =	simm.s32 @!p3 $0x1  }
0x2cb: {  	_ =	swait.ge @!p3 [sflag:s2], $0x400  }
0x2cc: {  	p1 =	por p2, p1;
	[sflag:s2] =	ssyncset.done @!p3 $0x0  }
0x2cd: {  	[sflag:s2] =	ssyncadd.s32 @!p3 $0xFFFFFC00;
	s2 =	simm.s32 @!p1 $0x1  }
0x2ce: {  	_ =	swait.ge @!p1 [sflag:s2], $0x200  }
0x2cf: {  	s29 =	simm.s32 $0x10838;
	[sflag:s2] =	ssyncset.done @!p1 $0x0  }
0x2d0: {  	s30 =	simm.s32 $0x4000;
	s31 =	simm.s32 $0x1;
	[sflag:s2] =	ssyncadd.s32 @!p1 $0xFFFFFE00  }
0x2d1: {  	[spmem:s30] =	stream.linear.scatter [tilespmem:s29], [sflag:$0x1], $0x10, $0x38;
	[tilespmem:$0x1C938] =	vst v63  }
0x2d2: {  	_ =	swait.ge [sflag:s31], $0x10  }
0x2d3: {  	[sflag:s31] =	ssyncset.done $0x0  }
0x2d4: {  	p1 =	seq.s32 s16, $0x0;
	s9 =	rddreg [dreg:$0x1];
	[sflag:s31] =	ssyncadd.s32 $0xFFFFFFF0  }
0x2d5: {  	s3 =	sshll.u32 @p1 s9, $0xE;
	s8 =	rddreg [dreg:$0x2]  }
0x2d6: {  	s2 =	sadd.s32 @p1 $0x15C3C, s3;
	s3 =	sshll.u32 @p1 s8, $0x11  }
0x2d7: {  	_ =	sfence.stream.spmem;
	s2 =	sor.u32 @p1 s3, s2  }
0x2d8: {  	[sflag:s2] =	ssyncadd.remote.s32 @p1 $0x1;
	s2 =	simm.s32 @p1 $0x4  }
0x2d9: {  	s4 =	simm.s32 @!p1 $0x3C;
	s3 =	sand.u32 $0xFFFFFFFE, s9;
	_ =	swait.ge @p1 [sflag:s2], $0x82  }
0x2da: {  	s5 =	simm.s32 @!p1 $0x0;
	s3 =	sadd.s32 @!p1 $0x4, s3;
	[sflag:s2] =	ssyncset.done @p1 $0x0  }
0x2db: {  	s7 =	simm.s32 @!p1 $0x400;
	[sflag:s2] =	ssyncadd.s32 @p1 $0xFFFFFF7E;
	s2 =	sshll.u32 @!p1 s3, $0x1A  }
0x2dc: {  	s3 =	sshll.u32 @!p1 s3, $0xD;
	s2 =	sor.u32 @!p1 s2, s8;
	_ =	swait.eq @!p1 [sflag:s4], $0x1  }
0x2dd: {  	s3 =	sor.u32 @!p1 $0x1C04, s3;
	s4 =	simm.s32 @!p1 $0x1C03;
	s2 =	sor.u32 @!p1 $0x80004000, s2  }
0x2de: {  	[spmem:s7], [sflag:s3] =	dma.general @!p1 [spmem:s5], [sflag:s4], length:$0x80, [dreg:$0x0], stride_count:$0x0, ici_dest:s2, dma_misc:DstOpCode:WRITE  }
0x2df: {  	p2 =	slt.s32 s0, $0x2;
	s5 =	simm.s32 @!p1 $0x800;
	s7 =	simm.s32 @!p1 $0x802  }
0x2e0: {  	[spmem:s7], [sflag:s3] =	dma.general @!p1 [spmem:s5], [sflag:s4], length:$0x2, [dreg:$0x0], stride_count:$0x0, ici_dest:s2, dma_misc:DstOpCode:WRITE  }
.Ltmp51:
0x2e1: {  	s2 =	simm.s32 @!p1 $0x3;
	(pc) =	sbr.rel @p2 .LBB3_58-.Ltmp51, $4  }
0x2e2: {  	s3 =	sshll.u32 @!p1 s9, $0xE;
	_ =	swait.ge @!p1 [sflag:s2], $0x82  }
0x2e3: {  	s4 =	sshll.u32 @!p1 s8, $0x11;
	s3 =	sadd.s32 @!p1 $0x11C3C, s3;
	[sflag:s2] =	ssyncset.done @!p1 $0x0  }
0x2e4: {  	[sflag:s2] =	ssyncadd.s32 @!p1 $0xFFFFFF7E;
	s2 =	sor.u32 @!p1 s4, s3  }
0x2e5: {  	s0 =	simm.s32 $0x0;
	[sflag:s2] =	ssyncadd.remote.s32 @!p1 $0xFFFFFFFF  }
0x2e6: {  	s0 =	simm.s32 $0xC819  }
0x2e7: {  	v0 =	vld.msk [tilespmem:s0+$0x0], $0x1;
	_ =	sdelay $0x4  }
0x2e8: {  	(v2sf) =	vpush v0, $0x0;
	_ =	sdelay $0xe  }
0x2e9: {  	s2 =	sadd.s32 $0xFFFFFFFE, s6;
	s3 =	spop (v2sf)  }
0x2ea: {  	s5 =	simm.s32 $0xCA38;
	s4 =	sadd.s32 $0xFFFFFFFF, s2;
	p1 =	sgt.u32 s3, $0x9C270  }
0x2eb: {  	s0 =	simm.s32 $0x0;
	p2 =	sne.s32 s4, $0x0;
	s2 =	sand.u32 @!p1 $0xFFFF8, s3  }
0x2ec: {  	s6 =	sadd.s32 @!p1 $0x80, s3;
	s7 =	sadd.s32 @!p1 $0x100, s3;
	s8 =	sadd.s32 @!p1 s1, s2  }
0x2ed: {  	s2 =	sand.u32 @!p1 $0x7, s3;
	s6 =	sand.u32 @!p1 $0x1FFFF8, s6;
	s7 =	sand.u32 @!p1 $0x1FFFF8, s7  }
0x2ee: {  	[hbm4b:s8+s2] =	stream.linear.scatter @!p1 [tilespmem:s5], [sflag:$0x5], $0x80, $0x38;
	[tilespmem:$0x1C938] =	vst v63  }
0x2ef: {  	s5 =	simm.s32 @!p1 $0xCAB8;
	s6 =	sadd.s32 @!p1 s1, s6;
	s7 =	sadd.s32 @!p1 s1, s7  }
.Ltmp52:
0x2f0: {  	s8 =	sadd.s32 @!p1 $0x180, s3;
	s3 =	simm.s32 $0x0;
	(pc) =	sbr.rel @!p2 .LBB3_57-.Ltmp52, $4  }
0x2f1: {  	[hbm4b:s6+s2] =	stream.linear.scatter @!p1 [tilespmem:s5], [sflag:$0x5], $0x80, $0x38;
	[tilespmem:$0x1C938] =	vst v63  }
0x2f2: {  	s3 =	simm.s32 @!p1 $0x800;
	s8 =	sand.u32 @!p1 $0x1FFFF8, s8;
	s6 =	simm.s32 @!p1 $0xCB38  }
0x2f3: {  	[hbm4b:s7+s2] =	stream.linear.scatter @!p1 [tilespmem:s6], [sflag:$0x5], $0x80, $0x38;
	[tilespmem:$0x1C938] =	vst v63  }
0x2f4: {  	s5 =	simm.s32 $0xC81A;
	s6 =	simm.s32 $0xCC38;
	s7 =	simm.s32 @!p1 $0xCBB8  }
.LBB3_56:
0x2f5: {  	s4 =	sadd.s32 $0xFFFFFFFF, s4;
	s8 =	sadd.s32 @!p1 s1, s8;
	s0 =	sadd.s32 s0, s3  }
0x2f6: {  	[hbm4b:s8+s2] =	stream.linear.scatter @!p1 [tilespmem:s7], [sflag:$0x5], $0x80, $0x38;
	[tilespmem:$0x1C938] =	vst v63  }
0x2f7: {  	p2 =	sne.s32 s4, $0x0;
	s7 =	smov.u32 s6;
	v0 =	vld.msk [tilespmem:s5+$0x0], $0x1;
	_ =	sdelay $0x4  }
0x2f8: {  	(v2sf) =	vpush v0, $0x0;
	_ =	sdelay $0xe  }
0x2f9: {  	s3 =	spop (v2sf)  }
0x2fa: {  	s6 =	sadd.s32 $0x200, s6;
	s5 =	sadd.s32 $0x1, s5;
	p1 =	sgt.u32 s3, $0x9C270  }
0x2fb: {  	s2 =	sand.u32 @!p1 $0xFFFF8, s3;
	s8 =	sadd.s32 @!p1 $0x80, s3;
	s9 =	sadd.s32 @!p1 $0x100, s3  }
0x2fc: {  	s10 =	sadd.s32 @!p1 s1, s2;
	s2 =	sand.u32 @!p1 $0x7, s3;
	s8 =	sand.u32 @!p1 $0x1FFFF8, s8  }
0x2fd: {  	[hbm4b:s10+s2] =	stream.linear.scatter @!p1 [tilespmem:s7], [sflag:$0x5], $0x80, $0x38;
	[tilespmem:$0x1C938] =	vst v63  }
0x2fe: {  	s9 =	sand.u32 @!p1 $0x1FFFF8, s9;
	s10 =	sadd.s32 @!p1 $0x80, s7  }
.Ltmp53:
0x2ff: {  	s8 =	sadd.s32 @!p1 s1, s8;
	s9 =	sadd.s32 @!p1 s1, s9;
	(pc) =	sbr.rel @p2 .LBB3_56-.Ltmp53, $4  }
0x300: {  	[hbm4b:s8+s2] =	stream.linear.scatter @!p1 [tilespmem:s10], [sflag:$0x5], $0x80, $0x38;
	[tilespmem:$0x1C938] =	vst v63  }
0x301: {  	s8 =	sadd.s32 @!p1 $0x100, s7;
	s10 =	sadd.s32 @!p1 $0x180, s3;
	s3 =	simm.s32 $0x0  }
0x302: {  	[hbm4b:s9+s2] =	stream.linear.scatter @!p1 [tilespmem:s8], [sflag:$0x5], $0x80, $0x38;
	[tilespmem:$0x1C938] =	vst v63  }
0x303: {  	s7 =	sadd.s32 @!p1 $0x180, s7;
	s3 =	simm.s32 @!p1 $0x800;
	s8 =	sand.u32 @!p1 $0x1FFFF8, s10  }
.LBB3_57:
0x304: {  	s4 =	sadd.s32 @!p1 s1, s8;
	s0 =	sadd.s32 s0, s3  }
0x305: {  	[hbm4b:s4+s2] =	stream.linear.scatter @!p1 [tilespmem:s7], [sflag:$0x5], $0x80, $0x38;
	[tilespmem:$0x1C938] =	vst v63  }
0x306: {  	s0 =	sshrl.u32 s0, $0x2  }
.LBB3_58:
0x307: {  	s2 =	simm.s32 $0x5  }
0x308: {  	_ =	swait.ge [sflag:s2], s0  }
0x309: {  	s31 =	ssub.s32 $0x0, s0;
	[sflag:s2] =	ssyncset.done $0x0  }
0x30a: {  	[sflag:s2] =	ssyncadd.s32 s31  }
0x30b: {  	[sflag:s2] =	ssyncpa.u1 $0x1  }
.LBB3_59:
0x30c: {  	s0 =	sor.u32 s16, s17  }
0x30d: {  	p1 =	sne.s32 s0, $0x0  }
.Ltmp54:
0x30e: {  	_ = 	snop;
	(pc) =	sbr.rel @p1 .LBB3_82-.Ltmp54, $3  }
0x30f: {  	_ =	sdelay $0x1  }
0x310: {  	[bflag:$0x0] =	sbarrier.arrive $0xFFFF  }
0x311: {  	_ =	sfence  }
0x312: {  	s0 =	simm.s32 $0x7  }
0x313: {  	s2 =	simm.s32 $0x4000;
	s3 =	simm.s32 $0xC818;
	[sflag:s0] =	ssyncpa.u1 $0x0  }
0x314: {  	[tilespmem:s3], [sflag:$0x7] =	stream.linear.gather [spmem:s2], $0x20, $0x38;
	[tilespmem:$0x1C938] =	vst v63  }
0x315: {  	s2 =	simm.s32 $0x0;
	s3 =	simm.s32 $0xC838  }
0x316: {  	[tilespmem:s3], [sflag:$0x7] =	stream.linear.gather [spmem:s2], $0x4000, $0x38;
	[tilespmem:$0x1C938] =	vst v63  }
.Ltmp55:
0x317: {  	_ = 	snop;
	(pc) =	sbr.rel .LBB3_61-.Ltmp55, $4  }
0x318: {  	_ =	swait.ge [sflag:s0], $0x4020  }
0x319: {  	s4 =	simm.s32 $0x8;
	[sflag:s0] =	ssyncset.done $0x0  }
0x31a: {  	s5 =	simm.s32 $0xC688;
	s6 =	simm.s32 $0xC708;
	[sflag:s0] =	ssyncadd.s32 $0xFFFFBFE0  }
0x31b: {  	s7 =	simm.s32 $0xC788;
	s8 =	simm.s32 $0x0;
	[sflag:s4] =	ssyncpa.u1 $0x0  }
.LBB3_76:
0x31c: {  	s8 =	sadd.s32 $0x1, s8  }
0x31d: {  	p1 =	sne.s32 s8, $0x20  }
.Ltmp56:
0x31e: {  	_ = 	snop;
	(pc) =	sbr.rel @!p1 .LBB3_77-.Ltmp56, $2  }
0x31f: {  	_ =	sdelay $0x2  }
0x320: {  	s3 =	sadd.s32 $0x200, s3  }
.LBB3_61:
0x321: {  	v0 =	vld.msk [tilespmem:s8+$0xC818], $0x1;
	_ =	sdelay $0x4  }
0x322: {  	(v2sf) =	vpush v0, $0x0;
	_ =	sdelay $0xe  }
0x323: {  	s0 =	spop (v2sf)  }
0x324: {  	p1 =	seq.s32 s0, $0xFFFFFFFF  }
.Ltmp57:
0x325: {  	_ = 	snop;
	(pc) =	sbr.rel @p1 .LBB3_76-.Ltmp57, $1  }
0x326: {  	_ =	sdelay $0x3  }
0x327: {  	p1 =	slt.s32 s2, $0x1  }
.Ltmp58:
0x328: {  	_ = 	snop;
	(pc) =	sbr.rel @p1 .LBB3_69-.Ltmp58, $1  }
0x329: {  	_ =	sdelay $0x3  }
0x32a: {  	s9 =	simm.s32 $0xC818;
	p1 =	por $0x0, $0x0  }
0x32b: {  	v1 =	vld.msk @!p1 [tilespmem:s9+$0x0], $0x1;
	_ =	sdelay $0x4  }
0x32c: {  	(v2sf) =	vpush @!p1 v1, $0x0;
	_ =	sdelay $0xd  }
0x32d: {  	p3 =	sne.s32 s2, $0x1  }
.Ltmp59:
0x32e: {  	s10 =	spop @!p1 (v2sf);
	(pc) =	sbr.rel @!p3 .LBB3_65-.Ltmp59, $4  }
0x32f: {  	p2 =	seq.s32 @!p1 s0, s10  }
0x330: {  	s10 =	simm.s32 $0x0;
	p2 =	por !p2, p1  }
0x331: {  	s12 =	simm.s32 $0xFFFFFFFF;
	s10 =	simm.s32 @p2 $0xFFFFFFFF  }
0x332: {  	s11 =	simm.s32 $0x1;
	s10 =	smov.u32 @p1 s12  }
.LBB3_64:
0x333: {  	s12 =	smov.u32 s10;
	p1 =	sne.s32 s10, $0xFFFFFFFF  }
0x334: {  	s9 =	sadd.s32 $0x1, s9;
	s10 =	smov.u32 s11;
	s11 =	sadd.s32 $0x1, s11  }
0x335: {  	p2 =	sne.s32 s2, s11;
	v1 =	vld.msk @!p1 [tilespmem:s9+$0x0], $0x1;
	_ =	sdelay $0x4  }
0x336: {  	(v2sf) =	vpush @!p1 v1, $0x0;
	_ =	sdelay $0xe  }
.Ltmp60:
0x337: {  	s13 =	spop @!p1 (v2sf);
	(pc) =	sbr.rel @p2 .LBB3_64-.Ltmp60, $4  }
0x338: {  	p3 =	seq.s32 @!p1 s0, s13  }
0x339: {  	p3 =	por !p3, p1  }
0x33a: {  	s10 =	simm.s32 @p3 $0xFFFFFFFF  }
0x33b: {  	s10 =	smov.u32 @p1 s12  }
.LBB3_65:
0x33c: {  	p1 =	seq.s32 s10, $0xFFFFFFFF  }
.Ltmp61:
0x33d: {  	_ = 	snop;
	(pc) =	sbr.rel @p1 .LBB3_69-.Ltmp61, $1  }
0x33e: {  	_ =	sdelay $0x3  }
0x33f: {  	s0 =	sshll.u32 s10, $0xB  }
0x340: {  	s0 =	sshra.s32 s0, $0x2  }
0x341: {  	s9 =	simm.s32 $0x0;
	v0 =	vld [tilespmem:s3+$0x0];
	s10 =	smov.u32 s3;
	s0 =	sadd.s32 $0xC838, s0  }
.LBB3_67:
0x342: {  	s9 =	sadd.s32 $0x10, s9  }
0x343: {  	p1 =	slt.u32 s9, $0x1F0  }
.Ltmp62:
0x344: {  	_ = 	snop;
	(pc) =	sbr.rel @p1 .LBB3_67-.Ltmp62, $3  }
0x345: {  	_ =	sdelay $0x1  }
0x346: {  	s10 =	sadd.s32 $0x10, s10;
	[tilespmem:s0+$0x0] =	vst.add.f32.msk $0xffff, v0;
	s0 =	sadd.s32 $0x10, s0  }
0x347: {  	v0 =	vld [tilespmem:s10+$0x0]  }
.Ltmp63:
0x348: {  	_ = 	snop;
	(pc) =	sbr.rel .LBB3_76-.Ltmp63, $2  }
0x349: {  	_ =	sdelay $0x2  }
0x34a: {  	[tilespmem:s0+$0x0] =	vst.add.f32.msk $0xffff, v0  }
.LBB3_69:
0x34b: {  	p1 =	sgt.u32 s0, $0x9C270  }
.Ltmp64:
0x34c: {  	_ = 	snop;
	(pc) =	sbr.rel @p1 .LBB3_73-.Ltmp64, $1  }
0x34d: {  	_ =	sdelay $0x3  }
0x34e: {  	s9 =	sand.u32 $0xFFFF8, s0;
	s11 =	sand.u32 $0x7, s0  }
0x34f: {  	s29 =	sadd.s32 $0x80, s0;
	s10 =	sadd.s32 s1, s9;
	s9 =	simm.s32 $0xC608  }
0x350: {  	[tilespmem:s9], [sflag:$0x8] =	stream.linear.gather [hbm4b:s10+s11], $0x80, $0x38;
	[tilespmem:$0x1C938] =	vst v63  }
0x351: {  	s10 =	sand.u32 $0x1FFFF8, s29  }
0x352: {  	s30 =	sadd.s32 $0x100, s0;
	s10 =	sadd.s32 s1, s10  }
0x353: {  	[tilespmem:s5], [sflag:$0x8] =	stream.linear.gather [hbm4b:s10+s11], $0x80, $0x38;
	[tilespmem:$0x1C938] =	vst v63  }
0x354: {  	s31 =	sadd.s32 $0x180, s0;
	s10 =	sand.u32 $0x1FFFF8, s30  }
0x355: {  	s0 =	sand.u32 $0x1FFFF8, s31;
	s10 =	sadd.s32 s1, s10  }
0x356: {  	[tilespmem:s6], [sflag:$0x8] =	stream.linear.gather [hbm4b:s10+s11], $0x80, $0x38;
	[tilespmem:$0x1C938] =	vst v63  }
0x357: {  	s0 =	sadd.s32 s1, s0  }
0x358: {  	[tilespmem:s7], [sflag:$0x8] =	stream.linear.gather [hbm4b:s0+s11], $0x80, $0x38;
	[tilespmem:$0x1C938] =	vst v63  }
0x359: {  	_ =	swait.ge [sflag:s4], $0x200  }
0x35a: {  	[sflag:s4] =	ssyncset.done $0x0  }
0x35b: {  	[sflag:s4] =	ssyncadd.s32 $0xFFFFFE00  }
0x35c: {  	s10 =	smov.u32 s3;
	s0 =	simm.s32 $0x0;
	v1 =	vld [tilespmem:s9+$0x0]  }
.LBB3_71:
0x35d: {  	s0 =	sadd.s32 $0x10, s0  }
0x35e: {  	p1 =	slt.u32 s0, $0x1F0  }
.Ltmp65:
0x35f: {  	_ = 	snop;
	(pc) =	sbr.rel @p1 .LBB3_71-.Ltmp65, $3  }
0x360: {  	_ =	sdelay $0x1  }
0x361: {  	s9 =	sadd.s32 $0x10, s9;
	[tilespmem:s10+$0x0] =	vst.add.f32.msk $0xffff, v1;
	s10 =	sadd.s32 $0x10, s10  }
0x362: {  	v1 =	vld [tilespmem:s9+$0x0]  }
0x363: {  	_ =	sdelay $0x3  }
0x364: {  	[tilespmem:s10+$0x0] =	vst.add.f32.msk $0xffff, v1  }
.LBB3_73:
0x365: {  	s0 =	sshll.u32 s2, $0xB  }
0x366: {  	[tilespmem:s2+$0xC818] =	vst.msk $0x1, v0;
	s0 =	sshra.s32 s0, $0x2  }
0x367: {  	s9 =	simm.s32 $0x0;
	s10 =	smov.u32 s3;
	v0 =	vld [tilespmem:s3+$0x0];
	s0 =	sadd.s32 $0xC838, s0  }
.LBB3_74:
0x368: {  	s9 =	sadd.s32 $0x10, s9  }
0x369: {  	p1 =	slt.u32 s9, $0x1F0  }
.Ltmp66:
0x36a: {  	_ = 	snop;
	(pc) =	sbr.rel @p1 .LBB3_74-.Ltmp66, $3  }
0x36b: {  	_ =	sdelay $0x1  }
0x36c: {  	s10 =	sadd.s32 $0x10, s10;
	[tilespmem:s0+$0x0] =	vst v0;
	s0 =	sadd.s32 $0x10, s0  }
0x36d: {  	v0 =	vld [tilespmem:s10+$0x0]  }
.Ltmp67:
0x36e: {  	_ = 	snop;
	(pc) =	sbr.rel .LBB3_76-.Ltmp67, $2  }
0x36f: {  	_ =	sdelay $0x2  }
0x370: {  	s2 =	sadd.s32 $0x1, s2;
	[tilespmem:s0+$0x0] =	vst v0  }
.LBB3_77:
0x371: {  	p1 =	slt.s32 s2, $0x1  }
.Ltmp68:
0x372: {  	_ = 	snop;
	(pc) =	sbr.rel @p1 .LBB3_81-.Ltmp68, $3  }
0x373: {  	_ =	sdelay $0x1  }
0x374: {  	s0 =	simm.s32 $0x8  }
0x375: {  	[sflag:s0] =	ssyncpa.u1 $0x1;
	s0 =	simm.s32 $0x0  }
0x376: {  	s3 =	simm.s32 $0xC818  }
0x377: {  	v0 =	vld.msk [tilespmem:s3+$0x0], $0x1;
	_ =	sdelay $0x4  }
0x378: {  	(v2sf) =	vpush v0, $0x0;
	_ =	sdelay $0xe  }
0x379: {  	s7 =	spop (v2sf)  }
0x37a: {  	s2 =	sadd.s32 $0xFFFFFFFF, s2;
	p1 =	sgt.u32 s7, $0x9C270  }
0x37b: {  	s3 =	simm.s32 $0xC838;
	s4 =	sand.u32 @!p1 $0xFFFF8, s7;
	s8 =	sadd.s32 @!p1 $0x80, s7  }
0x37c: {  	s5 =	sand.u32 @!p1 $0x7, s7;
	s4 =	sadd.s32 @!p1 s1, s4;
	s8 =	sand.u32 @!p1 $0x1FFFF8, s8  }
0x37d: {  	[hbm4b:s4+s5] =	stream.linear.scatter @!p1 [tilespmem:s3], [sflag:$0x7], $0x80, $0x38;
	[tilespmem:$0x1C938] =	vst v63  }
0x37e: {  	p2 =	sne.s32 s2, $0x0;
	s3 =	simm.s32 @!p1 $0xC8B8;
	s4 =	sadd.s32 @!p1 s1, s8  }
0x37f: {  	[hbm4b:s4+s5] =	stream.linear.scatter @!p1 [tilespmem:s3], [sflag:$0x7], $0x80, $0x38;
	[tilespmem:$0x1C938] =	vst v63  }
.Ltmp69:
0x380: {  	s6 =	simm.s32 $0x0;
	s9 =	sadd.s32 @!p1 $0x100, s7;
	(pc) =	sbr.rel @!p2 .LBB3_80-.Ltmp69, $4  }
0x381: {  	s6 =	simm.s32 @!p1 $0x800;
	s8 =	sand.u32 @!p1 $0x1FFFF8, s9;
	s3 =	simm.s32 @!p1 $0xC938  }
0x382: {  	s4 =	sadd.s32 @!p1 s1, s8;
	s8 =	sadd.s32 @!p1 $0x180, s7;
	s7 =	simm.s32 @!p1 $0xC9B8  }
0x383: {  	[hbm4b:s4+s5] =	stream.linear.scatter @!p1 [tilespmem:s3], [sflag:$0x7], $0x80, $0x38;
	[tilespmem:$0x1C938] =	vst v63  }
0x384: {  	s8 =	sand.u32 @!p1 $0x1FFFF8, s8;
	s3 =	simm.s32 $0xC819;
	s4 =	simm.s32 $0xCA38  }
.LBB3_79:
0x385: {  	s2 =	sadd.s32 $0xFFFFFFFF, s2;
	s8 =	sadd.s32 @!p1 s1, s8;
	s0 =	sadd.s32 s0, s6  }
0x386: {  	[hbm4b:s8+s5] =	stream.linear.scatter @!p1 [tilespmem:s7], [sflag:$0x7], $0x80, $0x38;
	[tilespmem:$0x1C938] =	vst v63  }
0x387: {  	p2 =	sne.s32 s2, $0x0;
	s7 =	smov.u32 s4;
	v0 =	vld.msk [tilespmem:s3+$0x0], $0x1;
	_ =	sdelay $0x4  }
0x388: {  	(v2sf) =	vpush v0, $0x0;
	_ =	sdelay $0xe  }
0x389: {  	s6 =	spop (v2sf)  }
0x38a: {  	s4 =	sadd.s32 $0x200, s4;
	s3 =	sadd.s32 $0x1, s3;
	p1 =	sgt.u32 s6, $0x9C270  }
0x38b: {  	s5 =	sand.u32 @!p1 $0xFFFF8, s6;
	s8 =	sadd.s32 @!p1 $0x80, s6;
	s9 =	sadd.s32 @!p1 $0x100, s6  }
0x38c: {  	s10 =	sadd.s32 @!p1 s1, s5;
	s5 =	sand.u32 @!p1 $0x7, s6;
	s8 =	sand.u32 @!p1 $0x1FFFF8, s8  }
0x38d: {  	[hbm4b:s10+s5] =	stream.linear.scatter @!p1 [tilespmem:s7], [sflag:$0x7], $0x80, $0x38;
	[tilespmem:$0x1C938] =	vst v63  }
0x38e: {  	s9 =	sand.u32 @!p1 $0x1FFFF8, s9;
	s10 =	sadd.s32 @!p1 $0x80, s7  }
.Ltmp70:
0x38f: {  	s8 =	sadd.s32 @!p1 s1, s8;
	s9 =	sadd.s32 @!p1 s1, s9;
	(pc) =	sbr.rel @p2 .LBB3_79-.Ltmp70, $4  }
0x390: {  	[hbm4b:s8+s5] =	stream.linear.scatter @!p1 [tilespmem:s10], [sflag:$0x7], $0x80, $0x38;
	[tilespmem:$0x1C938] =	vst v63  }
0x391: {  	s8 =	sadd.s32 @!p1 $0x100, s7;
	s10 =	sadd.s32 @!p1 $0x180, s6;
	s6 =	simm.s32 $0x0  }
0x392: {  	[hbm4b:s9+s5] =	stream.linear.scatter @!p1 [tilespmem:s8], [sflag:$0x7], $0x80, $0x38;
	[tilespmem:$0x1C938] =	vst v63  }
0x393: {  	s7 =	sadd.s32 @!p1 $0x180, s7;
	s6 =	simm.s32 @!p1 $0x800;
	s8 =	sand.u32 @!p1 $0x1FFFF8, s10  }
.LBB3_80:
0x394: {  	s1 =	sadd.s32 @!p1 s1, s8;
	s0 =	sadd.s32 s0, s6  }
0x395: {  	[hbm4b:s1+s5] =	stream.linear.scatter @!p1 [tilespmem:s7], [sflag:$0x7], $0x80, $0x38;
	[tilespmem:$0x1C938] =	vst v63  }
0x396: {  	s0 =	sshrl.u32 s0, $0x2  }
.LBB3_81:
0x397: {  	s1 =	simm.s32 $0x7  }
0x398: {  	_ =	swait.ge [sflag:s1], s0  }
0x399: {  	s31 =	ssub.s32 $0x0, s0;
	[sflag:s1] =	ssyncset.done $0x0  }
0x39a: {  	[sflag:s1] =	ssyncadd.s32 s31  }
0x39b: {  	[sflag:s1] =	ssyncpa.u1 $0x1  }
.LBB3_82:
0x39c: {  	_ =	sfence;
	s0 =	simm.s32 $0x1  }
0x39d: {  	[sflag:s0] =	ssyncpa.u1 $0x1  }
0x39e: {  	_ =	strace $0x9000004A  }
0x39f: {  	[bflag:$0x2] =	sbarrier.arrive $0xFFFF  }
0x3a0: {  	s0 =	rddreg [dreg:$0x3]  }
0x3a1: {  	s0 =	sadd.s32 @!p0 $0x100000, s0  }
0x3a2: {  	[sflag:s0] =	ssyncadd.tile.s32 @!p0 $0x1;
	_ =	shalt  }
.Lfunc_end3:
_tile_overlayer_lowered:
.L_overlay_start_3:
0x3a3: {  	(tag) =	ssettag $0x3  }
0x3a4: {  	s0 =	rddreg [dreg:$0x0];
	s2 =	stileid.u32  }
0x3a5: {  	s1 =	rddreg [dreg:$0x1];
	p0 =	sne.s32 s2, $0x0  }
0x3a6: {  	s3 =	rddreg [dreg:$0x2];
	[bflag:$0x3] =	sbarrier.arrive $0xFFFF;
	s2 =	simm.s32 @!p0 $0x1C01  }
0x3a7: {  	[timem:s3], [sflag:s2] =	dma.local @!p0 [hbm:s0], s1  }
0x3a8: {  	s0 =	simm.s32 @!p0 $0x1  }
0x3a9: {  	_ =	swait.ge @!p0 [sflag:s0], s1  }
0x3aa: {  	s1 =	ssub.s32 @!p0 $0x0, s1;
	[sflag:s0] =	ssyncset.done @!p0 $0x0  }
0x3ab: {  	[sflag:s0] =	ssyncadd.s32 @!p0 s1  }
0x3ac: {  	[bflag:$0x3] =	sbarrier.arrive $0xFFFF  }
0x3ad: {  	_ =	shalt  }

</sc_bundles>
